<compile_context>
chip_gen: v7x
topology: tpu7x:2x2x1
jax: 0.10.2.dev20260603
libtpu: 0.0.44.dev20260713+nightly
codegen_flags: <defaults>
</compile_context>

<pallas_src>
import functools
import math

import jax
import jax.numpy as jnp
import numpy as np
from jax import lax
from jax.experimental import pallas as pl
from jax.experimental.pallas import tpu as pltpu
from jax.experimental.pallas import tpu_sc as plsc

_N = 10000
_E = 320000
_D = 128
_AVG_NEIGH = 32.0

_NC = 2
_NS = 16
_NW = _NC * _NS
_K = 128

_EROWS = 2560
_E_PAD = _EROWS * _K

_ROWS_PER_W = _EROWS // _NW
_ROWS_PER_T = _EROWS // _NS
_N_PAD = 10240
_NODES_PER_T = _N_PAD // _NS


def _tc_linear_up(node_feats_p, W_up):
    def body(nf_ref, w_ref, o_ref):
        o_ref[...] = jnp.dot(nf_ref[...], w_ref[...],
                             preferred_element_type=jnp.float32) * (1.0 / math.sqrt(_D))

    return pl.pallas_call(
        body,
        grid=(10,),
        in_specs=[
            pl.BlockSpec((1024, _D), lambda i: (i, 0)),
            pl.BlockSpec((_D, _D), lambda i: (0, 0)),
        ],
        out_specs=pl.BlockSpec((1024, _D), lambda i: (i, 0)),
        out_shape=jax.ShapeDtypeStruct((_N_PAD, _D), jnp.float32),
    )(node_feats_p, W_up)


def _sc_gather(x, src2):
    mesh = plsc.VectorSubcoreMesh(core_axis_name="c", subcore_axis_name="s",
                                  num_cores=_NC, num_subcores=_NS)
    _NSL = 2

    @functools.partial(
        pl.kernel,
        mesh=mesh,
        out_type=jax.ShapeDtypeStruct((_E_PAD, _D), jnp.float32),
        scratch_types=(
            [pltpu.VMEM((_ROWS_PER_W, _K), jnp.int32),
             pltpu.VMEM((_NSL, _K, _D), jnp.float32),
             pltpu.VMEM_SHARED((_N_PAD, _D), jnp.float32)]
            + [pltpu.SemaphoreType.DMA] * (2 * _NSL)
        ),
    )
    def k(x_hbm, src_hbm, out_hbm, idx_all, rows, xsh, *sems):
        sem_g = sems[:_NSL]
        sem_w = sems[_NSL:]
        cid = lax.axis_index("c")
        tid = lax.axis_index("s")
        wid = tid * _NC + cid
        base = wid * _ROWS_PER_W

        for z in range(_NODES_PER_T // _K):
            r = tid * _NODES_PER_T + z * _K
            pltpu.sync_copy(x_hbm.at[pl.ds(r, _K)], rows.at[0])
            pltpu.sync_copy(rows.at[0], xsh.at[pl.ds(r, _K)])
        pltpu.sync_copy(src_hbm.at[pl.ds(base, _ROWS_PER_W)], idx_all)
        plsc.subcore_barrier()

        def start_gather(t, s):
            pltpu.async_copy(xsh.at[idx_all.at[t]], rows.at[s], sem_g[s])

        for s in range(_NSL):
            start_gather(s, s)

        def body(i, carry):
            for s in range(_NSL):
                t = i * _NSL + s
                pltpu.make_async_copy(xsh.at[idx_all.at[0]], rows.at[s], sem_g[s]).wait()
                pltpu.async_copy(rows.at[s], out_hbm.at[pl.ds((base + t) * _K, _K)], sem_w[s])
                pltpu.make_async_copy(rows.at[s], out_hbm.at[pl.ds(0, _K)], sem_w[s]).wait()

                @pl.when(t + _NSL < _ROWS_PER_W)
                def _():
                    start_gather(t + _NSL, s)
            return carry

        lax.fori_loop(0, _ROWS_PER_W // _NSL, body, 0)

    return k(x, src2)


def _tc_messages(edge_feats_p, edge_attrs_p, xs, W_r1, W_r2, n_rows):
    def body(ef_ref, ea_ref, xs_ref, w1_ref, w2_ref, m_ref):
        h = jax.nn.silu(jnp.dot(ef_ref[...], w1_ref[...],
                                preferred_element_type=jnp.float32) * (1.0 / math.sqrt(8.0)))
        w = jnp.dot(h, w2_ref[...], preferred_element_type=jnp.float32) * (1.0 / math.sqrt(64.0))
        wA = w[:, :_D]
        wB = w[:, _D:]
        xs = xs_ref[...]
        scale = 1.0 / _AVG_NEIGH
        m_ref[0] = (wA * xs) * ea_ref[:, 0:1] * scale
        wx = wB * xs
        m_ref[1] = wx * ea_ref[:, 1:2] * scale
        m_ref[2] = wx * ea_ref[:, 2:3] * scale
        m_ref[3] = wx * ea_ref[:, 3:4] * scale

    _BE = 2048
    n_e = n_rows * _K
    return pl.pallas_call(
        body,
        grid=(n_e // _BE,),
        in_specs=[
            pl.BlockSpec((_BE, 8), lambda i: (i, 0)),
            pl.BlockSpec((_BE, 4), lambda i: (i, 0)),
            pl.BlockSpec((_BE, _D), lambda i: (i, 0)),
            pl.BlockSpec((8, 64), lambda i: (0, 0)),
            pl.BlockSpec((64, 2 * _D), lambda i: (0, 0)),
        ],
        out_specs=pl.BlockSpec((4, _BE, _D), lambda i: (0, i, 0)),
        out_shape=jax.ShapeDtypeStruct((4, n_e, _D), jnp.float32),
    )(edge_feats_p, edge_attrs_p, xs, W_r1, W_r2)


def _sc_scatter(m, dst2, zeros_tile, n_rows):
    mesh = plsc.VectorSubcoreMesh(core_axis_name="c", subcore_axis_name="s",
                                  num_cores=_NC, num_subcores=_NS)
    rows_per_t = n_rows // _NS

    @functools.partial(
        pl.kernel,
        mesh=mesh,
        out_type=jax.ShapeDtypeStruct((4, _N_PAD, _D), jnp.float32),
        scratch_types=(
            [pltpu.VMEM((2, _K), jnp.int32),
             pltpu.VMEM((2, _K, _D), jnp.float32),
             pltpu.VMEM_SHARED((_N_PAD, _D), jnp.float32)]
            + [pltpu.SemaphoreType.DMA] * 4
        ),
    )
    def k(m_hbm, dst_hbm, z_hbm, out_hbm, idx2, mbuf, acc, *sems):
        sem_l = sems[:2]
        sem_s = sems[2:]
        cid = lax.axis_index("c")
        tid = lax.axis_index("s")
        nbase = tid * _NODES_PER_T
        nchunks = _NODES_PER_T // _K

        for gi in range(2):
            g = cid + 2 * gi

            pltpu.sync_copy(z_hbm, mbuf.at[0])
            for z in range(nchunks):
                pltpu.sync_copy(mbuf.at[0], acc.at[pl.ds(nbase + z * _K, _K)])
            plsc.subcore_barrier()

            def start_loads(t, b):
                r = tid * rows_per_t + t
                pltpu.async_copy(dst_hbm.at[r], idx2.at[b], sem_l[b])
                pltpu.async_copy(m_hbm.at[g, pl.ds(r * _K, _K)], mbuf.at[b], sem_l[b])

            start_loads(0, 0)
            start_loads(1, 1)

            def body(i, carry):
                for b in range(2):
                    t = i * 2 + b
                    pltpu.make_async_copy(dst_hbm.at[0], idx2.at[b], sem_l[b]).wait()
                    pltpu.make_async_copy(m_hbm.at[g, pl.ds(0, _K)], mbuf.at[b], sem_l[b]).wait()
                    pltpu.async_copy(mbuf.at[b], acc.at[idx2.at[b]], sem_s[b], add=True)
                    pltpu.make_async_copy(mbuf.at[b], acc.at[idx2.at[b]], sem_s[b]).wait()

                    @pl.when(t + 2 < rows_per_t)
                    def _():
                        start_loads(t + 2, b)
                return carry

            lax.fori_loop(0, rows_per_t // 2, body, 0)
            plsc.subcore_barrier()

            for z in range(nchunks):
                pltpu.sync_copy(acc.at[pl.ds(nbase + z * _K, _K)], mbuf.at[0])
                pltpu.sync_copy(mbuf.at[0], out_hbm.at[g, pl.ds(nbase + z * _K, _K)])
            plsc.subcore_barrier()

    return k(m, dst2, zeros_tile)


def _tc_output(agg, node_feats, node_attrs, W_out0, W_out1, W_sc_r, perm):
    inv_sqrt_d = 1.0 / math.sqrt(_D)
    inv_sqrt_sc = 1.0 / math.sqrt(_D * 4.0)

    def body(agg_ref, nf_ref, na_ref, w0_ref, w1_ref, wsc_ref, pm_ref, o_ref):
        nf = nf_ref[...]
        na = na_ref[...]
        out0 = jnp.dot(agg_ref[0], w0_ref[...], preferred_element_type=jnp.float32) * inv_sqrt_d
        sc_in = jnp.concatenate([nf * na[:, v:v + 1] for v in range(4)], axis=1)
        sc = jnp.dot(sc_in, wsc_ref[...], preferred_element_type=jnp.float32) * inv_sqrt_sc
        s = out0 + sc
        scalars = jax.nn.silu(s[:, :_D])
        gates = jax.nn.silu(s[:, _D:192])
        g0 = jnp.dot(agg_ref[1], w1_ref[...], preferred_element_type=jnp.float32) * inv_sqrt_d * gates
        g1 = jnp.dot(agg_ref[2], w1_ref[...], preferred_element_type=jnp.float32) * inv_sqrt_d * gates
        g2 = jnp.dot(agg_ref[3], w1_ref[...], preferred_element_type=jnp.float32) * inv_sqrt_d * gates
        G = jnp.concatenate([g0, g1, g2], axis=1)
        tail = jnp.dot(G, pm_ref[...], preferred_element_type=jnp.float32)
        o_ref[...] = jnp.concatenate([scalars, tail], axis=1)

    return pl.pallas_call(
        body,
        grid=(10,),
        in_specs=[
            pl.BlockSpec((4, 1000, _D), lambda i: (0, i, 0)),
            pl.BlockSpec((1000, _D), lambda i: (i, 0)),
            pl.BlockSpec((1000, 4), lambda i: (i, 0)),
            pl.BlockSpec((_D, 192), lambda i: (0, 0)),
            pl.BlockSpec((_D, 64), lambda i: (0, 0)),
            pl.BlockSpec((4 * _D, 192), lambda i: (0, 0)),
            pl.BlockSpec((192, 192), lambda i: (0, 0)),
        ],
        out_specs=pl.BlockSpec((1000, 320), lambda i: (i, 0)),
        out_shape=jax.ShapeDtypeStruct((_N, 320), jnp.float32),
    )(agg, node_feats, node_attrs, W_out0, W_out1, W_sc_r, perm)


_PERM_NP = np.zeros((192, 192), dtype=np.float32)
for _c in range(3):
    for _u in range(64):
        _PERM_NP[64 * _c + _u, 3 * _u + _c] = 1.0

_P_UNPACK = np.empty(_D, dtype=np.int64)
for _j in range(_D // 32):
    for _t in range(32):
        _d = 32 * _j + _t
        _P_UNPACK[_d] = 32 * _j + (_t // 2 if _t % 2 == 0 else 16 + (_t - 1) // 2)
_PINV_UNPACK = np.argsort(_P_UNPACK)


def kernel(node_feats, node_attrs, edge_feats, edge_attrs, W_up, W_r1, W_r2, W_out0, W_out1, W_sc, edge_index):
    src = edge_index[0]
    dst = edge_index[1]

    pad = _E_PAD - _E
    src2 = jnp.pad(src, (0, pad)).reshape(_EROWS, _K)
    dst2 = jnp.pad(dst, (0, pad)).reshape(_EROWS, _K)
    edge_feats_p = jnp.pad(edge_feats, ((0, pad), (0, 0)))
    edge_attrs_p = jnp.pad(edge_attrs, ((0, pad), (0, 0)))
    node_feats_p = jnp.pad(node_feats, ((0, _N_PAD - _N), (0, 0)))

    x = _tc_linear_up(node_feats_p, W_up)
    xs = _sc_gather(x, src2)
    m = _tc_messages(edge_feats_p, edge_attrs_p, xs, W_r1, W_r2, _EROWS)

    zeros_tile = jnp.zeros((_K, _D), jnp.float32)
    agg = _sc_scatter(m, dst2, zeros_tile, _EROWS)

    W_sc_r = W_sc.transpose(1, 0, 2).reshape(4 * _D, 192)
    perm = jnp.asarray(_PERM_NP)
    return _tc_output(agg, node_feats, node_attrs, W_out0, W_out1, W_sc_r, perm)

# --- scband reference (transcript-rebuilt; emitter-appended) ---
"""Pipeline reference for scband-conv-net-layer-61074434949126 (READ-ONLY COPY).

The authoritative reference and input builder live on the scoring server;
editing this copy changes nothing except your own understanding.
"""

import jax
import jax.numpy as jnp
import numpy as np
import math

N = 10000
E = 320000
D = 128
AVG_NEIGH = 32.0


def setup_inputs(seed: int = 0) -> dict:
    key = jax.random.key(seed)
    ks = jax.random.split(key, 12)
    node_feats = jax.random.normal(ks[0], (N, D), dtype=jnp.float32)
    node_attrs = jax.random.uniform(ks[1], (N, 4), dtype=jnp.float32)
    edge_index = jax.random.randint(ks[2], (2, E), 0, N, dtype=jnp.int32)
    edge_feats = jax.random.uniform(ks[3], (E, 8), dtype=jnp.float32)
    edge_attrs = jax.random.normal(ks[4], (E, 4), dtype=jnp.float32)
    # learned parameters (NequIP-style InteractionBlock + Gate)
    W_up = jax.random.normal(ks[5], (D, D), dtype=jnp.float32)
    W_r1 = jax.random.normal(ks[6], (8, 64), dtype=jnp.float32)
    W_r2 = jax.random.normal(ks[7], (64, 2 * D), dtype=jnp.float32)
    W_out0 = jax.random.normal(ks[8], (D, 192), dtype=jnp.float32)
    W_out1 = jax.random.normal(ks[9], (D, 64), dtype=jnp.float32)
    W_sc = jax.random.normal(ks[10], (D, 4, 192), dtype=jnp.float32)
    return {
        'node_feats': node_feats,
        'node_attrs': node_attrs,
        'edge_feats': edge_feats,
        'edge_attrs': edge_attrs,
        'W_up': W_up,
        'W_r1': W_r1,
        'W_r2': W_r2,
        'W_out0': W_out0,
        'W_out1': W_out1,
        'W_sc': W_sc,
        'edge_index': edge_index,
    }


def reference(node_feats, node_attrs, edge_feats, edge_attrs, W_up, W_r1, W_r2, W_out0, W_out1, W_sc, edge_index):
    src = edge_index[0]
    dst = edge_index[1]
    # InteractionBlock: linear up on node features (128x0e -> 128x0e)
    x = (node_feats @ W_up) / math.sqrt(float(D))
    # radial MLP on edge scalar features -> per-edge tensor-product weights
    h = jax.nn.silu((edge_feats @ W_r1) / math.sqrt(8.0))
    w = (h @ W_r2) / math.sqrt(64.0)
    wA = w[:, :D]
    wB = w[:, D:]
    # edge attrs = spherical harmonics: l=0 (1 dim) + l=1 (3 dims)
    sh0 = edge_attrs[:, 0:1]
    sh1 = edge_attrs[:, 1:4]
    # gather source node features (memory-bound)
    xs = x[src]
    # weighted tensor product paths (uvu): 0e x 0e -> 0e, 0e x 1o -> 1o
    m0 = wA * xs * sh0
    m1 = (wB * xs)[:, :, None] * sh1[:, None, :]
    # scatter-sum messages to destination nodes (memory-bound)
    agg0 = jax.ops.segment_sum(m0, dst, num_segments=N) / AVG_NEIGH
    agg1 = jax.ops.segment_sum(m1.reshape(E, 3 * D), dst, num_segments=N).reshape(N, D, 3) / AVG_NEIGH
    # linear out: 128x0e -> 192x0e (128 scalars + 64 gates), 128x1o -> 64x1o
    out0 = (agg0 @ W_out0) / math.sqrt(float(D))
    out1 = jnp.einsum('nuc,uo->noc', agg1, W_out1) / math.sqrt(float(D))
    # self connection: FullyConnectedTP(node_feats 128x0e, node_attrs 4x0e -> 192x0e)
    sc = jnp.einsum('nu,nv,uvo->no', node_feats, node_attrs, W_sc) / math.sqrt(float(D) * 4.0)
    s = out0 + sc
    # equivariant Gate nonlinearity
    scalars = jax.nn.silu(s[:, :D])
    gates = jax.nn.silu(s[:, D:192])
    gated = out1 * gates[:, :, None]
    node_feats_out = jnp.concatenate([scalars, gated.reshape(N, 192)], axis=1)
    return node_feats_out

if __name__ == "__main__":
    import jax
    _d = setup_inputs()
    print(jax.jit(kernel)(*tuple(_d.values())))

</pallas_src>

<mosaic_0001>
#map = affine_map<(d0, d1) -> (0, 0)>
module attributes {stable_mosaic.version = 14 : i64} {
  func.func @k(%arg0: i32, %arg1: i32, %arg2: memref<10240x128xf32, #tpu.memory_space<hbm>>, %arg3: memref<2560x128xi32, #tpu.memory_space<hbm>>, %arg4: memref<327680x128xf32, #tpu.memory_space<hbm>>, %arg5: memref<80x128xi32, #tpu.memory_space<vmem>>, %arg6: memref<2x128x128xf32, #tpu.memory_space<vmem>>, %arg7: memref<10240x128xf32, #tpu.memory_space<vmem_shared>>, %arg8: memref<!tpu.dma_semaphore, #tpu.memory_space<semaphore_mem>>, %arg9: memref<!tpu.dma_semaphore, #tpu.memory_space<semaphore_mem>>, %arg10: memref<!tpu.dma_semaphore, #tpu.memory_space<semaphore_mem>>, %arg11: memref<!tpu.dma_semaphore, #tpu.memory_space<semaphore_mem>>) attributes {dimension_semantics = [#tpu.dimension_semantics<core_parallel>, #tpu.dimension_semantics<subcore_parallel>], iteration_bounds = array<i64: 2, 16>, scalar_prefetch = 0 : i64, scratch_operands = 7 : i64, tpu.core_type = #tpu.core_type<sc_vector_subcore>, window_params = [{transform_indices = #map}, {transform_indices = #map}, {transform_indices = #map}]} {
    %mul3A = arith.constant 2 : i32
    %mul3A_0 = arith.muli %arg1, %mul3A : i32
    %add3A = arith.addi %mul3A_0, %arg0 : i32
    %mul3A_1 = arith.constant 80 : i32
    %mul3A_2 = arith.muli %add3A, %mul3A_1 : i32
    %mul3A_3 = arith.constant 640 : i32
    %mul3A_4 = arith.muli %arg1, %mul3A_3 : i32
    %add3A_5 = arith.constant 0 : i32
    %add3A_6 = arith.addi %mul3A_4, %add3A_5 : i32
    %run_scoped3A = arith.constant 0 : i32
    "tpu.region"() ({
      %run_scoped3A_60 = tpu.sem_alloc : memref<!tpu.dma_semaphore, #tpu.memory_space<semaphore_mem>>
      %dma_start3A_61 = arith.constant 0 : i32
      %dma_start3A_62 = arith.constant 0 : i32
      %dma_start3A_63 = tpu.memref_slice %arg6[%run_scoped3A, %dma_start3A_61, %dma_start3A_62] : memref<2x128x128xf32, #tpu.memory_space<vmem>> -> memref<1x128x128xf32, #tpu.memory_space<vmem>>
      %dma_start3A_64 = tpu.memref_squeeze %dma_start3A_63 : memref<1x128x128xf32, #tpu.memory_space<vmem>> -> memref<128x128xf32, #tpu.memory_space<vmem>>
      %dma_start3A_65 = arith.constant 0 : i32
      %dma_start3A_66 = tpu.memref_slice %arg2[%add3A_6, %dma_start3A_65] : memref<10240x128xf32, #tpu.memory_space<hbm>> -> memref<128x128xf32, #tpu.memory_space<hbm>>
      %dma_start3A_67 = arith.constant 0 : i32
      %dma_start3A_68 = arith.constant 0 : i32
      %dma_start3A_69 = tpu.memref_slice %arg6[%run_scoped3A, %dma_start3A_67, %dma_start3A_68] : memref<2x128x128xf32, #tpu.memory_space<vmem>> -> memref<1x128x128xf32, #tpu.memory_space<vmem>>
      %dma_start3A_70 = tpu.memref_squeeze %dma_start3A_69 : memref<1x128x128xf32, #tpu.memory_space<vmem>> -> memref<128x128xf32, #tpu.memory_space<vmem>>
      %dma_start3A_71 = arith.constant 0 : i32
      %dma_start3A_72 = tpu.memref_slice %arg2[%add3A_6, %dma_start3A_71] : memref<10240x128xf32, #tpu.memory_space<hbm>> -> memref<128x128xf32, #tpu.memory_space<hbm>>
      tpu.enqueue_dma source(%dma_start3A_72 : memref<128x128xf32, #tpu.memory_space<hbm>>) target(%dma_start3A_70 : memref<128x128xf32, #tpu.memory_space<vmem>>) target_semaphore(%run_scoped3A_60 : memref<!tpu.dma_semaphore, #tpu.memory_space<semaphore_mem>>)
      %dma_wait3A = arith.constant 0 : i32
      %dma_wait3A_73 = arith.constant 0 : i32
      %dma_wait3A_74 = tpu.memref_slice %arg6[%run_scoped3A, %dma_wait3A, %dma_wait3A_73] : memref<2x128x128xf32, #tpu.memory_space<vmem>> -> memref<1x128x128xf32, #tpu.memory_space<vmem>>
      %dma_wait3A_75 = tpu.memref_squeeze %dma_wait3A_74 : memref<1x128x128xf32, #tpu.memory_space<vmem>> -> memref<128x128xf32, #tpu.memory_space<vmem>>
      %dma_wait3A_76 = arith.constant 0 : i32
      %dma_wait3A_77 = tpu.memref_slice %arg2[%add3A_6, %dma_wait3A_76] : memref<10240x128xf32, #tpu.memory_space<hbm>> -> memref<128x128xf32, #tpu.memory_space<hbm>>
      %dma_wait3A_78 = arith.constant 0 : i32
      %dma_wait3A_79 = arith.constant 0 : i32
      %dma_wait3A_80 = tpu.memref_slice %arg6[%run_scoped3A, %dma_wait3A_78, %dma_wait3A_79] : memref<2x128x128xf32, #tpu.memory_space<vmem>> -> memref<1x128x128xf32, #tpu.memory_space<vmem>>
      %dma_wait3A_81 = tpu.memref_squeeze %dma_wait3A_80 : memref<1x128x128xf32, #tpu.memory_space<vmem>> -> memref<128x128xf32, #tpu.memory_space<vmem>>
      %dma_wait3A_82 = arith.constant 0 : i32
      %dma_wait3A_83 = tpu.memref_slice %arg2[%add3A_6, %dma_wait3A_82] : memref<10240x128xf32, #tpu.memory_space<hbm>> -> memref<128x128xf32, #tpu.memory_space<hbm>>
      tpu.wait_dma2 semaphore(%run_scoped3A_60 : memref<!tpu.dma_semaphore, #tpu.memory_space<semaphore_mem>>) src(%dma_wait3A_83 : memref<128x128xf32, #tpu.memory_space<hbm>>) dst(%dma_wait3A_81 : memref<128x128xf32, #tpu.memory_space<vmem>>)
      tpu.yield
    }) : () -> ()
    %run_scoped3A_7 = arith.constant 0 : i32
    "tpu.region"() ({
      %run_scoped3A_60 = tpu.sem_alloc : memref<!tpu.dma_semaphore, #tpu.memory_space<semaphore_mem>>
      %dma_start3A_61 = arith.constant 0 : i32
      %dma_start3A_62 = arith.constant 0 : i32
      %dma_start3A_63 = tpu.memref_slice %arg6[%run_scoped3A_7, %dma_start3A_61, %dma_start3A_62] : memref<2x128x128xf32, #tpu.memory_space<vmem>> -> memref<1x128x128xf32, #tpu.memory_space<vmem>>
      %dma_start3A_64 = tpu.memref_squeeze %dma_start3A_63 : memref<1x128x128xf32, #tpu.memory_space<vmem>> -> memref<128x128xf32, #tpu.memory_space<vmem>>
      %dma_start3A_65 = arith.constant 0 : i32
      %dma_start3A_66 = tpu.memref_slice %arg7[%add3A_6, %dma_start3A_65] : memref<10240x128xf32, #tpu.memory_space<vmem_shared>> -> memref<128x128xf32, #tpu.memory_space<vmem_shared>>
      %dma_start3A_67 = arith.constant 0 : i32
      %dma_start3A_68 = tpu.memref_slice %arg7[%add3A_6, %dma_start3A_67] : memref<10240x128xf32, #tpu.memory_space<vmem_shared>> -> memref<128x128xf32, #tpu.memory_space<vmem_shared>>
      %dma_start3A_69 = arith.constant 0 : i32
      %dma_start3A_70 = arith.constant 0 : i32
      %dma_start3A_71 = tpu.memref_slice %arg6[%run_scoped3A_7, %dma_start3A_69, %dma_start3A_70] : memref<2x128x128xf32, #tpu.memory_space<vmem>> -> memref<1x128x128xf32, #tpu.memory_space<vmem>>
      %dma_start3A_72 = tpu.memref_squeeze %dma_start3A_71 : memref<1x128x128xf32, #tpu.memory_space<vmem>> -> memref<128x128xf32, #tpu.memory_space<vmem>>
      tpu.enqueue_dma source(%dma_start3A_72 : memref<128x128xf32, #tpu.memory_space<vmem>>) target(%dma_start3A_68 : memref<128x128xf32, #tpu.memory_space<vmem_shared>>) target_semaphore(%run_scoped3A_60 : memref<!tpu.dma_semaphore, #tpu.memory_space<semaphore_mem>>)
      %dma_wait3A = arith.constant 0 : i32
      %dma_wait3A_73 = arith.constant 0 : i32
      %dma_wait3A_74 = tpu.memref_slice %arg6[%run_scoped3A_7, %dma_wait3A, %dma_wait3A_73] : memref<2x128x128xf32, #tpu.memory_space<vmem>> -> memref<1x128x128xf32, #tpu.memory_space<vmem>>
      %dma_wait3A_75 = tpu.memref_squeeze %dma_wait3A_74 : memref<1x128x128xf32, #tpu.memory_space<vmem>> -> memref<128x128xf32, #tpu.memory_space<vmem>>
      %dma_wait3A_76 = arith.constant 0 : i32
      %dma_wait3A_77 = tpu.memref_slice %arg7[%add3A_6, %dma_wait3A_76] : memref<10240x128xf32, #tpu.memory_space<vmem_shared>> -> memref<128x128xf32, #tpu.memory_space<vmem_shared>>
      %dma_wait3A_78 = arith.constant 0 : i32
      %dma_wait3A_79 = tpu.memref_slice %arg7[%add3A_6, %dma_wait3A_78] : memref<10240x128xf32, #tpu.memory_space<vmem_shared>> -> memref<128x128xf32, #tpu.memory_space<vmem_shared>>
      %dma_wait3A_80 = arith.constant 0 : i32
      %dma_wait3A_81 = arith.constant 0 : i32
      %dma_wait3A_82 = tpu.memref_slice %arg6[%run_scoped3A_7, %dma_wait3A_80, %dma_wait3A_81] : memref<2x128x128xf32, #tpu.memory_space<vmem>> -> memref<1x128x128xf32, #tpu.memory_space<vmem>>
      %dma_wait3A_83 = tpu.memref_squeeze %dma_wait3A_82 : memref<1x128x128xf32, #tpu.memory_space<vmem>> -> memref<128x128xf32, #tpu.memory_space<vmem>>
      tpu.wait_dma2 semaphore(%run_scoped3A_60 : memref<!tpu.dma_semaphore, #tpu.memory_space<semaphore_mem>>) src(%dma_wait3A_83 : memref<128x128xf32, #tpu.memory_space<vmem>>) dst(%dma_wait3A_79 : memref<128x128xf32, #tpu.memory_space<vmem_shared>>)
      tpu.yield
    }) : () -> ()
    %mul3A_8 = arith.constant 640 : i32
    %mul3A_9 = arith.muli %arg1, %mul3A_8 : i32
    %add3A_10 = arith.constant 128 : i32
    %add3A_11 = arith.addi %mul3A_9, %add3A_10 : i32
    %run_scoped3A_12 = arith.constant 0 : i32
    "tpu.region"() ({
      %run_scoped3A_60 = tpu.sem_alloc : memref<!tpu.dma_semaphore, #tpu.memory_space<semaphore_mem>>
      %dma_start3A_61 = arith.constant 0 : i32
      %dma_start3A_62 = arith.constant 0 : i32
      %dma_start3A_63 = tpu.memref_slice %arg6[%run_scoped3A_12, %dma_start3A_61, %dma_start3A_62] : memref<2x128x128xf32, #tpu.memory_space<vmem>> -> memref<1x128x128xf32, #tpu.memory_space<vmem>>
      %dma_start3A_64 = tpu.memref_squeeze %dma_start3A_63 : memref<1x128x128xf32, #tpu.memory_space<vmem>> -> memref<128x128xf32, #tpu.memory_space<vmem>>
      %dma_start3A_65 = arith.constant 0 : i32
      %dma_start3A_66 = tpu.memref_slice %arg2[%add3A_11, %dma_start3A_65] : memref<10240x128xf32, #tpu.memory_space<hbm>> -> memref<128x128xf32, #tpu.memory_space<hbm>>
      %dma_start3A_67 = arith.constant 0 : i32
      %dma_start3A_68 = arith.constant 0 : i32
      %dma_start3A_69 = tpu.memref_slice %arg6[%run_scoped3A_12, %dma_start3A_67, %dma_start3A_68] : memref<2x128x128xf32, #tpu.memory_space<vmem>> -> memref<1x128x128xf32, #tpu.memory_space<vmem>>
      %dma_start3A_70 = tpu.memref_squeeze %dma_start3A_69 : memref<1x128x128xf32, #tpu.memory_space<vmem>> -> memref<128x128xf32, #tpu.memory_space<vmem>>
      %dma_start3A_71 = arith.constant 0 : i32
      %dma_start3A_72 = tpu.memref_slice %arg2[%add3A_11, %dma_start3A_71] : memref<10240x128xf32, #tpu.memory_space<hbm>> -> memref<128x128xf32, #tpu.memory_space<hbm>>
      tpu.enqueue_dma source(%dma_start3A_72 : memref<128x128xf32, #tpu.memory_space<hbm>>) target(%dma_start3A_70 : memref<128x128xf32, #tpu.memory_space<vmem>>) target_semaphore(%run_scoped3A_60 : memref<!tpu.dma_semaphore, #tpu.memory_space<semaphore_mem>>)
      %dma_wait3A = arith.constant 0 : i32
      %dma_wait3A_73 = arith.constant 0 : i32
      %dma_wait3A_74 = tpu.memref_slice %arg6[%run_scoped3A_12, %dma_wait3A, %dma_wait3A_73] : memref<2x128x128xf32, #tpu.memory_space<vmem>> -> memref<1x128x128xf32, #tpu.memory_space<vmem>>
      %dma_wait3A_75 = tpu.memref_squeeze %dma_wait3A_74 : memref<1x128x128xf32, #tpu.memory_space<vmem>> -> memref<128x128xf32, #tpu.memory_space<vmem>>
      %dma_wait3A_76 = arith.constant 0 : i32
      %dma_wait3A_77 = tpu.memref_slice %arg2[%add3A_11, %dma_wait3A_76] : memref<10240x128xf32, #tpu.memory_space<hbm>> -> memref<128x128xf32, #tpu.memory_space<hbm>>
      %dma_wait3A_78 = arith.constant 0 : i32
      %dma_wait3A_79 = arith.constant 0 : i32
      %dma_wait3A_80 = tpu.memref_slice %arg6[%run_scoped3A_12, %dma_wait3A_78, %dma_wait3A_79] : memref<2x128x128xf32, #tpu.memory_space<vmem>> -> memref<1x128x128xf32, #tpu.memory_space<vmem>>
      %dma_wait3A_81 = tpu.memref_squeeze %dma_wait3A_80 : memref<1x128x128xf32, #tpu.memory_space<vmem>> -> memref<128x128xf32, #tpu.memory_space<vmem>>
      %dma_wait3A_82 = arith.constant 0 : i32
      %dma_wait3A_83 = tpu.memref_slice %arg2[%add3A_11, %dma_wait3A_82] : memref<10240x128xf32, #tpu.memory_space<hbm>> -> memref<128x128xf32, #tpu.memory_space<hbm>>
      tpu.wait_dma2 semaphore(%run_scoped3A_60 : memref<!tpu.dma_semaphore, #tpu.memory_space<semaphore_mem>>) src(%dma_wait3A_83 : memref<128x128xf32, #tpu.memory_space<hbm>>) dst(%dma_wait3A_81 : memref<128x128xf32, #tpu.memory_space<vmem>>)
      tpu.yield
    }) : () -> ()
    %run_scoped3A_13 = arith.constant 0 : i32
    "tpu.region"() ({
      %run_scoped3A_60 = tpu.sem_alloc : memref<!tpu.dma_semaphore, #tpu.memory_space<semaphore_mem>>
      %dma_start3A_61 = arith.constant 0 : i32
      %dma_start3A_62 = arith.constant 0 : i32
      %dma_start3A_63 = tpu.memref_slice %arg6[%run_scoped3A_13, %dma_start3A_61, %dma_start3A_62] : memref<2x128x128xf32, #tpu.memory_space<vmem>> -> memref<1x128x128xf32, #tpu.memory_space<vmem>>
      %dma_start3A_64 = tpu.memref_squeeze %dma_start3A_63 : memref<1x128x128xf32, #tpu.memory_space<vmem>> -> memref<128x128xf32, #tpu.memory_space<vmem>>
      %dma_start3A_65 = arith.constant 0 : i32
      %dma_start3A_66 = tpu.memref_slice %arg7[%add3A_11, %dma_start3A_65] : memref<10240x128xf32, #tpu.memory_space<vmem_shared>> -> memref<128x128xf32, #tpu.memory_space<vmem_shared>>
      %dma_start3A_67 = arith.constant 0 : i32
      %dma_start3A_68 = tpu.memref_slice %arg7[%add3A_11, %dma_start3A_67] : memref<10240x128xf32, #tpu.memory_space<vmem_shared>> -> memref<128x128xf32, #tpu.memory_space<vmem_shared>>
      %dma_start3A_69 = arith.constant 0 : i32
      %dma_start3A_70 = arith.constant 0 : i32
      %dma_start3A_71 = tpu.memref_slice %arg6[%run_scoped3A_13, %dma_start3A_69, %dma_start3A_70] : memref<2x128x128xf32, #tpu.memory_space<vmem>> -> memref<1x128x128xf32, #tpu.memory_space<vmem>>
      %dma_start3A_72 = tpu.memref_squeeze %dma_start3A_71 : memref<1x128x128xf32, #tpu.memory_space<vmem>> -> memref<128x128xf32, #tpu.memory_space<vmem>>
      tpu.enqueue_dma source(%dma_start3A_72 : memref<128x128xf32, #tpu.memory_space<vmem>>) target(%dma_start3A_68 : memref<128x128xf32, #tpu.memory_space<vmem_shared>>) target_semaphore(%run_scoped3A_60 : memref<!tpu.dma_semaphore, #tpu.memory_space<semaphore_mem>>)
      %dma_wait3A = arith.constant 0 : i32
      %dma_wait3A_73 = arith.constant 0 : i32
      %dma_wait3A_74 = tpu.memref_slice %arg6[%run_scoped3A_13, %dma_wait3A, %dma_wait3A_73] : memref<2x128x128xf32, #tpu.memory_space<vmem>> -> memref<1x128x128xf32, #tpu.memory_space<vmem>>
      %dma_wait3A_75 = tpu.memref_squeeze %dma_wait3A_74 : memref<1x128x128xf32, #tpu.memory_space<vmem>> -> memref<128x128xf32, #tpu.memory_space<vmem>>
      %dma_wait3A_76 = arith.constant 0 : i32
      %dma_wait3A_77 = tpu.memref_slice %arg7[%add3A_11, %dma_wait3A_76] : memref<10240x128xf32, #tpu.memory_space<vmem_shared>> -> memref<128x128xf32, #tpu.memory_space<vmem_shared>>
      %dma_wait3A_78 = arith.constant 0 : i32
      %dma_wait3A_79 = tpu.memref_slice %arg7[%add3A_11, %dma_wait3A_78] : memref<10240x128xf32, #tpu.memory_space<vmem_shared>> -> memref<128x128xf32, #tpu.memory_space<vmem_shared>>
      %dma_wait3A_80 = arith.constant 0 : i32
      %dma_wait3A_81 = arith.constant 0 : i32
      %dma_wait3A_82 = tpu.memref_slice %arg6[%run_scoped3A_13, %dma_wait3A_80, %dma_wait3A_81] : memref<2x128x128xf32, #tpu.memory_space<vmem>> -> memref<1x128x128xf32, #tpu.memory_space<vmem>>
      %dma_wait3A_83 = tpu.memref_squeeze %dma_wait3A_82 : memref<1x128x128xf32, #tpu.memory_space<vmem>> -> memref<128x128xf32, #tpu.memory_space<vmem>>
      tpu.wait_dma2 semaphore(%run_scoped3A_60 : memref<!tpu.dma_semaphore, #tpu.memory_space<semaphore_mem>>) src(%dma_wait3A_83 : memref<128x128xf32, #tpu.memory_space<vmem>>) dst(%dma_wait3A_79 : memref<128x128xf32, #tpu.memory_space<vmem_shared>>)
      tpu.yield
    }) : () -> ()
    %mul3A_14 = arith.constant 640 : i32
    %mul3A_15 = arith.muli %arg1, %mul3A_14 : i32
    %add3A_16 = arith.constant 256 : i32
    %add3A_17 = arith.addi %mul3A_15, %add3A_16 : i32
    %run_scoped3A_18 = arith.constant 0 : i32
    "tpu.region"() ({
      %run_scoped3A_60 = tpu.sem_alloc : memref<!tpu.dma_semaphore, #tpu.memory_space<semaphore_mem>>
      %dma_start3A_61 = arith.constant 0 : i32
      %dma_start3A_62 = arith.constant 0 : i32
      %dma_start3A_63 = tpu.memref_slice %arg6[%run_scoped3A_18, %dma_start3A_61, %dma_start3A_62] : memref<2x128x128xf32, #tpu.memory_space<vmem>> -> memref<1x128x128xf32, #tpu.memory_space<vmem>>
      %dma_start3A_64 = tpu.memref_squeeze %dma_start3A_63 : memref<1x128x128xf32, #tpu.memory_space<vmem>> -> memref<128x128xf32, #tpu.memory_space<vmem>>
      %dma_start3A_65 = arith.constant 0 : i32
      %dma_start3A_66 = tpu.memref_slice %arg2[%add3A_17, %dma_start3A_65] : memref<10240x128xf32, #tpu.memory_space<hbm>> -> memref<128x128xf32, #tpu.memory_space<hbm>>
      %dma_start3A_67 = arith.constant 0 : i32
      %dma_start3A_68 = arith.constant 0 : i32
      %dma_start3A_69 = tpu.memref_slice %arg6[%run_scoped3A_18, %dma_start3A_67, %dma_start3A_68] : memref<2x128x128xf32, #tpu.memory_space<vmem>> -> memref<1x128x128xf32, #tpu.memory_space<vmem>>
      %dma_start3A_70 = tpu.memref_squeeze %dma_start3A_69 : memref<1x128x128xf32, #tpu.memory_space<vmem>> -> memref<128x128xf32, #tpu.memory_space<vmem>>
      %dma_start3A_71 = arith.constant 0 : i32
      %dma_start3A_72 = tpu.memref_slice %arg2[%add3A_17, %dma_start3A_71] : memref<10240x128xf32, #tpu.memory_space<hbm>> -> memref<128x128xf32, #tpu.memory_space<hbm>>
      tpu.enqueue_dma source(%dma_start3A_72 : memref<128x128xf32, #tpu.memory_space<hbm>>) target(%dma_start3A_70 : memref<128x128xf32, #tpu.memory_space<vmem>>) target_semaphore(%run_scoped3A_60 : memref<!tpu.dma_semaphore, #tpu.memory_space<semaphore_mem>>)
      %dma_wait3A = arith.constant 0 : i32
      %dma_wait3A_73 = arith.constant 0 : i32
      %dma_wait3A_74 = tpu.memref_slice %arg6[%run_scoped3A_18, %dma_wait3A, %dma_wait3A_73] : memref<2x128x128xf32, #tpu.memory_space<vmem>> -> memref<1x128x128xf32, #tpu.memory_space<vmem>>
      %dma_wait3A_75 = tpu.memref_squeeze %dma_wait3A_74 : memref<1x128x128xf32, #tpu.memory_space<vmem>> -> memref<128x128xf32, #tpu.memory_space<vmem>>
      %dma_wait3A_76 = arith.constant 0 : i32
      %dma_wait3A_77 = tpu.memref_slice %arg2[%add3A_17, %dma_wait3A_76] : memref<10240x128xf32, #tpu.memory_space<hbm>> -> memref<128x128xf32, #tpu.memory_space<hbm>>
      %dma_wait3A_78 = arith.constant 0 : i32
      %dma_wait3A_79 = arith.constant 0 : i32
      %dma_wait3A_80 = tpu.memref_slice %arg6[%run_scoped3A_18, %dma_wait3A_78, %dma_wait3A_79] : memref<2x128x128xf32, #tpu.memory_space<vmem>> -> memref<1x128x128xf32, #tpu.memory_space<vmem>>
      %dma_wait3A_81 = tpu.memref_squeeze %dma_wait3A_80 : memref<1x128x128xf32, #tpu.memory_space<vmem>> -> memref<128x128xf32, #tpu.memory_space<vmem>>
      %dma_wait3A_82 = arith.constant 0 : i32
      %dma_wait3A_83 = tpu.memref_slice %arg2[%add3A_17, %dma_wait3A_82] : memref<10240x128xf32, #tpu.memory_space<hbm>> -> memref<128x128xf32, #tpu.memory_space<hbm>>
      tpu.wait_dma2 semaphore(%run_scoped3A_60 : memref<!tpu.dma_semaphore, #tpu.memory_space<semaphore_mem>>) src(%dma_wait3A_83 : memref<128x128xf32, #tpu.memory_space<hbm>>) dst(%dma_wait3A_81 : memref<128x128xf32, #tpu.memory_space<vmem>>)
      tpu.yield
    }) : () -> ()
    %run_scoped3A_19 = arith.constant 0 : i32
    "tpu.region"() ({
      %run_scoped3A_60 = tpu.sem_alloc : memref<!tpu.dma_semaphore, #tpu.memory_space<semaphore_mem>>
      %dma_start3A_61 = arith.constant 0 : i32
      %dma_start3A_62 = arith.constant 0 : i32
      %dma_start3A_63 = tpu.memref_slice %arg6[%run_scoped3A_19, %dma_start3A_61, %dma_start3A_62] : memref<2x128x128xf32, #tpu.memory_space<vmem>> -> memref<1x128x128xf32, #tpu.memory_space<vmem>>
      %dma_start3A_64 = tpu.memref_squeeze %dma_start3A_63 : memref<1x128x128xf32, #tpu.memory_space<vmem>> -> memref<128x128xf32, #tpu.memory_space<vmem>>
      %dma_start3A_65 = arith.constant 0 : i32
      %dma_start3A_66 = tpu.memref_slice %arg7[%add3A_17, %dma_start3A_65] : memref<10240x128xf32, #tpu.memory_space<vmem_shared>> -> memref<128x128xf32, #tpu.memory_space<vmem_shared>>
      %dma_start3A_67 = arith.constant 0 : i32
      %dma_start3A_68 = tpu.memref_slice %arg7[%add3A_17, %dma_start3A_67] : memref<10240x128xf32, #tpu.memory_space<vmem_shared>> -> memref<128x128xf32, #tpu.memory_space<vmem_shared>>
      %dma_start3A_69 = arith.constant 0 : i32
      %dma_start3A_70 = arith.constant 0 : i32
      %dma_start3A_71 = tpu.memref_slice %arg6[%run_scoped3A_19, %dma_start3A_69, %dma_start3A_70] : memref<2x128x128xf32, #tpu.memory_space<vmem>> -> memref<1x128x128xf32, #tpu.memory_space<vmem>>
      %dma_start3A_72 = tpu.memref_squeeze %dma_start3A_71 : memref<1x128x128xf32, #tpu.memory_space<vmem>> -> memref<128x128xf32, #tpu.memory_space<vmem>>
      tpu.enqueue_dma source(%dma_start3A_72 : memref<128x128xf32, #tpu.memory_space<vmem>>) target(%dma_start3A_68 : memref<128x128xf32, #tpu.memory_space<vmem_shared>>) target_semaphore(%run_scoped3A_60 : memref<!tpu.dma_semaphore, #tpu.memory_space<semaphore_mem>>)
      %dma_wait3A = arith.constant 0 : i32
      %dma_wait3A_73 = arith.constant 0 : i32
      %dma_wait3A_74 = tpu.memref_slice %arg6[%run_scoped3A_19, %dma_wait3A, %dma_wait3A_73] : memref<2x128x128xf32, #tpu.memory_space<vmem>> -> memref<1x128x128xf32, #tpu.memory_space<vmem>>
      %dma_wait3A_75 = tpu.memref_squeeze %dma_wait3A_74 : memref<1x128x128xf32, #tpu.memory_space<vmem>> -> memref<128x128xf32, #tpu.memory_space<vmem>>
      %dma_wait3A_76 = arith.constant 0 : i32
      %dma_wait3A_77 = tpu.memref_slice %arg7[%add3A_17, %dma_wait3A_76] : memref<10240x128xf32, #tpu.memory_space<vmem_shared>> -> memref<128x128xf32, #tpu.memory_space<vmem_shared>>
      %dma_wait3A_78 = arith.constant 0 : i32
      %dma_wait3A_79 = tpu.memref_slice %arg7[%add3A_17, %dma_wait3A_78] : memref<10240x128xf32, #tpu.memory_space<vmem_shared>> -> memref<128x128xf32, #tpu.memory_space<vmem_shared>>
      %dma_wait3A_80 = arith.constant 0 : i32
      %dma_wait3A_81 = arith.constant 0 : i32
      %dma_wait3A_82 = tpu.memref_slice %arg6[%run_scoped3A_19, %dma_wait3A_80, %dma_wait3A_81] : memref<2x128x128xf32, #tpu.memory_space<vmem>> -> memref<1x128x128xf32, #tpu.memory_space<vmem>>
      %dma_wait3A_83 = tpu.memref_squeeze %dma_wait3A_82 : memref<1x128x128xf32, #tpu.memory_space<vmem>> -> memref<128x128xf32, #tpu.memory_space<vmem>>
      tpu.wait_dma2 semaphore(%run_scoped3A_60 : memref<!tpu.dma_semaphore, #tpu.memory_space<semaphore_mem>>) src(%dma_wait3A_83 : memref<128x128xf32, #tpu.memory_space<vmem>>) dst(%dma_wait3A_79 : memref<128x128xf32, #tpu.memory_space<vmem_shared>>)
      tpu.yield
    }) : () -> ()
    %mul3A_20 = arith.constant 640 : i32
    %mul3A_21 = arith.muli %arg1, %mul3A_20 : i32
    %add3A_22 = arith.constant 384 : i32
    %add3A_23 = arith.addi %mul3A_21, %add3A_22 : i32
    %run_scoped3A_24 = arith.constant 0 : i32
    "tpu.region"() ({
      %run_scoped3A_60 = tpu.sem_alloc : memref<!tpu.dma_semaphore, #tpu.memory_space<semaphore_mem>>
      %dma_start3A_61 = arith.constant 0 : i32
      %dma_start3A_62 = arith.constant 0 : i32
      %dma_start3A_63 = tpu.memref_slice %arg6[%run_scoped3A_24, %dma_start3A_61, %dma_start3A_62] : memref<2x128x128xf32, #tpu.memory_space<vmem>> -> memref<1x128x128xf32, #tpu.memory_space<vmem>>
      %dma_start3A_64 = tpu.memref_squeeze %dma_start3A_63 : memref<1x128x128xf32, #tpu.memory_space<vmem>> -> memref<128x128xf32, #tpu.memory_space<vmem>>
      %dma_start3A_65 = arith.constant 0 : i32
      %dma_start3A_66 = tpu.memref_slice %arg2[%add3A_23, %dma_start3A_65] : memref<10240x128xf32, #tpu.memory_space<hbm>> -> memref<128x128xf32, #tpu.memory_space<hbm>>
      %dma_start3A_67 = arith.constant 0 : i32
      %dma_start3A_68 = arith.constant 0 : i32
      %dma_start3A_69 = tpu.memref_slice %arg6[%run_scoped3A_24, %dma_start3A_67, %dma_start3A_68] : memref<2x128x128xf32, #tpu.memory_space<vmem>> -> memref<1x128x128xf32, #tpu.memory_space<vmem>>
      %dma_start3A_70 = tpu.memref_squeeze %dma_start3A_69 : memref<1x128x128xf32, #tpu.memory_space<vmem>> -> memref<128x128xf32, #tpu.memory_space<vmem>>
      %dma_start3A_71 = arith.constant 0 : i32
      %dma_start3A_72 = tpu.memref_slice %arg2[%add3A_23, %dma_start3A_71] : memref<10240x128xf32, #tpu.memory_space<hbm>> -> memref<128x128xf32, #tpu.memory_space<hbm>>
      tpu.enqueue_dma source(%dma_start3A_72 : memref<128x128xf32, #tpu.memory_space<hbm>>) target(%dma_start3A_70 : memref<128x128xf32, #tpu.memory_space<vmem>>) target_semaphore(%run_scoped3A_60 : memref<!tpu.dma_semaphore, #tpu.memory_space<semaphore_mem>>)
      %dma_wait3A = arith.constant 0 : i32
      %dma_wait3A_73 = arith.constant 0 : i32
      %dma_wait3A_74 = tpu.memref_slice %arg6[%run_scoped3A_24, %dma_wait3A, %dma_wait3A_73] : memref<2x128x128xf32, #tpu.memory_space<vmem>> -> memref<1x128x128xf32, #tpu.memory_space<vmem>>
      %dma_wait3A_75 = tpu.memref_squeeze %dma_wait3A_74 : memref<1x128x128xf32, #tpu.memory_space<vmem>> -> memref<128x128xf32, #tpu.memory_space<vmem>>
      %dma_wait3A_76 = arith.constant 0 : i32
      %dma_wait3A_77 = tpu.memref_slice %arg2[%add3A_23, %dma_wait3A_76] : memref<10240x128xf32, #tpu.memory_space<hbm>> -> memref<128x128xf32, #tpu.memory_space<hbm>>
      %dma_wait3A_78 = arith.constant 0 : i32
      %dma_wait3A_79 = arith.constant 0 : i32
      %dma_wait3A_80 = tpu.memref_slice %arg6[%run_scoped3A_24, %dma_wait3A_78, %dma_wait3A_79] : memref<2x128x128xf32, #tpu.memory_space<vmem>> -> memref<1x128x128xf32, #tpu.memory_space<vmem>>
      %dma_wait3A_81 = tpu.memref_squeeze %dma_wait3A_80 : memref<1x128x128xf32, #tpu.memory_space<vmem>> -> memref<128x128xf32, #tpu.memory_space<vmem>>
      %dma_wait3A_82 = arith.constant 0 : i32
      %dma_wait3A_83 = tpu.memref_slice %arg2[%add3A_23, %dma_wait3A_82] : memref<10240x128xf32, #tpu.memory_space<hbm>> -> memref<128x128xf32, #tpu.memory_space<hbm>>
      tpu.wait_dma2 semaphore(%run_scoped3A_60 : memref<!tpu.dma_semaphore, #tpu.memory_space<semaphore_mem>>) src(%dma_wait3A_83 : memref<128x128xf32, #tpu.memory_space<hbm>>) dst(%dma_wait3A_81 : memref<128x128xf32, #tpu.memory_space<vmem>>)
      tpu.yield
    }) : () -> ()
    %run_scoped3A_25 = arith.constant 0 : i32
    "tpu.region"() ({
      %run_scoped3A_60 = tpu.sem_alloc : memref<!tpu.dma_semaphore, #tpu.memory_space<semaphore_mem>>
      %dma_start3A_61 = arith.constant 0 : i32
      %dma_start3A_62 = arith.constant 0 : i32
      %dma_start3A_63 = tpu.memref_slice %arg6[%run_scoped3A_25, %dma_start3A_61, %dma_start3A_62] : memref<2x128x128xf32, #tpu.memory_space<vmem>> -> memref<1x128x128xf32, #tpu.memory_space<vmem>>
      %dma_start3A_64 = tpu.memref_squeeze %dma_start3A_63 : memref<1x128x128xf32, #tpu.memory_space<vmem>> -> memref<128x128xf32, #tpu.memory_space<vmem>>
      %dma_start3A_65 = arith.constant 0 : i32
      %dma_start3A_66 = tpu.memref_slice %arg7[%add3A_23, %dma_start3A_65] : memref<10240x128xf32, #tpu.memory_space<vmem_shared>> -> memref<128x128xf32, #tpu.memory_space<vmem_shared>>
      %dma_start3A_67 = arith.constant 0 : i32
      %dma_start3A_68 = tpu.memref_slice %arg7[%add3A_23, %dma_start3A_67] : memref<10240x128xf32, #tpu.memory_space<vmem_shared>> -> memref<128x128xf32, #tpu.memory_space<vmem_shared>>
      %dma_start3A_69 = arith.constant 0 : i32
      %dma_start3A_70 = arith.constant 0 : i32
      %dma_start3A_71 = tpu.memref_slice %arg6[%run_scoped3A_25, %dma_start3A_69, %dma_start3A_70] : memref<2x128x128xf32, #tpu.memory_space<vmem>> -> memref<1x128x128xf32, #tpu.memory_space<vmem>>
      %dma_start3A_72 = tpu.memref_squeeze %dma_start3A_71 : memref<1x128x128xf32, #tpu.memory_space<vmem>> -> memref<128x128xf32, #tpu.memory_space<vmem>>
      tpu.enqueue_dma source(%dma_start3A_72 : memref<128x128xf32, #tpu.memory_space<vmem>>) target(%dma_start3A_68 : memref<128x128xf32, #tpu.memory_space<vmem_shared>>) target_semaphore(%run_scoped3A_60 : memref<!tpu.dma_semaphore, #tpu.memory_space<semaphore_mem>>)
      %dma_wait3A = arith.constant 0 : i32
      %dma_wait3A_73 = arith.constant 0 : i32
      %dma_wait3A_74 = tpu.memref_slice %arg6[%run_scoped3A_25, %dma_wait3A, %dma_wait3A_73] : memref<2x128x128xf32, #tpu.memory_space<vmem>> -> memref<1x128x128xf32, #tpu.memory_space<vmem>>
      %dma_wait3A_75 = tpu.memref_squeeze %dma_wait3A_74 : memref<1x128x128xf32, #tpu.memory_space<vmem>> -> memref<128x128xf32, #tpu.memory_space<vmem>>
      %dma_wait3A_76 = arith.constant 0 : i32
      %dma_wait3A_77 = tpu.memref_slice %arg7[%add3A_23, %dma_wait3A_76] : memref<10240x128xf32, #tpu.memory_space<vmem_shared>> -> memref<128x128xf32, #tpu.memory_space<vmem_shared>>
      %dma_wait3A_78 = arith.constant 0 : i32
      %dma_wait3A_79 = tpu.memref_slice %arg7[%add3A_23, %dma_wait3A_78] : memref<10240x128xf32, #tpu.memory_space<vmem_shared>> -> memref<128x128xf32, #tpu.memory_space<vmem_shared>>
      %dma_wait3A_80 = arith.constant 0 : i32
      %dma_wait3A_81 = arith.constant 0 : i32
      %dma_wait3A_82 = tpu.memref_slice %arg6[%run_scoped3A_25, %dma_wait3A_80, %dma_wait3A_81] : memref<2x128x128xf32, #tpu.memory_space<vmem>> -> memref<1x128x128xf32, #tpu.memory_space<vmem>>
      %dma_wait3A_83 = tpu.memref_squeeze %dma_wait3A_82 : memref<1x128x128xf32, #tpu.memory_space<vmem>> -> memref<128x128xf32, #tpu.memory_space<vmem>>
      tpu.wait_dma2 semaphore(%run_scoped3A_60 : memref<!tpu.dma_semaphore, #tpu.memory_space<semaphore_mem>>) src(%dma_wait3A_83 : memref<128x128xf32, #tpu.memory_space<vmem>>) dst(%dma_wait3A_79 : memref<128x128xf32, #tpu.memory_space<vmem_shared>>)
      tpu.yield
    }) : () -> ()
    %mul3A_26 = arith.constant 640 : i32
    %mul3A_27 = arith.muli %arg1, %mul3A_26 : i32
    %add3A_28 = arith.constant 512 : i32
    %add3A_29 = arith.addi %mul3A_27, %add3A_28 : i32
    %run_scoped3A_30 = arith.constant 0 : i32
    "tpu.region"() ({
      %run_scoped3A_60 = tpu.sem_alloc : memref<!tpu.dma_semaphore, #tpu.memory_space<semaphore_mem>>
      %dma_start3A_61 = arith.constant 0 : i32
      %dma_start3A_62 = arith.constant 0 : i32
      %dma_start3A_63 = tpu.memref_slice %arg6[%run_scoped3A_30, %dma_start3A_61, %dma_start3A_62] : memref<2x128x128xf32, #tpu.memory_space<vmem>> -> memref<1x128x128xf32, #tpu.memory_space<vmem>>
      %dma_start3A_64 = tpu.memref_squeeze %dma_start3A_63 : memref<1x128x128xf32, #tpu.memory_space<vmem>> -> memref<128x128xf32, #tpu.memory_space<vmem>>
      %dma_start3A_65 = arith.constant 0 : i32
      %dma_start3A_66 = tpu.memref_slice %arg2[%add3A_29, %dma_start3A_65] : memref<10240x128xf32, #tpu.memory_space<hbm>> -> memref<128x128xf32, #tpu.memory_space<hbm>>
      %dma_start3A_67 = arith.constant 0 : i32
      %dma_start3A_68 = arith.constant 0 : i32
      %dma_start3A_69 = tpu.memref_slice %arg6[%run_scoped3A_30, %dma_start3A_67, %dma_start3A_68] : memref<2x128x128xf32, #tpu.memory_space<vmem>> -> memref<1x128x128xf32, #tpu.memory_space<vmem>>
      %dma_start3A_70 = tpu.memref_squeeze %dma_start3A_69 : memref<1x128x128xf32, #tpu.memory_space<vmem>> -> memref<128x128xf32, #tpu.memory_space<vmem>>
      %dma_start3A_71 = arith.constant 0 : i32
      %dma_start3A_72 = tpu.memref_slice %arg2[%add3A_29, %dma_start3A_71] : memref<10240x128xf32, #tpu.memory_space<hbm>> -> memref<128x128xf32, #tpu.memory_space<hbm>>
      tpu.enqueue_dma source(%dma_start3A_72 : memref<128x128xf32, #tpu.memory_space<hbm>>) target(%dma_start3A_70 : memref<128x128xf32, #tpu.memory_space<vmem>>) target_semaphore(%run_scoped3A_60 : memref<!tpu.dma_semaphore, #tpu.memory_space<semaphore_mem>>)
      %dma_wait3A = arith.constant 0 : i32
      %dma_wait3A_73 = arith.constant 0 : i32
      %dma_wait3A_74 = tpu.memref_slice %arg6[%run_scoped3A_30, %dma_wait3A, %dma_wait3A_73] : memref<2x128x128xf32, #tpu.memory_space<vmem>> -> memref<1x128x128xf32, #tpu.memory_space<vmem>>
      %dma_wait3A_75 = tpu.memref_squeeze %dma_wait3A_74 : memref<1x128x128xf32, #tpu.memory_space<vmem>> -> memref<128x128xf32, #tpu.memory_space<vmem>>
      %dma_wait3A_76 = arith.constant 0 : i32
      %dma_wait3A_77 = tpu.memref_slice %arg2[%add3A_29, %dma_wait3A_76] : memref<10240x128xf32, #tpu.memory_space<hbm>> -> memref<128x128xf32, #tpu.memory_space<hbm>>
      %dma_wait3A_78 = arith.constant 0 : i32
      %dma_wait3A_79 = arith.constant 0 : i32
      %dma_wait3A_80 = tpu.memref_slice %arg6[%run_scoped3A_30, %dma_wait3A_78, %dma_wait3A_79] : memref<2x128x128xf32, #tpu.memory_space<vmem>> -> memref<1x128x128xf32, #tpu.memory_space<vmem>>
      %dma_wait3A_81 = tpu.memref_squeeze %dma_wait3A_80 : memref<1x128x128xf32, #tpu.memory_space<vmem>> -> memref<128x128xf32, #tpu.memory_space<vmem>>
      %dma_wait3A_82 = arith.constant 0 : i32
      %dma_wait3A_83 = tpu.memref_slice %arg2[%add3A_29, %dma_wait3A_82] : memref<10240x128xf32, #tpu.memory_space<hbm>> -> memref<128x128xf32, #tpu.memory_space<hbm>>
      tpu.wait_dma2 semaphore(%run_scoped3A_60 : memref<!tpu.dma_semaphore, #tpu.memory_space<semaphore_mem>>) src(%dma_wait3A_83 : memref<128x128xf32, #tpu.memory_space<hbm>>) dst(%dma_wait3A_81 : memref<128x128xf32, #tpu.memory_space<vmem>>)
      tpu.yield
    }) : () -> ()
    %run_scoped3A_31 = arith.constant 0 : i32
    "tpu.region"() ({
      %run_scoped3A_60 = tpu.sem_alloc : memref<!tpu.dma_semaphore, #tpu.memory_space<semaphore_mem>>
      %dma_start3A_61 = arith.constant 0 : i32
      %dma_start3A_62 = arith.constant 0 : i32
      %dma_start3A_63 = tpu.memref_slice %arg6[%run_scoped3A_31, %dma_start3A_61, %dma_start3A_62] : memref<2x128x128xf32, #tpu.memory_space<vmem>> -> memref<1x128x128xf32, #tpu.memory_space<vmem>>
      %dma_start3A_64 = tpu.memref_squeeze %dma_start3A_63 : memref<1x128x128xf32, #tpu.memory_space<vmem>> -> memref<128x128xf32, #tpu.memory_space<vmem>>
      %dma_start3A_65 = arith.constant 0 : i32
      %dma_start3A_66 = tpu.memref_slice %arg7[%add3A_29, %dma_start3A_65] : memref<10240x128xf32, #tpu.memory_space<vmem_shared>> -> memref<128x128xf32, #tpu.memory_space<vmem_shared>>
      %dma_start3A_67 = arith.constant 0 : i32
      %dma_start3A_68 = tpu.memref_slice %arg7[%add3A_29, %dma_start3A_67] : memref<10240x128xf32, #tpu.memory_space<vmem_shared>> -> memref<128x128xf32, #tpu.memory_space<vmem_shared>>
      %dma_start3A_69 = arith.constant 0 : i32
      %dma_start3A_70 = arith.constant 0 : i32
      %dma_start3A_71 = tpu.memref_slice %arg6[%run_scoped3A_31, %dma_start3A_69, %dma_start3A_70] : memref<2x128x128xf32, #tpu.memory_space<vmem>> -> memref<1x128x128xf32, #tpu.memory_space<vmem>>
      %dma_start3A_72 = tpu.memref_squeeze %dma_start3A_71 : memref<1x128x128xf32, #tpu.memory_space<vmem>> -> memref<128x128xf32, #tpu.memory_space<vmem>>
      tpu.enqueue_dma source(%dma_start3A_72 : memref<128x128xf32, #tpu.memory_space<vmem>>) target(%dma_start3A_68 : memref<128x128xf32, #tpu.memory_space<vmem_shared>>) target_semaphore(%run_scoped3A_60 : memref<!tpu.dma_semaphore, #tpu.memory_space<semaphore_mem>>)
      %dma_wait3A = arith.constant 0 : i32
      %dma_wait3A_73 = arith.constant 0 : i32
      %dma_wait3A_74 = tpu.memref_slice %arg6[%run_scoped3A_31, %dma_wait3A, %dma_wait3A_73] : memref<2x128x128xf32, #tpu.memory_space<vmem>> -> memref<1x128x128xf32, #tpu.memory_space<vmem>>
      %dma_wait3A_75 = tpu.memref_squeeze %dma_wait3A_74 : memref<1x128x128xf32, #tpu.memory_space<vmem>> -> memref<128x128xf32, #tpu.memory_space<vmem>>
      %dma_wait3A_76 = arith.constant 0 : i32
      %dma_wait3A_77 = tpu.memref_slice %arg7[%add3A_29, %dma_wait3A_76] : memref<10240x128xf32, #tpu.memory_space<vmem_shared>> -> memref<128x128xf32, #tpu.memory_space<vmem_shared>>
      %dma_wait3A_78 = arith.constant 0 : i32
      %dma_wait3A_79 = tpu.memref_slice %arg7[%add3A_29, %dma_wait3A_78] : memref<10240x128xf32, #tpu.memory_space<vmem_shared>> -> memref<128x128xf32, #tpu.memory_space<vmem_shared>>
      %dma_wait3A_80 = arith.constant 0 : i32
      %dma_wait3A_81 = arith.constant 0 : i32
      %dma_wait3A_82 = tpu.memref_slice %arg6[%run_scoped3A_31, %dma_wait3A_80, %dma_wait3A_81] : memref<2x128x128xf32, #tpu.memory_space<vmem>> -> memref<1x128x128xf32, #tpu.memory_space<vmem>>
      %dma_wait3A_83 = tpu.memref_squeeze %dma_wait3A_82 : memref<1x128x128xf32, #tpu.memory_space<vmem>> -> memref<128x128xf32, #tpu.memory_space<vmem>>
      tpu.wait_dma2 semaphore(%run_scoped3A_60 : memref<!tpu.dma_semaphore, #tpu.memory_space<semaphore_mem>>) src(%dma_wait3A_83 : memref<128x128xf32, #tpu.memory_space<vmem>>) dst(%dma_wait3A_79 : memref<128x128xf32, #tpu.memory_space<vmem_shared>>)
      tpu.yield
    }) : () -> ()
    "tpu.region"() ({
      %run_scoped3A_60 = tpu.sem_alloc : memref<!tpu.dma_semaphore, #tpu.memory_space<semaphore_mem>>
      %dma_start3A_61 = arith.constant 0 : i32
      %dma_start3A_62 = tpu.memref_slice %arg3[%mul3A_2, %dma_start3A_61] : memref<2560x128xi32, #tpu.memory_space<hbm>> -> memref<80x128xi32, #tpu.memory_space<hbm>>
      %dma_start3A_63 = arith.constant 0 : i32
      %dma_start3A_64 = tpu.memref_slice %arg3[%mul3A_2, %dma_start3A_63] : memref<2560x128xi32, #tpu.memory_space<hbm>> -> memref<80x128xi32, #tpu.memory_space<hbm>>
      tpu.enqueue_dma source(%dma_start3A_64 : memref<80x128xi32, #tpu.memory_space<hbm>>) target(%arg5 : memref<80x128xi32, #tpu.memory_space<vmem>>) target_semaphore(%run_scoped3A_60 : memref<!tpu.dma_semaphore, #tpu.memory_space<semaphore_mem>>)
      %dma_wait3A = arith.constant 0 : i32
      %dma_wait3A_65 = tpu.memref_slice %arg3[%mul3A_2, %dma_wait3A] : memref<2560x128xi32, #tpu.memory_space<hbm>> -> memref<80x128xi32, #tpu.memory_space<hbm>>
      %dma_wait3A_66 = arith.constant 0 : i32
      %dma_wait3A_67 = tpu.memref_slice %arg3[%mul3A_2, %dma_wait3A_66] : memref<2560x128xi32, #tpu.memory_space<hbm>> -> memref<80x128xi32, #tpu.memory_space<hbm>>
      tpu.wait_dma2 semaphore(%run_scoped3A_60 : memref<!tpu.dma_semaphore, #tpu.memory_space<semaphore_mem>>) src(%dma_wait3A_67 : memref<80x128xi32, #tpu.memory_space<hbm>>) dst(%arg5 : memref<80x128xi32, #tpu.memory_space<vmem>>)
      tpu.yield
    }) : () -> ()
    %barrier3A = arith.constant 0 : index
    tpu.barrier barrier_id(%barrier3A)
    %dma_start3A = arith.constant 0 : i32
    %dma_start3A_32 = arith.constant 0 : i32
    %dma_start3A_33 = arith.constant 0 : i32
    %dma_start3A_34 = arith.constant 0 : i32
    %dma_start3A_35 = tpu.memref_slice %arg6[%dma_start3A_32, %dma_start3A_33, %dma_start3A_34] : memref<2x128x128xf32, #tpu.memory_space<vmem>> -> memref<1x128x128xf32, #tpu.memory_space<vmem>>
    %dma_start3A_36 = tpu.memref_squeeze %dma_start3A_35 : memref<1x128x128xf32, #tpu.memory_space<vmem>> -> memref<128x128xf32, #tpu.memory_space<vmem>>
    %dma_start3A_37 = arith.constant 0 : i32
    %dma_start3A_38 = tpu.memref_slice %arg5[%dma_start3A, %dma_start3A_37] : memref<80x128xi32, #tpu.memory_space<vmem>> -> memref<1x128xi32, #tpu.memory_space<vmem>>
    %dma_start3A_39 = tpu.memref_squeeze %dma_start3A_38 : memref<1x128xi32, #tpu.memory_space<vmem>> -> memref<128xi32, #tpu.memory_space<vmem>>
    %dma_start3A_40 = arith.constant 0 : i32
    %dma_start3A_41 = arith.constant 0 : i32
    %dma_start3A_42 = tpu.memref_slice %arg7[%dma_start3A_40, %dma_start3A_41] : memref<10240x128xf32, #tpu.memory_space<vmem_shared>> -> memref<10240x128xf32, #tpu.memory_space<vmem_shared>>
    tpu.enqueue_indirect_dma source(%dma_start3A_42 : memref<10240x128xf32, #tpu.memory_space<vmem_shared>>) target(%dma_start3A_36 : memref<128x128xf32, #tpu.memory_space<vmem>>) offsets(%dma_start3A_39 : memref<128xi32, #tpu.memory_space<vmem>>) semaphore(%arg8 : memref<!tpu.dma_semaphore, #tpu.memory_space<semaphore_mem>>)
    %dma_start3A_43 = arith.constant 1 : i32
    %dma_start3A_44 = arith.constant 1 : i32
    %dma_start3A_45 = arith.constant 0 : i32
    %dma_start3A_46 = arith.constant 0 : i32
    %dma_start3A_47 = tpu.memref_slice %arg6[%dma_start3A_44, %dma_start3A_45, %dma_start3A_46] : memref<2x128x128xf32, #tpu.memory_space<vmem>> -> memref<1x128x128xf32, #tpu.memory_space<vmem>>
    %dma_start3A_48 = tpu.memref_squeeze %dma_start3A_47 : memref<1x128x128xf32, #tpu.memory_space<vmem>> -> memref<128x128xf32, #tpu.memory_space<vmem>>
    %dma_start3A_49 = arith.constant 0 : i32
    %dma_start3A_50 = tpu.memref_slice %arg5[%dma_start3A_43, %dma_start3A_49] : memref<80x128xi32, #tpu.memory_space<vmem>> -> memref<1x128xi32, #tpu.memory_space<vmem>>
    %dma_start3A_51 = tpu.memref_squeeze %dma_start3A_50 : memref<1x128xi32, #tpu.memory_space<vmem>> -> memref<128xi32, #tpu.memory_space<vmem>>
    %dma_start3A_52 = arith.constant 0 : i32
    %dma_start3A_53 = arith.constant 0 : i32
    %dma_start3A_54 = tpu.memref_slice %arg7[%dma_start3A_52, %dma_start3A_53] : memref<10240x128xf32, #tpu.memory_space<vmem_shared>> -> memref<10240x128xf32, #tpu.memory_space<vmem_shared>>
    tpu.enqueue_indirect_dma source(%dma_start3A_54 : memref<10240x128xf32, #tpu.memory_space<vmem_shared>>) target(%dma_start3A_48 : memref<128x128xf32, #tpu.memory_space<vmem>>) offsets(%dma_start3A_51 : memref<128xi32, #tpu.memory_space<vmem>>) semaphore(%arg9 : memref<!tpu.dma_semaphore, #tpu.memory_space<semaphore_mem>>)
    %scan3A = arith.constant 0 : i32
    %scan3A_55 = arith.constant 0 : i32
    %scan3A_56 = arith.constant 40 : i32
    %scan3A_57 = arith.addi %scan3A_55, %scan3A_56 : i32
    %scan3A_58 = arith.constant 1 : i32
    scf.for %scan3A_60 = %scan3A_55 to %scan3A_57 step %scan3A_58  : i32 {
      %mul3A_61 = arith.constant 2 : i32
      %mul3A_62 = arith.muli %scan3A_60, %mul3A_61 : i32
      %add3A_63 = arith.constant 0 : i32
      %add3A_64 = arith.addi %mul3A_62, %add3A_63 : i32
      %dma_wait3A = arith.constant 0 : i32
      %dma_wait3A_65 = arith.constant 0 : i32
      %dma_wait3A_66 = arith.constant 0 : i32
      %dma_wait3A_67 = arith.constant 0 : i32
      %dma_wait3A_68 = tpu.memref_slice %arg6[%dma_wait3A_65, %dma_wait3A_66, %dma_wait3A_67] : memref<2x128x128xf32, #tpu.memory_space<vmem>> -> memref<1x128x128xf32, #tpu.memory_space<vmem>>
      %dma_wait3A_69 = tpu.memref_squeeze %dma_wait3A_68 : memref<1x128x128xf32, #tpu.memory_space<vmem>> -> memref<128x128xf32, #tpu.memory_space<vmem>>
      %dma_wait3A_70 = arith.constant 0 : i32
      %dma_wait3A_71 = tpu.memref_slice %arg5[%dma_wait3A, %dma_wait3A_70] : memref<80x128xi32, #tpu.memory_space<vmem>> -> memref<1x128xi32, #tpu.memory_space<vmem>>
      %dma_wait3A_72 = tpu.memref_squeeze %dma_wait3A_71 : memref<1x128xi32, #tpu.memory_space<vmem>> -> memref<128xi32, #tpu.memory_space<vmem>>
      %dma_wait3A_73 = arith.constant 0 : i32
      %dma_wait3A_74 = arith.constant 0 : i32
      %dma_wait3A_75 = tpu.memref_slice %arg7[%dma_wait3A_73, %dma_wait3A_74] : memref<10240x128xf32, #tpu.memory_space<vmem_shared>> -> memref<10240x128xf32, #tpu.memory_space<vmem_shared>>
      tpu.wait_indirect_dma semaphore(%arg8 : memref<!tpu.dma_semaphore, #tpu.memory_space<semaphore_mem>>) src(%dma_wait3A_75 : memref<10240x128xf32, #tpu.memory_space<vmem_shared>>) dst(%dma_wait3A_69 : memref<128x128xf32, #tpu.memory_space<vmem>>)
      %add3A_76 = arith.addi %mul3A_2, %add3A_64 : i32
      %mul3A_77 = arith.constant 128 : i32
      %mul3A_78 = arith.muli %add3A_76, %mul3A_77 : i32
      %dma_start3A_79 = arith.constant 0 : i32
      %dma_start3A_80 = arith.constant 0 : i32
      %dma_start3A_81 = arith.constant 0 : i32
      %dma_start3A_82 = tpu.memref_slice %arg6[%dma_start3A_79, %dma_start3A_80, %dma_start3A_81] : memref<2x128x128xf32, #tpu.memory_space<vmem>> -> memref<1x128x128xf32, #tpu.memory_space<vmem>>
      %dma_start3A_83 = tpu.memref_squeeze %dma_start3A_82 : memref<1x128x128xf32, #tpu.memory_space<vmem>> -> memref<128x128xf32, #tpu.memory_space<vmem>>
      %dma_start3A_84 = arith.constant 0 : i32
      %dma_start3A_85 = tpu.memref_slice %arg4[%mul3A_78, %dma_start3A_84] : memref<327680x128xf32, #tpu.memory_space<hbm>> -> memref<128x128xf32, #tpu.memory_space<hbm>>
      %dma_start3A_86 = arith.constant 0 : i32
      %dma_start3A_87 = tpu.memref_slice %arg4[%mul3A_78, %dma_start3A_86] : memref<327680x128xf32, #tpu.memory_space<hbm>> -> memref<128x128xf32, #tpu.memory_space<hbm>>
      %dma_start3A_88 = arith.constant 0 : i32
      %dma_start3A_89 = arith.constant 0 : i32
      %dma_start3A_90 = tpu.memref_slice %arg6[%dma_start3A_79, %dma_start3A_88, %dma_start3A_89] : memref<2x128x128xf32, #tpu.memory_space<vmem>> -> memref<1x128x128xf32, #tpu.memory_space<vmem>>
      %dma_start3A_91 = tpu.memref_squeeze %dma_start3A_90 : memref<1x128x128xf32, #tpu.memory_space<vmem>> -> memref<128x128xf32, #tpu.memory_space<vmem>>
      tpu.enqueue_dma source(%dma_start3A_91 : memref<128x128xf32, #tpu.memory_space<vmem>>) target(%dma_start3A_87 : memref<128x128xf32, #tpu.memory_space<hbm>>) target_semaphore(%arg10 : memref<!tpu.dma_semaphore, #tpu.memory_space<semaphore_mem>>)
      %dma_wait3A_92 = arith.constant 0 : i32
      %dma_wait3A_93 = arith.constant 0 : i32
      %dma_wait3A_94 = arith.constant 0 : i32
      %dma_wait3A_95 = tpu.memref_slice %arg6[%dma_wait3A_92, %dma_wait3A_93, %dma_wait3A_94] : memref<2x128x128xf32, #tpu.memory_space<vmem>> -> memref<1x128x128xf32, #tpu.memory_space<vmem>>
      %dma_wait3A_96 = tpu.memref_squeeze %dma_wait3A_95 : memref<1x128x128xf32, #tpu.memory_space<vmem>> -> memref<128x128xf32, #tpu.memory_space<vmem>>
      %dma_wait3A_97 = arith.constant 0 : i32
      %dma_wait3A_98 = arith.constant 0 : i32
      %dma_wait3A_99 = tpu.memref_slice %arg4[%dma_wait3A_97, %dma_wait3A_98] : memref<327680x128xf32, #tpu.memory_space<hbm>> -> memref<128x128xf32, #tpu.memory_space<hbm>>
      %dma_wait3A_100 = arith.constant 0 : i32
      %dma_wait3A_101 = arith.constant 0 : i32
      %dma_wait3A_102 = tpu.memref_slice %arg4[%dma_wait3A_100, %dma_wait3A_101] : memref<327680x128xf32, #tpu.memory_space<hbm>> -> memref<128x128xf32, #tpu.memory_space<hbm>>
      %dma_wait3A_103 = arith.constant 0 : i32
      %dma_wait3A_104 = arith.constant 0 : i32
      %dma_wait3A_105 = tpu.memref_slice %arg6[%dma_wait3A_92, %dma_wait3A_103, %dma_wait3A_104] : memref<2x128x128xf32, #tpu.memory_space<vmem>> -> memref<1x128x128xf32, #tpu.memory_space<vmem>>
      %dma_wait3A_106 = tpu.memref_squeeze %dma_wait3A_105 : memref<1x128x128xf32, #tpu.memory_space<vmem>> -> memref<128x128xf32, #tpu.memory_space<vmem>>
      tpu.wait_dma2 semaphore(%arg10 : memref<!tpu.dma_semaphore, #tpu.memory_space<semaphore_mem>>) src(%dma_wait3A_106 : memref<128x128xf32, #tpu.memory_space<vmem>>) dst(%dma_wait3A_102 : memref<128x128xf32, #tpu.memory_space<hbm>>)
      %add3A_107 = arith.constant 2 : i32
      %add3A_108 = arith.addi %add3A_64, %add3A_107 : i32
      %lt3A = arith.constant 80 : i32
      %lt3A_109 = arith.cmpi slt, %add3A_108, %lt3A : i32
      %convert_element_type3A = arith.extui %lt3A_109 : i1 to i32
      %cond3A = arith.constant 0 : i32
      %cond3A_110 = arith.cmpi ne, %convert_element_type3A, %cond3A : i32
      scf.if %cond3A_110 {
        %add3A_165 = arith.constant 2 : i32
        %add3A_166 = arith.addi %add3A_64, %add3A_165 : i32
        %dma_start3A_167 = arith.constant 0 : i32
        %dma_start3A_168 = arith.constant 0 : i32
        %dma_start3A_169 = arith.constant 0 : i32
        %dma_start3A_170 = tpu.memref_slice %arg6[%dma_start3A_167, %dma_start3A_168, %dma_start3A_169] : memref<2x128x128xf32, #tpu.memory_space<vmem>> -> memref<1x128x128xf32, #tpu.memory_space<vmem>>
        %dma_start3A_171 = tpu.memref_squeeze %dma_start3A_170 : memref<1x128x128xf32, #tpu.memory_space<vmem>> -> memref<128x128xf32, #tpu.memory_space<vmem>>
        %dma_start3A_172 = arith.constant 0 : i32
        %dma_start3A_173 = tpu.memref_slice %arg5[%add3A_166, %dma_start3A_172] : memref<80x128xi32, #tpu.memory_space<vmem>> -> memref<1x128xi32, #tpu.memory_space<vmem>>
        %dma_start3A_174 = tpu.memref_squeeze %dma_start3A_173 : memref<1x128xi32, #tpu.memory_space<vmem>> -> memref<128xi32, #tpu.memory_space<vmem>>
        %dma_start3A_175 = arith.constant 0 : i32
        %dma_start3A_176 = arith.constant 0 : i32
        %dma_start3A_177 = tpu.memref_slice %arg7[%dma_start3A_175, %dma_start3A_176] : memref<10240x128xf32, #tpu.memory_space<vmem_shared>> -> memref<10240x128xf32, #tpu.memory_space<vmem_shared>>
        tpu.enqueue_indirect_dma source(%dma_start3A_177 : memref<10240x128xf32, #tpu.memory_space<vmem_shared>>) target(%dma_start3A_171 : memref<128x128xf32, #tpu.memory_space<vmem>>) offsets(%dma_start3A_174 : memref<128xi32, #tpu.memory_space<vmem>>) semaphore(%arg8 : memref<!tpu.dma_semaphore, #tpu.memory_space<semaphore_mem>>)
      } else {
      }
      %mul3A_111 = arith.constant 2 : i32
      %mul3A_112 = arith.muli %scan3A_60, %mul3A_111 : i32
      %add3A_113 = arith.constant 1 : i32
      %add3A_114 = arith.addi %mul3A_112, %add3A_113 : i32
      %dma_wait3A_115 = arith.constant 0 : i32
      %dma_wait3A_116 = arith.constant 1 : i32
      %dma_wait3A_117 = arith.constant 0 : i32
      %dma_wait3A_118 = arith.constant 0 : i32
      %dma_wait3A_119 = tpu.memref_slice %arg6[%dma_wait3A_116, %dma_wait3A_117, %dma_wait3A_118] : memref<2x128x128xf32, #tpu.memory_space<vmem>> -> memref<1x128x128xf32, #tpu.memory_space<vmem>>
      %dma_wait3A_120 = tpu.memref_squeeze %dma_wait3A_119 : memref<1x128x128xf32, #tpu.memory_space<vmem>> -> memref<128x128xf32, #tpu.memory_space<vmem>>
      %dma_wait3A_121 = arith.constant 0 : i32
      %dma_wait3A_122 = tpu.memref_slice %arg5[%dma_wait3A_115, %dma_wait3A_121] : memref<80x128xi32, #tpu.memory_space<vmem>> -> memref<1x128xi32, #tpu.memory_space<vmem>>
      %dma_wait3A_123 = tpu.memref_squeeze %dma_wait3A_122 : memref<1x128xi32, #tpu.memory_space<vmem>> -> memref<128xi32, #tpu.memory_space<vmem>>
      %dma_wait3A_124 = arith.constant 0 : i32
      %dma_wait3A_125 = arith.constant 0 : i32
      %dma_wait3A_126 = tpu.memref_slice %arg7[%dma_wait3A_124, %dma_wait3A_125] : memref<10240x128xf32, #tpu.memory_space<vmem_shared>> -> memref<10240x128xf32, #tpu.memory_space<vmem_shared>>
      tpu.wait_indirect_dma semaphore(%arg9 : memref<!tpu.dma_semaphore, #tpu.memory_space<semaphore_mem>>) src(%dma_wait3A_126 : memref<10240x128xf32, #tpu.memory_space<vmem_shared>>) dst(%dma_wait3A_120 : memref<128x128xf32, #tpu.memory_space<vmem>>)
      %add3A_127 = arith.addi %mul3A_2, %add3A_114 : i32
      %mul3A_128 = arith.constant 128 : i32
      %mul3A_129 = arith.muli %add3A_127, %mul3A_128 : i32
      %dma_start3A_130 = arith.constant 1 : i32
      %dma_start3A_131 = arith.constant 0 : i32
      %dma_start3A_132 = arith.constant 0 : i32
      %dma_start3A_133 = tpu.memref_slice %arg6[%dma_start3A_130, %dma_start3A_131, %dma_start3A_132] : memref<2x128x128xf32, #tpu.memory_space<vmem>> -> memref<1x128x128xf32, #tpu.memory_space<vmem>>
      %dma_start3A_134 = tpu.memref_squeeze %dma_start3A_133 : memref<1x128x128xf32, #tpu.memory_space<vmem>> -> memref<128x128xf32, #tpu.memory_space<vmem>>
      %dma_start3A_135 = arith.constant 0 : i32
      %dma_start3A_136 = tpu.memref_slice %arg4[%mul3A_129, %dma_start3A_135] : memref<327680x128xf32, #tpu.memory_space<hbm>> -> memref<128x128xf32, #tpu.memory_space<hbm>>
      %dma_start3A_137 = arith.constant 0 : i32
      %dma_start3A_138 = tpu.memref_slice %arg4[%mul3A_129, %dma_start3A_137] : memref<327680x128xf32, #tpu.memory_space<hbm>> -> memref<128x128xf32, #tpu.memory_space<hbm>>
      %dma_start3A_139 = arith.constant 0 : i32
      %dma_start3A_140 = arith.constant 0 : i32
      %dma_start3A_141 = tpu.memref_slice %arg6[%dma_start3A_130, %dma_start3A_139, %dma_start3A_140] : memref<2x128x128xf32, #tpu.memory_space<vmem>> -> memref<1x128x128xf32, #tpu.memory_space<vmem>>
      %dma_start3A_142 = tpu.memref_squeeze %dma_start3A_141 : memref<1x128x128xf32, #tpu.memory_space<vmem>> -> memref<128x128xf32, #tpu.memory_space<vmem>>
      tpu.enqueue_dma source(%dma_start3A_142 : memref<128x128xf32, #tpu.memory_space<vmem>>) target(%dma_start3A_138 : memref<128x128xf32, #tpu.memory_space<hbm>>) target_semaphore(%arg11 : memref<!tpu.dma_semaphore, #tpu.memory_space<semaphore_mem>>)
      %dma_wait3A_143 = arith.constant 1 : i32
      %dma_wait3A_144 = arith.constant 0 : i32
      %dma_wait3A_145 = arith.constant 0 : i32
      %dma_wait3A_146 = tpu.memref_slice %arg6[%dma_wait3A_143, %dma_wait3A_144, %dma_wait3A_145] : memref<2x128x128xf32, #tpu.memory_space<vmem>> -> memref<1x128x128xf32, #tpu.memory_space<vmem>>
      %dma_wait3A_147 = tpu.memref_squeeze %dma_wait3A_146 : memref<1x128x128xf32, #tpu.memory_space<vmem>> -> memref<128x128xf32, #tpu.memory_space<vmem>>
      %dma_wait3A_148 = arith.constant 0 : i32
      %dma_wait3A_149 = arith.constant 0 : i32
      %dma_wait3A_150 = tpu.memref_slice %arg4[%dma_wait3A_148, %dma_wait3A_149] : memref<327680x128xf32, #tpu.memory_space<hbm>> -> memref<128x128xf32, #tpu.memory_space<hbm>>
      %dma_wait3A_151 = arith.constant 0 : i32
      %dma_wait3A_152 = arith.constant 0 : i32
      %dma_wait3A_153 = tpu.memref_slice %arg4[%dma_wait3A_151, %dma_wait3A_152] : memref<327680x128xf32, #tpu.memory_space<hbm>> -> memref<128x128xf32, #tpu.memory_space<hbm>>
      %dma_wait3A_154 = arith.constant 0 : i32
      %dma_wait3A_155 = arith.constant 0 : i32
      %dma_wait3A_156 = tpu.memref_slice %arg6[%dma_wait3A_143, %dma_wait3A_154, %dma_wait3A_155] : memref<2x128x128xf32, #tpu.memory_space<vmem>> -> memref<1x128x128xf32, #tpu.memory_space<vmem>>
      %dma_wait3A_157 = tpu.memref_squeeze %dma_wait3A_156 : memref<1x128x128xf32, #tpu.memory_space<vmem>> -> memref<128x128xf32, #tpu.memory_space<vmem>>
      tpu.wait_dma2 semaphore(%arg11 : memref<!tpu.dma_semaphore, #tpu.memory_space<semaphore_mem>>) src(%dma_wait3A_157 : memref<128x128xf32, #tpu.memory_space<vmem>>) dst(%dma_wait3A_153 : memref<128x128xf32, #tpu.memory_space<hbm>>)
      %add3A_158 = arith.constant 2 : i32
      %add3A_159 = arith.addi %add3A_114, %add3A_158 : i32
      %lt3A_160 = arith.constant 80 : i32
      %lt3A_161 = arith.cmpi slt, %add3A_159, %lt3A_160 : i32
      %convert_element_type3A_162 = arith.extui %lt3A_161 : i1 to i32
      %cond3A_163 = arith.constant 0 : i32
      %cond3A_164 = arith.cmpi ne, %convert_element_type3A_162, %cond3A_163 : i32
      scf.if %cond3A_164 {
        %add3A_165 = arith.constant 2 : i32
        %add3A_166 = arith.addi %add3A_114, %add3A_165 : i32
        %dma_start3A_167 = arith.constant 1 : i32
        %dma_start3A_168 = arith.constant 0 : i32
        %dma_start3A_169 = arith.constant 0 : i32
        %dma_start3A_170 = tpu.memref_slice %arg6[%dma_start3A_167, %dma_start3A_168, %dma_start3A_169] : memref<2x128x128xf32, #tpu.memory_space<vmem>> -> memref<1x128x128xf32, #tpu.memory_space<vmem>>
        %dma_start3A_171 = tpu.memref_squeeze %dma_start3A_170 : memref<1x128x128xf32, #tpu.memory_space<vmem>> -> memref<128x128xf32, #tpu.memory_space<vmem>>
        %dma_start3A_172 = arith.constant 0 : i32
        %dma_start3A_173 = tpu.memref_slice %arg5[%add3A_166, %dma_start3A_172] : memref<80x128xi32, #tpu.memory_space<vmem>> -> memref<1x128xi32, #tpu.memory_space<vmem>>
        %dma_start3A_174 = tpu.memref_squeeze %dma_start3A_173 : memref<1x128xi32, #tpu.memory_space<vmem>> -> memref<128xi32, #tpu.memory_space<vmem>>
        %dma_start3A_175 = arith.constant 0 : i32
        %dma_start3A_176 = arith.constant 0 : i32
        %dma_start3A_177 = tpu.memref_slice %arg7[%dma_start3A_175, %dma_start3A_176] : memref<10240x128xf32, #tpu.memory_space<vmem_shared>> -> memref<10240x128xf32, #tpu.memory_space<vmem_shared>>
        tpu.enqueue_indirect_dma source(%dma_start3A_177 : memref<10240x128xf32, #tpu.memory_space<vmem_shared>>) target(%dma_start3A_171 : memref<128x128xf32, #tpu.memory_space<vmem>>) offsets(%dma_start3A_174 : memref<128xi32, #tpu.memory_space<vmem>>) semaphore(%arg9 : memref<!tpu.dma_semaphore, #tpu.memory_space<semaphore_mem>>)
      } else {
      }
    }
    %scan3A_59 = arith.constant 40 : i32
    return
  }
}

#map = affine_map<(d0, d1) -> (0, 0, 0)>
#map1 = affine_map<(d0, d1) -> (0, 0)>
module attributes {stable_mosaic.version = 14 : i64} {
  func.func @k(%arg0: i32, %arg1: i32, %arg2: memref<4x327680x128xf32, #tpu.memory_space<hbm>>, %arg3: memref<2560x128xi32, #tpu.memory_space<hbm>>, %arg4: memref<128x128xf32, #tpu.memory_space<hbm>>, %arg5: memref<4x10240x128xf32, #tpu.memory_space<hbm>>, %arg6: memref<2x128xi32, #tpu.memory_space<vmem>>, %arg7: memref<2x128x128xf32, #tpu.memory_space<vmem>>, %arg8: memref<10240x128xf32, #tpu.memory_space<vmem_shared>>, %arg9: memref<!tpu.dma_semaphore, #tpu.memory_space<semaphore_mem>>, %arg10: memref<!tpu.dma_semaphore, #tpu.memory_space<semaphore_mem>>, %arg11: memref<!tpu.dma_semaphore, #tpu.memory_space<semaphore_mem>>, %arg12: memref<!tpu.dma_semaphore, #tpu.memory_space<semaphore_mem>>) attributes {dimension_semantics = [#tpu.dimension_semantics<core_parallel>, #tpu.dimension_semantics<subcore_parallel>], iteration_bounds = array<i64: 2, 16>, scalar_prefetch = 0 : i64, scratch_operands = 7 : i64, tpu.core_type = #tpu.core_type<sc_vector_subcore>, window_params = [{transform_indices = #map}, {transform_indices = #map1}, {transform_indices = #map1}, {transform_indices = #map}]} {
    %mul3A = arith.constant 640 : i32
    %mul3A_0 = arith.muli %arg1, %mul3A : i32
    %add3A = arith.constant 0 : i32
    %add3A_1 = arith.addi %arg0, %add3A : i32
    %run_scoped3A = arith.constant 0 : i32
    "tpu.region"() ({
      %run_scoped3A_246 = tpu.sem_alloc : memref<!tpu.dma_semaphore, #tpu.memory_space<semaphore_mem>>
      %dma_start3A_247 = arith.constant 0 : i32
      %dma_start3A_248 = arith.constant 0 : i32
      %dma_start3A_249 = tpu.memref_slice %arg7[%run_scoped3A, %dma_start3A_247, %dma_start3A_248] : memref<2x128x128xf32, #tpu.memory_space<vmem>> -> memref<1x128x128xf32, #tpu.memory_space<vmem>>
      %dma_start3A_250 = tpu.memref_squeeze %dma_start3A_249 : memref<1x128x128xf32, #tpu.memory_space<vmem>> -> memref<128x128xf32, #tpu.memory_space<vmem>>
      %dma_start3A_251 = arith.constant 0 : i32
      %dma_start3A_252 = arith.constant 0 : i32
      %dma_start3A_253 = tpu.memref_slice %arg7[%run_scoped3A, %dma_start3A_251, %dma_start3A_252] : memref<2x128x128xf32, #tpu.memory_space<vmem>> -> memref<1x128x128xf32, #tpu.memory_space<vmem>>
      %dma_start3A_254 = tpu.memref_squeeze %dma_start3A_253 : memref<1x128x128xf32, #tpu.memory_space<vmem>> -> memref<128x128xf32, #tpu.memory_space<vmem>>
      tpu.enqueue_dma source(%arg4 : memref<128x128xf32, #tpu.memory_space<hbm>>) target(%dma_start3A_254 : memref<128x128xf32, #tpu.memory_space<vmem>>) target_semaphore(%run_scoped3A_246 : memref<!tpu.dma_semaphore, #tpu.memory_space<semaphore_mem>>)
      %dma_wait3A = arith.constant 0 : i32
      %dma_wait3A_255 = arith.constant 0 : i32
      %dma_wait3A_256 = tpu.memref_slice %arg7[%run_scoped3A, %dma_wait3A, %dma_wait3A_255] : memref<2x128x128xf32, #tpu.memory_space<vmem>> -> memref<1x128x128xf32, #tpu.memory_space<vmem>>
      %dma_wait3A_257 = tpu.memref_squeeze %dma_wait3A_256 : memref<1x128x128xf32, #tpu.memory_space<vmem>> -> memref<128x128xf32, #tpu.memory_space<vmem>>
      %dma_wait3A_258 = arith.constant 0 : i32
      %dma_wait3A_259 = arith.constant 0 : i32
      %dma_wait3A_260 = tpu.memref_slice %arg7[%run_scoped3A, %dma_wait3A_258, %dma_wait3A_259] : memref<2x128x128xf32, #tpu.memory_space<vmem>> -> memref<1x128x128xf32, #tpu.memory_space<vmem>>
      %dma_wait3A_261 = tpu.memref_squeeze %dma_wait3A_260 : memref<1x128x128xf32, #tpu.memory_space<vmem>> -> memref<128x128xf32, #tpu.memory_space<vmem>>
      tpu.wait_dma2 semaphore(%run_scoped3A_246 : memref<!tpu.dma_semaphore, #tpu.memory_space<semaphore_mem>>) src(%arg4 : memref<128x128xf32, #tpu.memory_space<hbm>>) dst(%dma_wait3A_261 : memref<128x128xf32, #tpu.memory_space<vmem>>)
      tpu.yield
    }) : () -> ()
    %add3A_2 = arith.constant 0 : i32
    %add3A_3 = arith.addi %mul3A_0, %add3A_2 : i32
    %run_scoped3A_4 = arith.constant 0 : i32
    "tpu.region"() ({
      %run_scoped3A_246 = tpu.sem_alloc : memref<!tpu.dma_semaphore, #tpu.memory_space<semaphore_mem>>
      %dma_start3A_247 = arith.constant 0 : i32
      %dma_start3A_248 = arith.constant 0 : i32
      %dma_start3A_249 = tpu.memref_slice %arg7[%run_scoped3A_4, %dma_start3A_247, %dma_start3A_248] : memref<2x128x128xf32, #tpu.memory_space<vmem>> -> memref<1x128x128xf32, #tpu.memory_space<vmem>>
      %dma_start3A_250 = tpu.memref_squeeze %dma_start3A_249 : memref<1x128x128xf32, #tpu.memory_space<vmem>> -> memref<128x128xf32, #tpu.memory_space<vmem>>
      %dma_start3A_251 = arith.constant 0 : i32
      %dma_start3A_252 = tpu.memref_slice %arg8[%add3A_3, %dma_start3A_251] : memref<10240x128xf32, #tpu.memory_space<vmem_shared>> -> memref<128x128xf32, #tpu.memory_space<vmem_shared>>
      %dma_start3A_253 = arith.constant 0 : i32
      %dma_start3A_254 = tpu.memref_slice %arg8[%add3A_3, %dma_start3A_253] : memref<10240x128xf32, #tpu.memory_space<vmem_shared>> -> memref<128x128xf32, #tpu.memory_space<vmem_shared>>
      %dma_start3A_255 = arith.constant 0 : i32
      %dma_start3A_256 = arith.constant 0 : i32
      %dma_start3A_257 = tpu.memref_slice %arg7[%run_scoped3A_4, %dma_start3A_255, %dma_start3A_256] : memref<2x128x128xf32, #tpu.memory_space<vmem>> -> memref<1x128x128xf32, #tpu.memory_space<vmem>>
      %dma_start3A_258 = tpu.memref_squeeze %dma_start3A_257 : memref<1x128x128xf32, #tpu.memory_space<vmem>> -> memref<128x128xf32, #tpu.memory_space<vmem>>
      tpu.enqueue_dma source(%dma_start3A_258 : memref<128x128xf32, #tpu.memory_space<vmem>>) target(%dma_start3A_254 : memref<128x128xf32, #tpu.memory_space<vmem_shared>>) target_semaphore(%run_scoped3A_246 : memref<!tpu.dma_semaphore, #tpu.memory_space<semaphore_mem>>)
      %dma_wait3A = arith.constant 0 : i32
      %dma_wait3A_259 = arith.constant 0 : i32
      %dma_wait3A_260 = tpu.memref_slice %arg7[%run_scoped3A_4, %dma_wait3A, %dma_wait3A_259] : memref<2x128x128xf32, #tpu.memory_space<vmem>> -> memref<1x128x128xf32, #tpu.memory_space<vmem>>
      %dma_wait3A_261 = tpu.memref_squeeze %dma_wait3A_260 : memref<1x128x128xf32, #tpu.memory_space<vmem>> -> memref<128x128xf32, #tpu.memory_space<vmem>>
      %dma_wait3A_262 = arith.constant 0 : i32
      %dma_wait3A_263 = tpu.memref_slice %arg8[%add3A_3, %dma_wait3A_262] : memref<10240x128xf32, #tpu.memory_space<vmem_shared>> -> memref<128x128xf32, #tpu.memory_space<vmem_shared>>
      %dma_wait3A_264 = arith.constant 0 : i32
      %dma_wait3A_265 = tpu.memref_slice %arg8[%add3A_3, %dma_wait3A_264] : memref<10240x128xf32, #tpu.memory_space<vmem_shared>> -> memref<128x128xf32, #tpu.memory_space<vmem_shared>>
      %dma_wait3A_266 = arith.constant 0 : i32
      %dma_wait3A_267 = arith.constant 0 : i32
      %dma_wait3A_268 = tpu.memref_slice %arg7[%run_scoped3A_4, %dma_wait3A_266, %dma_wait3A_267] : memref<2x128x128xf32, #tpu.memory_space<vmem>> -> memref<1x128x128xf32, #tpu.memory_space<vmem>>
      %dma_wait3A_269 = tpu.memref_squeeze %dma_wait3A_268 : memref<1x128x128xf32, #tpu.memory_space<vmem>> -> memref<128x128xf32, #tpu.memory_space<vmem>>
      tpu.wait_dma2 semaphore(%run_scoped3A_246 : memref<!tpu.dma_semaphore, #tpu.memory_space<semaphore_mem>>) src(%dma_wait3A_269 : memref<128x128xf32, #tpu.memory_space<vmem>>) dst(%dma_wait3A_265 : memref<128x128xf32, #tpu.memory_space<vmem_shared>>)
      tpu.yield
    }) : () -> ()
    %add3A_5 = arith.constant 128 : i32
    %add3A_6 = arith.addi %mul3A_0, %add3A_5 : i32
    %run_scoped3A_7 = arith.constant 0 : i32
    "tpu.region"() ({
      %run_scoped3A_246 = tpu.sem_alloc : memref<!tpu.dma_semaphore, #tpu.memory_space<semaphore_mem>>
      %dma_start3A_247 = arith.constant 0 : i32
      %dma_start3A_248 = arith.constant 0 : i32
      %dma_start3A_249 = tpu.memref_slice %arg7[%run_scoped3A_7, %dma_start3A_247, %dma_start3A_248] : memref<2x128x128xf32, #tpu.memory_space<vmem>> -> memref<1x128x128xf32, #tpu.memory_space<vmem>>
      %dma_start3A_250 = tpu.memref_squeeze %dma_start3A_249 : memref<1x128x128xf32, #tpu.memory_space<vmem>> -> memref<128x128xf32, #tpu.memory_space<vmem>>
      %dma_start3A_251 = arith.constant 0 : i32
      %dma_start3A_252 = tpu.memref_slice %arg8[%add3A_6, %dma_start3A_251] : memref<10240x128xf32, #tpu.memory_space<vmem_shared>> -> memref<128x128xf32, #tpu.memory_space<vmem_shared>>
      %dma_start3A_253 = arith.constant 0 : i32
      %dma_start3A_254 = tpu.memref_slice %arg8[%add3A_6, %dma_start3A_253] : memref<10240x128xf32, #tpu.memory_space<vmem_shared>> -> memref<128x128xf32, #tpu.memory_space<vmem_shared>>
      %dma_start3A_255 = arith.constant 0 : i32
      %dma_start3A_256 = arith.constant 0 : i32
      %dma_start3A_257 = tpu.memref_slice %arg7[%run_scoped3A_7, %dma_start3A_255, %dma_start3A_256] : memref<2x128x128xf32, #tpu.memory_space<vmem>> -> memref<1x128x128xf32, #tpu.memory_space<vmem>>
      %dma_start3A_258 = tpu.memref_squeeze %dma_start3A_257 : memref<1x128x128xf32, #tpu.memory_space<vmem>> -> memref<128x128xf32, #tpu.memory_space<vmem>>
      tpu.enqueue_dma source(%dma_start3A_258 : memref<128x128xf32, #tpu.memory_space<vmem>>) target(%dma_start3A_254 : memref<128x128xf32, #tpu.memory_space<vmem_shared>>) target_semaphore(%run_scoped3A_246 : memref<!tpu.dma_semaphore, #tpu.memory_space<semaphore_mem>>)
      %dma_wait3A = arith.constant 0 : i32
      %dma_wait3A_259 = arith.constant 0 : i32
      %dma_wait3A_260 = tpu.memref_slice %arg7[%run_scoped3A_7, %dma_wait3A, %dma_wait3A_259] : memref<2x128x128xf32, #tpu.memory_space<vmem>> -> memref<1x128x128xf32, #tpu.memory_space<vmem>>
      %dma_wait3A_261 = tpu.memref_squeeze %dma_wait3A_260 : memref<1x128x128xf32, #tpu.memory_space<vmem>> -> memref<128x128xf32, #tpu.memory_space<vmem>>
      %dma_wait3A_262 = arith.constant 0 : i32
      %dma_wait3A_263 = tpu.memref_slice %arg8[%add3A_6, %dma_wait3A_262] : memref<10240x128xf32, #tpu.memory_space<vmem_shared>> -> memref<128x128xf32, #tpu.memory_space<vmem_shared>>
      %dma_wait3A_264 = arith.constant 0 : i32
      %dma_wait3A_265 = tpu.memref_slice %arg8[%add3A_6, %dma_wait3A_264] : memref<10240x128xf32, #tpu.memory_space<vmem_shared>> -> memref<128x128xf32, #tpu.memory_space<vmem_shared>>
      %dma_wait3A_266 = arith.constant 0 : i32
      %dma_wait3A_267 = arith.constant 0 : i32
      %dma_wait3A_268 = tpu.memref_slice %arg7[%run_scoped3A_7, %dma_wait3A_266, %dma_wait3A_267] : memref<2x128x128xf32, #tpu.memory_space<vmem>> -> memref<1x128x128xf32, #tpu.memory_space<vmem>>
      %dma_wait3A_269 = tpu.memref_squeeze %dma_wait3A_268 : memref<1x128x128xf32, #tpu.memory_space<vmem>> -> memref<128x128xf32, #tpu.memory_space<vmem>>
      tpu.wait_dma2 semaphore(%run_scoped3A_246 : memref<!tpu.dma_semaphore, #tpu.memory_space<semaphore_mem>>) src(%dma_wait3A_269 : memref<128x128xf32, #tpu.memory_space<vmem>>) dst(%dma_wait3A_265 : memref<128x128xf32, #tpu.memory_space<vmem_shared>>)
      tpu.yield
    }) : () -> ()
    %add3A_8 = arith.constant 256 : i32
    %add3A_9 = arith.addi %mul3A_0, %add3A_8 : i32
    %run_scoped3A_10 = arith.constant 0 : i32
    "tpu.region"() ({
      %run_scoped3A_246 = tpu.sem_alloc : memref<!tpu.dma_semaphore, #tpu.memory_space<semaphore_mem>>
      %dma_start3A_247 = arith.constant 0 : i32
      %dma_start3A_248 = arith.constant 0 : i32
      %dma_start3A_249 = tpu.memref_slice %arg7[%run_scoped3A_10, %dma_start3A_247, %dma_start3A_248] : memref<2x128x128xf32, #tpu.memory_space<vmem>> -> memref<1x128x128xf32, #tpu.memory_space<vmem>>
      %dma_start3A_250 = tpu.memref_squeeze %dma_start3A_249 : memref<1x128x128xf32, #tpu.memory_space<vmem>> -> memref<128x128xf32, #tpu.memory_space<vmem>>
      %dma_start3A_251 = arith.constant 0 : i32
      %dma_start3A_252 = tpu.memref_slice %arg8[%add3A_9, %dma_start3A_251] : memref<10240x128xf32, #tpu.memory_space<vmem_shared>> -> memref<128x128xf32, #tpu.memory_space<vmem_shared>>
      %dma_start3A_253 = arith.constant 0 : i32
      %dma_start3A_254 = tpu.memref_slice %arg8[%add3A_9, %dma_start3A_253] : memref<10240x128xf32, #tpu.memory_space<vmem_shared>> -> memref<128x128xf32, #tpu.memory_space<vmem_shared>>
      %dma_start3A_255 = arith.constant 0 : i32
      %dma_start3A_256 = arith.constant 0 : i32
      %dma_start3A_257 = tpu.memref_slice %arg7[%run_scoped3A_10, %dma_start3A_255, %dma_start3A_256] : memref<2x128x128xf32, #tpu.memory_space<vmem>> -> memref<1x128x128xf32, #tpu.memory_space<vmem>>
      %dma_start3A_258 = tpu.memref_squeeze %dma_start3A_257 : memref<1x128x128xf32, #tpu.memory_space<vmem>> -> memref<128x128xf32, #tpu.memory_space<vmem>>
      tpu.enqueue_dma source(%dma_start3A_258 : memref<128x128xf32, #tpu.memory_space<vmem>>) target(%dma_start3A_254 : memref<128x128xf32, #tpu.memory_space<vmem_shared>>) target_semaphore(%run_scoped3A_246 : memref<!tpu.dma_semaphore, #tpu.memory_space<semaphore_mem>>)
      %dma_wait3A = arith.constant 0 : i32
      %dma_wait3A_259 = arith.constant 0 : i32
      %dma_wait3A_260 = tpu.memref_slice %arg7[%run_scoped3A_10, %dma_wait3A, %dma_wait3A_259] : memref<2x128x128xf32, #tpu.memory_space<vmem>> -> memref<1x128x128xf32, #tpu.memory_space<vmem>>
      %dma_wait3A_261 = tpu.memref_squeeze %dma_wait3A_260 : memref<1x128x128xf32, #tpu.memory_space<vmem>> -> memref<128x128xf32, #tpu.memory_space<vmem>>
      %dma_wait3A_262 = arith.constant 0 : i32
      %dma_wait3A_263 = tpu.memref_slice %arg8[%add3A_9, %dma_wait3A_262] : memref<10240x128xf32, #tpu.memory_space<vmem_shared>> -> memref<128x128xf32, #tpu.memory_space<vmem_shared>>
      %dma_wait3A_264 = arith.constant 0 : i32
      %dma_wait3A_265 = tpu.memref_slice %arg8[%add3A_9, %dma_wait3A_264] : memref<10240x128xf32, #tpu.memory_space<vmem_shared>> -> memref<128x128xf32, #tpu.memory_space<vmem_shared>>
      %dma_wait3A_266 = arith.constant 0 : i32
      %dma_wait3A_267 = arith.constant 0 : i32
      %dma_wait3A_268 = tpu.memref_slice %arg7[%run_scoped3A_10, %dma_wait3A_266, %dma_wait3A_267] : memref<2x128x128xf32, #tpu.memory_space<vmem>> -> memref<1x128x128xf32, #tpu.memory_space<vmem>>
      %dma_wait3A_269 = tpu.memref_squeeze %dma_wait3A_268 : memref<1x128x128xf32, #tpu.memory_space<vmem>> -> memref<128x128xf32, #tpu.memory_space<vmem>>
      tpu.wait_dma2 semaphore(%run_scoped3A_246 : memref<!tpu.dma_semaphore, #tpu.memory_space<semaphore_mem>>) src(%dma_wait3A_269 : memref<128x128xf32, #tpu.memory_space<vmem>>) dst(%dma_wait3A_265 : memref<128x128xf32, #tpu.memory_space<vmem_shared>>)
      tpu.yield
    }) : () -> ()
    %add3A_11 = arith.constant 384 : i32
    %add3A_12 = arith.addi %mul3A_0, %add3A_11 : i32
    %run_scoped3A_13 = arith.constant 0 : i32
    "tpu.region"() ({
      %run_scoped3A_246 = tpu.sem_alloc : memref<!tpu.dma_semaphore, #tpu.memory_space<semaphore_mem>>
      %dma_start3A_247 = arith.constant 0 : i32
      %dma_start3A_248 = arith.constant 0 : i32
      %dma_start3A_249 = tpu.memref_slice %arg7[%run_scoped3A_13, %dma_start3A_247, %dma_start3A_248] : memref<2x128x128xf32, #tpu.memory_space<vmem>> -> memref<1x128x128xf32, #tpu.memory_space<vmem>>
      %dma_start3A_250 = tpu.memref_squeeze %dma_start3A_249 : memref<1x128x128xf32, #tpu.memory_space<vmem>> -> memref<128x128xf32, #tpu.memory_space<vmem>>
      %dma_start3A_251 = arith.constant 0 : i32
      %dma_start3A_252 = tpu.memref_slice %arg8[%add3A_12, %dma_start3A_251] : memref<10240x128xf32, #tpu.memory_space<vmem_shared>> -> memref<128x128xf32, #tpu.memory_space<vmem_shared>>
      %dma_start3A_253 = arith.constant 0 : i32
      %dma_start3A_254 = tpu.memref_slice %arg8[%add3A_12, %dma_start3A_253] : memref<10240x128xf32, #tpu.memory_space<vmem_shared>> -> memref<128x128xf32, #tpu.memory_space<vmem_shared>>
      %dma_start3A_255 = arith.constant 0 : i32
      %dma_start3A_256 = arith.constant 0 : i32
      %dma_start3A_257 = tpu.memref_slice %arg7[%run_scoped3A_13, %dma_start3A_255, %dma_start3A_256] : memref<2x128x128xf32, #tpu.memory_space<vmem>> -> memref<1x128x128xf32, #tpu.memory_space<vmem>>
      %dma_start3A_258 = tpu.memref_squeeze %dma_start3A_257 : memref<1x128x128xf32, #tpu.memory_space<vmem>> -> memref<128x128xf32, #tpu.memory_space<vmem>>
      tpu.enqueue_dma source(%dma_start3A_258 : memref<128x128xf32, #tpu.memory_space<vmem>>) target(%dma_start3A_254 : memref<128x128xf32, #tpu.memory_space<vmem_shared>>) target_semaphore(%run_scoped3A_246 : memref<!tpu.dma_semaphore, #tpu.memory_space<semaphore_mem>>)
      %dma_wait3A = arith.constant 0 : i32
      %dma_wait3A_259 = arith.constant 0 : i32
      %dma_wait3A_260 = tpu.memref_slice %arg7[%run_scoped3A_13, %dma_wait3A, %dma_wait3A_259] : memref<2x128x128xf32, #tpu.memory_space<vmem>> -> memref<1x128x128xf32, #tpu.memory_space<vmem>>
      %dma_wait3A_261 = tpu.memref_squeeze %dma_wait3A_260 : memref<1x128x128xf32, #tpu.memory_space<vmem>> -> memref<128x128xf32, #tpu.memory_space<vmem>>
      %dma_wait3A_262 = arith.constant 0 : i32
      %dma_wait3A_263 = tpu.memref_slice %arg8[%add3A_12, %dma_wait3A_262] : memref<10240x128xf32, #tpu.memory_space<vmem_shared>> -> memref<128x128xf32, #tpu.memory_space<vmem_shared>>
      %dma_wait3A_264 = arith.constant 0 : i32
      %dma_wait3A_265 = tpu.memref_slice %arg8[%add3A_12, %dma_wait3A_264] : memref<10240x128xf32, #tpu.memory_space<vmem_shared>> -> memref<128x128xf32, #tpu.memory_space<vmem_shared>>
      %dma_wait3A_266 = arith.constant 0 : i32
      %dma_wait3A_267 = arith.constant 0 : i32
      %dma_wait3A_268 = tpu.memref_slice %arg7[%run_scoped3A_13, %dma_wait3A_266, %dma_wait3A_267] : memref<2x128x128xf32, #tpu.memory_space<vmem>> -> memref<1x128x128xf32, #tpu.memory_space<vmem>>
      %dma_wait3A_269 = tpu.memref_squeeze %dma_wait3A_268 : memref<1x128x128xf32, #tpu.memory_space<vmem>> -> memref<128x128xf32, #tpu.memory_space<vmem>>
      tpu.wait_dma2 semaphore(%run_scoped3A_246 : memref<!tpu.dma_semaphore, #tpu.memory_space<semaphore_mem>>) src(%dma_wait3A_269 : memref<128x128xf32, #tpu.memory_space<vmem>>) dst(%dma_wait3A_265 : memref<128x128xf32, #tpu.memory_space<vmem_shared>>)
      tpu.yield
    }) : () -> ()
    %add3A_14 = arith.constant 512 : i32
    %add3A_15 = arith.addi %mul3A_0, %add3A_14 : i32
    %run_scoped3A_16 = arith.constant 0 : i32
    "tpu.region"() ({
      %run_scoped3A_246 = tpu.sem_alloc : memref<!tpu.dma_semaphore, #tpu.memory_space<semaphore_mem>>
      %dma_start3A_247 = arith.constant 0 : i32
      %dma_start3A_248 = arith.constant 0 : i32
      %dma_start3A_249 = tpu.memref_slice %arg7[%run_scoped3A_16, %dma_start3A_247, %dma_start3A_248] : memref<2x128x128xf32, #tpu.memory_space<vmem>> -> memref<1x128x128xf32, #tpu.memory_space<vmem>>
      %dma_start3A_250 = tpu.memref_squeeze %dma_start3A_249 : memref<1x128x128xf32, #tpu.memory_space<vmem>> -> memref<128x128xf32, #tpu.memory_space<vmem>>
      %dma_start3A_251 = arith.constant 0 : i32
      %dma_start3A_252 = tpu.memref_slice %arg8[%add3A_15, %dma_start3A_251] : memref<10240x128xf32, #tpu.memory_space<vmem_shared>> -> memref<128x128xf32, #tpu.memory_space<vmem_shared>>
      %dma_start3A_253 = arith.constant 0 : i32
      %dma_start3A_254 = tpu.memref_slice %arg8[%add3A_15, %dma_start3A_253] : memref<10240x128xf32, #tpu.memory_space<vmem_shared>> -> memref<128x128xf32, #tpu.memory_space<vmem_shared>>
      %dma_start3A_255 = arith.constant 0 : i32
      %dma_start3A_256 = arith.constant 0 : i32
      %dma_start3A_257 = tpu.memref_slice %arg7[%run_scoped3A_16, %dma_start3A_255, %dma_start3A_256] : memref<2x128x128xf32, #tpu.memory_space<vmem>> -> memref<1x128x128xf32, #tpu.memory_space<vmem>>
      %dma_start3A_258 = tpu.memref_squeeze %dma_start3A_257 : memref<1x128x128xf32, #tpu.memory_space<vmem>> -> memref<128x128xf32, #tpu.memory_space<vmem>>
      tpu.enqueue_dma source(%dma_start3A_258 : memref<128x128xf32, #tpu.memory_space<vmem>>) target(%dma_start3A_254 : memref<128x128xf32, #tpu.memory_space<vmem_shared>>) target_semaphore(%run_scoped3A_246 : memref<!tpu.dma_semaphore, #tpu.memory_space<semaphore_mem>>)
      %dma_wait3A = arith.constant 0 : i32
      %dma_wait3A_259 = arith.constant 0 : i32
      %dma_wait3A_260 = tpu.memref_slice %arg7[%run_scoped3A_16, %dma_wait3A, %dma_wait3A_259] : memref<2x128x128xf32, #tpu.memory_space<vmem>> -> memref<1x128x128xf32, #tpu.memory_space<vmem>>
      %dma_wait3A_261 = tpu.memref_squeeze %dma_wait3A_260 : memref<1x128x128xf32, #tpu.memory_space<vmem>> -> memref<128x128xf32, #tpu.memory_space<vmem>>
      %dma_wait3A_262 = arith.constant 0 : i32
      %dma_wait3A_263 = tpu.memref_slice %arg8[%add3A_15, %dma_wait3A_262] : memref<10240x128xf32, #tpu.memory_space<vmem_shared>> -> memref<128x128xf32, #tpu.memory_space<vmem_shared>>
      %dma_wait3A_264 = arith.constant 0 : i32
      %dma_wait3A_265 = tpu.memref_slice %arg8[%add3A_15, %dma_wait3A_264] : memref<10240x128xf32, #tpu.memory_space<vmem_shared>> -> memref<128x128xf32, #tpu.memory_space<vmem_shared>>
      %dma_wait3A_266 = arith.constant 0 : i32
      %dma_wait3A_267 = arith.constant 0 : i32
      %dma_wait3A_268 = tpu.memref_slice %arg7[%run_scoped3A_16, %dma_wait3A_266, %dma_wait3A_267] : memref<2x128x128xf32, #tpu.memory_space<vmem>> -> memref<1x128x128xf32, #tpu.memory_space<vmem>>
      %dma_wait3A_269 = tpu.memref_squeeze %dma_wait3A_268 : memref<1x128x128xf32, #tpu.memory_space<vmem>> -> memref<128x128xf32, #tpu.memory_space<vmem>>
      tpu.wait_dma2 semaphore(%run_scoped3A_246 : memref<!tpu.dma_semaphore, #tpu.memory_space<semaphore_mem>>) src(%dma_wait3A_269 : memref<128x128xf32, #tpu.memory_space<vmem>>) dst(%dma_wait3A_265 : memref<128x128xf32, #tpu.memory_space<vmem_shared>>)
      tpu.yield
    }) : () -> ()
    %barrier3A = arith.constant 0 : index
    tpu.barrier barrier_id(%barrier3A)
    %mul3A_17 = arith.constant 160 : i32
    %mul3A_18 = arith.muli %arg1, %mul3A_17 : i32
    %add3A_19 = arith.constant 0 : i32
    %add3A_20 = arith.addi %mul3A_18, %add3A_19 : i32
    %dma_start3A = arith.constant 0 : i32
    %dma_start3A_21 = arith.constant 0 : i32
    %dma_start3A_22 = tpu.memref_slice %arg6[%dma_start3A, %dma_start3A_21] : memref<2x128xi32, #tpu.memory_space<vmem>> -> memref<1x128xi32, #tpu.memory_space<vmem>>
    %dma_start3A_23 = tpu.memref_squeeze %dma_start3A_22 : memref<1x128xi32, #tpu.memory_space<vmem>> -> memref<128xi32, #tpu.memory_space<vmem>>
    %dma_start3A_24 = arith.constant 0 : i32
    %dma_start3A_25 = tpu.memref_slice %arg3[%add3A_20, %dma_start3A_24] : memref<2560x128xi32, #tpu.memory_space<hbm>> -> memref<1x128xi32, #tpu.memory_space<hbm>>
    %dma_start3A_26 = tpu.memref_squeeze %dma_start3A_25 : memref<1x128xi32, #tpu.memory_space<hbm>> -> memref<128xi32, #tpu.memory_space<hbm>>
    %dma_start3A_27 = arith.constant 0 : i32
    %dma_start3A_28 = tpu.memref_slice %arg6[%dma_start3A, %dma_start3A_27] : memref<2x128xi32, #tpu.memory_space<vmem>> -> memref<1x128xi32, #tpu.memory_space<vmem>>
    %dma_start3A_29 = tpu.memref_squeeze %dma_start3A_28 : memref<1x128xi32, #tpu.memory_space<vmem>> -> memref<128xi32, #tpu.memory_space<vmem>>
    %dma_start3A_30 = arith.constant 0 : i32
    %dma_start3A_31 = tpu.memref_slice %arg3[%add3A_20, %dma_start3A_30] : memref<2560x128xi32, #tpu.memory_space<hbm>> -> memref<1x128xi32, #tpu.memory_space<hbm>>
    %dma_start3A_32 = tpu.memref_squeeze %dma_start3A_31 : memref<1x128xi32, #tpu.memory_space<hbm>> -> memref<128xi32, #tpu.memory_space<hbm>>
    tpu.enqueue_dma source(%dma_start3A_32 : memref<128xi32, #tpu.memory_space<hbm>>) target(%dma_start3A_29 : memref<128xi32, #tpu.memory_space<vmem>>) target_semaphore(%arg9 : memref<!tpu.dma_semaphore, #tpu.memory_space<semaphore_mem>>)
    %mul3A_33 = arith.constant 128 : i32
    %mul3A_34 = arith.muli %add3A_20, %mul3A_33 : i32
    %dma_start3A_35 = arith.constant 0 : i32
    %dma_start3A_36 = arith.constant 0 : i32
    %dma_start3A_37 = arith.constant 0 : i32
    %dma_start3A_38 = tpu.memref_slice %arg7[%dma_start3A_35, %dma_start3A_36, %dma_start3A_37] : memref<2x128x128xf32, #tpu.memory_space<vmem>> -> memref<1x128x128xf32, #tpu.memory_space<vmem>>
    %dma_start3A_39 = tpu.memref_squeeze %dma_start3A_38 : memref<1x128x128xf32, #tpu.memory_space<vmem>> -> memref<128x128xf32, #tpu.memory_space<vmem>>
    %dma_start3A_40 = arith.constant 0 : i32
    %dma_start3A_41 = tpu.memref_slice %arg2[%add3A_1, %mul3A_34, %dma_start3A_40] : memref<4x327680x128xf32, #tpu.memory_space<hbm>> -> memref<1x128x128xf32, #tpu.memory_space<hbm>>
    %dma_start3A_42 = tpu.memref_squeeze %dma_start3A_41 : memref<1x128x128xf32, #tpu.memory_space<hbm>> -> memref<128x128xf32, #tpu.memory_space<hbm>>
    %dma_start3A_43 = arith.constant 0 : i32
    %dma_start3A_44 = arith.constant 0 : i32
    %dma_start3A_45 = tpu.memref_slice %arg7[%dma_start3A_35, %dma_start3A_43, %dma_start3A_44] : memref<2x128x128xf32, #tpu.memory_space<vmem>> -> memref<1x128x128xf32, #tpu.memory_space<vmem>>
    %dma_start3A_46 = tpu.memref_squeeze %dma_start3A_45 : memref<1x128x128xf32, #tpu.memory_space<vmem>> -> memref<128x128xf32, #tpu.memory_space<vmem>>
    %dma_start3A_47 = arith.constant 0 : i32
    %dma_start3A_48 = tpu.memref_slice %arg2[%add3A_1, %mul3A_34, %dma_start3A_47] : memref<4x327680x128xf32, #tpu.memory_space<hbm>> -> memref<1x128x128xf32, #tpu.memory_space<hbm>>
    %dma_start3A_49 = tpu.memref_squeeze %dma_start3A_48 : memref<1x128x128xf32, #tpu.memory_space<hbm>> -> memref<128x128xf32, #tpu.memory_space<hbm>>
    tpu.enqueue_dma source(%dma_start3A_49 : memref<128x128xf32, #tpu.memory_space<hbm>>) target(%dma_start3A_46 : memref<128x128xf32, #tpu.memory_space<vmem>>) target_semaphore(%arg9 : memref<!tpu.dma_semaphore, #tpu.memory_space<semaphore_mem>>)
    %mul3A_50 = arith.constant 160 : i32
    %mul3A_51 = arith.muli %arg1, %mul3A_50 : i32
    %add3A_52 = arith.constant 1 : i32
    %add3A_53 = arith.addi %mul3A_51, %add3A_52 : i32
    %dma_start3A_54 = arith.constant 1 : i32
    %dma_start3A_55 = arith.constant 0 : i32
    %dma_start3A_56 = tpu.memref_slice %arg6[%dma_start3A_54, %dma_start3A_55] : memref<2x128xi32, #tpu.memory_space<vmem>> -> memref<1x128xi32, #tpu.memory_space<vmem>>
    %dma_start3A_57 = tpu.memref_squeeze %dma_start3A_56 : memref<1x128xi32, #tpu.memory_space<vmem>> -> memref<128xi32, #tpu.memory_space<vmem>>
    %dma_start3A_58 = arith.constant 0 : i32
    %dma_start3A_59 = tpu.memref_slice %arg3[%add3A_53, %dma_start3A_58] : memref<2560x128xi32, #tpu.memory_space<hbm>> -> memref<1x128xi32, #tpu.memory_space<hbm>>
    %dma_start3A_60 = tpu.memref_squeeze %dma_start3A_59 : memref<1x128xi32, #tpu.memory_space<hbm>> -> memref<128xi32, #tpu.memory_space<hbm>>
    %dma_start3A_61 = arith.constant 0 : i32
    %dma_start3A_62 = tpu.memref_slice %arg6[%dma_start3A_54, %dma_start3A_61] : memref<2x128xi32, #tpu.memory_space<vmem>> -> memref<1x128xi32, #tpu.memory_space<vmem>>
    %dma_start3A_63 = tpu.memref_squeeze %dma_start3A_62 : memref<1x128xi32, #tpu.memory_space<vmem>> -> memref<128xi32, #tpu.memory_space<vmem>>
    %dma_start3A_64 = arith.constant 0 : i32
    %dma_start3A_65 = tpu.memref_slice %arg3[%add3A_53, %dma_start3A_64] : memref<2560x128xi32, #tpu.memory_space<hbm>> -> memref<1x128xi32, #tpu.memory_space<hbm>>
    %dma_start3A_66 = tpu.memref_squeeze %dma_start3A_65 : memref<1x128xi32, #tpu.memory_space<hbm>> -> memref<128xi32, #tpu.memory_space<hbm>>
    tpu.enqueue_dma source(%dma_start3A_66 : memref<128xi32, #tpu.memory_space<hbm>>) target(%dma_start3A_63 : memref<128xi32, #tpu.memory_space<vmem>>) target_semaphore(%arg10 : memref<!tpu.dma_semaphore, #tpu.memory_space<semaphore_mem>>)
    %mul3A_67 = arith.constant 128 : i32
    %mul3A_68 = arith.muli %add3A_53, %mul3A_67 : i32
    %dma_start3A_69 = arith.constant 1 : i32
    %dma_start3A_70 = arith.constant 0 : i32
    %dma_start3A_71 = arith.constant 0 : i32
    %dma_start3A_72 = tpu.memref_slice %arg7[%dma_start3A_69, %dma_start3A_70, %dma_start3A_71] : memref<2x128x128xf32, #tpu.memory_space<vmem>> -> memref<1x128x128xf32, #tpu.memory_space<vmem>>
    %dma_start3A_73 = tpu.memref_squeeze %dma_start3A_72 : memref<1x128x128xf32, #tpu.memory_space<vmem>> -> memref<128x128xf32, #tpu.memory_space<vmem>>
    %dma_start3A_74 = arith.constant 0 : i32
    %dma_start3A_75 = tpu.memref_slice %arg2[%add3A_1, %mul3A_68, %dma_start3A_74] : memref<4x327680x128xf32, #tpu.memory_space<hbm>> -> memref<1x128x128xf32, #tpu.memory_space<hbm>>
    %dma_start3A_76 = tpu.memref_squeeze %dma_start3A_75 : memref<1x128x128xf32, #tpu.memory_space<hbm>> -> memref<128x128xf32, #tpu.memory_space<hbm>>
    %dma_start3A_77 = arith.constant 0 : i32
    %dma_start3A_78 = arith.constant 0 : i32
    %dma_start3A_79 = tpu.memref_slice %arg7[%dma_start3A_69, %dma_start3A_77, %dma_start3A_78] : memref<2x128x128xf32, #tpu.memory_space<vmem>> -> memref<1x128x128xf32, #tpu.memory_space<vmem>>
    %dma_start3A_80 = tpu.memref_squeeze %dma_start3A_79 : memref<1x128x128xf32, #tpu.memory_space<vmem>> -> memref<128x128xf32, #tpu.memory_space<vmem>>
    %dma_start3A_81 = arith.constant 0 : i32
    %dma_start3A_82 = tpu.memref_slice %arg2[%add3A_1, %mul3A_68, %dma_start3A_81] : memref<4x327680x128xf32, #tpu.memory_space<hbm>> -> memref<1x128x128xf32, #tpu.memory_space<hbm>>
    %dma_start3A_83 = tpu.memref_squeeze %dma_start3A_82 : memref<1x128x128xf32, #tpu.memory_space<hbm>> -> memref<128x128xf32, #tpu.memory_space<hbm>>
    tpu.enqueue_dma source(%dma_start3A_83 : memref<128x128xf32, #tpu.memory_space<hbm>>) target(%dma_start3A_80 : memref<128x128xf32, #tpu.memory_space<vmem>>) target_semaphore(%arg10 : memref<!tpu.dma_semaphore, #tpu.memory_space<semaphore_mem>>)
    %scan3A = arith.constant 0 : i32
    %scan3A_84 = arith.constant 0 : i32
    %scan3A_85 = arith.constant 80 : i32
    %scan3A_86 = arith.addi %scan3A_84, %scan3A_85 : i32
    %scan3A_87 = arith.constant 1 : i32
    scf.for %scan3A_246 = %scan3A_84 to %scan3A_86 step %scan3A_87  : i32 {
      %mul3A_247 = arith.constant 2 : i32
      %mul3A_248 = arith.muli %scan3A_246, %mul3A_247 : i32
      %add3A_249 = arith.constant 0 : i32
      %add3A_250 = arith.addi %mul3A_248, %add3A_249 : i32
      %dma_wait3A = arith.constant 0 : i32
      %dma_wait3A_251 = arith.constant 0 : i32
      %dma_wait3A_252 = arith.constant 0 : i32
      %dma_wait3A_253 = tpu.memref_slice %arg6[%dma_wait3A_251, %dma_wait3A_252] : memref<2x128xi32, #tpu.memory_space<vmem>> -> memref<1x128xi32, #tpu.memory_space<vmem>>
      %dma_wait3A_254 = tpu.memref_squeeze %dma_wait3A_253 : memref<1x128xi32, #tpu.memory_space<vmem>> -> memref<128xi32, #tpu.memory_space<vmem>>
      %dma_wait3A_255 = arith.constant 0 : i32
      %dma_wait3A_256 = tpu.memref_slice %arg3[%dma_wait3A, %dma_wait3A_255] : memref<2560x128xi32, #tpu.memory_space<hbm>> -> memref<1x128xi32, #tpu.memory_space<hbm>>
      %dma_wait3A_257 = tpu.memref_squeeze %dma_wait3A_256 : memref<1x128xi32, #tpu.memory_space<hbm>> -> memref<128xi32, #tpu.memory_space<hbm>>
      %dma_wait3A_258 = arith.constant 0 : i32
      %dma_wait3A_259 = tpu.memref_slice %arg6[%dma_wait3A_251, %dma_wait3A_258] : memref<2x128xi32, #tpu.memory_space<vmem>> -> memref<1x128xi32, #tpu.memory_space<vmem>>
      %dma_wait3A_260 = tpu.memref_squeeze %dma_wait3A_259 : memref<1x128xi32, #tpu.memory_space<vmem>> -> memref<128xi32, #tpu.memory_space<vmem>>
      %dma_wait3A_261 = arith.constant 0 : i32
      %dma_wait3A_262 = tpu.memref_slice %arg3[%dma_wait3A, %dma_wait3A_261] : memref<2560x128xi32, #tpu.memory_space<hbm>> -> memref<1x128xi32, #tpu.memory_space<hbm>>
      %dma_wait3A_263 = tpu.memref_squeeze %dma_wait3A_262 : memref<1x128xi32, #tpu.memory_space<hbm>> -> memref<128xi32, #tpu.memory_space<hbm>>
      tpu.wait_dma2 semaphore(%arg9 : memref<!tpu.dma_semaphore, #tpu.memory_space<semaphore_mem>>) src(%dma_wait3A_263 : memref<128xi32, #tpu.memory_space<hbm>>) dst(%dma_wait3A_260 : memref<128xi32, #tpu.memory_space<vmem>>)
      %dma_wait3A_264 = arith.constant 0 : i32
      %dma_wait3A_265 = arith.constant 0 : i32
      %dma_wait3A_266 = arith.constant 0 : i32
      %dma_wait3A_267 = tpu.memref_slice %arg7[%dma_wait3A_264, %dma_wait3A_265, %dma_wait3A_266] : memref<2x128x128xf32, #tpu.memory_space<vmem>> -> memref<1x128x128xf32, #tpu.memory_space<vmem>>
      %dma_wait3A_268 = tpu.memref_squeeze %dma_wait3A_267 : memref<1x128x128xf32, #tpu.memory_space<vmem>> -> memref<128x128xf32, #tpu.memory_space<vmem>>
      %dma_wait3A_269 = arith.constant 0 : i32
      %dma_wait3A_270 = arith.constant 0 : i32
      %dma_wait3A_271 = tpu.memref_slice %arg2[%add3A_1, %dma_wait3A_269, %dma_wait3A_270] : memref<4x327680x128xf32, #tpu.memory_space<hbm>> -> memref<1x128x128xf32, #tpu.memory_space<hbm>>
      %dma_wait3A_272 = tpu.memref_squeeze %dma_wait3A_271 : memref<1x128x128xf32, #tpu.memory_space<hbm>> -> memref<128x128xf32, #tpu.memory_space<hbm>>
      %dma_wait3A_273 = arith.constant 0 : i32
      %dma_wait3A_274 = arith.constant 0 : i32
      %dma_wait3A_275 = tpu.memref_slice %arg7[%dma_wait3A_264, %dma_wait3A_273, %dma_wait3A_274] : memref<2x128x128xf32, #tpu.memory_space<vmem>> -> memref<1x128x128xf32, #tpu.memory_space<vmem>>
      %dma_wait3A_276 = tpu.memref_squeeze %dma_wait3A_275 : memref<1x128x128xf32, #tpu.memory_space<vmem>> -> memref<128x128xf32, #tpu.memory_space<vmem>>
      %dma_wait3A_277 = arith.constant 0 : i32
      %dma_wait3A_278 = arith.constant 0 : i32
      %dma_wait3A_279 = tpu.memref_slice %arg2[%add3A_1, %dma_wait3A_277, %dma_wait3A_278] : memref<4x327680x128xf32, #tpu.memory_space<hbm>> -> memref<1x128x128xf32, #tpu.memory_space<hbm>>
      %dma_wait3A_280 = tpu.memref_squeeze %dma_wait3A_279 : memref<1x128x128xf32, #tpu.memory_space<hbm>> -> memref<128x128xf32, #tpu.memory_space<hbm>>
      tpu.wait_dma2 semaphore(%arg9 : memref<!tpu.dma_semaphore, #tpu.memory_space<semaphore_mem>>) src(%dma_wait3A_280 : memref<128x128xf32, #tpu.memory_space<hbm>>) dst(%dma_wait3A_276 : memref<128x128xf32, #tpu.memory_space<vmem>>)
      %dma_start3A_281 = arith.constant 0 : i32
      %dma_start3A_282 = arith.constant 0 : i32
      %dma_start3A_283 = arith.constant 0 : i32
      %dma_start3A_284 = arith.constant 0 : i32
      %dma_start3A_285 = tpu.memref_slice %arg7[%dma_start3A_281, %dma_start3A_283, %dma_start3A_284] : memref<2x128x128xf32, #tpu.memory_space<vmem>> -> memref<1x128x128xf32, #tpu.memory_space<vmem>>
      %dma_start3A_286 = tpu.memref_squeeze %dma_start3A_285 : memref<1x128x128xf32, #tpu.memory_space<vmem>> -> memref<128x128xf32, #tpu.memory_space<vmem>>
      %dma_start3A_287 = arith.constant 0 : i32
      %dma_start3A_288 = tpu.memref_slice %arg6[%dma_start3A_282, %dma_start3A_287] : memref<2x128xi32, #tpu.memory_space<vmem>> -> memref<1x128xi32, #tpu.memory_space<vmem>>
      %dma_start3A_289 = tpu.memref_squeeze %dma_start3A_288 : memref<1x128xi32, #tpu.memory_space<vmem>> -> memref<128xi32, #tpu.memory_space<vmem>>
      %dma_start3A_290 = arith.constant 0 : i32
      %dma_start3A_291 = arith.constant 0 : i32
      %dma_start3A_292 = tpu.memref_slice %arg8[%dma_start3A_290, %dma_start3A_291] : memref<10240x128xf32, #tpu.memory_space<vmem_shared>> -> memref<10240x128xf32, #tpu.memory_space<vmem_shared>>
      tpu.enqueue_indirect_dma source(%dma_start3A_286 : memref<128x128xf32, #tpu.memory_space<vmem>>) target(%dma_start3A_292 : memref<10240x128xf32, #tpu.memory_space<vmem_shared>>) offsets(%dma_start3A_289 : memref<128xi32, #tpu.memory_space<vmem>>) semaphore(%arg11 : memref<!tpu.dma_semaphore, #tpu.memory_space<semaphore_mem>>) {add = true}
      %dma_wait3A_293 = arith.constant 0 : i32
      %dma_wait3A_294 = arith.constant 0 : i32
      %dma_wait3A_295 = arith.constant 0 : i32
      %dma_wait3A_296 = arith.constant 0 : i32
      %dma_wait3A_297 = tpu.memref_slice %arg7[%dma_wait3A_293, %dma_wait3A_295, %dma_wait3A_296] : memref<2x128x128xf32, #tpu.memory_space<vmem>> -> memref<1x128x128xf32, #tpu.memory_space<vmem>>
      %dma_wait3A_298 = tpu.memref_squeeze %dma_wait3A_297 : memref<1x128x128xf32, #tpu.memory_space<vmem>> -> memref<128x128xf32, #tpu.memory_space<vmem>>
      %dma_wait3A_299 = arith.constant 0 : i32
      %dma_wait3A_300 = tpu.memref_slice %arg6[%dma_wait3A_294, %dma_wait3A_299] : memref<2x128xi32, #tpu.memory_space<vmem>> -> memref<1x128xi32, #tpu.memory_space<vmem>>
      %dma_wait3A_301 = tpu.memref_squeeze %dma_wait3A_300 : memref<1x128xi32, #tpu.memory_space<vmem>> -> memref<128xi32, #tpu.memory_space<vmem>>
      %dma_wait3A_302 = arith.constant 0 : i32
      %dma_wait3A_303 = arith.constant 0 : i32
      %dma_wait3A_304 = tpu.memref_slice %arg8[%dma_wait3A_302, %dma_wait3A_303] : memref<10240x128xf32, #tpu.memory_space<vmem_shared>> -> memref<10240x128xf32, #tpu.memory_space<vmem_shared>>
      tpu.wait_indirect_dma semaphore(%arg11 : memref<!tpu.dma_semaphore, #tpu.memory_space<semaphore_mem>>) src(%dma_wait3A_298 : memref<128x128xf32, #tpu.memory_space<vmem>>) dst(%dma_wait3A_304 : memref<10240x128xf32, #tpu.memory_space<vmem_shared>>)
      %add3A_305 = arith.constant 2 : i32
      %add3A_306 = arith.addi %add3A_250, %add3A_305 : i32
      %lt3A = arith.constant 160 : i32
      %lt3A_307 = arith.cmpi slt, %add3A_306, %lt3A : i32
      %convert_element_type3A = arith.extui %lt3A_307 : i1 to i32
      %cond3A = arith.constant 0 : i32
      %cond3A_308 = arith.cmpi ne, %convert_element_type3A, %cond3A : i32
      scf.if %cond3A_308 {
        %add3A_375 = arith.constant 2 : i32
        %add3A_376 = arith.addi %add3A_250, %add3A_375 : i32
        %mul3A_377 = arith.constant 160 : i32
        %mul3A_378 = arith.muli %arg1, %mul3A_377 : i32
        %add3A_379 = arith.addi %mul3A_378, %add3A_376 : i32
        %dma_start3A_380 = arith.constant 0 : i32
        %dma_start3A_381 = arith.constant 0 : i32
        %dma_start3A_382 = tpu.memref_slice %arg6[%dma_start3A_380, %dma_start3A_381] : memref<2x128xi32, #tpu.memory_space<vmem>> -> memref<1x128xi32, #tpu.memory_space<vmem>>
        %dma_start3A_383 = tpu.memref_squeeze %dma_start3A_382 : memref<1x128xi32, #tpu.memory_space<vmem>> -> memref<128xi32, #tpu.memory_space<vmem>>
        %dma_start3A_384 = arith.constant 0 : i32
        %dma_start3A_385 = tpu.memref_slice %arg3[%add3A_379, %dma_start3A_384] : memref<2560x128xi32, #tpu.memory_space<hbm>> -> memref<1x128xi32, #tpu.memory_space<hbm>>
        %dma_start3A_386 = tpu.memref_squeeze %dma_start3A_385 : memref<1x128xi32, #tpu.memory_space<hbm>> -> memref<128xi32, #tpu.memory_space<hbm>>
        %dma_start3A_387 = arith.constant 0 : i32
        %dma_start3A_388 = tpu.memref_slice %arg6[%dma_start3A_380, %dma_start3A_387] : memref<2x128xi32, #tpu.memory_space<vmem>> -> memref<1x128xi32, #tpu.memory_space<vmem>>
        %dma_start3A_389 = tpu.memref_squeeze %dma_start3A_388 : memref<1x128xi32, #tpu.memory_space<vmem>> -> memref<128xi32, #tpu.memory_space<vmem>>
        %dma_start3A_390 = arith.constant 0 : i32
        %dma_start3A_391 = tpu.memref_slice %arg3[%add3A_379, %dma_start3A_390] : memref<2560x128xi32, #tpu.memory_space<hbm>> -> memref<1x128xi32, #tpu.memory_space<hbm>>
        %dma_start3A_392 = tpu.memref_squeeze %dma_start3A_391 : memref<1x128xi32, #tpu.memory_space<hbm>> -> memref<128xi32, #tpu.memory_space<hbm>>
        tpu.enqueue_dma source(%dma_start3A_392 : memref<128xi32, #tpu.memory_space<hbm>>) target(%dma_start3A_389 : memref<128xi32, #tpu.memory_space<vmem>>) target_semaphore(%arg9 : memref<!tpu.dma_semaphore, #tpu.memory_space<semaphore_mem>>)
        %mul3A_393 = arith.constant 128 : i32
        %mul3A_394 = arith.muli %add3A_379, %mul3A_393 : i32
        %dma_start3A_395 = arith.constant 0 : i32
        %dma_start3A_396 = arith.constant 0 : i32
        %dma_start3A_397 = arith.constant 0 : i32
        %dma_start3A_398 = tpu.memref_slice %arg7[%dma_start3A_395, %dma_start3A_396, %dma_start3A_397] : memref<2x128x128xf32, #tpu.memory_space<vmem>> -> memref<1x128x128xf32, #tpu.memory_space<vmem>>
        %dma_start3A_399 = tpu.memref_squeeze %dma_start3A_398 : memref<1x128x128xf32, #tpu.memory_space<vmem>> -> memref<128x128xf32, #tpu.memory_space<vmem>>
        %dma_start3A_400 = arith.constant 0 : i32
        %dma_start3A_401 = tpu.memref_slice %arg2[%add3A_1, %mul3A_394, %dma_start3A_400] : memref<4x327680x128xf32, #tpu.memory_space<hbm>> -> memref<1x128x128xf32, #tpu.memory_space<hbm>>
        %dma_start3A_402 = tpu.memref_squeeze %dma_start3A_401 : memref<1x128x128xf32, #tpu.memory_space<hbm>> -> memref<128x128xf32, #tpu.memory_space<hbm>>
        %dma_start3A_403 = arith.constant 0 : i32
        %dma_start3A_404 = arith.constant 0 : i32
        %dma_start3A_405 = tpu.memref_slice %arg7[%dma_start3A_395, %dma_start3A_403, %dma_start3A_404] : memref<2x128x128xf32, #tpu.memory_space<vmem>> -> memref<1x128x128xf32, #tpu.memory_space<vmem>>
        %dma_start3A_406 = tpu.memref_squeeze %dma_start3A_405 : memref<1x128x128xf32, #tpu.memory_space<vmem>> -> memref<128x128xf32, #tpu.memory_space<vmem>>
        %dma_start3A_407 = arith.constant 0 : i32
        %dma_start3A_408 = tpu.memref_slice %arg2[%add3A_1, %mul3A_394, %dma_start3A_407] : memref<4x327680x128xf32, #tpu.memory_space<hbm>> -> memref<1x128x128xf32, #tpu.memory_space<hbm>>
        %dma_start3A_409 = tpu.memref_squeeze %dma_start3A_408 : memref<1x128x128xf32, #tpu.memory_space<hbm>> -> memref<128x128xf32, #tpu.memory_space<hbm>>
        tpu.enqueue_dma source(%dma_start3A_409 : memref<128x128xf32, #tpu.memory_space<hbm>>) target(%dma_start3A_406 : memref<128x128xf32, #tpu.memory_space<vmem>>) target_semaphore(%arg9 : memref<!tpu.dma_semaphore, #tpu.memory_space<semaphore_mem>>)
      } else {
      }
      %mul3A_309 = arith.constant 2 : i32
      %mul3A_310 = arith.muli %scan3A_246, %mul3A_309 : i32
      %add3A_311 = arith.constant 1 : i32
      %add3A_312 = arith.addi %mul3A_310, %add3A_311 : i32
      %dma_wait3A_313 = arith.constant 0 : i32
      %dma_wait3A_314 = arith.constant 1 : i32
      %dma_wait3A_315 = arith.constant 0 : i32
      %dma_wait3A_316 = tpu.memref_slice %arg6[%dma_wait3A_314, %dma_wait3A_315] : memref<2x128xi32, #tpu.memory_space<vmem>> -> memref<1x128xi32, #tpu.memory_space<vmem>>
      %dma_wait3A_317 = tpu.memref_squeeze %dma_wait3A_316 : memref<1x128xi32, #tpu.memory_space<vmem>> -> memref<128xi32, #tpu.memory_space<vmem>>
      %dma_wait3A_318 = arith.constant 0 : i32
      %dma_wait3A_319 = tpu.memref_slice %arg3[%dma_wait3A_313, %dma_wait3A_318] : memref<2560x128xi32, #tpu.memory_space<hbm>> -> memref<1x128xi32, #tpu.memory_space<hbm>>
      %dma_wait3A_320 = tpu.memref_squeeze %dma_wait3A_319 : memref<1x128xi32, #tpu.memory_space<hbm>> -> memref<128xi32, #tpu.memory_space<hbm>>
      %dma_wait3A_321 = arith.constant 0 : i32
      %dma_wait3A_322 = tpu.memref_slice %arg6[%dma_wait3A_314, %dma_wait3A_321] : memref<2x128xi32, #tpu.memory_space<vmem>> -> memref<1x128xi32, #tpu.memory_space<vmem>>
      %dma_wait3A_323 = tpu.memref_squeeze %dma_wait3A_322 : memref<1x128xi32, #tpu.memory_space<vmem>> -> memref<128xi32, #tpu.memory_space<vmem>>
      %dma_wait3A_324 = arith.constant 0 : i32
      %dma_wait3A_325 = tpu.memref_slice %arg3[%dma_wait3A_313, %dma_wait3A_324] : memref<2560x128xi32, #tpu.memory_space<hbm>> -> memref<1x128xi32, #tpu.memory_space<hbm>>
      %dma_wait3A_326 = tpu.memref_squeeze %dma_wait3A_325 : memref<1x128xi32, #tpu.memory_space<hbm>> -> memref<128xi32, #tpu.memory_space<hbm>>
      tpu.wait_dma2 semaphore(%arg10 : memref<!tpu.dma_semaphore, #tpu.memory_space<semaphore_mem>>) src(%dma_wait3A_326 : memref<128xi32, #tpu.memory_space<hbm>>) dst(%dma_wait3A_323 : memref<128xi32, #tpu.memory_space<vmem>>)
      %dma_wait3A_327 = arith.constant 1 : i32
      %dma_wait3A_328 = arith.constant 0 : i32
      %dma_wait3A_329 = arith.constant 0 : i32
      %dma_wait3A_330 = tpu.memref_slice %arg7[%dma_wait3A_327, %dma_wait3A_328, %dma_wait3A_329] : memref<2x128x128xf32, #tpu.memory_space<vmem>> -> memref<1x128x128xf32, #tpu.memory_space<vmem>>
      %dma_wait3A_331 = tpu.memref_squeeze %dma_wait3A_330 : memref<1x128x128xf32, #tpu.memory_space<vmem>> -> memref<128x128xf32, #tpu.memory_space<vmem>>
      %dma_wait3A_332 = arith.constant 0 : i32
      %dma_wait3A_333 = arith.constant 0 : i32
      %dma_wait3A_334 = tpu.memref_slice %arg2[%add3A_1, %dma_wait3A_332, %dma_wait3A_333] : memref<4x327680x128xf32, #tpu.memory_space<hbm>> -> memref<1x128x128xf32, #tpu.memory_space<hbm>>
      %dma_wait3A_335 = tpu.memref_squeeze %dma_wait3A_334 : memref<1x128x128xf32, #tpu.memory_space<hbm>> -> memref<128x128xf32, #tpu.memory_space<hbm>>
      %dma_wait3A_336 = arith.constant 0 : i32
      %dma_wait3A_337 = arith.constant 0 : i32
      %dma_wait3A_338 = tpu.memref_slice %arg7[%dma_wait3A_327, %dma_wait3A_336, %dma_wait3A_337] : memref<2x128x128xf32, #tpu.memory_space<vmem>> -> memref<1x128x128xf32, #tpu.memory_space<vmem>>
      %dma_wait3A_339 = tpu.memref_squeeze %dma_wait3A_338 : memref<1x128x128xf32, #tpu.memory_space<vmem>> -> memref<128x128xf32, #tpu.memory_space<vmem>>
      %dma_wait3A_340 = arith.constant 0 : i32
      %dma_wait3A_341 = arith.constant 0 : i32
      %dma_wait3A_342 = tpu.memref_slice %arg2[%add3A_1, %dma_wait3A_340, %dma_wait3A_341] : memref<4x327680x128xf32, #tpu.memory_space<hbm>> -> memref<1x128x128xf32, #tpu.memory_space<hbm>>
      %dma_wait3A_343 = tpu.memref_squeeze %dma_wait3A_342 : memref<1x128x128xf32, #tpu.memory_space<hbm>> -> memref<128x128xf32, #tpu.memory_space<hbm>>
      tpu.wait_dma2 semaphore(%arg10 : memref<!tpu.dma_semaphore, #tpu.memory_space<semaphore_mem>>) src(%dma_wait3A_343 : memref<128x128xf32, #tpu.memory_space<hbm>>) dst(%dma_wait3A_339 : memref<128x128xf32, #tpu.memory_space<vmem>>)
      %dma_start3A_344 = arith.constant 1 : i32
      %dma_start3A_345 = arith.constant 1 : i32
      %dma_start3A_346 = arith.constant 0 : i32
      %dma_start3A_347 = arith.constant 0 : i32
      %dma_start3A_348 = tpu.memref_slice %arg7[%dma_start3A_344, %dma_start3A_346, %dma_start3A_347] : memref<2x128x128xf32, #tpu.memory_space<vmem>> -> memref<1x128x128xf32, #tpu.memory_space<vmem>>
      %dma_start3A_349 = tpu.memref_squeeze %dma_start3A_348 : memref<1x128x128xf32, #tpu.memory_space<vmem>> -> memref<128x128xf32, #tpu.memory_space<vmem>>
      %dma_start3A_350 = arith.constant 0 : i32
      %dma_start3A_351 = tpu.memref_slice %arg6[%dma_start3A_345, %dma_start3A_350] : memref<2x128xi32, #tpu.memory_space<vmem>> -> memref<1x128xi32, #tpu.memory_space<vmem>>
      %dma_start3A_352 = tpu.memref_squeeze %dma_start3A_351 : memref<1x128xi32, #tpu.memory_space<vmem>> -> memref<128xi32, #tpu.memory_space<vmem>>
      %dma_start3A_353 = arith.constant 0 : i32
      %dma_start3A_354 = arith.constant 0 : i32
      %dma_start3A_355 = tpu.memref_slice %arg8[%dma_start3A_353, %dma_start3A_354] : memref<10240x128xf32, #tpu.memory_space<vmem_shared>> -> memref<10240x128xf32, #tpu.memory_space<vmem_shared>>
      tpu.enqueue_indirect_dma source(%dma_start3A_349 : memref<128x128xf32, #tpu.memory_space<vmem>>) target(%dma_start3A_355 : memref<10240x128xf32, #tpu.memory_space<vmem_shared>>) offsets(%dma_start3A_352 : memref<128xi32, #tpu.memory_space<vmem>>) semaphore(%arg12 : memref<!tpu.dma_semaphore, #tpu.memory_space<semaphore_mem>>) {add = true}
      %dma_wait3A_356 = arith.constant 1 : i32
      %dma_wait3A_357 = arith.constant 1 : i32
      %dma_wait3A_358 = arith.constant 0 : i32
      %dma_wait3A_359 = arith.constant 0 : i32
      %dma_wait3A_360 = tpu.memref_slice %arg7[%dma_wait3A_356, %dma_wait3A_358, %dma_wait3A_359] : memref<2x128x128xf32, #tpu.memory_space<vmem>> -> memref<1x128x128xf32, #tpu.memory_space<vmem>>
      %dma_wait3A_361 = tpu.memref_squeeze %dma_wait3A_360 : memref<1x128x128xf32, #tpu.memory_space<vmem>> -> memref<128x128xf32, #tpu.memory_space<vmem>>
      %dma_wait3A_362 = arith.constant 0 : i32
      %dma_wait3A_363 = tpu.memref_slice %arg6[%dma_wait3A_357, %dma_wait3A_362] : memref<2x128xi32, #tpu.memory_space<vmem>> -> memref<1x128xi32, #tpu.memory_space<vmem>>
      %dma_wait3A_364 = tpu.memref_squeeze %dma_wait3A_363 : memref<1x128xi32, #tpu.memory_space<vmem>> -> memref<128xi32, #tpu.memory_space<vmem>>
      %dma_wait3A_365 = arith.constant 0 : i32
      %dma_wait3A_366 = arith.constant 0 : i32
      %dma_wait3A_367 = tpu.memref_slice %arg8[%dma_wait3A_365, %dma_wait3A_366] : memref<10240x128xf32, #tpu.memory_space<vmem_shared>> -> memref<10240x128xf32, #tpu.memory_space<vmem_shared>>
      tpu.wait_indirect_dma semaphore(%arg12 : memref<!tpu.dma_semaphore, #tpu.memory_space<semaphore_mem>>) src(%dma_wait3A_361 : memref<128x128xf32, #tpu.memory_space<vmem>>) dst(%dma_wait3A_367 : memref<10240x128xf32, #tpu.memory_space<vmem_shared>>)
      %add3A_368 = arith.constant 2 : i32
      %add3A_369 = arith.addi %add3A_312, %add3A_368 : i32
      %lt3A_370 = arith.constant 160 : i32
      %lt3A_371 = arith.cmpi slt, %add3A_369, %lt3A_370 : i32
      %convert_element_type3A_372 = arith.extui %lt3A_371 : i1 to i32
      %cond3A_373 = arith.constant 0 : i32
      %cond3A_374 = arith.cmpi ne, %convert_element_type3A_372, %cond3A_373 : i32
      scf.if %cond3A_374 {
        %add3A_375 = arith.constant 2 : i32
        %add3A_376 = arith.addi %add3A_312, %add3A_375 : i32
        %mul3A_377 = arith.constant 160 : i32
        %mul3A_378 = arith.muli %arg1, %mul3A_377 : i32
        %add3A_379 = arith.addi %mul3A_378, %add3A_376 : i32
        %dma_start3A_380 = arith.constant 1 : i32
        %dma_start3A_381 = arith.constant 0 : i32
        %dma_start3A_382 = tpu.memref_slice %arg6[%dma_start3A_380, %dma_start3A_381] : memref<2x128xi32, #tpu.memory_space<vmem>> -> memref<1x128xi32, #tpu.memory_space<vmem>>
        %dma_start3A_383 = tpu.memref_squeeze %dma_start3A_382 : memref<1x128xi32, #tpu.memory_space<vmem>> -> memref<128xi32, #tpu.memory_space<vmem>>
        %dma_start3A_384 = arith.constant 0 : i32
        %dma_start3A_385 = tpu.memref_slice %arg3[%add3A_379, %dma_start3A_384] : memref<2560x128xi32, #tpu.memory_space<hbm>> -> memref<1x128xi32, #tpu.memory_space<hbm>>
        %dma_start3A_386 = tpu.memref_squeeze %dma_start3A_385 : memref<1x128xi32, #tpu.memory_space<hbm>> -> memref<128xi32, #tpu.memory_space<hbm>>
        %dma_start3A_387 = arith.constant 0 : i32
        %dma_start3A_388 = tpu.memref_slice %arg6[%dma_start3A_380, %dma_start3A_387] : memref<2x128xi32, #tpu.memory_space<vmem>> -> memref<1x128xi32, #tpu.memory_space<vmem>>
        %dma_start3A_389 = tpu.memref_squeeze %dma_start3A_388 : memref<1x128xi32, #tpu.memory_space<vmem>> -> memref<128xi32, #tpu.memory_space<vmem>>
        %dma_start3A_390 = arith.constant 0 : i32
        %dma_start3A_391 = tpu.memref_slice %arg3[%add3A_379, %dma_start3A_390] : memref<2560x128xi32, #tpu.memory_space<hbm>> -> memref<1x128xi32, #tpu.memory_space<hbm>>
        %dma_start3A_392 = tpu.memref_squeeze %dma_start3A_391 : memref<1x128xi32, #tpu.memory_space<hbm>> -> memref<128xi32, #tpu.memory_space<hbm>>
        tpu.enqueue_dma source(%dma_start3A_392 : memref<128xi32, #tpu.memory_space<hbm>>) target(%dma_start3A_389 : memref<128xi32, #tpu.memory_space<vmem>>) target_semaphore(%arg10 : memref<!tpu.dma_semaphore, #tpu.memory_space<semaphore_mem>>)
        %mul3A_393 = arith.constant 128 : i32
        %mul3A_394 = arith.muli %add3A_379, %mul3A_393 : i32
        %dma_start3A_395 = arith.constant 1 : i32
        %dma_start3A_396 = arith.constant 0 : i32
        %dma_start3A_397 = arith.constant 0 : i32
        %dma_start3A_398 = tpu.memref_slice %arg7[%dma_start3A_395, %dma_start3A_396, %dma_start3A_397] : memref<2x128x128xf32, #tpu.memory_space<vmem>> -> memref<1x128x128xf32, #tpu.memory_space<vmem>>
        %dma_start3A_399 = tpu.memref_squeeze %dma_start3A_398 : memref<1x128x128xf32, #tpu.memory_space<vmem>> -> memref<128x128xf32, #tpu.memory_space<vmem>>
        %dma_start3A_400 = arith.constant 0 : i32
        %dma_start3A_401 = tpu.memref_slice %arg2[%add3A_1, %mul3A_394, %dma_start3A_400] : memref<4x327680x128xf32, #tpu.memory_space<hbm>> -> memref<1x128x128xf32, #tpu.memory_space<hbm>>
        %dma_start3A_402 = tpu.memref_squeeze %dma_start3A_401 : memref<1x128x128xf32, #tpu.memory_space<hbm>> -> memref<128x128xf32, #tpu.memory_space<hbm>>
        %dma_start3A_403 = arith.constant 0 : i32
        %dma_start3A_404 = arith.constant 0 : i32
        %dma_start3A_405 = tpu.memref_slice %arg7[%dma_start3A_395, %dma_start3A_403, %dma_start3A_404] : memref<2x128x128xf32, #tpu.memory_space<vmem>> -> memref<1x128x128xf32, #tpu.memory_space<vmem>>
        %dma_start3A_406 = tpu.memref_squeeze %dma_start3A_405 : memref<1x128x128xf32, #tpu.memory_space<vmem>> -> memref<128x128xf32, #tpu.memory_space<vmem>>
        %dma_start3A_407 = arith.constant 0 : i32
        %dma_start3A_408 = tpu.memref_slice %arg2[%add3A_1, %mul3A_394, %dma_start3A_407] : memref<4x327680x128xf32, #tpu.memory_space<hbm>> -> memref<1x128x128xf32, #tpu.memory_space<hbm>>
        %dma_start3A_409 = tpu.memref_squeeze %dma_start3A_408 : memref<1x128x128xf32, #tpu.memory_space<hbm>> -> memref<128x128xf32, #tpu.memory_space<hbm>>
        tpu.enqueue_dma source(%dma_start3A_409 : memref<128x128xf32, #tpu.memory_space<hbm>>) target(%dma_start3A_406 : memref<128x128xf32, #tpu.memory_space<vmem>>) target_semaphore(%arg10 : memref<!tpu.dma_semaphore, #tpu.memory_space<semaphore_mem>>)
      } else {
      }
    }
    %scan3A_88 = arith.constant 80 : i32
    %barrier3A_89 = arith.constant 0 : index
    tpu.barrier barrier_id(%barrier3A_89)
    %add3A_90 = arith.constant 0 : i32
    %add3A_91 = arith.addi %mul3A_0, %add3A_90 : i32
    %run_scoped3A_92 = arith.constant 0 : i32
    "tpu.region"() ({
      %run_scoped3A_246 = tpu.sem_alloc : memref<!tpu.dma_semaphore, #tpu.memory_space<semaphore_mem>>
      %dma_start3A_247 = arith.constant 0 : i32
      %dma_start3A_248 = arith.constant 0 : i32
      %dma_start3A_249 = tpu.memref_slice %arg7[%run_scoped3A_92, %dma_start3A_247, %dma_start3A_248] : memref<2x128x128xf32, #tpu.memory_space<vmem>> -> memref<1x128x128xf32, #tpu.memory_space<vmem>>
      %dma_start3A_250 = tpu.memref_squeeze %dma_start3A_249 : memref<1x128x128xf32, #tpu.memory_space<vmem>> -> memref<128x128xf32, #tpu.memory_space<vmem>>
      %dma_start3A_251 = arith.constant 0 : i32
      %dma_start3A_252 = tpu.memref_slice %arg8[%add3A_91, %dma_start3A_251] : memref<10240x128xf32, #tpu.memory_space<vmem_shared>> -> memref<128x128xf32, #tpu.memory_space<vmem_shared>>
      %dma_start3A_253 = arith.constant 0 : i32
      %dma_start3A_254 = arith.constant 0 : i32
      %dma_start3A_255 = tpu.memref_slice %arg7[%run_scoped3A_92, %dma_start3A_253, %dma_start3A_254] : memref<2x128x128xf32, #tpu.memory_space<vmem>> -> memref<1x128x128xf32, #tpu.memory_space<vmem>>
      %dma_start3A_256 = tpu.memref_squeeze %dma_start3A_255 : memref<1x128x128xf32, #tpu.memory_space<vmem>> -> memref<128x128xf32, #tpu.memory_space<vmem>>
      %dma_start3A_257 = arith.constant 0 : i32
      %dma_start3A_258 = tpu.memref_slice %arg8[%add3A_91, %dma_start3A_257] : memref<10240x128xf32, #tpu.memory_space<vmem_shared>> -> memref<128x128xf32, #tpu.memory_space<vmem_shared>>
      tpu.enqueue_dma source(%dma_start3A_258 : memref<128x128xf32, #tpu.memory_space<vmem_shared>>) target(%dma_start3A_256 : memref<128x128xf32, #tpu.memory_space<vmem>>) target_semaphore(%run_scoped3A_246 : memref<!tpu.dma_semaphore, #tpu.memory_space<semaphore_mem>>)
      %dma_wait3A = arith.constant 0 : i32
      %dma_wait3A_259 = arith.constant 0 : i32
      %dma_wait3A_260 = tpu.memref_slice %arg7[%run_scoped3A_92, %dma_wait3A, %dma_wait3A_259] : memref<2x128x128xf32, #tpu.memory_space<vmem>> -> memref<1x128x128xf32, #tpu.memory_space<vmem>>
      %dma_wait3A_261 = tpu.memref_squeeze %dma_wait3A_260 : memref<1x128x128xf32, #tpu.memory_space<vmem>> -> memref<128x128xf32, #tpu.memory_space<vmem>>
      %dma_wait3A_262 = arith.constant 0 : i32
      %dma_wait3A_263 = tpu.memref_slice %arg8[%add3A_91, %dma_wait3A_262] : memref<10240x128xf32, #tpu.memory_space<vmem_shared>> -> memref<128x128xf32, #tpu.memory_space<vmem_shared>>
      %dma_wait3A_264 = arith.constant 0 : i32
      %dma_wait3A_265 = arith.constant 0 : i32
      %dma_wait3A_266 = tpu.memref_slice %arg7[%run_scoped3A_92, %dma_wait3A_264, %dma_wait3A_265] : memref<2x128x128xf32, #tpu.memory_space<vmem>> -> memref<1x128x128xf32, #tpu.memory_space<vmem>>
      %dma_wait3A_267 = tpu.memref_squeeze %dma_wait3A_266 : memref<1x128x128xf32, #tpu.memory_space<vmem>> -> memref<128x128xf32, #tpu.memory_space<vmem>>
      %dma_wait3A_268 = arith.constant 0 : i32
      %dma_wait3A_269 = tpu.memref_slice %arg8[%add3A_91, %dma_wait3A_268] : memref<10240x128xf32, #tpu.memory_space<vmem_shared>> -> memref<128x128xf32, #tpu.memory_space<vmem_shared>>
      tpu.wait_dma2 semaphore(%run_scoped3A_246 : memref<!tpu.dma_semaphore, #tpu.memory_space<semaphore_mem>>) src(%dma_wait3A_269 : memref<128x128xf32, #tpu.memory_space<vmem_shared>>) dst(%dma_wait3A_267 : memref<128x128xf32, #tpu.memory_space<vmem>>)
      tpu.yield
    }) : () -> ()
    %add3A_93 = arith.constant 0 : i32
    %add3A_94 = arith.addi %mul3A_0, %add3A_93 : i32
    %run_scoped3A_95 = arith.constant 0 : i32
    "tpu.region"() ({
      %run_scoped3A_246 = tpu.sem_alloc : memref<!tpu.dma_semaphore, #tpu.memory_space<semaphore_mem>>
      %dma_start3A_247 = arith.constant 0 : i32
      %dma_start3A_248 = arith.constant 0 : i32
      %dma_start3A_249 = tpu.memref_slice %arg7[%run_scoped3A_95, %dma_start3A_247, %dma_start3A_248] : memref<2x128x128xf32, #tpu.memory_space<vmem>> -> memref<1x128x128xf32, #tpu.memory_space<vmem>>
      %dma_start3A_250 = tpu.memref_squeeze %dma_start3A_249 : memref<1x128x128xf32, #tpu.memory_space<vmem>> -> memref<128x128xf32, #tpu.memory_space<vmem>>
      %dma_start3A_251 = arith.constant 0 : i32
      %dma_start3A_252 = tpu.memref_slice %arg5[%add3A_1, %add3A_94, %dma_start3A_251] : memref<4x10240x128xf32, #tpu.memory_space<hbm>> -> memref<1x128x128xf32, #tpu.memory_space<hbm>>
      %dma_start3A_253 = tpu.memref_squeeze %dma_start3A_252 : memref<1x128x128xf32, #tpu.memory_space<hbm>> -> memref<128x128xf32, #tpu.memory_space<hbm>>
      %dma_start3A_254 = arith.constant 0 : i32
      %dma_start3A_255 = tpu.memref_slice %arg5[%add3A_1, %add3A_94, %dma_start3A_254] : memref<4x10240x128xf32, #tpu.memory_space<hbm>> -> memref<1x128x128xf32, #tpu.memory_space<hbm>>
      %dma_start3A_256 = tpu.memref_squeeze %dma_start3A_255 : memref<1x128x128xf32, #tpu.memory_space<hbm>> -> memref<128x128xf32, #tpu.memory_space<hbm>>
      %dma_start3A_257 = arith.constant 0 : i32
      %dma_start3A_258 = arith.constant 0 : i32
      %dma_start3A_259 = tpu.memref_slice %arg7[%run_scoped3A_95, %dma_start3A_257, %dma_start3A_258] : memref<2x128x128xf32, #tpu.memory_space<vmem>> -> memref<1x128x128xf32, #tpu.memory_space<vmem>>
      %dma_start3A_260 = tpu.memref_squeeze %dma_start3A_259 : memref<1x128x128xf32, #tpu.memory_space<vmem>> -> memref<128x128xf32, #tpu.memory_space<vmem>>
      tpu.enqueue_dma source(%dma_start3A_260 : memref<128x128xf32, #tpu.memory_space<vmem>>) target(%dma_start3A_256 : memref<128x128xf32, #tpu.memory_space<hbm>>) target_semaphore(%run_scoped3A_246 : memref<!tpu.dma_semaphore, #tpu.memory_space<semaphore_mem>>)
      %dma_wait3A = arith.constant 0 : i32
      %dma_wait3A_261 = arith.constant 0 : i32
      %dma_wait3A_262 = tpu.memref_slice %arg7[%run_scoped3A_95, %dma_wait3A, %dma_wait3A_261] : memref<2x128x128xf32, #tpu.memory_space<vmem>> -> memref<1x128x128xf32, #tpu.memory_space<vmem>>
      %dma_wait3A_263 = tpu.memref_squeeze %dma_wait3A_262 : memref<1x128x128xf32, #tpu.memory_space<vmem>> -> memref<128x128xf32, #tpu.memory_space<vmem>>
      %dma_wait3A_264 = arith.constant 0 : i32
      %dma_wait3A_265 = tpu.memref_slice %arg5[%add3A_1, %add3A_94, %dma_wait3A_264] : memref<4x10240x128xf32, #tpu.memory_space<hbm>> -> memref<1x128x128xf32, #tpu.memory_space<hbm>>
      %dma_wait3A_266 = tpu.memref_squeeze %dma_wait3A_265 : memref<1x128x128xf32, #tpu.memory_space<hbm>> -> memref<128x128xf32, #tpu.memory_space<hbm>>
      %dma_wait3A_267 = arith.constant 0 : i32
      %dma_wait3A_268 = tpu.memref_slice %arg5[%add3A_1, %add3A_94, %dma_wait3A_267] : memref<4x10240x128xf32, #tpu.memory_space<hbm>> -> memref<1x128x128xf32, #tpu.memory_space<hbm>>
      %dma_wait3A_269 = tpu.memref_squeeze %dma_wait3A_268 : memref<1x128x128xf32, #tpu.memory_space<hbm>> -> memref<128x128xf32, #tpu.memory_space<hbm>>
      %dma_wait3A_270 = arith.constant 0 : i32
      %dma_wait3A_271 = arith.constant 0 : i32
      %dma_wait3A_272 = tpu.memref_slice %arg7[%run_scoped3A_95, %dma_wait3A_270, %dma_wait3A_271] : memref<2x128x128xf32, #tpu.memory_space<vmem>> -> memref<1x128x128xf32, #tpu.memory_space<vmem>>
      %dma_wait3A_273 = tpu.memref_squeeze %dma_wait3A_272 : memref<1x128x128xf32, #tpu.memory_space<vmem>> -> memref<128x128xf32, #tpu.memory_space<vmem>>
      tpu.wait_dma2 semaphore(%run_scoped3A_246 : memref<!tpu.dma_semaphore, #tpu.memory_space<semaphore_mem>>) src(%dma_wait3A_273 : memref<128x128xf32, #tpu.memory_space<vmem>>) dst(%dma_wait3A_269 : memref<128x128xf32, #tpu.memory_space<hbm>>)
      tpu.yield
    }) : () -> ()
    %add3A_96 = arith.constant 128 : i32
    %add3A_97 = arith.addi %mul3A_0, %add3A_96 : i32
    %run_scoped3A_98 = arith.constant 0 : i32
    "tpu.region"() ({
      %run_scoped3A_246 = tpu.sem_alloc : memref<!tpu.dma_semaphore, #tpu.memory_space<semaphore_mem>>
      %dma_start3A_247 = arith.constant 0 : i32
      %dma_start3A_248 = arith.constant 0 : i32
      %dma_start3A_249 = tpu.memref_slice %arg7[%run_scoped3A_98, %dma_start3A_247, %dma_start3A_248] : memref<2x128x128xf32, #tpu.memory_space<vmem>> -> memref<1x128x128xf32, #tpu.memory_space<vmem>>
      %dma_start3A_250 = tpu.memref_squeeze %dma_start3A_249 : memref<1x128x128xf32, #tpu.memory_space<vmem>> -> memref<128x128xf32, #tpu.memory_space<vmem>>
      %dma_start3A_251 = arith.constant 0 : i32
      %dma_start3A_252 = tpu.memref_slice %arg8[%add3A_97, %dma_start3A_251] : memref<10240x128xf32, #tpu.memory_space<vmem_shared>> -> memref<128x128xf32, #tpu.memory_space<vmem_shared>>
      %dma_start3A_253 = arith.constant 0 : i32
      %dma_start3A_254 = arith.constant 0 : i32
      %dma_start3A_255 = tpu.memref_slice %arg7[%run_scoped3A_98, %dma_start3A_253, %dma_start3A_254] : memref<2x128x128xf32, #tpu.memory_space<vmem>> -> memref<1x128x128xf32, #tpu.memory_space<vmem>>
      %dma_start3A_256 = tpu.memref_squeeze %dma_start3A_255 : memref<1x128x128xf32, #tpu.memory_space<vmem>> -> memref<128x128xf32, #tpu.memory_space<vmem>>
      %dma_start3A_257 = arith.constant 0 : i32
      %dma_start3A_258 = tpu.memref_slice %arg8[%add3A_97, %dma_start3A_257] : memref<10240x128xf32, #tpu.memory_space<vmem_shared>> -> memref<128x128xf32, #tpu.memory_space<vmem_shared>>
      tpu.enqueue_dma source(%dma_start3A_258 : memref<128x128xf32, #tpu.memory_space<vmem_shared>>) target(%dma_start3A_256 : memref<128x128xf32, #tpu.memory_space<vmem>>) target_semaphore(%run_scoped3A_246 : memref<!tpu.dma_semaphore, #tpu.memory_space<semaphore_mem>>)
      %dma_wait3A = arith.constant 0 : i32
      %dma_wait3A_259 = arith.constant 0 : i32
      %dma_wait3A_260 = tpu.memref_slice %arg7[%run_scoped3A_98, %dma_wait3A, %dma_wait3A_259] : memref<2x128x128xf32, #tpu.memory_space<vmem>> -> memref<1x128x128xf32, #tpu.memory_space<vmem>>
      %dma_wait3A_261 = tpu.memref_squeeze %dma_wait3A_260 : memref<1x128x128xf32, #tpu.memory_space<vmem>> -> memref<128x128xf32, #tpu.memory_space<vmem>>
      %dma_wait3A_262 = arith.constant 0 : i32
      %dma_wait3A_263 = tpu.memref_slice %arg8[%add3A_97, %dma_wait3A_262] : memref<10240x128xf32, #tpu.memory_space<vmem_shared>> -> memref<128x128xf32, #tpu.memory_space<vmem_shared>>
      %dma_wait3A_264 = arith.constant 0 : i32
      %dma_wait3A_265 = arith.constant 0 : i32
      %dma_wait3A_266 = tpu.memref_slice %arg7[%run_scoped3A_98, %dma_wait3A_264, %dma_wait3A_265] : memref<2x128x128xf32, #tpu.memory_space<vmem>> -> memref<1x128x128xf32, #tpu.memory_space<vmem>>
      %dma_wait3A_267 = tpu.memref_squeeze %dma_wait3A_266 : memref<1x128x128xf32, #tpu.memory_space<vmem>> -> memref<128x128xf32, #tpu.memory_space<vmem>>
      %dma_wait3A_268 = arith.constant 0 : i32
      %dma_wait3A_269 = tpu.memref_slice %arg8[%add3A_97, %dma_wait3A_268] : memref<10240x128xf32, #tpu.memory_space<vmem_shared>> -> memref<128x128xf32, #tpu.memory_space<vmem_shared>>
      tpu.wait_dma2 semaphore(%run_scoped3A_246 : memref<!tpu.dma_semaphore, #tpu.memory_space<semaphore_mem>>) src(%dma_wait3A_269 : memref<128x128xf32, #tpu.memory_space<vmem_shared>>) dst(%dma_wait3A_267 : memref<128x128xf32, #tpu.memory_space<vmem>>)
      tpu.yield
    }) : () -> ()
    %add3A_99 = arith.constant 128 : i32
    %add3A_100 = arith.addi %mul3A_0, %add3A_99 : i32
    %run_scoped3A_101 = arith.constant 0 : i32
    "tpu.region"() ({
      %run_scoped3A_246 = tpu.sem_alloc : memref<!tpu.dma_semaphore, #tpu.memory_space<semaphore_mem>>
      %dma_start3A_247 = arith.constant 0 : i32
      %dma_start3A_248 = arith.constant 0 : i32
      %dma_start3A_249 = tpu.memref_slice %arg7[%run_scoped3A_101, %dma_start3A_247, %dma_start3A_248] : memref<2x128x128xf32, #tpu.memory_space<vmem>> -> memref<1x128x128xf32, #tpu.memory_space<vmem>>
      %dma_start3A_250 = tpu.memref_squeeze %dma_start3A_249 : memref<1x128x128xf32, #tpu.memory_space<vmem>> -> memref<128x128xf32, #tpu.memory_space<vmem>>
      %dma_start3A_251 = arith.constant 0 : i32
      %dma_start3A_252 = tpu.memref_slice %arg5[%add3A_1, %add3A_100, %dma_start3A_251] : memref<4x10240x128xf32, #tpu.memory_space<hbm>> -> memref<1x128x128xf32, #tpu.memory_space<hbm>>
      %dma_start3A_253 = tpu.memref_squeeze %dma_start3A_252 : memref<1x128x128xf32, #tpu.memory_space<hbm>> -> memref<128x128xf32, #tpu.memory_space<hbm>>
      %dma_start3A_254 = arith.constant 0 : i32
      %dma_start3A_255 = tpu.memref_slice %arg5[%add3A_1, %add3A_100, %dma_start3A_254] : memref<4x10240x128xf32, #tpu.memory_space<hbm>> -> memref<1x128x128xf32, #tpu.memory_space<hbm>>
      %dma_start3A_256 = tpu.memref_squeeze %dma_start3A_255 : memref<1x128x128xf32, #tpu.memory_space<hbm>> -> memref<128x128xf32, #tpu.memory_space<hbm>>
      %dma_start3A_257 = arith.constant 0 : i32
      %dma_start3A_258 = arith.constant 0 : i32
      %dma_start3A_259 = tpu.memref_slice %arg7[%run_scoped3A_101, %dma_start3A_257, %dma_start3A_258] : memref<2x128x128xf32, #tpu.memory_space<vmem>> -> memref<1x128x128xf32, #tpu.memory_space<vmem>>
      %dma_start3A_260 = tpu.memref_squeeze %dma_start3A_259 : memref<1x128x128xf32, #tpu.memory_space<vmem>> -> memref<128x128xf32, #tpu.memory_space<vmem>>
      tpu.enqueue_dma source(%dma_start3A_260 : memref<128x128xf32, #tpu.memory_space<vmem>>) target(%dma_start3A_256 : memref<128x128xf32, #tpu.memory_space<hbm>>) target_semaphore(%run_scoped3A_246 : memref<!tpu.dma_semaphore, #tpu.memory_space<semaphore_mem>>)
      %dma_wait3A = arith.constant 0 : i32
      %dma_wait3A_261 = arith.constant 0 : i32
      %dma_wait3A_262 = tpu.memref_slice %arg7[%run_scoped3A_101, %dma_wait3A, %dma_wait3A_261] : memref<2x128x128xf32, #tpu.memory_space<vmem>> -> memref<1x128x128xf32, #tpu.memory_space<vmem>>
      %dma_wait3A_263 = tpu.memref_squeeze %dma_wait3A_262 : memref<1x128x128xf32, #tpu.memory_space<vmem>> -> memref<128x128xf32, #tpu.memory_space<vmem>>
      %dma_wait3A_264 = arith.constant 0 : i32
      %dma_wait3A_265 = tpu.memref_slice %arg5[%add3A_1, %add3A_100, %dma_wait3A_264] : memref<4x10240x128xf32, #tpu.memory_space<hbm>> -> memref<1x128x128xf32, #tpu.memory_space<hbm>>
      %dma_wait3A_266 = tpu.memref_squeeze %dma_wait3A_265 : memref<1x128x128xf32, #tpu.memory_space<hbm>> -> memref<128x128xf32, #tpu.memory_space<hbm>>
      %dma_wait3A_267 = arith.constant 0 : i32
      %dma_wait3A_268 = tpu.memref_slice %arg5[%add3A_1, %add3A_100, %dma_wait3A_267] : memref<4x10240x128xf32, #tpu.memory_space<hbm>> -> memref<1x128x128xf32, #tpu.memory_space<hbm>>
      %dma_wait3A_269 = tpu.memref_squeeze %dma_wait3A_268 : memref<1x128x128xf32, #tpu.memory_space<hbm>> -> memref<128x128xf32, #tpu.memory_space<hbm>>
      %dma_wait3A_270 = arith.constant 0 : i32
      %dma_wait3A_271 = arith.constant 0 : i32
      %dma_wait3A_272 = tpu.memref_slice %arg7[%run_scoped3A_101, %dma_wait3A_270, %dma_wait3A_271] : memref<2x128x128xf32, #tpu.memory_space<vmem>> -> memref<1x128x128xf32, #tpu.memory_space<vmem>>
      %dma_wait3A_273 = tpu.memref_squeeze %dma_wait3A_272 : memref<1x128x128xf32, #tpu.memory_space<vmem>> -> memref<128x128xf32, #tpu.memory_space<vmem>>
      tpu.wait_dma2 semaphore(%run_scoped3A_246 : memref<!tpu.dma_semaphore, #tpu.memory_space<semaphore_mem>>) src(%dma_wait3A_273 : memref<128x128xf32, #tpu.memory_space<vmem>>) dst(%dma_wait3A_269 : memref<128x128xf32, #tpu.memory_space<hbm>>)
      tpu.yield
    }) : () -> ()
    %add3A_102 = arith.constant 256 : i32
    %add3A_103 = arith.addi %mul3A_0, %add3A_102 : i32
    %run_scoped3A_104 = arith.constant 0 : i32
    "tpu.region"() ({
      %run_scoped3A_246 = tpu.sem_alloc : memref<!tpu.dma_semaphore, #tpu.memory_space<semaphore_mem>>
      %dma_start3A_247 = arith.constant 0 : i32
      %dma_start3A_248 = arith.constant 0 : i32
      %dma_start3A_249 = tpu.memref_slice %arg7[%run_scoped3A_104, %dma_start3A_247, %dma_start3A_248] : memref<2x128x128xf32, #tpu.memory_space<vmem>> -> memref<1x128x128xf32, #tpu.memory_space<vmem>>
      %dma_start3A_250 = tpu.memref_squeeze %dma_start3A_249 : memref<1x128x128xf32, #tpu.memory_space<vmem>> -> memref<128x128xf32, #tpu.memory_space<vmem>>
      %dma_start3A_251 = arith.constant 0 : i32
      %dma_start3A_252 = tpu.memref_slice %arg8[%add3A_103, %dma_start3A_251] : memref<10240x128xf32, #tpu.memory_space<vmem_shared>> -> memref<128x128xf32, #tpu.memory_space<vmem_shared>>
      %dma_start3A_253 = arith.constant 0 : i32
      %dma_start3A_254 = arith.constant 0 : i32
      %dma_start3A_255 = tpu.memref_slice %arg7[%run_scoped3A_104, %dma_start3A_253, %dma_start3A_254] : memref<2x128x128xf32, #tpu.memory_space<vmem>> -> memref<1x128x128xf32, #tpu.memory_space<vmem>>
      %dma_start3A_256 = tpu.memref_squeeze %dma_start3A_255 : memref<1x128x128xf32, #tpu.memory_space<vmem>> -> memref<128x128xf32, #tpu.memory_space<vmem>>
      %dma_start3A_257 = arith.constant 0 : i32
      %dma_start3A_258 = tpu.memref_slice %arg8[%add3A_103, %dma_start3A_257] : memref<10240x128xf32, #tpu.memory_space<vmem_shared>> -> memref<128x128xf32, #tpu.memory_space<vmem_shared>>
      tpu.enqueue_dma source(%dma_start3A_258 : memref<128x128xf32, #tpu.memory_space<vmem_shared>>) target(%dma_start3A_256 : memref<128x128xf32, #tpu.memory_space<vmem>>) target_semaphore(%run_scoped3A_246 : memref<!tpu.dma_semaphore, #tpu.memory_space<semaphore_mem>>)
      %dma_wait3A = arith.constant 0 : i32
      %dma_wait3A_259 = arith.constant 0 : i32
      %dma_wait3A_260 = tpu.memref_slice %arg7[%run_scoped3A_104, %dma_wait3A, %dma_wait3A_259] : memref<2x128x128xf32, #tpu.memory_space<vmem>> -> memref<1x128x128xf32, #tpu.memory_space<vmem>>
      %dma_wait3A_261 = tpu.memref_squeeze %dma_wait3A_260 : memref<1x128x128xf32, #tpu.memory_space<vmem>> -> memref<128x128xf32, #tpu.memory_space<vmem>>
      %dma_wait3A_262 = arith.constant 0 : i32
      %dma_wait3A_263 = tpu.memref_slice %arg8[%add3A_103, %dma_wait3A_262] : memref<10240x128xf32, #tpu.memory_space<vmem_shared>> -> memref<128x128xf32, #tpu.memory_space<vmem_shared>>
      %dma_wait3A_264 = arith.constant 0 : i32
      %dma_wait3A_265 = arith.constant 0 : i32
      %dma_wait3A_266 = tpu.memref_slice %arg7[%run_scoped3A_104, %dma_wait3A_264, %dma_wait3A_265] : memref<2x128x128xf32, #tpu.memory_space<vmem>> -> memref<1x128x128xf32, #tpu.memory_space<vmem>>
      %dma_wait3A_267 = tpu.memref_squeeze %dma_wait3A_266 : memref<1x128x128xf32, #tpu.memory_space<vmem>> -> memref<128x128xf32, #tpu.memory_space<vmem>>
      %dma_wait3A_268 = arith.constant 0 : i32
      %dma_wait3A_269 = tpu.memref_slice %arg8[%add3A_103, %dma_wait3A_268] : memref<10240x128xf32, #tpu.memory_space<vmem_shared>> -> memref<128x128xf32, #tpu.memory_space<vmem_shared>>
      tpu.wait_dma2 semaphore(%run_scoped3A_246 : memref<!tpu.dma_semaphore, #tpu.memory_space<semaphore_mem>>) src(%dma_wait3A_269 : memref<128x128xf32, #tpu.memory_space<vmem_shared>>) dst(%dma_wait3A_267 : memref<128x128xf32, #tpu.memory_space<vmem>>)
      tpu.yield
    }) : () -> ()
    %add3A_105 = arith.constant 256 : i32
    %add3A_106 = arith.addi %mul3A_0, %add3A_105 : i32
    %run_scoped3A_107 = arith.constant 0 : i32
    "tpu.region"() ({
      %run_scoped3A_246 = tpu.sem_alloc : memref<!tpu.dma_semaphore, #tpu.memory_space<semaphore_mem>>
      %dma_start3A_247 = arith.constant 0 : i32
      %dma_start3A_248 = arith.constant 0 : i32
      %dma_start3A_249 = tpu.memref_slice %arg7[%run_scoped3A_107, %dma_start3A_247, %dma_start3A_248] : memref<2x128x128xf32, #tpu.memory_space<vmem>> -> memref<1x128x128xf32, #tpu.memory_space<vmem>>
      %dma_start3A_250 = tpu.memref_squeeze %dma_start3A_249 : memref<1x128x128xf32, #tpu.memory_space<vmem>> -> memref<128x128xf32, #tpu.memory_space<vmem>>
      %dma_start3A_251 = arith.constant 0 : i32
      %dma_start3A_252 = tpu.memref_slice %arg5[%add3A_1, %add3A_106, %dma_start3A_251] : memref<4x10240x128xf32, #tpu.memory_space<hbm>> -> memref<1x128x128xf32, #tpu.memory_space<hbm>>
      %dma_start3A_253 = tpu.memref_squeeze %dma_start3A_252 : memref<1x128x128xf32, #tpu.memory_space<hbm>> -> memref<128x128xf32, #tpu.memory_space<hbm>>
      %dma_start3A_254 = arith.constant 0 : i32
      %dma_start3A_255 = tpu.memref_slice %arg5[%add3A_1, %add3A_106, %dma_start3A_254] : memref<4x10240x128xf32, #tpu.memory_space<hbm>> -> memref<1x128x128xf32, #tpu.memory_space<hbm>>
      %dma_start3A_256 = tpu.memref_squeeze %dma_start3A_255 : memref<1x128x128xf32, #tpu.memory_space<hbm>> -> memref<128x128xf32, #tpu.memory_space<hbm>>
      %dma_start3A_257 = arith.constant 0 : i32
      %dma_start3A_258 = arith.constant 0 : i32
      %dma_start3A_259 = tpu.memref_slice %arg7[%run_scoped3A_107, %dma_start3A_257, %dma_start3A_258] : memref<2x128x128xf32, #tpu.memory_space<vmem>> -> memref<1x128x128xf32, #tpu.memory_space<vmem>>
      %dma_start3A_260 = tpu.memref_squeeze %dma_start3A_259 : memref<1x128x128xf32, #tpu.memory_space<vmem>> -> memref<128x128xf32, #tpu.memory_space<vmem>>
      tpu.enqueue_dma source(%dma_start3A_260 : memref<128x128xf32, #tpu.memory_space<vmem>>) target(%dma_start3A_256 : memref<128x128xf32, #tpu.memory_space<hbm>>) target_semaphore(%run_scoped3A_246 : memref<!tpu.dma_semaphore, #tpu.memory_space<semaphore_mem>>)
      %dma_wait3A = arith.constant 0 : i32
      %dma_wait3A_261 = arith.constant 0 : i32
      %dma_wait3A_262 = tpu.memref_slice %arg7[%run_scoped3A_107, %dma_wait3A, %dma_wait3A_261] : memref<2x128x128xf32, #tpu.memory_space<vmem>> -> memref<1x128x128xf32, #tpu.memory_space<vmem>>
      %dma_wait3A_263 = tpu.memref_squeeze %dma_wait3A_262 : memref<1x128x128xf32, #tpu.memory_space<vmem>> -> memref<128x128xf32, #tpu.memory_space<vmem>>
      %dma_wait3A_264 = arith.constant 0 : i32
      %dma_wait3A_265 = tpu.memref_slice %arg5[%add3A_1, %add3A_106, %dma_wait3A_264] : memref<4x10240x128xf32, #tpu.memory_space<hbm>> -> memref<1x128x128xf32, #tpu.memory_space<hbm>>
      %dma_wait3A_266 = tpu.memref_squeeze %dma_wait3A_265 : memref<1x128x128xf32, #tpu.memory_space<hbm>> -> memref<128x128xf32, #tpu.memory_space<hbm>>
      %dma_wait3A_267 = arith.constant 0 : i32
      %dma_wait3A_268 = tpu.memref_slice %arg5[%add3A_1, %add3A_106, %dma_wait3A_267] : memref<4x10240x128xf32, #tpu.memory_space<hbm>> -> memref<1x128x128xf32, #tpu.memory_space<hbm>>
      %dma_wait3A_269 = tpu.memref_squeeze %dma_wait3A_268 : memref<1x128x128xf32, #tpu.memory_space<hbm>> -> memref<128x128xf32, #tpu.memory_space<hbm>>
      %dma_wait3A_270 = arith.constant 0 : i32
      %dma_wait3A_271 = arith.constant 0 : i32
      %dma_wait3A_272 = tpu.memref_slice %arg7[%run_scoped3A_107, %dma_wait3A_270, %dma_wait3A_271] : memref<2x128x128xf32, #tpu.memory_space<vmem>> -> memref<1x128x128xf32, #tpu.memory_space<vmem>>
      %dma_wait3A_273 = tpu.memref_squeeze %dma_wait3A_272 : memref<1x128x128xf32, #tpu.memory_space<vmem>> -> memref<128x128xf32, #tpu.memory_space<vmem>>
      tpu.wait_dma2 semaphore(%run_scoped3A_246 : memref<!tpu.dma_semaphore, #tpu.memory_space<semaphore_mem>>) src(%dma_wait3A_273 : memref<128x128xf32, #tpu.memory_space<vmem>>) dst(%dma_wait3A_269 : memref<128x128xf32, #tpu.memory_space<hbm>>)
      tpu.yield
    }) : () -> ()
    %add3A_108 = arith.constant 384 : i32
    %add3A_109 = arith.addi %mul3A_0, %add3A_108 : i32
    %run_scoped3A_110 = arith.constant 0 : i32
    "tpu.region"() ({
      %run_scoped3A_246 = tpu.sem_alloc : memref<!tpu.dma_semaphore, #tpu.memory_space<semaphore_mem>>
      %dma_start3A_247 = arith.constant 0 : i32
      %dma_start3A_248 = arith.constant 0 : i32
      %dma_start3A_249 = tpu.memref_slice %arg7[%run_scoped3A_110, %dma_start3A_247, %dma_start3A_248] : memref<2x128x128xf32, #tpu.memory_space<vmem>> -> memref<1x128x128xf32, #tpu.memory_space<vmem>>
      %dma_start3A_250 = tpu.memref_squeeze %dma_start3A_249 : memref<1x128x128xf32, #tpu.memory_space<vmem>> -> memref<128x128xf32, #tpu.memory_space<vmem>>
      %dma_start3A_251 = arith.constant 0 : i32
      %dma_start3A_252 = tpu.memref_slice %arg8[%add3A_109, %dma_start3A_251] : memref<10240x128xf32, #tpu.memory_space<vmem_shared>> -> memref<128x128xf32, #tpu.memory_space<vmem_shared>>
      %dma_start3A_253 = arith.constant 0 : i32
      %dma_start3A_254 = arith.constant 0 : i32
      %dma_start3A_255 = tpu.memref_slice %arg7[%run_scoped3A_110, %dma_start3A_253, %dma_start3A_254] : memref<2x128x128xf32, #tpu.memory_space<vmem>> -> memref<1x128x128xf32, #tpu.memory_space<vmem>>
      %dma_start3A_256 = tpu.memref_squeeze %dma_start3A_255 : memref<1x128x128xf32, #tpu.memory_space<vmem>> -> memref<128x128xf32, #tpu.memory_space<vmem>>
      %dma_start3A_257 = arith.constant 0 : i32
      %dma_start3A_258 = tpu.memref_slice %arg8[%add3A_109, %dma_start3A_257] : memref<10240x128xf32, #tpu.memory_space<vmem_shared>> -> memref<128x128xf32, #tpu.memory_space<vmem_shared>>
      tpu.enqueue_dma source(%dma_start3A_258 : memref<128x128xf32, #tpu.memory_space<vmem_shared>>) target(%dma_start3A_256 : memref<128x128xf32, #tpu.memory_space<vmem>>) target_semaphore(%run_scoped3A_246 : memref<!tpu.dma_semaphore, #tpu.memory_space<semaphore_mem>>)
      %dma_wait3A = arith.constant 0 : i32
      %dma_wait3A_259 = arith.constant 0 : i32
      %dma_wait3A_260 = tpu.memref_slice %arg7[%run_scoped3A_110, %dma_wait3A, %dma_wait3A_259] : memref<2x128x128xf32, #tpu.memory_space<vmem>> -> memref<1x128x128xf32, #tpu.memory_space<vmem>>
      %dma_wait3A_261 = tpu.memref_squeeze %dma_wait3A_260 : memref<1x128x128xf32, #tpu.memory_space<vmem>> -> memref<128x128xf32, #tpu.memory_space<vmem>>
      %dma_wait3A_262 = arith.constant 0 : i32
      %dma_wait3A_263 = tpu.memref_slice %arg8[%add3A_109, %dma_wait3A_262] : memref<10240x128xf32, #tpu.memory_space<vmem_shared>> -> memref<128x128xf32, #tpu.memory_space<vmem_shared>>
      %dma_wait3A_264 = arith.constant 0 : i32
      %dma_wait3A_265 = arith.constant 0 : i32
      %dma_wait3A_266 = tpu.memref_slice %arg7[%run_scoped3A_110, %dma_wait3A_264, %dma_wait3A_265] : memref<2x128x128xf32, #tpu.memory_space<vmem>> -> memref<1x128x128xf32, #tpu.memory_space<vmem>>
      %dma_wait3A_267 = tpu.memref_squeeze %dma_wait3A_266 : memref<1x128x128xf32, #tpu.memory_space<vmem>> -> memref<128x128xf32, #tpu.memory_space<vmem>>
      %dma_wait3A_268 = arith.constant 0 : i32
      %dma_wait3A_269 = tpu.memref_slice %arg8[%add3A_109, %dma_wait3A_268] : memref<10240x128xf32, #tpu.memory_space<vmem_shared>> -> memref<128x128xf32, #tpu.memory_space<vmem_shared>>
      tpu.wait_dma2 semaphore(%run_scoped3A_246 : memref<!tpu.dma_semaphore, #tpu.memory_space<semaphore_mem>>) src(%dma_wait3A_269 : memref<128x128xf32, #tpu.memory_space<vmem_shared>>) dst(%dma_wait3A_267 : memref<128x128xf32, #tpu.memory_space<vmem>>)
      tpu.yield
    }) : () -> ()
    %add3A_111 = arith.constant 384 : i32
    %add3A_112 = arith.addi %mul3A_0, %add3A_111 : i32
    %run_scoped3A_113 = arith.constant 0 : i32
    "tpu.region"() ({
      %run_scoped3A_246 = tpu.sem_alloc : memref<!tpu.dma_semaphore, #tpu.memory_space<semaphore_mem>>
      %dma_start3A_247 = arith.constant 0 : i32
      %dma_start3A_248 = arith.constant 0 : i32
      %dma_start3A_249 = tpu.memref_slice %arg7[%run_scoped3A_113, %dma_start3A_247, %dma_start3A_248] : memref<2x128x128xf32, #tpu.memory_space<vmem>> -> memref<1x128x128xf32, #tpu.memory_space<vmem>>
      %dma_start3A_250 = tpu.memref_squeeze %dma_start3A_249 : memref<1x128x128xf32, #tpu.memory_space<vmem>> -> memref<128x128xf32, #tpu.memory_space<vmem>>
      %dma_start3A_251 = arith.constant 0 : i32
      %dma_start3A_252 = tpu.memref_slice %arg5[%add3A_1, %add3A_112, %dma_start3A_251] : memref<4x10240x128xf32, #tpu.memory_space<hbm>> -> memref<1x128x128xf32, #tpu.memory_space<hbm>>
      %dma_start3A_253 = tpu.memref_squeeze %dma_start3A_252 : memref<1x128x128xf32, #tpu.memory_space<hbm>> -> memref<128x128xf32, #tpu.memory_space<hbm>>
      %dma_start3A_254 = arith.constant 0 : i32
      %dma_start3A_255 = tpu.memref_slice %arg5[%add3A_1, %add3A_112, %dma_start3A_254] : memref<4x10240x128xf32, #tpu.memory_space<hbm>> -> memref<1x128x128xf32, #tpu.memory_space<hbm>>
      %dma_start3A_256 = tpu.memref_squeeze %dma_start3A_255 : memref<1x128x128xf32, #tpu.memory_space<hbm>> -> memref<128x128xf32, #tpu.memory_space<hbm>>
      %dma_start3A_257 = arith.constant 0 : i32
      %dma_start3A_258 = arith.constant 0 : i32
      %dma_start3A_259 = tpu.memref_slice %arg7[%run_scoped3A_113, %dma_start3A_257, %dma_start3A_258] : memref<2x128x128xf32, #tpu.memory_space<vmem>> -> memref<1x128x128xf32, #tpu.memory_space<vmem>>
      %dma_start3A_260 = tpu.memref_squeeze %dma_start3A_259 : memref<1x128x128xf32, #tpu.memory_space<vmem>> -> memref<128x128xf32, #tpu.memory_space<vmem>>
      tpu.enqueue_dma source(%dma_start3A_260 : memref<128x128xf32, #tpu.memory_space<vmem>>) target(%dma_start3A_256 : memref<128x128xf32, #tpu.memory_space<hbm>>) target_semaphore(%run_scoped3A_246 : memref<!tpu.dma_semaphore, #tpu.memory_space<semaphore_mem>>)
      %dma_wait3A = arith.constant 0 : i32
      %dma_wait3A_261 = arith.constant 0 : i32
      %dma_wait3A_262 = tpu.memref_slice %arg7[%run_scoped3A_113, %dma_wait3A, %dma_wait3A_261] : memref<2x128x128xf32, #tpu.memory_space<vmem>> -> memref<1x128x128xf32, #tpu.memory_space<vmem>>
      %dma_wait3A_263 = tpu.memref_squeeze %dma_wait3A_262 : memref<1x128x128xf32, #tpu.memory_space<vmem>> -> memref<128x128xf32, #tpu.memory_space<vmem>>
      %dma_wait3A_264 = arith.constant 0 : i32
      %dma_wait3A_265 = tpu.memref_slice %arg5[%add3A_1, %add3A_112, %dma_wait3A_264] : memref<4x10240x128xf32, #tpu.memory_space<hbm>> -> memref<1x128x128xf32, #tpu.memory_space<hbm>>
      %dma_wait3A_266 = tpu.memref_squeeze %dma_wait3A_265 : memref<1x128x128xf32, #tpu.memory_space<hbm>> -> memref<128x128xf32, #tpu.memory_space<hbm>>
      %dma_wait3A_267 = arith.constant 0 : i32
      %dma_wait3A_268 = tpu.memref_slice %arg5[%add3A_1, %add3A_112, %dma_wait3A_267] : memref<4x10240x128xf32, #tpu.memory_space<hbm>> -> memref<1x128x128xf32, #tpu.memory_space<hbm>>
      %dma_wait3A_269 = tpu.memref_squeeze %dma_wait3A_268 : memref<1x128x128xf32, #tpu.memory_space<hbm>> -> memref<128x128xf32, #tpu.memory_space<hbm>>
      %dma_wait3A_270 = arith.constant 0 : i32
      %dma_wait3A_271 = arith.constant 0 : i32
      %dma_wait3A_272 = tpu.memref_slice %arg7[%run_scoped3A_113, %dma_wait3A_270, %dma_wait3A_271] : memref<2x128x128xf32, #tpu.memory_space<vmem>> -> memref<1x128x128xf32, #tpu.memory_space<vmem>>
      %dma_wait3A_273 = tpu.memref_squeeze %dma_wait3A_272 : memref<1x128x128xf32, #tpu.memory_space<vmem>> -> memref<128x128xf32, #tpu.memory_space<vmem>>
      tpu.wait_dma2 semaphore(%run_scoped3A_246 : memref<!tpu.dma_semaphore, #tpu.memory_space<semaphore_mem>>) src(%dma_wait3A_273 : memref<128x128xf32, #tpu.memory_space<vmem>>) dst(%dma_wait3A_269 : memref<128x128xf32, #tpu.memory_space<hbm>>)
      tpu.yield
    }) : () -> ()
    %add3A_114 = arith.constant 512 : i32
    %add3A_115 = arith.addi %mul3A_0, %add3A_114 : i32
    %run_scoped3A_116 = arith.constant 0 : i32
    "tpu.region"() ({
      %run_scoped3A_246 = tpu.sem_alloc : memref<!tpu.dma_semaphore, #tpu.memory_space<semaphore_mem>>
      %dma_start3A_247 = arith.constant 0 : i32
      %dma_start3A_248 = arith.constant 0 : i32
      %dma_start3A_249 = tpu.memref_slice %arg7[%run_scoped3A_116, %dma_start3A_247, %dma_start3A_248] : memref<2x128x128xf32, #tpu.memory_space<vmem>> -> memref<1x128x128xf32, #tpu.memory_space<vmem>>
      %dma_start3A_250 = tpu.memref_squeeze %dma_start3A_249 : memref<1x128x128xf32, #tpu.memory_space<vmem>> -> memref<128x128xf32, #tpu.memory_space<vmem>>
      %dma_start3A_251 = arith.constant 0 : i32
      %dma_start3A_252 = tpu.memref_slice %arg8[%add3A_115, %dma_start3A_251] : memref<10240x128xf32, #tpu.memory_space<vmem_shared>> -> memref<128x128xf32, #tpu.memory_space<vmem_shared>>
      %dma_start3A_253 = arith.constant 0 : i32
      %dma_start3A_254 = arith.constant 0 : i32
      %dma_start3A_255 = tpu.memref_slice %arg7[%run_scoped3A_116, %dma_start3A_253, %dma_start3A_254] : memref<2x128x128xf32, #tpu.memory_space<vmem>> -> memref<1x128x128xf32, #tpu.memory_space<vmem>>
      %dma_start3A_256 = tpu.memref_squeeze %dma_start3A_255 : memref<1x128x128xf32, #tpu.memory_space<vmem>> -> memref<128x128xf32, #tpu.memory_space<vmem>>
      %dma_start3A_257 = arith.constant 0 : i32
      %dma_start3A_258 = tpu.memref_slice %arg8[%add3A_115, %dma_start3A_257] : memref<10240x128xf32, #tpu.memory_space<vmem_shared>> -> memref<128x128xf32, #tpu.memory_space<vmem_shared>>
      tpu.enqueue_dma source(%dma_start3A_258 : memref<128x128xf32, #tpu.memory_space<vmem_shared>>) target(%dma_start3A_256 : memref<128x128xf32, #tpu.memory_space<vmem>>) target_semaphore(%run_scoped3A_246 : memref<!tpu.dma_semaphore, #tpu.memory_space<semaphore_mem>>)
      %dma_wait3A = arith.constant 0 : i32
      %dma_wait3A_259 = arith.constant 0 : i32
      %dma_wait3A_260 = tpu.memref_slice %arg7[%run_scoped3A_116, %dma_wait3A, %dma_wait3A_259] : memref<2x128x128xf32, #tpu.memory_space<vmem>> -> memref<1x128x128xf32, #tpu.memory_space<vmem>>
      %dma_wait3A_261 = tpu.memref_squeeze %dma_wait3A_260 : memref<1x128x128xf32, #tpu.memory_space<vmem>> -> memref<128x128xf32, #tpu.memory_space<vmem>>
      %dma_wait3A_262 = arith.constant 0 : i32
      %dma_wait3A_263 = tpu.memref_slice %arg8[%add3A_115, %dma_wait3A_262] : memref<10240x128xf32, #tpu.memory_space<vmem_shared>> -> memref<128x128xf32, #tpu.memory_space<vmem_shared>>
      %dma_wait3A_264 = arith.constant 0 : i32
      %dma_wait3A_265 = arith.constant 0 : i32
      %dma_wait3A_266 = tpu.memref_slice %arg7[%run_scoped3A_116, %dma_wait3A_264, %dma_wait3A_265] : memref<2x128x128xf32, #tpu.memory_space<vmem>> -> memref<1x128x128xf32, #tpu.memory_space<vmem>>
      %dma_wait3A_267 = tpu.memref_squeeze %dma_wait3A_266 : memref<1x128x128xf32, #tpu.memory_space<vmem>> -> memref<128x128xf32, #tpu.memory_space<vmem>>
      %dma_wait3A_268 = arith.constant 0 : i32
      %dma_wait3A_269 = tpu.memref_slice %arg8[%add3A_115, %dma_wait3A_268] : memref<10240x128xf32, #tpu.memory_space<vmem_shared>> -> memref<128x128xf32, #tpu.memory_space<vmem_shared>>
      tpu.wait_dma2 semaphore(%run_scoped3A_246 : memref<!tpu.dma_semaphore, #tpu.memory_space<semaphore_mem>>) src(%dma_wait3A_269 : memref<128x128xf32, #tpu.memory_space<vmem_shared>>) dst(%dma_wait3A_267 : memref<128x128xf32, #tpu.memory_space<vmem>>)
      tpu.yield
    }) : () -> ()
    %add3A_117 = arith.constant 512 : i32
    %add3A_118 = arith.addi %mul3A_0, %add3A_117 : i32
    %run_scoped3A_119 = arith.constant 0 : i32
    "tpu.region"() ({
      %run_scoped3A_246 = tpu.sem_alloc : memref<!tpu.dma_semaphore, #tpu.memory_space<semaphore_mem>>
      %dma_start3A_247 = arith.constant 0 : i32
      %dma_start3A_248 = arith.constant 0 : i32
      %dma_start3A_249 = tpu.memref_slice %arg7[%run_scoped3A_119, %dma_start3A_247, %dma_start3A_248] : memref<2x128x128xf32, #tpu.memory_space<vmem>> -> memref<1x128x128xf32, #tpu.memory_space<vmem>>
      %dma_start3A_250 = tpu.memref_squeeze %dma_start3A_249 : memref<1x128x128xf32, #tpu.memory_space<vmem>> -> memref<128x128xf32, #tpu.memory_space<vmem>>
      %dma_start3A_251 = arith.constant 0 : i32
      %dma_start3A_252 = tpu.memref_slice %arg5[%add3A_1, %add3A_118, %dma_start3A_251] : memref<4x10240x128xf32, #tpu.memory_space<hbm>> -> memref<1x128x128xf32, #tpu.memory_space<hbm>>
      %dma_start3A_253 = tpu.memref_squeeze %dma_start3A_252 : memref<1x128x128xf32, #tpu.memory_space<hbm>> -> memref<128x128xf32, #tpu.memory_space<hbm>>
      %dma_start3A_254 = arith.constant 0 : i32
      %dma_start3A_255 = tpu.memref_slice %arg5[%add3A_1, %add3A_118, %dma_start3A_254] : memref<4x10240x128xf32, #tpu.memory_space<hbm>> -> memref<1x128x128xf32, #tpu.memory_space<hbm>>
      %dma_start3A_256 = tpu.memref_squeeze %dma_start3A_255 : memref<1x128x128xf32, #tpu.memory_space<hbm>> -> memref<128x128xf32, #tpu.memory_space<hbm>>
      %dma_start3A_257 = arith.constant 0 : i32
      %dma_start3A_258 = arith.constant 0 : i32
      %dma_start3A_259 = tpu.memref_slice %arg7[%run_scoped3A_119, %dma_start3A_257, %dma_start3A_258] : memref<2x128x128xf32, #tpu.memory_space<vmem>> -> memref<1x128x128xf32, #tpu.memory_space<vmem>>
      %dma_start3A_260 = tpu.memref_squeeze %dma_start3A_259 : memref<1x128x128xf32, #tpu.memory_space<vmem>> -> memref<128x128xf32, #tpu.memory_space<vmem>>
      tpu.enqueue_dma source(%dma_start3A_260 : memref<128x128xf32, #tpu.memory_space<vmem>>) target(%dma_start3A_256 : memref<128x128xf32, #tpu.memory_space<hbm>>) target_semaphore(%run_scoped3A_246 : memref<!tpu.dma_semaphore, #tpu.memory_space<semaphore_mem>>)
      %dma_wait3A = arith.constant 0 : i32
      %dma_wait3A_261 = arith.constant 0 : i32
      %dma_wait3A_262 = tpu.memref_slice %arg7[%run_scoped3A_119, %dma_wait3A, %dma_wait3A_261] : memref<2x128x128xf32, #tpu.memory_space<vmem>> -> memref<1x128x128xf32, #tpu.memory_space<vmem>>
      %dma_wait3A_263 = tpu.memref_squeeze %dma_wait3A_262 : memref<1x128x128xf32, #tpu.memory_space<vmem>> -> memref<128x128xf32, #tpu.memory_space<vmem>>
      %dma_wait3A_264 = arith.constant 0 : i32
      %dma_wait3A_265 = tpu.memref_slice %arg5[%add3A_1, %add3A_118, %dma_wait3A_264] : memref<4x10240x128xf32, #tpu.memory_space<hbm>> -> memref<1x128x128xf32, #tpu.memory_space<hbm>>
      %dma_wait3A_266 = tpu.memref_squeeze %dma_wait3A_265 : memref<1x128x128xf32, #tpu.memory_space<hbm>> -> memref<128x128xf32, #tpu.memory_space<hbm>>
      %dma_wait3A_267 = arith.constant 0 : i32
      %dma_wait3A_268 = tpu.memref_slice %arg5[%add3A_1, %add3A_118, %dma_wait3A_267] : memref<4x10240x128xf32, #tpu.memory_space<hbm>> -> memref<1x128x128xf32, #tpu.memory_space<hbm>>
      %dma_wait3A_269 = tpu.memref_squeeze %dma_wait3A_268 : memref<1x128x128xf32, #tpu.memory_space<hbm>> -> memref<128x128xf32, #tpu.memory_space<hbm>>
      %dma_wait3A_270 = arith.constant 0 : i32
      %dma_wait3A_271 = arith.constant 0 : i32
      %dma_wait3A_272 = tpu.memref_slice %arg7[%run_scoped3A_119, %dma_wait3A_270, %dma_wait3A_271] : memref<2x128x128xf32, #tpu.memory_space<vmem>> -> memref<1x128x128xf32, #tpu.memory_space<vmem>>
      %dma_wait3A_273 = tpu.memref_squeeze %dma_wait3A_272 : memref<1x128x128xf32, #tpu.memory_space<vmem>> -> memref<128x128xf32, #tpu.memory_space<vmem>>
      tpu.wait_dma2 semaphore(%run_scoped3A_246 : memref<!tpu.dma_semaphore, #tpu.memory_space<semaphore_mem>>) src(%dma_wait3A_273 : memref<128x128xf32, #tpu.memory_space<vmem>>) dst(%dma_wait3A_269 : memref<128x128xf32, #tpu.memory_space<hbm>>)
      tpu.yield
    }) : () -> ()
    %barrier3A_120 = arith.constant 0 : index
    tpu.barrier barrier_id(%barrier3A_120)
    %add3A_121 = arith.constant 2 : i32
    %add3A_122 = arith.addi %arg0, %add3A_121 : i32
    %run_scoped3A_123 = arith.constant 0 : i32
    "tpu.region"() ({
      %run_scoped3A_246 = tpu.sem_alloc : memref<!tpu.dma_semaphore, #tpu.memory_space<semaphore_mem>>
      %dma_start3A_247 = arith.constant 0 : i32
      %dma_start3A_248 = arith.constant 0 : i32
      %dma_start3A_249 = tpu.memref_slice %arg7[%run_scoped3A_123, %dma_start3A_247, %dma_start3A_248] : memref<2x128x128xf32, #tpu.memory_space<vmem>> -> memref<1x128x128xf32, #tpu.memory_space<vmem>>
      %dma_start3A_250 = tpu.memref_squeeze %dma_start3A_249 : memref<1x128x128xf32, #tpu.memory_space<vmem>> -> memref<128x128xf32, #tpu.memory_space<vmem>>
      %dma_start3A_251 = arith.constant 0 : i32
      %dma_start3A_252 = arith.constant 0 : i32
      %dma_start3A_253 = tpu.memref_slice %arg7[%run_scoped3A_123, %dma_start3A_251, %dma_start3A_252] : memref<2x128x128xf32, #tpu.memory_space<vmem>> -> memref<1x128x128xf32, #tpu.memory_space<vmem>>
      %dma_start3A_254 = tpu.memref_squeeze %dma_start3A_253 : memref<1x128x128xf32, #tpu.memory_space<vmem>> -> memref<128x128xf32, #tpu.memory_space<vmem>>
      tpu.enqueue_dma source(%arg4 : memref<128x128xf32, #tpu.memory_space<hbm>>) target(%dma_start3A_254 : memref<128x128xf32, #tpu.memory_space<vmem>>) target_semaphore(%run_scoped3A_246 : memref<!tpu.dma_semaphore, #tpu.memory_space<semaphore_mem>>)
      %dma_wait3A = arith.constant 0 : i32
      %dma_wait3A_255 = arith.constant 0 : i32
      %dma_wait3A_256 = tpu.memref_slice %arg7[%run_scoped3A_123, %dma_wait3A, %dma_wait3A_255] : memref<2x128x128xf32, #tpu.memory_space<vmem>> -> memref<1x128x128xf32, #tpu.memory_space<vmem>>
      %dma_wait3A_257 = tpu.memref_squeeze %dma_wait3A_256 : memref<1x128x128xf32, #tpu.memory_space<vmem>> -> memref<128x128xf32, #tpu.memory_space<vmem>>
      %dma_wait3A_258 = arith.constant 0 : i32
      %dma_wait3A_259 = arith.constant 0 : i32
      %dma_wait3A_260 = tpu.memref_slice %arg7[%run_scoped3A_123, %dma_wait3A_258, %dma_wait3A_259] : memref<2x128x128xf32, #tpu.memory_space<vmem>> -> memref<1x128x128xf32, #tpu.memory_space<vmem>>
      %dma_wait3A_261 = tpu.memref_squeeze %dma_wait3A_260 : memref<1x128x128xf32, #tpu.memory_space<vmem>> -> memref<128x128xf32, #tpu.memory_space<vmem>>
      tpu.wait_dma2 semaphore(%run_scoped3A_246 : memref<!tpu.dma_semaphore, #tpu.memory_space<semaphore_mem>>) src(%arg4 : memref<128x128xf32, #tpu.memory_space<hbm>>) dst(%dma_wait3A_261 : memref<128x128xf32, #tpu.memory_space<vmem>>)
      tpu.yield
    }) : () -> ()
    %add3A_124 = arith.constant 0 : i32
    %add3A_125 = arith.addi %mul3A_0, %add3A_124 : i32
    %run_scoped3A_126 = arith.constant 0 : i32
    "tpu.region"() ({
      %run_scoped3A_246 = tpu.sem_alloc : memref<!tpu.dma_semaphore, #tpu.memory_space<semaphore_mem>>
      %dma_start3A_247 = arith.constant 0 : i32
      %dma_start3A_248 = arith.constant 0 : i32
      %dma_start3A_249 = tpu.memref_slice %arg7[%run_scoped3A_126, %dma_start3A_247, %dma_start3A_248] : memref<2x128x128xf32, #tpu.memory_space<vmem>> -> memref<1x128x128xf32, #tpu.memory_space<vmem>>
      %dma_start3A_250 = tpu.memref_squeeze %dma_start3A_249 : memref<1x128x128xf32, #tpu.memory_space<vmem>> -> memref<128x128xf32, #tpu.memory_space<vmem>>
      %dma_start3A_251 = arith.constant 0 : i32
      %dma_start3A_252 = tpu.memref_slice %arg8[%add3A_125, %dma_start3A_251] : memref<10240x128xf32, #tpu.memory_space<vmem_shared>> -> memref<128x128xf32, #tpu.memory_space<vmem_shared>>
      %dma_start3A_253 = arith.constant 0 : i32
      %dma_start3A_254 = tpu.memref_slice %arg8[%add3A_125, %dma_start3A_253] : memref<10240x128xf32, #tpu.memory_space<vmem_shared>> -> memref<128x128xf32, #tpu.memory_space<vmem_shared>>
      %dma_start3A_255 = arith.constant 0 : i32
      %dma_start3A_256 = arith.constant 0 : i32
      %dma_start3A_257 = tpu.memref_slice %arg7[%run_scoped3A_126, %dma_start3A_255, %dma_start3A_256] : memref<2x128x128xf32, #tpu.memory_space<vmem>> -> memref<1x128x128xf32, #tpu.memory_space<vmem>>
      %dma_start3A_258 = tpu.memref_squeeze %dma_start3A_257 : memref<1x128x128xf32, #tpu.memory_space<vmem>> -> memref<128x128xf32, #tpu.memory_space<vmem>>
      tpu.enqueue_dma source(%dma_start3A_258 : memref<128x128xf32, #tpu.memory_space<vmem>>) target(%dma_start3A_254 : memref<128x128xf32, #tpu.memory_space<vmem_shared>>) target_semaphore(%run_scoped3A_246 : memref<!tpu.dma_semaphore, #tpu.memory_space<semaphore_mem>>)
      %dma_wait3A = arith.constant 0 : i32
      %dma_wait3A_259 = arith.constant 0 : i32
      %dma_wait3A_260 = tpu.memref_slice %arg7[%run_scoped3A_126, %dma_wait3A, %dma_wait3A_259] : memref<2x128x128xf32, #tpu.memory_space<vmem>> -> memref<1x128x128xf32, #tpu.memory_space<vmem>>
      %dma_wait3A_261 = tpu.memref_squeeze %dma_wait3A_260 : memref<1x128x128xf32, #tpu.memory_space<vmem>> -> memref<128x128xf32, #tpu.memory_space<vmem>>
      %dma_wait3A_262 = arith.constant 0 : i32
      %dma_wait3A_263 = tpu.memref_slice %arg8[%add3A_125, %dma_wait3A_262] : memref<10240x128xf32, #tpu.memory_space<vmem_shared>> -> memref<128x128xf32, #tpu.memory_space<vmem_shared>>
      %dma_wait3A_264 = arith.constant 0 : i32
      %dma_wait3A_265 = tpu.memref_slice %arg8[%add3A_125, %dma_wait3A_264] : memref<10240x128xf32, #tpu.memory_space<vmem_shared>> -> memref<128x128xf32, #tpu.memory_space<vmem_shared>>
      %dma_wait3A_266 = arith.constant 0 : i32
      %dma_wait3A_267 = arith.constant 0 : i32
      %dma_wait3A_268 = tpu.memref_slice %arg7[%run_scoped3A_126, %dma_wait3A_266, %dma_wait3A_267] : memref<2x128x128xf32, #tpu.memory_space<vmem>> -> memref<1x128x128xf32, #tpu.memory_space<vmem>>
      %dma_wait3A_269 = tpu.memref_squeeze %dma_wait3A_268 : memref<1x128x128xf32, #tpu.memory_space<vmem>> -> memref<128x128xf32, #tpu.memory_space<vmem>>
      tpu.wait_dma2 semaphore(%run_scoped3A_246 : memref<!tpu.dma_semaphore, #tpu.memory_space<semaphore_mem>>) src(%dma_wait3A_269 : memref<128x128xf32, #tpu.memory_space<vmem>>) dst(%dma_wait3A_265 : memref<128x128xf32, #tpu.memory_space<vmem_shared>>)
      tpu.yield
    }) : () -> ()
    %add3A_127 = arith.constant 128 : i32
    %add3A_128 = arith.addi %mul3A_0, %add3A_127 : i32
    %run_scoped3A_129 = arith.constant 0 : i32
    "tpu.region"() ({
      %run_scoped3A_246 = tpu.sem_alloc : memref<!tpu.dma_semaphore, #tpu.memory_space<semaphore_mem>>
      %dma_start3A_247 = arith.constant 0 : i32
      %dma_start3A_248 = arith.constant 0 : i32
      %dma_start3A_249 = tpu.memref_slice %arg7[%run_scoped3A_129, %dma_start3A_247, %dma_start3A_248] : memref<2x128x128xf32, #tpu.memory_space<vmem>> -> memref<1x128x128xf32, #tpu.memory_space<vmem>>
      %dma_start3A_250 = tpu.memref_squeeze %dma_start3A_249 : memref<1x128x128xf32, #tpu.memory_space<vmem>> -> memref<128x128xf32, #tpu.memory_space<vmem>>
      %dma_start3A_251 = arith.constant 0 : i32
      %dma_start3A_252 = tpu.memref_slice %arg8[%add3A_128, %dma_start3A_251] : memref<10240x128xf32, #tpu.memory_space<vmem_shared>> -> memref<128x128xf32, #tpu.memory_space<vmem_shared>>
      %dma_start3A_253 = arith.constant 0 : i32
      %dma_start3A_254 = tpu.memref_slice %arg8[%add3A_128, %dma_start3A_253] : memref<10240x128xf32, #tpu.memory_space<vmem_shared>> -> memref<128x128xf32, #tpu.memory_space<vmem_shared>>
      %dma_start3A_255 = arith.constant 0 : i32
      %dma_start3A_256 = arith.constant 0 : i32
      %dma_start3A_257 = tpu.memref_slice %arg7[%run_scoped3A_129, %dma_start3A_255, %dma_start3A_256] : memref<2x128x128xf32, #tpu.memory_space<vmem>> -> memref<1x128x128xf32, #tpu.memory_space<vmem>>
      %dma_start3A_258 = tpu.memref_squeeze %dma_start3A_257 : memref<1x128x128xf32, #tpu.memory_space<vmem>> -> memref<128x128xf32, #tpu.memory_space<vmem>>
      tpu.enqueue_dma source(%dma_start3A_258 : memref<128x128xf32, #tpu.memory_space<vmem>>) target(%dma_start3A_254 : memref<128x128xf32, #tpu.memory_space<vmem_shared>>) target_semaphore(%run_scoped3A_246 : memref<!tpu.dma_semaphore, #tpu.memory_space<semaphore_mem>>)
      %dma_wait3A = arith.constant 0 : i32
      %dma_wait3A_259 = arith.constant 0 : i32
      %dma_wait3A_260 = tpu.memref_slice %arg7[%run_scoped3A_129, %dma_wait3A, %dma_wait3A_259] : memref<2x128x128xf32, #tpu.memory_space<vmem>> -> memref<1x128x128xf32, #tpu.memory_space<vmem>>
      %dma_wait3A_261 = tpu.memref_squeeze %dma_wait3A_260 : memref<1x128x128xf32, #tpu.memory_space<vmem>> -> memref<128x128xf32, #tpu.memory_space<vmem>>
      %dma_wait3A_262 = arith.constant 0 : i32
      %dma_wait3A_263 = tpu.memref_slice %arg8[%add3A_128, %dma_wait3A_262] : memref<10240x128xf32, #tpu.memory_space<vmem_shared>> -> memref<128x128xf32, #tpu.memory_space<vmem_shared>>
      %dma_wait3A_264 = arith.constant 0 : i32
      %dma_wait3A_265 = tpu.memref_slice %arg8[%add3A_128, %dma_wait3A_264] : memref<10240x128xf32, #tpu.memory_space<vmem_shared>> -> memref<128x128xf32, #tpu.memory_space<vmem_shared>>
      %dma_wait3A_266 = arith.constant 0 : i32
      %dma_wait3A_267 = arith.constant 0 : i32
      %dma_wait3A_268 = tpu.memref_slice %arg7[%run_scoped3A_129, %dma_wait3A_266, %dma_wait3A_267] : memref<2x128x128xf32, #tpu.memory_space<vmem>> -> memref<1x128x128xf32, #tpu.memory_space<vmem>>
      %dma_wait3A_269 = tpu.memref_squeeze %dma_wait3A_268 : memref<1x128x128xf32, #tpu.memory_space<vmem>> -> memref<128x128xf32, #tpu.memory_space<vmem>>
      tpu.wait_dma2 semaphore(%run_scoped3A_246 : memref<!tpu.dma_semaphore, #tpu.memory_space<semaphore_mem>>) src(%dma_wait3A_269 : memref<128x128xf32, #tpu.memory_space<vmem>>) dst(%dma_wait3A_265 : memref<128x128xf32, #tpu.memory_space<vmem_shared>>)
      tpu.yield
    }) : () -> ()
    %add3A_130 = arith.constant 256 : i32
    %add3A_131 = arith.addi %mul3A_0, %add3A_130 : i32
    %run_scoped3A_132 = arith.constant 0 : i32
    "tpu.region"() ({
      %run_scoped3A_246 = tpu.sem_alloc : memref<!tpu.dma_semaphore, #tpu.memory_space<semaphore_mem>>
      %dma_start3A_247 = arith.constant 0 : i32
      %dma_start3A_248 = arith.constant 0 : i32
      %dma_start3A_249 = tpu.memref_slice %arg7[%run_scoped3A_132, %dma_start3A_247, %dma_start3A_248] : memref<2x128x128xf32, #tpu.memory_space<vmem>> -> memref<1x128x128xf32, #tpu.memory_space<vmem>>
      %dma_start3A_250 = tpu.memref_squeeze %dma_start3A_249 : memref<1x128x128xf32, #tpu.memory_space<vmem>> -> memref<128x128xf32, #tpu.memory_space<vmem>>
      %dma_start3A_251 = arith.constant 0 : i32
      %dma_start3A_252 = tpu.memref_slice %arg8[%add3A_131, %dma_start3A_251] : memref<10240x128xf32, #tpu.memory_space<vmem_shared>> -> memref<128x128xf32, #tpu.memory_space<vmem_shared>>
      %dma_start3A_253 = arith.constant 0 : i32
      %dma_start3A_254 = tpu.memref_slice %arg8[%add3A_131, %dma_start3A_253] : memref<10240x128xf32, #tpu.memory_space<vmem_shared>> -> memref<128x128xf32, #tpu.memory_space<vmem_shared>>
      %dma_start3A_255 = arith.constant 0 : i32
      %dma_start3A_256 = arith.constant 0 : i32
      %dma_start3A_257 = tpu.memref_slice %arg7[%run_scoped3A_132, %dma_start3A_255, %dma_start3A_256] : memref<2x128x128xf32, #tpu.memory_space<vmem>> -> memref<1x128x128xf32, #tpu.memory_space<vmem>>
      %dma_start3A_258 = tpu.memref_squeeze %dma_start3A_257 : memref<1x128x128xf32, #tpu.memory_space<vmem>> -> memref<128x128xf32, #tpu.memory_space<vmem>>
      tpu.enqueue_dma source(%dma_start3A_258 : memref<128x128xf32, #tpu.memory_space<vmem>>) target(%dma_start3A_254 : memref<128x128xf32, #tpu.memory_space<vmem_shared>>) target_semaphore(%run_scoped3A_246 : memref<!tpu.dma_semaphore, #tpu.memory_space<semaphore_mem>>)
      %dma_wait3A = arith.constant 0 : i32
      %dma_wait3A_259 = arith.constant 0 : i32
      %dma_wait3A_260 = tpu.memref_slice %arg7[%run_scoped3A_132, %dma_wait3A, %dma_wait3A_259] : memref<2x128x128xf32, #tpu.memory_space<vmem>> -> memref<1x128x128xf32, #tpu.memory_space<vmem>>
      %dma_wait3A_261 = tpu.memref_squeeze %dma_wait3A_260 : memref<1x128x128xf32, #tpu.memory_space<vmem>> -> memref<128x128xf32, #tpu.memory_space<vmem>>
      %dma_wait3A_262 = arith.constant 0 : i32
      %dma_wait3A_263 = tpu.memref_slice %arg8[%add3A_131, %dma_wait3A_262] : memref<10240x128xf32, #tpu.memory_space<vmem_shared>> -> memref<128x128xf32, #tpu.memory_space<vmem_shared>>
      %dma_wait3A_264 = arith.constant 0 : i32
      %dma_wait3A_265 = tpu.memref_slice %arg8[%add3A_131, %dma_wait3A_264] : memref<10240x128xf32, #tpu.memory_space<vmem_shared>> -> memref<128x128xf32, #tpu.memory_space<vmem_shared>>
      %dma_wait3A_266 = arith.constant 0 : i32
      %dma_wait3A_267 = arith.constant 0 : i32
      %dma_wait3A_268 = tpu.memref_slice %arg7[%run_scoped3A_132, %dma_wait3A_266, %dma_wait3A_267] : memref<2x128x128xf32, #tpu.memory_space<vmem>> -> memref<1x128x128xf32, #tpu.memory_space<vmem>>
      %dma_wait3A_269 = tpu.memref_squeeze %dma_wait3A_268 : memref<1x128x128xf32, #tpu.memory_space<vmem>> -> memref<128x128xf32, #tpu.memory_space<vmem>>
      tpu.wait_dma2 semaphore(%run_scoped3A_246 : memref<!tpu.dma_semaphore, #tpu.memory_space<semaphore_mem>>) src(%dma_wait3A_269 : memref<128x128xf32, #tpu.memory_space<vmem>>) dst(%dma_wait3A_265 : memref<128x128xf32, #tpu.memory_space<vmem_shared>>)
      tpu.yield
    }) : () -> ()
    %add3A_133 = arith.constant 384 : i32
    %add3A_134 = arith.addi %mul3A_0, %add3A_133 : i32
    %run_scoped3A_135 = arith.constant 0 : i32
    "tpu.region"() ({
      %run_scoped3A_246 = tpu.sem_alloc : memref<!tpu.dma_semaphore, #tpu.memory_space<semaphore_mem>>
      %dma_start3A_247 = arith.constant 0 : i32
      %dma_start3A_248 = arith.constant 0 : i32
      %dma_start3A_249 = tpu.memref_slice %arg7[%run_scoped3A_135, %dma_start3A_247, %dma_start3A_248] : memref<2x128x128xf32, #tpu.memory_space<vmem>> -> memref<1x128x128xf32, #tpu.memory_space<vmem>>
      %dma_start3A_250 = tpu.memref_squeeze %dma_start3A_249 : memref<1x128x128xf32, #tpu.memory_space<vmem>> -> memref<128x128xf32, #tpu.memory_space<vmem>>
      %dma_start3A_251 = arith.constant 0 : i32
      %dma_start3A_252 = tpu.memref_slice %arg8[%add3A_134, %dma_start3A_251] : memref<10240x128xf32, #tpu.memory_space<vmem_shared>> -> memref<128x128xf32, #tpu.memory_space<vmem_shared>>
      %dma_start3A_253 = arith.constant 0 : i32
      %dma_start3A_254 = tpu.memref_slice %arg8[%add3A_134, %dma_start3A_253] : memref<10240x128xf32, #tpu.memory_space<vmem_shared>> -> memref<128x128xf32, #tpu.memory_space<vmem_shared>>
      %dma_start3A_255 = arith.constant 0 : i32
      %dma_start3A_256 = arith.constant 0 : i32
      %dma_start3A_257 = tpu.memref_slice %arg7[%run_scoped3A_135, %dma_start3A_255, %dma_start3A_256] : memref<2x128x128xf32, #tpu.memory_space<vmem>> -> memref<1x128x128xf32, #tpu.memory_space<vmem>>
      %dma_start3A_258 = tpu.memref_squeeze %dma_start3A_257 : memref<1x128x128xf32, #tpu.memory_space<vmem>> -> memref<128x128xf32, #tpu.memory_space<vmem>>
      tpu.enqueue_dma source(%dma_start3A_258 : memref<128x128xf32, #tpu.memory_space<vmem>>) target(%dma_start3A_254 : memref<128x128xf32, #tpu.memory_space<vmem_shared>>) target_semaphore(%run_scoped3A_246 : memref<!tpu.dma_semaphore, #tpu.memory_space<semaphore_mem>>)
      %dma_wait3A = arith.constant 0 : i32
      %dma_wait3A_259 = arith.constant 0 : i32
      %dma_wait3A_260 = tpu.memref_slice %arg7[%run_scoped3A_135, %dma_wait3A, %dma_wait3A_259] : memref<2x128x128xf32, #tpu.memory_space<vmem>> -> memref<1x128x128xf32, #tpu.memory_space<vmem>>
      %dma_wait3A_261 = tpu.memref_squeeze %dma_wait3A_260 : memref<1x128x128xf32, #tpu.memory_space<vmem>> -> memref<128x128xf32, #tpu.memory_space<vmem>>
      %dma_wait3A_262 = arith.constant 0 : i32
      %dma_wait3A_263 = tpu.memref_slice %arg8[%add3A_134, %dma_wait3A_262] : memref<10240x128xf32, #tpu.memory_space<vmem_shared>> -> memref<128x128xf32, #tpu.memory_space<vmem_shared>>
      %dma_wait3A_264 = arith.constant 0 : i32
      %dma_wait3A_265 = tpu.memref_slice %arg8[%add3A_134, %dma_wait3A_264] : memref<10240x128xf32, #tpu.memory_space<vmem_shared>> -> memref<128x128xf32, #tpu.memory_space<vmem_shared>>
      %dma_wait3A_266 = arith.constant 0 : i32
      %dma_wait3A_267 = arith.constant 0 : i32
      %dma_wait3A_268 = tpu.memref_slice %arg7[%run_scoped3A_135, %dma_wait3A_266, %dma_wait3A_267] : memref<2x128x128xf32, #tpu.memory_space<vmem>> -> memref<1x128x128xf32, #tpu.memory_space<vmem>>
      %dma_wait3A_269 = tpu.memref_squeeze %dma_wait3A_268 : memref<1x128x128xf32, #tpu.memory_space<vmem>> -> memref<128x128xf32, #tpu.memory_space<vmem>>
      tpu.wait_dma2 semaphore(%run_scoped3A_246 : memref<!tpu.dma_semaphore, #tpu.memory_space<semaphore_mem>>) src(%dma_wait3A_269 : memref<128x128xf32, #tpu.memory_space<vmem>>) dst(%dma_wait3A_265 : memref<128x128xf32, #tpu.memory_space<vmem_shared>>)
      tpu.yield
    }) : () -> ()
    %add3A_136 = arith.constant 512 : i32
    %add3A_137 = arith.addi %mul3A_0, %add3A_136 : i32
    %run_scoped3A_138 = arith.constant 0 : i32
    "tpu.region"() ({
      %run_scoped3A_246 = tpu.sem_alloc : memref<!tpu.dma_semaphore, #tpu.memory_space<semaphore_mem>>
      %dma_start3A_247 = arith.constant 0 : i32
      %dma_start3A_248 = arith.constant 0 : i32
      %dma_start3A_249 = tpu.memref_slice %arg7[%run_scoped3A_138, %dma_start3A_247, %dma_start3A_248] : memref<2x128x128xf32, #tpu.memory_space<vmem>> -> memref<1x128x128xf32, #tpu.memory_space<vmem>>
      %dma_start3A_250 = tpu.memref_squeeze %dma_start3A_249 : memref<1x128x128xf32, #tpu.memory_space<vmem>> -> memref<128x128xf32, #tpu.memory_space<vmem>>
      %dma_start3A_251 = arith.constant 0 : i32
      %dma_start3A_252 = tpu.memref_slice %arg8[%add3A_137, %dma_start3A_251] : memref<10240x128xf32, #tpu.memory_space<vmem_shared>> -> memref<128x128xf32, #tpu.memory_space<vmem_shared>>
      %dma_start3A_253 = arith.constant 0 : i32
      %dma_start3A_254 = tpu.memref_slice %arg8[%add3A_137, %dma_start3A_253] : memref<10240x128xf32, #tpu.memory_space<vmem_shared>> -> memref<128x128xf32, #tpu.memory_space<vmem_shared>>
      %dma_start3A_255 = arith.constant 0 : i32
      %dma_start3A_256 = arith.constant 0 : i32
      %dma_start3A_257 = tpu.memref_slice %arg7[%run_scoped3A_138, %dma_start3A_255, %dma_start3A_256] : memref<2x128x128xf32, #tpu.memory_space<vmem>> -> memref<1x128x128xf32, #tpu.memory_space<vmem>>
      %dma_start3A_258 = tpu.memref_squeeze %dma_start3A_257 : memref<1x128x128xf32, #tpu.memory_space<vmem>> -> memref<128x128xf32, #tpu.memory_space<vmem>>
      tpu.enqueue_dma source(%dma_start3A_258 : memref<128x128xf32, #tpu.memory_space<vmem>>) target(%dma_start3A_254 : memref<128x128xf32, #tpu.memory_space<vmem_shared>>) target_semaphore(%run_scoped3A_246 : memref<!tpu.dma_semaphore, #tpu.memory_space<semaphore_mem>>)
      %dma_wait3A = arith.constant 0 : i32
      %dma_wait3A_259 = arith.constant 0 : i32
      %dma_wait3A_260 = tpu.memref_slice %arg7[%run_scoped3A_138, %dma_wait3A, %dma_wait3A_259] : memref<2x128x128xf32, #tpu.memory_space<vmem>> -> memref<1x128x128xf32, #tpu.memory_space<vmem>>
      %dma_wait3A_261 = tpu.memref_squeeze %dma_wait3A_260 : memref<1x128x128xf32, #tpu.memory_space<vmem>> -> memref<128x128xf32, #tpu.memory_space<vmem>>
      %dma_wait3A_262 = arith.constant 0 : i32
      %dma_wait3A_263 = tpu.memref_slice %arg8[%add3A_137, %dma_wait3A_262] : memref<10240x128xf32, #tpu.memory_space<vmem_shared>> -> memref<128x128xf32, #tpu.memory_space<vmem_shared>>
      %dma_wait3A_264 = arith.constant 0 : i32
      %dma_wait3A_265 = tpu.memref_slice %arg8[%add3A_137, %dma_wait3A_264] : memref<10240x128xf32, #tpu.memory_space<vmem_shared>> -> memref<128x128xf32, #tpu.memory_space<vmem_shared>>
      %dma_wait3A_266 = arith.constant 0 : i32
      %dma_wait3A_267 = arith.constant 0 : i32
      %dma_wait3A_268 = tpu.memref_slice %arg7[%run_scoped3A_138, %dma_wait3A_266, %dma_wait3A_267] : memref<2x128x128xf32, #tpu.memory_space<vmem>> -> memref<1x128x128xf32, #tpu.memory_space<vmem>>
      %dma_wait3A_269 = tpu.memref_squeeze %dma_wait3A_268 : memref<1x128x128xf32, #tpu.memory_space<vmem>> -> memref<128x128xf32, #tpu.memory_space<vmem>>
      tpu.wait_dma2 semaphore(%run_scoped3A_246 : memref<!tpu.dma_semaphore, #tpu.memory_space<semaphore_mem>>) src(%dma_wait3A_269 : memref<128x128xf32, #tpu.memory_space<vmem>>) dst(%dma_wait3A_265 : memref<128x128xf32, #tpu.memory_space<vmem_shared>>)
      tpu.yield
    }) : () -> ()
    %barrier3A_139 = arith.constant 0 : index
    tpu.barrier barrier_id(%barrier3A_139)
    %mul3A_140 = arith.constant 160 : i32
    %mul3A_141 = arith.muli %arg1, %mul3A_140 : i32
    %add3A_142 = arith.constant 0 : i32
    %add3A_143 = arith.addi %mul3A_141, %add3A_142 : i32
    %dma_start3A_144 = arith.constant 0 : i32
    %dma_start3A_145 = arith.constant 0 : i32
    %dma_start3A_146 = tpu.memref_slice %arg6[%dma_start3A_144, %dma_start3A_145] : memref<2x128xi32, #tpu.memory_space<vmem>> -> memref<1x128xi32, #tpu.memory_space<vmem>>
    %dma_start3A_147 = tpu.memref_squeeze %dma_start3A_146 : memref<1x128xi32, #tpu.memory_space<vmem>> -> memref<128xi32, #tpu.memory_space<vmem>>
    %dma_start3A_148 = arith.constant 0 : i32
    %dma_start3A_149 = tpu.memref_slice %arg3[%add3A_143, %dma_start3A_148] : memref<2560x128xi32, #tpu.memory_space<hbm>> -> memref<1x128xi32, #tpu.memory_space<hbm>>
    %dma_start3A_150 = tpu.memref_squeeze %dma_start3A_149 : memref<1x128xi32, #tpu.memory_space<hbm>> -> memref<128xi32, #tpu.memory_space<hbm>>
    %dma_start3A_151 = arith.constant 0 : i32
    %dma_start3A_152 = tpu.memref_slice %arg6[%dma_start3A_144, %dma_start3A_151] : memref<2x128xi32, #tpu.memory_space<vmem>> -> memref<1x128xi32, #tpu.memory_space<vmem>>
    %dma_start3A_153 = tpu.memref_squeeze %dma_start3A_152 : memref<1x128xi32, #tpu.memory_space<vmem>> -> memref<128xi32, #tpu.memory_space<vmem>>
    %dma_start3A_154 = arith.constant 0 : i32
    %dma_start3A_155 = tpu.memref_slice %arg3[%add3A_143, %dma_start3A_154] : memref<2560x128xi32, #tpu.memory_space<hbm>> -> memref<1x128xi32, #tpu.memory_space<hbm>>
    %dma_start3A_156 = tpu.memref_squeeze %dma_start3A_155 : memref<1x128xi32, #tpu.memory_space<hbm>> -> memref<128xi32, #tpu.memory_space<hbm>>
    tpu.enqueue_dma source(%dma_start3A_156 : memref<128xi32, #tpu.memory_space<hbm>>) target(%dma_start3A_153 : memref<128xi32, #tpu.memory_space<vmem>>) target_semaphore(%arg9 : memref<!tpu.dma_semaphore, #tpu.memory_space<semaphore_mem>>)
    %mul3A_157 = arith.constant 128 : i32
    %mul3A_158 = arith.muli %add3A_143, %mul3A_157 : i32
    %dma_start3A_159 = arith.constant 0 : i32
    %dma_start3A_160 = arith.constant 0 : i32
    %dma_start3A_161 = arith.constant 0 : i32
    %dma_start3A_162 = tpu.memref_slice %arg7[%dma_start3A_159, %dma_start3A_160, %dma_start3A_161] : memref<2x128x128xf32, #tpu.memory_space<vmem>> -> memref<1x128x128xf32, #tpu.memory_space<vmem>>
    %dma_start3A_163 = tpu.memref_squeeze %dma_start3A_162 : memref<1x128x128xf32, #tpu.memory_space<vmem>> -> memref<128x128xf32, #tpu.memory_space<vmem>>
    %dma_start3A_164 = arith.constant 0 : i32
    %dma_start3A_165 = tpu.memref_slice %arg2[%add3A_122, %mul3A_158, %dma_start3A_164] : memref<4x327680x128xf32, #tpu.memory_space<hbm>> -> memref<1x128x128xf32, #tpu.memory_space<hbm>>
    %dma_start3A_166 = tpu.memref_squeeze %dma_start3A_165 : memref<1x128x128xf32, #tpu.memory_space<hbm>> -> memref<128x128xf32, #tpu.memory_space<hbm>>
    %dma_start3A_167 = arith.constant 0 : i32
    %dma_start3A_168 = arith.constant 0 : i32
    %dma_start3A_169 = tpu.memref_slice %arg7[%dma_start3A_159, %dma_start3A_167, %dma_start3A_168] : memref<2x128x128xf32, #tpu.memory_space<vmem>> -> memref<1x128x128xf32, #tpu.memory_space<vmem>>
    %dma_start3A_170 = tpu.memref_squeeze %dma_start3A_169 : memref<1x128x128xf32, #tpu.memory_space<vmem>> -> memref<128x128xf32, #tpu.memory_space<vmem>>
    %dma_start3A_171 = arith.constant 0 : i32
    %dma_start3A_172 = tpu.memref_slice %arg2[%add3A_122, %mul3A_158, %dma_start3A_171] : memref<4x327680x128xf32, #tpu.memory_space<hbm>> -> memref<1x128x128xf32, #tpu.memory_space<hbm>>
    %dma_start3A_173 = tpu.memref_squeeze %dma_start3A_172 : memref<1x128x128xf32, #tpu.memory_space<hbm>> -> memref<128x128xf32, #tpu.memory_space<hbm>>
    tpu.enqueue_dma source(%dma_start3A_173 : memref<128x128xf32, #tpu.memory_space<hbm>>) target(%dma_start3A_170 : memref<128x128xf32, #tpu.memory_space<vmem>>) target_semaphore(%arg9 : memref<!tpu.dma_semaphore, #tpu.memory_space<semaphore_mem>>)
    %mul3A_174 = arith.constant 160 : i32
    %mul3A_175 = arith.muli %arg1, %mul3A_174 : i32
    %add3A_176 = arith.constant 1 : i32
    %add3A_177 = arith.addi %mul3A_175, %add3A_176 : i32
    %dma_start3A_178 = arith.constant 1 : i32
    %dma_start3A_179 = arith.constant 0 : i32
    %dma_start3A_180 = tpu.memref_slice %arg6[%dma_start3A_178, %dma_start3A_179] : memref<2x128xi32, #tpu.memory_space<vmem>> -> memref<1x128xi32, #tpu.memory_space<vmem>>
    %dma_start3A_181 = tpu.memref_squeeze %dma_start3A_180 : memref<1x128xi32, #tpu.memory_space<vmem>> -> memref<128xi32, #tpu.memory_space<vmem>>
    %dma_start3A_182 = arith.constant 0 : i32
    %dma_start3A_183 = tpu.memref_slice %arg3[%add3A_177, %dma_start3A_182] : memref<2560x128xi32, #tpu.memory_space<hbm>> -> memref<1x128xi32, #tpu.memory_space<hbm>>
    %dma_start3A_184 = tpu.memref_squeeze %dma_start3A_183 : memref<1x128xi32, #tpu.memory_space<hbm>> -> memref<128xi32, #tpu.memory_space<hbm>>
    %dma_start3A_185 = arith.constant 0 : i32
    %dma_start3A_186 = tpu.memref_slice %arg6[%dma_start3A_178, %dma_start3A_185] : memref<2x128xi32, #tpu.memory_space<vmem>> -> memref<1x128xi32, #tpu.memory_space<vmem>>
    %dma_start3A_187 = tpu.memref_squeeze %dma_start3A_186 : memref<1x128xi32, #tpu.memory_space<vmem>> -> memref<128xi32, #tpu.memory_space<vmem>>
    %dma_start3A_188 = arith.constant 0 : i32
    %dma_start3A_189 = tpu.memref_slice %arg3[%add3A_177, %dma_start3A_188] : memref<2560x128xi32, #tpu.memory_space<hbm>> -> memref<1x128xi32, #tpu.memory_space<hbm>>
    %dma_start3A_190 = tpu.memref_squeeze %dma_start3A_189 : memref<1x128xi32, #tpu.memory_space<hbm>> -> memref<128xi32, #tpu.memory_space<hbm>>
    tpu.enqueue_dma source(%dma_start3A_190 : memref<128xi32, #tpu.memory_space<hbm>>) target(%dma_start3A_187 : memref<128xi32, #tpu.memory_space<vmem>>) target_semaphore(%arg10 : memref<!tpu.dma_semaphore, #tpu.memory_space<semaphore_mem>>)
    %mul3A_191 = arith.constant 128 : i32
    %mul3A_192 = arith.muli %add3A_177, %mul3A_191 : i32
    %dma_start3A_193 = arith.constant 1 : i32
    %dma_start3A_194 = arith.constant 0 : i32
    %dma_start3A_195 = arith.constant 0 : i32
    %dma_start3A_196 = tpu.memref_slice %arg7[%dma_start3A_193, %dma_start3A_194, %dma_start3A_195] : memref<2x128x128xf32, #tpu.memory_space<vmem>> -> memref<1x128x128xf32, #tpu.memory_space<vmem>>
    %dma_start3A_197 = tpu.memref_squeeze %dma_start3A_196 : memref<1x128x128xf32, #tpu.memory_space<vmem>> -> memref<128x128xf32, #tpu.memory_space<vmem>>
    %dma_start3A_198 = arith.constant 0 : i32
    %dma_start3A_199 = tpu.memref_slice %arg2[%add3A_122, %mul3A_192, %dma_start3A_198] : memref<4x327680x128xf32, #tpu.memory_space<hbm>> -> memref<1x128x128xf32, #tpu.memory_space<hbm>>
    %dma_start3A_200 = tpu.memref_squeeze %dma_start3A_199 : memref<1x128x128xf32, #tpu.memory_space<hbm>> -> memref<128x128xf32, #tpu.memory_space<hbm>>
    %dma_start3A_201 = arith.constant 0 : i32
    %dma_start3A_202 = arith.constant 0 : i32
    %dma_start3A_203 = tpu.memref_slice %arg7[%dma_start3A_193, %dma_start3A_201, %dma_start3A_202] : memref<2x128x128xf32, #tpu.memory_space<vmem>> -> memref<1x128x128xf32, #tpu.memory_space<vmem>>
    %dma_start3A_204 = tpu.memref_squeeze %dma_start3A_203 : memref<1x128x128xf32, #tpu.memory_space<vmem>> -> memref<128x128xf32, #tpu.memory_space<vmem>>
    %dma_start3A_205 = arith.constant 0 : i32
    %dma_start3A_206 = tpu.memref_slice %arg2[%add3A_122, %mul3A_192, %dma_start3A_205] : memref<4x327680x128xf32, #tpu.memory_space<hbm>> -> memref<1x128x128xf32, #tpu.memory_space<hbm>>
    %dma_start3A_207 = tpu.memref_squeeze %dma_start3A_206 : memref<1x128x128xf32, #tpu.memory_space<hbm>> -> memref<128x128xf32, #tpu.memory_space<hbm>>
    tpu.enqueue_dma source(%dma_start3A_207 : memref<128x128xf32, #tpu.memory_space<hbm>>) target(%dma_start3A_204 : memref<128x128xf32, #tpu.memory_space<vmem>>) target_semaphore(%arg10 : memref<!tpu.dma_semaphore, #tpu.memory_space<semaphore_mem>>)
    %scan3A_208 = arith.constant 0 : i32
    %scan3A_209 = arith.constant 0 : i32
    %scan3A_210 = arith.constant 80 : i32
    %scan3A_211 = arith.addi %scan3A_209, %scan3A_210 : i32
    %scan3A_212 = arith.constant 1 : i32
    scf.for %scan3A_246 = %scan3A_209 to %scan3A_211 step %scan3A_212  : i32 {
      %mul3A_247 = arith.constant 2 : i32
      %mul3A_248 = arith.muli %scan3A_246, %mul3A_247 : i32
      %add3A_249 = arith.constant 0 : i32
      %add3A_250 = arith.addi %mul3A_248, %add3A_249 : i32
      %dma_wait3A = arith.constant 0 : i32
      %dma_wait3A_251 = arith.constant 0 : i32
      %dma_wait3A_252 = arith.constant 0 : i32
      %dma_wait3A_253 = tpu.memref_slice %arg6[%dma_wait3A_251, %dma_wait3A_252] : memref<2x128xi32, #tpu.memory_space<vmem>> -> memref<1x128xi32, #tpu.memory_space<vmem>>
      %dma_wait3A_254 = tpu.memref_squeeze %dma_wait3A_253 : memref<1x128xi32, #tpu.memory_space<vmem>> -> memref<128xi32, #tpu.memory_space<vmem>>
      %dma_wait3A_255 = arith.constant 0 : i32
      %dma_wait3A_256 = tpu.memref_slice %arg3[%dma_wait3A, %dma_wait3A_255] : memref<2560x128xi32, #tpu.memory_space<hbm>> -> memref<1x128xi32, #tpu.memory_space<hbm>>
      %dma_wait3A_257 = tpu.memref_squeeze %dma_wait3A_256 : memref<1x128xi32, #tpu.memory_space<hbm>> -> memref<128xi32, #tpu.memory_space<hbm>>
      %dma_wait3A_258 = arith.constant 0 : i32
      %dma_wait3A_259 = tpu.memref_slice %arg6[%dma_wait3A_251, %dma_wait3A_258] : memref<2x128xi32, #tpu.memory_space<vmem>> -> memref<1x128xi32, #tpu.memory_space<vmem>>
      %dma_wait3A_260 = tpu.memref_squeeze %dma_wait3A_259 : memref<1x128xi32, #tpu.memory_space<vmem>> -> memref<128xi32, #tpu.memory_space<vmem>>
      %dma_wait3A_261 = arith.constant 0 : i32
      %dma_wait3A_262 = tpu.memref_slice %arg3[%dma_wait3A, %dma_wait3A_261] : memref<2560x128xi32, #tpu.memory_space<hbm>> -> memref<1x128xi32, #tpu.memory_space<hbm>>
      %dma_wait3A_263 = tpu.memref_squeeze %dma_wait3A_262 : memref<1x128xi32, #tpu.memory_space<hbm>> -> memref<128xi32, #tpu.memory_space<hbm>>
      tpu.wait_dma2 semaphore(%arg9 : memref<!tpu.dma_semaphore, #tpu.memory_space<semaphore_mem>>) src(%dma_wait3A_263 : memref<128xi32, #tpu.memory_space<hbm>>) dst(%dma_wait3A_260 : memref<128xi32, #tpu.memory_space<vmem>>)
      %dma_wait3A_264 = arith.constant 0 : i32
      %dma_wait3A_265 = arith.constant 0 : i32
      %dma_wait3A_266 = arith.constant 0 : i32
      %dma_wait3A_267 = tpu.memref_slice %arg7[%dma_wait3A_264, %dma_wait3A_265, %dma_wait3A_266] : memref<2x128x128xf32, #tpu.memory_space<vmem>> -> memref<1x128x128xf32, #tpu.memory_space<vmem>>
      %dma_wait3A_268 = tpu.memref_squeeze %dma_wait3A_267 : memref<1x128x128xf32, #tpu.memory_space<vmem>> -> memref<128x128xf32, #tpu.memory_space<vmem>>
      %dma_wait3A_269 = arith.constant 0 : i32
      %dma_wait3A_270 = arith.constant 0 : i32
      %dma_wait3A_271 = tpu.memref_slice %arg2[%add3A_122, %dma_wait3A_269, %dma_wait3A_270] : memref<4x327680x128xf32, #tpu.memory_space<hbm>> -> memref<1x128x128xf32, #tpu.memory_space<hbm>>
      %dma_wait3A_272 = tpu.memref_squeeze %dma_wait3A_271 : memref<1x128x128xf32, #tpu.memory_space<hbm>> -> memref<128x128xf32, #tpu.memory_space<hbm>>
      %dma_wait3A_273 = arith.constant 0 : i32
      %dma_wait3A_274 = arith.constant 0 : i32
      %dma_wait3A_275 = tpu.memref_slice %arg7[%dma_wait3A_264, %dma_wait3A_273, %dma_wait3A_274] : memref<2x128x128xf32, #tpu.memory_space<vmem>> -> memref<1x128x128xf32, #tpu.memory_space<vmem>>
      %dma_wait3A_276 = tpu.memref_squeeze %dma_wait3A_275 : memref<1x128x128xf32, #tpu.memory_space<vmem>> -> memref<128x128xf32, #tpu.memory_space<vmem>>
      %dma_wait3A_277 = arith.constant 0 : i32
      %dma_wait3A_278 = arith.constant 0 : i32
      %dma_wait3A_279 = tpu.memref_slice %arg2[%add3A_122, %dma_wait3A_277, %dma_wait3A_278] : memref<4x327680x128xf32, #tpu.memory_space<hbm>> -> memref<1x128x128xf32, #tpu.memory_space<hbm>>
      %dma_wait3A_280 = tpu.memref_squeeze %dma_wait3A_279 : memref<1x128x128xf32, #tpu.memory_space<hbm>> -> memref<128x128xf32, #tpu.memory_space<hbm>>
      tpu.wait_dma2 semaphore(%arg9 : memref<!tpu.dma_semaphore, #tpu.memory_space<semaphore_mem>>) src(%dma_wait3A_280 : memref<128x128xf32, #tpu.memory_space<hbm>>) dst(%dma_wait3A_276 : memref<128x128xf32, #tpu.memory_space<vmem>>)
      %dma_start3A_281 = arith.constant 0 : i32
      %dma_start3A_282 = arith.constant 0 : i32
      %dma_start3A_283 = arith.constant 0 : i32
      %dma_start3A_284 = arith.constant 0 : i32
      %dma_start3A_285 = tpu.memref_slice %arg7[%dma_start3A_281, %dma_start3A_283, %dma_start3A_284] : memref<2x128x128xf32, #tpu.memory_space<vmem>> -> memref<1x128x128xf32, #tpu.memory_space<vmem>>
      %dma_start3A_286 = tpu.memref_squeeze %dma_start3A_285 : memref<1x128x128xf32, #tpu.memory_space<vmem>> -> memref<128x128xf32, #tpu.memory_space<vmem>>
      %dma_start3A_287 = arith.constant 0 : i32
      %dma_start3A_288 = tpu.memref_slice %arg6[%dma_start3A_282, %dma_start3A_287] : memref<2x128xi32, #tpu.memory_space<vmem>> -> memref<1x128xi32, #tpu.memory_space<vmem>>
      %dma_start3A_289 = tpu.memref_squeeze %dma_start3A_288 : memref<1x128xi32, #tpu.memory_space<vmem>> -> memref<128xi32, #tpu.memory_space<vmem>>
      %dma_start3A_290 = arith.constant 0 : i32
      %dma_start3A_291 = arith.constant 0 : i32
      %dma_start3A_292 = tpu.memref_slice %arg8[%dma_start3A_290, %dma_start3A_291] : memref<10240x128xf32, #tpu.memory_space<vmem_shared>> -> memref<10240x128xf32, #tpu.memory_space<vmem_shared>>
      tpu.enqueue_indirect_dma source(%dma_start3A_286 : memref<128x128xf32, #tpu.memory_space<vmem>>) target(%dma_start3A_292 : memref<10240x128xf32, #tpu.memory_space<vmem_shared>>) offsets(%dma_start3A_289 : memref<128xi32, #tpu.memory_space<vmem>>) semaphore(%arg11 : memref<!tpu.dma_semaphore, #tpu.memory_space<semaphore_mem>>) {add = true}
      %dma_wait3A_293 = arith.constant 0 : i32
      %dma_wait3A_294 = arith.constant 0 : i32
      %dma_wait3A_295 = arith.constant 0 : i32
      %dma_wait3A_296 = arith.constant 0 : i32
      %dma_wait3A_297 = tpu.memref_slice %arg7[%dma_wait3A_293, %dma_wait3A_295, %dma_wait3A_296] : memref<2x128x128xf32, #tpu.memory_space<vmem>> -> memref<1x128x128xf32, #tpu.memory_space<vmem>>
      %dma_wait3A_298 = tpu.memref_squeeze %dma_wait3A_297 : memref<1x128x128xf32, #tpu.memory_space<vmem>> -> memref<128x128xf32, #tpu.memory_space<vmem>>
      %dma_wait3A_299 = arith.constant 0 : i32
      %dma_wait3A_300 = tpu.memref_slice %arg6[%dma_wait3A_294, %dma_wait3A_299] : memref<2x128xi32, #tpu.memory_space<vmem>> -> memref<1x128xi32, #tpu.memory_space<vmem>>
      %dma_wait3A_301 = tpu.memref_squeeze %dma_wait3A_300 : memref<1x128xi32, #tpu.memory_space<vmem>> -> memref<128xi32, #tpu.memory_space<vmem>>
      %dma_wait3A_302 = arith.constant 0 : i32
      %dma_wait3A_303 = arith.constant 0 : i32
      %dma_wait3A_304 = tpu.memref_slice %arg8[%dma_wait3A_302, %dma_wait3A_303] : memref<10240x128xf32, #tpu.memory_space<vmem_shared>> -> memref<10240x128xf32, #tpu.memory_space<vmem_shared>>
      tpu.wait_indirect_dma semaphore(%arg11 : memref<!tpu.dma_semaphore, #tpu.memory_space<semaphore_mem>>) src(%dma_wait3A_298 : memref<128x128xf32, #tpu.memory_space<vmem>>) dst(%dma_wait3A_304 : memref<10240x128xf32, #tpu.memory_space<vmem_shared>>)
      %add3A_305 = arith.constant 2 : i32
      %add3A_306 = arith.addi %add3A_250, %add3A_305 : i32
      %lt3A = arith.constant 160 : i32
      %lt3A_307 = arith.cmpi slt, %add3A_306, %lt3A : i32
      %convert_element_type3A = arith.extui %lt3A_307 : i1 to i32
      %cond3A = arith.constant 0 : i32
      %cond3A_308 = arith.cmpi ne, %convert_element_type3A, %cond3A : i32
      scf.if %cond3A_308 {
        %add3A_375 = arith.constant 2 : i32
        %add3A_376 = arith.addi %add3A_250, %add3A_375 : i32
        %mul3A_377 = arith.constant 160 : i32
        %mul3A_378 = arith.muli %arg1, %mul3A_377 : i32
        %add3A_379 = arith.addi %mul3A_378, %add3A_376 : i32
        %dma_start3A_380 = arith.constant 0 : i32
        %dma_start3A_381 = arith.constant 0 : i32
        %dma_start3A_382 = tpu.memref_slice %arg6[%dma_start3A_380, %dma_start3A_381] : memref<2x128xi32, #tpu.memory_space<vmem>> -> memref<1x128xi32, #tpu.memory_space<vmem>>
        %dma_start3A_383 = tpu.memref_squeeze %dma_start3A_382 : memref<1x128xi32, #tpu.memory_space<vmem>> -> memref<128xi32, #tpu.memory_space<vmem>>
        %dma_start3A_384 = arith.constant 0 : i32
        %dma_start3A_385 = tpu.memref_slice %arg3[%add3A_379, %dma_start3A_384] : memref<2560x128xi32, #tpu.memory_space<hbm>> -> memref<1x128xi32, #tpu.memory_space<hbm>>
        %dma_start3A_386 = tpu.memref_squeeze %dma_start3A_385 : memref<1x128xi32, #tpu.memory_space<hbm>> -> memref<128xi32, #tpu.memory_space<hbm>>
        %dma_start3A_387 = arith.constant 0 : i32
        %dma_start3A_388 = tpu.memref_slice %arg6[%dma_start3A_380, %dma_start3A_387] : memref<2x128xi32, #tpu.memory_space<vmem>> -> memref<1x128xi32, #tpu.memory_space<vmem>>
        %dma_start3A_389 = tpu.memref_squeeze %dma_start3A_388 : memref<1x128xi32, #tpu.memory_space<vmem>> -> memref<128xi32, #tpu.memory_space<vmem>>
        %dma_start3A_390 = arith.constant 0 : i32
        %dma_start3A_391 = tpu.memref_slice %arg3[%add3A_379, %dma_start3A_390] : memref<2560x128xi32, #tpu.memory_space<hbm>> -> memref<1x128xi32, #tpu.memory_space<hbm>>
        %dma_start3A_392 = tpu.memref_squeeze %dma_start3A_391 : memref<1x128xi32, #tpu.memory_space<hbm>> -> memref<128xi32, #tpu.memory_space<hbm>>
        tpu.enqueue_dma source(%dma_start3A_392 : memref<128xi32, #tpu.memory_space<hbm>>) target(%dma_start3A_389 : memref<128xi32, #tpu.memory_space<vmem>>) target_semaphore(%arg9 : memref<!tpu.dma_semaphore, #tpu.memory_space<semaphore_mem>>)
        %mul3A_393 = arith.constant 128 : i32
        %mul3A_394 = arith.muli %add3A_379, %mul3A_393 : i32
        %dma_start3A_395 = arith.constant 0 : i32
        %dma_start3A_396 = arith.constant 0 : i32
        %dma_start3A_397 = arith.constant 0 : i32
        %dma_start3A_398 = tpu.memref_slice %arg7[%dma_start3A_395, %dma_start3A_396, %dma_start3A_397] : memref<2x128x128xf32, #tpu.memory_space<vmem>> -> memref<1x128x128xf32, #tpu.memory_space<vmem>>
        %dma_start3A_399 = tpu.memref_squeeze %dma_start3A_398 : memref<1x128x128xf32, #tpu.memory_space<vmem>> -> memref<128x128xf32, #tpu.memory_space<vmem>>
        %dma_start3A_400 = arith.constant 0 : i32
        %dma_start3A_401 = tpu.memref_slice %arg2[%add3A_122, %mul3A_394, %dma_start3A_400] : memref<4x327680x128xf32, #tpu.memory_space<hbm>> -> memref<1x128x128xf32, #tpu.memory_space<hbm>>
        %dma_start3A_402 = tpu.memref_squeeze %dma_start3A_401 : memref<1x128x128xf32, #tpu.memory_space<hbm>> -> memref<128x128xf32, #tpu.memory_space<hbm>>
        %dma_start3A_403 = arith.constant 0 : i32
        %dma_start3A_404 = arith.constant 0 : i32
        %dma_start3A_405 = tpu.memref_slice %arg7[%dma_start3A_395, %dma_start3A_403, %dma_start3A_404] : memref<2x128x128xf32, #tpu.memory_space<vmem>> -> memref<1x128x128xf32, #tpu.memory_space<vmem>>
        %dma_start3A_406 = tpu.memref_squeeze %dma_start3A_405 : memref<1x128x128xf32, #tpu.memory_space<vmem>> -> memref<128x128xf32, #tpu.memory_space<vmem>>
        %dma_start3A_407 = arith.constant 0 : i32
        %dma_start3A_408 = tpu.memref_slice %arg2[%add3A_122, %mul3A_394, %dma_start3A_407] : memref<4x327680x128xf32, #tpu.memory_space<hbm>> -> memref<1x128x128xf32, #tpu.memory_space<hbm>>
        %dma_start3A_409 = tpu.memref_squeeze %dma_start3A_408 : memref<1x128x128xf32, #tpu.memory_space<hbm>> -> memref<128x128xf32, #tpu.memory_space<hbm>>
        tpu.enqueue_dma source(%dma_start3A_409 : memref<128x128xf32, #tpu.memory_space<hbm>>) target(%dma_start3A_406 : memref<128x128xf32, #tpu.memory_space<vmem>>) target_semaphore(%arg9 : memref<!tpu.dma_semaphore, #tpu.memory_space<semaphore_mem>>)
      } else {
      }
      %mul3A_309 = arith.constant 2 : i32
      %mul3A_310 = arith.muli %scan3A_246, %mul3A_309 : i32
      %add3A_311 = arith.constant 1 : i32
      %add3A_312 = arith.addi %mul3A_310, %add3A_311 : i32
      %dma_wait3A_313 = arith.constant 0 : i32
      %dma_wait3A_314 = arith.constant 1 : i32
      %dma_wait3A_315 = arith.constant 0 : i32
      %dma_wait3A_316 = tpu.memref_slice %arg6[%dma_wait3A_314, %dma_wait3A_315] : memref<2x128xi32, #tpu.memory_space<vmem>> -> memref<1x128xi32, #tpu.memory_space<vmem>>
      %dma_wait3A_317 = tpu.memref_squeeze %dma_wait3A_316 : memref<1x128xi32, #tpu.memory_space<vmem>> -> memref<128xi32, #tpu.memory_space<vmem>>
      %dma_wait3A_318 = arith.constant 0 : i32
      %dma_wait3A_319 = tpu.memref_slice %arg3[%dma_wait3A_313, %dma_wait3A_318] : memref<2560x128xi32, #tpu.memory_space<hbm>> -> memref<1x128xi32, #tpu.memory_space<hbm>>
      %dma_wait3A_320 = tpu.memref_squeeze %dma_wait3A_319 : memref<1x128xi32, #tpu.memory_space<hbm>> -> memref<128xi32, #tpu.memory_space<hbm>>
      %dma_wait3A_321 = arith.constant 0 : i32
      %dma_wait3A_322 = tpu.memref_slice %arg6[%dma_wait3A_314, %dma_wait3A_321] : memref<2x128xi32, #tpu.memory_space<vmem>> -> memref<1x128xi32, #tpu.memory_space<vmem>>
      %dma_wait3A_323 = tpu.memref_squeeze %dma_wait3A_322 : memref<1x128xi32, #tpu.memory_space<vmem>> -> memref<128xi32, #tpu.memory_space<vmem>>
      %dma_wait3A_324 = arith.constant 0 : i32
      %dma_wait3A_325 = tpu.memref_slice %arg3[%dma_wait3A_313, %dma_wait3A_324] : memref<2560x128xi32, #tpu.memory_space<hbm>> -> memref<1x128xi32, #tpu.memory_space<hbm>>
      %dma_wait3A_326 = tpu.memref_squeeze %dma_wait3A_325 : memref<1x128xi32, #tpu.memory_space<hbm>> -> memref<128xi32, #tpu.memory_space<hbm>>
      tpu.wait_dma2 semaphore(%arg10 : memref<!tpu.dma_semaphore, #tpu.memory_space<semaphore_mem>>) src(%dma_wait3A_326 : memref<128xi32, #tpu.memory_space<hbm>>) dst(%dma_wait3A_323 : memref<128xi32, #tpu.memory_space<vmem>>)
      %dma_wait3A_327 = arith.constant 1 : i32
      %dma_wait3A_328 = arith.constant 0 : i32
      %dma_wait3A_329 = arith.constant 0 : i32
      %dma_wait3A_330 = tpu.memref_slice %arg7[%dma_wait3A_327, %dma_wait3A_328, %dma_wait3A_329] : memref<2x128x128xf32, #tpu.memory_space<vmem>> -> memref<1x128x128xf32, #tpu.memory_space<vmem>>
      %dma_wait3A_331 = tpu.memref_squeeze %dma_wait3A_330 : memref<1x128x128xf32, #tpu.memory_space<vmem>> -> memref<128x128xf32, #tpu.memory_space<vmem>>
      %dma_wait3A_332 = arith.constant 0 : i32
      %dma_wait3A_333 = arith.constant 0 : i32
      %dma_wait3A_334 = tpu.memref_slice %arg2[%add3A_122, %dma_wait3A_332, %dma_wait3A_333] : memref<4x327680x128xf32, #tpu.memory_space<hbm>> -> memref<1x128x128xf32, #tpu.memory_space<hbm>>
      %dma_wait3A_335 = tpu.memref_squeeze %dma_wait3A_334 : memref<1x128x128xf32, #tpu.memory_space<hbm>> -> memref<128x128xf32, #tpu.memory_space<hbm>>
      %dma_wait3A_336 = arith.constant 0 : i32
      %dma_wait3A_337 = arith.constant 0 : i32
      %dma_wait3A_338 = tpu.memref_slice %arg7[%dma_wait3A_327, %dma_wait3A_336, %dma_wait3A_337] : memref<2x128x128xf32, #tpu.memory_space<vmem>> -> memref<1x128x128xf32, #tpu.memory_space<vmem>>
      %dma_wait3A_339 = tpu.memref_squeeze %dma_wait3A_338 : memref<1x128x128xf32, #tpu.memory_space<vmem>> -> memref<128x128xf32, #tpu.memory_space<vmem>>
      %dma_wait3A_340 = arith.constant 0 : i32
      %dma_wait3A_341 = arith.constant 0 : i32
      %dma_wait3A_342 = tpu.memref_slice %arg2[%add3A_122, %dma_wait3A_340, %dma_wait3A_341] : memref<4x327680x128xf32, #tpu.memory_space<hbm>> -> memref<1x128x128xf32, #tpu.memory_space<hbm>>
      %dma_wait3A_343 = tpu.memref_squeeze %dma_wait3A_342 : memref<1x128x128xf32, #tpu.memory_space<hbm>> -> memref<128x128xf32, #tpu.memory_space<hbm>>
      tpu.wait_dma2 semaphore(%arg10 : memref<!tpu.dma_semaphore, #tpu.memory_space<semaphore_mem>>) src(%dma_wait3A_343 : memref<128x128xf32, #tpu.memory_space<hbm>>) dst(%dma_wait3A_339 : memref<128x128xf32, #tpu.memory_space<vmem>>)
      %dma_start3A_344 = arith.constant 1 : i32
      %dma_start3A_345 = arith.constant 1 : i32
      %dma_start3A_346 = arith.constant 0 : i32
      %dma_start3A_347 = arith.constant 0 : i32
      %dma_start3A_348 = tpu.memref_slice %arg7[%dma_start3A_344, %dma_start3A_346, %dma_start3A_347] : memref<2x128x128xf32, #tpu.memory_space<vmem>> -> memref<1x128x128xf32, #tpu.memory_space<vmem>>
      %dma_start3A_349 = tpu.memref_squeeze %dma_start3A_348 : memref<1x128x128xf32, #tpu.memory_space<vmem>> -> memref<128x128xf32, #tpu.memory_space<vmem>>
      %dma_start3A_350 = arith.constant 0 : i32
      %dma_start3A_351 = tpu.memref_slice %arg6[%dma_start3A_345, %dma_start3A_350] : memref<2x128xi32, #tpu.memory_space<vmem>> -> memref<1x128xi32, #tpu.memory_space<vmem>>
      %dma_start3A_352 = tpu.memref_squeeze %dma_start3A_351 : memref<1x128xi32, #tpu.memory_space<vmem>> -> memref<128xi32, #tpu.memory_space<vmem>>
      %dma_start3A_353 = arith.constant 0 : i32
      %dma_start3A_354 = arith.constant 0 : i32
      %dma_start3A_355 = tpu.memref_slice %arg8[%dma_start3A_353, %dma_start3A_354] : memref<10240x128xf32, #tpu.memory_space<vmem_shared>> -> memref<10240x128xf32, #tpu.memory_space<vmem_shared>>
      tpu.enqueue_indirect_dma source(%dma_start3A_349 : memref<128x128xf32, #tpu.memory_space<vmem>>) target(%dma_start3A_355 : memref<10240x128xf32, #tpu.memory_space<vmem_shared>>) offsets(%dma_start3A_352 : memref<128xi32, #tpu.memory_space<vmem>>) semaphore(%arg12 : memref<!tpu.dma_semaphore, #tpu.memory_space<semaphore_mem>>) {add = true}
      %dma_wait3A_356 = arith.constant 1 : i32
      %dma_wait3A_357 = arith.constant 1 : i32
      %dma_wait3A_358 = arith.constant 0 : i32
      %dma_wait3A_359 = arith.constant 0 : i32
      %dma_wait3A_360 = tpu.memref_slice %arg7[%dma_wait3A_356, %dma_wait3A_358, %dma_wait3A_359] : memref<2x128x128xf32, #tpu.memory_space<vmem>> -> memref<1x128x128xf32, #tpu.memory_space<vmem>>
      %dma_wait3A_361 = tpu.memref_squeeze %dma_wait3A_360 : memref<1x128x128xf32, #tpu.memory_space<vmem>> -> memref<128x128xf32, #tpu.memory_space<vmem>>
      %dma_wait3A_362 = arith.constant 0 : i32
      %dma_wait3A_363 = tpu.memref_slice %arg6[%dma_wait3A_357, %dma_wait3A_362] : memref<2x128xi32, #tpu.memory_space<vmem>> -> memref<1x128xi32, #tpu.memory_space<vmem>>
      %dma_wait3A_364 = tpu.memref_squeeze %dma_wait3A_363 : memref<1x128xi32, #tpu.memory_space<vmem>> -> memref<128xi32, #tpu.memory_space<vmem>>
      %dma_wait3A_365 = arith.constant 0 : i32
      %dma_wait3A_366 = arith.constant 0 : i32
      %dma_wait3A_367 = tpu.memref_slice %arg8[%dma_wait3A_365, %dma_wait3A_366] : memref<10240x128xf32, #tpu.memory_space<vmem_shared>> -> memref<10240x128xf32, #tpu.memory_space<vmem_shared>>
      tpu.wait_indirect_dma semaphore(%arg12 : memref<!tpu.dma_semaphore, #tpu.memory_space<semaphore_mem>>) src(%dma_wait3A_361 : memref<128x128xf32, #tpu.memory_space<vmem>>) dst(%dma_wait3A_367 : memref<10240x128xf32, #tpu.memory_space<vmem_shared>>)
      %add3A_368 = arith.constant 2 : i32
      %add3A_369 = arith.addi %add3A_312, %add3A_368 : i32
      %lt3A_370 = arith.constant 160 : i32
      %lt3A_371 = arith.cmpi slt, %add3A_369, %lt3A_370 : i32
      %convert_element_type3A_372 = arith.extui %lt3A_371 : i1 to i32
      %cond3A_373 = arith.constant 0 : i32
      %cond3A_374 = arith.cmpi ne, %convert_element_type3A_372, %cond3A_373 : i32
      scf.if %cond3A_374 {
        %add3A_375 = arith.constant 2 : i32
        %add3A_376 = arith.addi %add3A_312, %add3A_375 : i32
        %mul3A_377 = arith.constant 160 : i32
        %mul3A_378 = arith.muli %arg1, %mul3A_377 : i32
        %add3A_379 = arith.addi %mul3A_378, %add3A_376 : i32
        %dma_start3A_380 = arith.constant 1 : i32
        %dma_start3A_381 = arith.constant 0 : i32
        %dma_start3A_382 = tpu.memref_slice %arg6[%dma_start3A_380, %dma_start3A_381] : memref<2x128xi32, #tpu.memory_space<vmem>> -> memref<1x128xi32, #tpu.memory_space<vmem>>
        %dma_start3A_383 = tpu.memref_squeeze %dma_start3A_382 : memref<1x128xi32, #tpu.memory_space<vmem>> -> memref<128xi32, #tpu.memory_space<vmem>>
        %dma_start3A_384 = arith.constant 0 : i32
        %dma_start3A_385 = tpu.memref_slice %arg3[%add3A_379, %dma_start3A_384] : memref<2560x128xi32, #tpu.memory_space<hbm>> -> memref<1x128xi32, #tpu.memory_space<hbm>>
        %dma_start3A_386 = tpu.memref_squeeze %dma_start3A_385 : memref<1x128xi32, #tpu.memory_space<hbm>> -> memref<128xi32, #tpu.memory_space<hbm>>
        %dma_start3A_387 = arith.constant 0 : i32
        %dma_start3A_388 = tpu.memref_slice %arg6[%dma_start3A_380, %dma_start3A_387] : memref<2x128xi32, #tpu.memory_space<vmem>> -> memref<1x128xi32, #tpu.memory_space<vmem>>
        %dma_start3A_389 = tpu.memref_squeeze %dma_start3A_388 : memref<1x128xi32, #tpu.memory_space<vmem>> -> memref<128xi32, #tpu.memory_space<vmem>>
        %dma_start3A_390 = arith.constant 0 : i32
        %dma_start3A_391 = tpu.memref_slice %arg3[%add3A_379, %dma_start3A_390] : memref<2560x128xi32, #tpu.memory_space<hbm>> -> memref<1x128xi32, #tpu.memory_space<hbm>>
        %dma_start3A_392 = tpu.memref_squeeze %dma_start3A_391 : memref<1x128xi32, #tpu.memory_space<hbm>> -> memref<128xi32, #tpu.memory_space<hbm>>
        tpu.enqueue_dma source(%dma_start3A_392 : memref<128xi32, #tpu.memory_space<hbm>>) target(%dma_start3A_389 : memref<128xi32, #tpu.memory_space<vmem>>) target_semaphore(%arg10 : memref<!tpu.dma_semaphore, #tpu.memory_space<semaphore_mem>>)
        %mul3A_393 = arith.constant 128 : i32
        %mul3A_394 = arith.muli %add3A_379, %mul3A_393 : i32
        %dma_start3A_395 = arith.constant 1 : i32
        %dma_start3A_396 = arith.constant 0 : i32
        %dma_start3A_397 = arith.constant 0 : i32
        %dma_start3A_398 = tpu.memref_slice %arg7[%dma_start3A_395, %dma_start3A_396, %dma_start3A_397] : memref<2x128x128xf32, #tpu.memory_space<vmem>> -> memref<1x128x128xf32, #tpu.memory_space<vmem>>
        %dma_start3A_399 = tpu.memref_squeeze %dma_start3A_398 : memref<1x128x128xf32, #tpu.memory_space<vmem>> -> memref<128x128xf32, #tpu.memory_space<vmem>>
        %dma_start3A_400 = arith.constant 0 : i32
        %dma_start3A_401 = tpu.memref_slice %arg2[%add3A_122, %mul3A_394, %dma_start3A_400] : memref<4x327680x128xf32, #tpu.memory_space<hbm>> -> memref<1x128x128xf32, #tpu.memory_space<hbm>>
        %dma_start3A_402 = tpu.memref_squeeze %dma_start3A_401 : memref<1x128x128xf32, #tpu.memory_space<hbm>> -> memref<128x128xf32, #tpu.memory_space<hbm>>
        %dma_start3A_403 = arith.constant 0 : i32
        %dma_start3A_404 = arith.constant 0 : i32
        %dma_start3A_405 = tpu.memref_slice %arg7[%dma_start3A_395, %dma_start3A_403, %dma_start3A_404] : memref<2x128x128xf32, #tpu.memory_space<vmem>> -> memref<1x128x128xf32, #tpu.memory_space<vmem>>
        %dma_start3A_406 = tpu.memref_squeeze %dma_start3A_405 : memref<1x128x128xf32, #tpu.memory_space<vmem>> -> memref<128x128xf32, #tpu.memory_space<vmem>>
        %dma_start3A_407 = arith.constant 0 : i32
        %dma_start3A_408 = tpu.memref_slice %arg2[%add3A_122, %mul3A_394, %dma_start3A_407] : memref<4x327680x128xf32, #tpu.memory_space<hbm>> -> memref<1x128x128xf32, #tpu.memory_space<hbm>>
        %dma_start3A_409 = tpu.memref_squeeze %dma_start3A_408 : memref<1x128x128xf32, #tpu.memory_space<hbm>> -> memref<128x128xf32, #tpu.memory_space<hbm>>
        tpu.enqueue_dma source(%dma_start3A_409 : memref<128x128xf32, #tpu.memory_space<hbm>>) target(%dma_start3A_406 : memref<128x128xf32, #tpu.memory_space<vmem>>) target_semaphore(%arg10 : memref<!tpu.dma_semaphore, #tpu.memory_space<semaphore_mem>>)
      } else {
      }
    }
    %scan3A_213 = arith.constant 80 : i32
    %barrier3A_214 = arith.constant 0 : index
    tpu.barrier barrier_id(%barrier3A_214)
    %add3A_215 = arith.constant 0 : i32
    %add3A_216 = arith.addi %mul3A_0, %add3A_215 : i32
    %run_scoped3A_217 = arith.constant 0 : i32
    "tpu.region"() ({
      %run_scoped3A_246 = tpu.sem_alloc : memref<!tpu.dma_semaphore, #tpu.memory_space<semaphore_mem>>
      %dma_start3A_247 = arith.constant 0 : i32
      %dma_start3A_248 = arith.constant 0 : i32
      %dma_start3A_249 = tpu.memref_slice %arg7[%run_scoped3A_217, %dma_start3A_247, %dma_start3A_248] : memref<2x128x128xf32, #tpu.memory_space<vmem>> -> memref<1x128x128xf32, #tpu.memory_space<vmem>>
      %dma_start3A_250 = tpu.memref_squeeze %dma_start3A_249 : memref<1x128x128xf32, #tpu.memory_space<vmem>> -> memref<128x128xf32, #tpu.memory_space<vmem>>
      %dma_start3A_251 = arith.constant 0 : i32
      %dma_start3A_252 = tpu.memref_slice %arg8[%add3A_216, %dma_start3A_251] : memref<10240x128xf32, #tpu.memory_space<vmem_shared>> -> memref<128x128xf32, #tpu.memory_space<vmem_shared>>
      %dma_start3A_253 = arith.constant 0 : i32
      %dma_start3A_254 = arith.constant 0 : i32
      %dma_start3A_255 = tpu.memref_slice %arg7[%run_scoped3A_217, %dma_start3A_253, %dma_start3A_254] : memref<2x128x128xf32, #tpu.memory_space<vmem>> -> memref<1x128x128xf32, #tpu.memory_space<vmem>>
      %dma_start3A_256 = tpu.memref_squeeze %dma_start3A_255 : memref<1x128x128xf32, #tpu.memory_space<vmem>> -> memref<128x128xf32, #tpu.memory_space<vmem>>
      %dma_start3A_257 = arith.constant 0 : i32
      %dma_start3A_258 = tpu.memref_slice %arg8[%add3A_216, %dma_start3A_257] : memref<10240x128xf32, #tpu.memory_space<vmem_shared>> -> memref<128x128xf32, #tpu.memory_space<vmem_shared>>
      tpu.enqueue_dma source(%dma_start3A_258 : memref<128x128xf32, #tpu.memory_space<vmem_shared>>) target(%dma_start3A_256 : memref<128x128xf32, #tpu.memory_space<vmem>>) target_semaphore(%run_scoped3A_246 : memref<!tpu.dma_semaphore, #tpu.memory_space<semaphore_mem>>)
      %dma_wait3A = arith.constant 0 : i32
      %dma_wait3A_259 = arith.constant 0 : i32
      %dma_wait3A_260 = tpu.memref_slice %arg7[%run_scoped3A_217, %dma_wait3A, %dma_wait3A_259] : memref<2x128x128xf32, #tpu.memory_space<vmem>> -> memref<1x128x128xf32, #tpu.memory_space<vmem>>
      %dma_wait3A_261 = tpu.memref_squeeze %dma_wait3A_260 : memref<1x128x128xf32, #tpu.memory_space<vmem>> -> memref<128x128xf32, #tpu.memory_space<vmem>>
      %dma_wait3A_262 = arith.constant 0 : i32
      %dma_wait3A_263 = tpu.memref_slice %arg8[%add3A_216, %dma_wait3A_262] : memref<10240x128xf32, #tpu.memory_space<vmem_shared>> -> memref<128x128xf32, #tpu.memory_space<vmem_shared>>
      %dma_wait3A_264 = arith.constant 0 : i32
      %dma_wait3A_265 = arith.constant 0 : i32
      %dma_wait3A_266 = tpu.memref_slice %arg7[%run_scoped3A_217, %dma_wait3A_264, %dma_wait3A_265] : memref<2x128x128xf32, #tpu.memory_space<vmem>> -> memref<1x128x128xf32, #tpu.memory_space<vmem>>
      %dma_wait3A_267 = tpu.memref_squeeze %dma_wait3A_266 : memref<1x128x128xf32, #tpu.memory_space<vmem>> -> memref<128x128xf32, #tpu.memory_space<vmem>>
      %dma_wait3A_268 = arith.constant 0 : i32
      %dma_wait3A_269 = tpu.memref_slice %arg8[%add3A_216, %dma_wait3A_268] : memref<10240x128xf32, #tpu.memory_space<vmem_shared>> -> memref<128x128xf32, #tpu.memory_space<vmem_shared>>
      tpu.wait_dma2 semaphore(%run_scoped3A_246 : memref<!tpu.dma_semaphore, #tpu.memory_space<semaphore_mem>>) src(%dma_wait3A_269 : memref<128x128xf32, #tpu.memory_space<vmem_shared>>) dst(%dma_wait3A_267 : memref<128x128xf32, #tpu.memory_space<vmem>>)
      tpu.yield
    }) : () -> ()
    %add3A_218 = arith.constant 0 : i32
    %add3A_219 = arith.addi %mul3A_0, %add3A_218 : i32
    %run_scoped3A_220 = arith.constant 0 : i32
    "tpu.region"() ({
      %run_scoped3A_246 = tpu.sem_alloc : memref<!tpu.dma_semaphore, #tpu.memory_space<semaphore_mem>>
      %dma_start3A_247 = arith.constant 0 : i32
      %dma_start3A_248 = arith.constant 0 : i32
      %dma_start3A_249 = tpu.memref_slice %arg7[%run_scoped3A_220, %dma_start3A_247, %dma_start3A_248] : memref<2x128x128xf32, #tpu.memory_space<vmem>> -> memref<1x128x128xf32, #tpu.memory_space<vmem>>
      %dma_start3A_250 = tpu.memref_squeeze %dma_start3A_249 : memref<1x128x128xf32, #tpu.memory_space<vmem>> -> memref<128x128xf32, #tpu.memory_space<vmem>>
      %dma_start3A_251 = arith.constant 0 : i32
      %dma_start3A_252 = tpu.memref_slice %arg5[%add3A_122, %add3A_219, %dma_start3A_251] : memref<4x10240x128xf32, #tpu.memory_space<hbm>> -> memref<1x128x128xf32, #tpu.memory_space<hbm>>
      %dma_start3A_253 = tpu.memref_squeeze %dma_start3A_252 : memref<1x128x128xf32, #tpu.memory_space<hbm>> -> memref<128x128xf32, #tpu.memory_space<hbm>>
      %dma_start3A_254 = arith.constant 0 : i32
      %dma_start3A_255 = tpu.memref_slice %arg5[%add3A_122, %add3A_219, %dma_start3A_254] : memref<4x10240x128xf32, #tpu.memory_space<hbm>> -> memref<1x128x128xf32, #tpu.memory_space<hbm>>
      %dma_start3A_256 = tpu.memref_squeeze %dma_start3A_255 : memref<1x128x128xf32, #tpu.memory_space<hbm>> -> memref<128x128xf32, #tpu.memory_space<hbm>>
      %dma_start3A_257 = arith.constant 0 : i32
      %dma_start3A_258 = arith.constant 0 : i32
      %dma_start3A_259 = tpu.memref_slice %arg7[%run_scoped3A_220, %dma_start3A_257, %dma_start3A_258] : memref<2x128x128xf32, #tpu.memory_space<vmem>> -> memref<1x128x128xf32, #tpu.memory_space<vmem>>
      %dma_start3A_260 = tpu.memref_squeeze %dma_start3A_259 : memref<1x128x128xf32, #tpu.memory_space<vmem>> -> memref<128x128xf32, #tpu.memory_space<vmem>>
      tpu.enqueue_dma source(%dma_start3A_260 : memref<128x128xf32, #tpu.memory_space<vmem>>) target(%dma_start3A_256 : memref<128x128xf32, #tpu.memory_space<hbm>>) target_semaphore(%run_scoped3A_246 : memref<!tpu.dma_semaphore, #tpu.memory_space<semaphore_mem>>)
      %dma_wait3A = arith.constant 0 : i32
      %dma_wait3A_261 = arith.constant 0 : i32
      %dma_wait3A_262 = tpu.memref_slice %arg7[%run_scoped3A_220, %dma_wait3A, %dma_wait3A_261] : memref<2x128x128xf32, #tpu.memory_space<vmem>> -> memref<1x128x128xf32, #tpu.memory_space<vmem>>
      %dma_wait3A_263 = tpu.memref_squeeze %dma_wait3A_262 : memref<1x128x128xf32, #tpu.memory_space<vmem>> -> memref<128x128xf32, #tpu.memory_space<vmem>>
      %dma_wait3A_264 = arith.constant 0 : i32
      %dma_wait3A_265 = tpu.memref_slice %arg5[%add3A_122, %add3A_219, %dma_wait3A_264] : memref<4x10240x128xf32, #tpu.memory_space<hbm>> -> memref<1x128x128xf32, #tpu.memory_space<hbm>>
      %dma_wait3A_266 = tpu.memref_squeeze %dma_wait3A_265 : memref<1x128x128xf32, #tpu.memory_space<hbm>> -> memref<128x128xf32, #tpu.memory_space<hbm>>
      %dma_wait3A_267 = arith.constant 0 : i32
      %dma_wait3A_268 = tpu.memref_slice %arg5[%add3A_122, %add3A_219, %dma_wait3A_267] : memref<4x10240x128xf32, #tpu.memory_space<hbm>> -> memref<1x128x128xf32, #tpu.memory_space<hbm>>
      %dma_wait3A_269 = tpu.memref_squeeze %dma_wait3A_268 : memref<1x128x128xf32, #tpu.memory_space<hbm>> -> memref<128x128xf32, #tpu.memory_space<hbm>>
      %dma_wait3A_270 = arith.constant 0 : i32
      %dma_wait3A_271 = arith.constant 0 : i32
      %dma_wait3A_272 = tpu.memref_slice %arg7[%run_scoped3A_220, %dma_wait3A_270, %dma_wait3A_271] : memref<2x128x128xf32, #tpu.memory_space<vmem>> -> memref<1x128x128xf32, #tpu.memory_space<vmem>>
      %dma_wait3A_273 = tpu.memref_squeeze %dma_wait3A_272 : memref<1x128x128xf32, #tpu.memory_space<vmem>> -> memref<128x128xf32, #tpu.memory_space<vmem>>
      tpu.wait_dma2 semaphore(%run_scoped3A_246 : memref<!tpu.dma_semaphore, #tpu.memory_space<semaphore_mem>>) src(%dma_wait3A_273 : memref<128x128xf32, #tpu.memory_space<vmem>>) dst(%dma_wait3A_269 : memref<128x128xf32, #tpu.memory_space<hbm>>)
      tpu.yield
    }) : () -> ()
    %add3A_221 = arith.constant 128 : i32
    %add3A_222 = arith.addi %mul3A_0, %add3A_221 : i32
    %run_scoped3A_223 = arith.constant 0 : i32
    "tpu.region"() ({
      %run_scoped3A_246 = tpu.sem_alloc : memref<!tpu.dma_semaphore, #tpu.memory_space<semaphore_mem>>
      %dma_start3A_247 = arith.constant 0 : i32
      %dma_start3A_248 = arith.constant 0 : i32
      %dma_start3A_249 = tpu.memref_slice %arg7[%run_scoped3A_223, %dma_start3A_247, %dma_start3A_248] : memref<2x128x128xf32, #tpu.memory_space<vmem>> -> memref<1x128x128xf32, #tpu.memory_space<vmem>>
      %dma_start3A_250 = tpu.memref_squeeze %dma_start3A_249 : memref<1x128x128xf32, #tpu.memory_space<vmem>> -> memref<128x128xf32, #tpu.memory_space<vmem>>
      %dma_start3A_251 = arith.constant 0 : i32
      %dma_start3A_252 = tpu.memref_slice %arg8[%add3A_222, %dma_start3A_251] : memref<10240x128xf32, #tpu.memory_space<vmem_shared>> -> memref<128x128xf32, #tpu.memory_space<vmem_shared>>
      %dma_start3A_253 = arith.constant 0 : i32
      %dma_start3A_254 = arith.constant 0 : i32
      %dma_start3A_255 = tpu.memref_slice %arg7[%run_scoped3A_223, %dma_start3A_253, %dma_start3A_254] : memref<2x128x128xf32, #tpu.memory_space<vmem>> -> memref<1x128x128xf32, #tpu.memory_space<vmem>>
      %dma_start3A_256 = tpu.memref_squeeze %dma_start3A_255 : memref<1x128x128xf32, #tpu.memory_space<vmem>> -> memref<128x128xf32, #tpu.memory_space<vmem>>
      %dma_start3A_257 = arith.constant 0 : i32
      %dma_start3A_258 = tpu.memref_slice %arg8[%add3A_222, %dma_start3A_257] : memref<10240x128xf32, #tpu.memory_space<vmem_shared>> -> memref<128x128xf32, #tpu.memory_space<vmem_shared>>
      tpu.enqueue_dma source(%dma_start3A_258 : memref<128x128xf32, #tpu.memory_space<vmem_shared>>) target(%dma_start3A_256 : memref<128x128xf32, #tpu.memory_space<vmem>>) target_semaphore(%run_scoped3A_246 : memref<!tpu.dma_semaphore, #tpu.memory_space<semaphore_mem>>)
      %dma_wait3A = arith.constant 0 : i32
      %dma_wait3A_259 = arith.constant 0 : i32
      %dma_wait3A_260 = tpu.memref_slice %arg7[%run_scoped3A_223, %dma_wait3A, %dma_wait3A_259] : memref<2x128x128xf32, #tpu.memory_space<vmem>> -> memref<1x128x128xf32, #tpu.memory_space<vmem>>
      %dma_wait3A_261 = tpu.memref_squeeze %dma_wait3A_260 : memref<1x128x128xf32, #tpu.memory_space<vmem>> -> memref<128x128xf32, #tpu.memory_space<vmem>>
      %dma_wait3A_262 = arith.constant 0 : i32
      %dma_wait3A_263 = tpu.memref_slice %arg8[%add3A_222, %dma_wait3A_262] : memref<10240x128xf32, #tpu.memory_space<vmem_shared>> -> memref<128x128xf32, #tpu.memory_space<vmem_shared>>
      %dma_wait3A_264 = arith.constant 0 : i32
      %dma_wait3A_265 = arith.constant 0 : i32
      %dma_wait3A_266 = tpu.memref_slice %arg7[%run_scoped3A_223, %dma_wait3A_264, %dma_wait3A_265] : memref<2x128x128xf32, #tpu.memory_space<vmem>> -> memref<1x128x128xf32, #tpu.memory_space<vmem>>
      %dma_wait3A_267 = tpu.memref_squeeze %dma_wait3A_266 : memref<1x128x128xf32, #tpu.memory_space<vmem>> -> memref<128x128xf32, #tpu.memory_space<vmem>>
      %dma_wait3A_268 = arith.constant 0 : i32
      %dma_wait3A_269 = tpu.memref_slice %arg8[%add3A_222, %dma_wait3A_268] : memref<10240x128xf32, #tpu.memory_space<vmem_shared>> -> memref<128x128xf32, #tpu.memory_space<vmem_shared>>
      tpu.wait_dma2 semaphore(%run_scoped3A_246 : memref<!tpu.dma_semaphore, #tpu.memory_space<semaphore_mem>>) src(%dma_wait3A_269 : memref<128x128xf32, #tpu.memory_space<vmem_shared>>) dst(%dma_wait3A_267 : memref<128x128xf32, #tpu.memory_space<vmem>>)
      tpu.yield
    }) : () -> ()
    %add3A_224 = arith.constant 128 : i32
    %add3A_225 = arith.addi %mul3A_0, %add3A_224 : i32
    %run_scoped3A_226 = arith.constant 0 : i32
    "tpu.region"() ({
      %run_scoped3A_246 = tpu.sem_alloc : memref<!tpu.dma_semaphore, #tpu.memory_space<semaphore_mem>>
      %dma_start3A_247 = arith.constant 0 : i32
      %dma_start3A_248 = arith.constant 0 : i32
      %dma_start3A_249 = tpu.memref_slice %arg7[%run_scoped3A_226, %dma_start3A_247, %dma_start3A_248] : memref<2x128x128xf32, #tpu.memory_space<vmem>> -> memref<1x128x128xf32, #tpu.memory_space<vmem>>
      %dma_start3A_250 = tpu.memref_squeeze %dma_start3A_249 : memref<1x128x128xf32, #tpu.memory_space<vmem>> -> memref<128x128xf32, #tpu.memory_space<vmem>>
      %dma_start3A_251 = arith.constant 0 : i32
      %dma_start3A_252 = tpu.memref_slice %arg5[%add3A_122, %add3A_225, %dma_start3A_251] : memref<4x10240x128xf32, #tpu.memory_space<hbm>> -> memref<1x128x128xf32, #tpu.memory_space<hbm>>
      %dma_start3A_253 = tpu.memref_squeeze %dma_start3A_252 : memref<1x128x128xf32, #tpu.memory_space<hbm>> -> memref<128x128xf32, #tpu.memory_space<hbm>>
      %dma_start3A_254 = arith.constant 0 : i32
      %dma_start3A_255 = tpu.memref_slice %arg5[%add3A_122, %add3A_225, %dma_start3A_254] : memref<4x10240x128xf32, #tpu.memory_space<hbm>> -> memref<1x128x128xf32, #tpu.memory_space<hbm>>
      %dma_start3A_256 = tpu.memref_squeeze %dma_start3A_255 : memref<1x128x128xf32, #tpu.memory_space<hbm>> -> memref<128x128xf32, #tpu.memory_space<hbm>>
      %dma_start3A_257 = arith.constant 0 : i32
      %dma_start3A_258 = arith.constant 0 : i32
      %dma_start3A_259 = tpu.memref_slice %arg7[%run_scoped3A_226, %dma_start3A_257, %dma_start3A_258] : memref<2x128x128xf32, #tpu.memory_space<vmem>> -> memref<1x128x128xf32, #tpu.memory_space<vmem>>
      %dma_start3A_260 = tpu.memref_squeeze %dma_start3A_259 : memref<1x128x128xf32, #tpu.memory_space<vmem>> -> memref<128x128xf32, #tpu.memory_space<vmem>>
      tpu.enqueue_dma source(%dma_start3A_260 : memref<128x128xf32, #tpu.memory_space<vmem>>) target(%dma_start3A_256 : memref<128x128xf32, #tpu.memory_space<hbm>>) target_semaphore(%run_scoped3A_246 : memref<!tpu.dma_semaphore, #tpu.memory_space<semaphore_mem>>)
      %dma_wait3A = arith.constant 0 : i32
      %dma_wait3A_261 = arith.constant 0 : i32
      %dma_wait3A_262 = tpu.memref_slice %arg7[%run_scoped3A_226, %dma_wait3A, %dma_wait3A_261] : memref<2x128x128xf32, #tpu.memory_space<vmem>> -> memref<1x128x128xf32, #tpu.memory_space<vmem>>
      %dma_wait3A_263 = tpu.memref_squeeze %dma_wait3A_262 : memref<1x128x128xf32, #tpu.memory_space<vmem>> -> memref<128x128xf32, #tpu.memory_space<vmem>>
      %dma_wait3A_264 = arith.constant 0 : i32
      %dma_wait3A_265 = tpu.memref_slice %arg5[%add3A_122, %add3A_225, %dma_wait3A_264] : memref<4x10240x128xf32, #tpu.memory_space<hbm>> -> memref<1x128x128xf32, #tpu.memory_space<hbm>>
      %dma_wait3A_266 = tpu.memref_squeeze %dma_wait3A_265 : memref<1x128x128xf32, #tpu.memory_space<hbm>> -> memref<128x128xf32, #tpu.memory_space<hbm>>
      %dma_wait3A_267 = arith.constant 0 : i32
      %dma_wait3A_268 = tpu.memref_slice %arg5[%add3A_122, %add3A_225, %dma_wait3A_267] : memref<4x10240x128xf32, #tpu.memory_space<hbm>> -> memref<1x128x128xf32, #tpu.memory_space<hbm>>
      %dma_wait3A_269 = tpu.memref_squeeze %dma_wait3A_268 : memref<1x128x128xf32, #tpu.memory_space<hbm>> -> memref<128x128xf32, #tpu.memory_space<hbm>>
      %dma_wait3A_270 = arith.constant 0 : i32
      %dma_wait3A_271 = arith.constant 0 : i32
      %dma_wait3A_272 = tpu.memref_slice %arg7[%run_scoped3A_226, %dma_wait3A_270, %dma_wait3A_271] : memref<2x128x128xf32, #tpu.memory_space<vmem>> -> memref<1x128x128xf32, #tpu.memory_space<vmem>>
      %dma_wait3A_273 = tpu.memref_squeeze %dma_wait3A_272 : memref<1x128x128xf32, #tpu.memory_space<vmem>> -> memref<128x128xf32, #tpu.memory_space<vmem>>
      tpu.wait_dma2 semaphore(%run_scoped3A_246 : memref<!tpu.dma_semaphore, #tpu.memory_space<semaphore_mem>>) src(%dma_wait3A_273 : memref<128x128xf32, #tpu.memory_space<vmem>>) dst(%dma_wait3A_269 : memref<128x128xf32, #tpu.memory_space<hbm>>)
      tpu.yield
    }) : () -> ()
    %add3A_227 = arith.constant 256 : i32
    %add3A_228 = arith.addi %mul3A_0, %add3A_227 : i32
    %run_scoped3A_229 = arith.constant 0 : i32
    "tpu.region"() ({
      %run_scoped3A_246 = tpu.sem_alloc : memref<!tpu.dma_semaphore, #tpu.memory_space<semaphore_mem>>
      %dma_start3A_247 = arith.constant 0 : i32
      %dma_start3A_248 = arith.constant 0 : i32
      %dma_start3A_249 = tpu.memref_slice %arg7[%run_scoped3A_229, %dma_start3A_247, %dma_start3A_248] : memref<2x128x128xf32, #tpu.memory_space<vmem>> -> memref<1x128x128xf32, #tpu.memory_space<vmem>>
      %dma_start3A_250 = tpu.memref_squeeze %dma_start3A_249 : memref<1x128x128xf32, #tpu.memory_space<vmem>> -> memref<128x128xf32, #tpu.memory_space<vmem>>
      %dma_start3A_251 = arith.constant 0 : i32
      %dma_start3A_252 = tpu.memref_slice %arg8[%add3A_228, %dma_start3A_251] : memref<10240x128xf32, #tpu.memory_space<vmem_shared>> -> memref<128x128xf32, #tpu.memory_space<vmem_shared>>
      %dma_start3A_253 = arith.constant 0 : i32
      %dma_start3A_254 = arith.constant 0 : i32
      %dma_start3A_255 = tpu.memref_slice %arg7[%run_scoped3A_229, %dma_start3A_253, %dma_start3A_254] : memref<2x128x128xf32, #tpu.memory_space<vmem>> -> memref<1x128x128xf32, #tpu.memory_space<vmem>>
      %dma_start3A_256 = tpu.memref_squeeze %dma_start3A_255 : memref<1x128x128xf32, #tpu.memory_space<vmem>> -> memref<128x128xf32, #tpu.memory_space<vmem>>
      %dma_start3A_257 = arith.constant 0 : i32
      %dma_start3A_258 = tpu.memref_slice %arg8[%add3A_228, %dma_start3A_257] : memref<10240x128xf32, #tpu.memory_space<vmem_shared>> -> memref<128x128xf32, #tpu.memory_space<vmem_shared>>
      tpu.enqueue_dma source(%dma_start3A_258 : memref<128x128xf32, #tpu.memory_space<vmem_shared>>) target(%dma_start3A_256 : memref<128x128xf32, #tpu.memory_space<vmem>>) target_semaphore(%run_scoped3A_246 : memref<!tpu.dma_semaphore, #tpu.memory_space<semaphore_mem>>)
      %dma_wait3A = arith.constant 0 : i32
      %dma_wait3A_259 = arith.constant 0 : i32
      %dma_wait3A_260 = tpu.memref_slice %arg7[%run_scoped3A_229, %dma_wait3A, %dma_wait3A_259] : memref<2x128x128xf32, #tpu.memory_space<vmem>> -> memref<1x128x128xf32, #tpu.memory_space<vmem>>
      %dma_wait3A_261 = tpu.memref_squeeze %dma_wait3A_260 : memref<1x128x128xf32, #tpu.memory_space<vmem>> -> memref<128x128xf32, #tpu.memory_space<vmem>>
      %dma_wait3A_262 = arith.constant 0 : i32
      %dma_wait3A_263 = tpu.memref_slice %arg8[%add3A_228, %dma_wait3A_262] : memref<10240x128xf32, #tpu.memory_space<vmem_shared>> -> memref<128x128xf32, #tpu.memory_space<vmem_shared>>
      %dma_wait3A_264 = arith.constant 0 : i32
      %dma_wait3A_265 = arith.constant 0 : i32
      %dma_wait3A_266 = tpu.memref_slice %arg7[%run_scoped3A_229, %dma_wait3A_264, %dma_wait3A_265] : memref<2x128x128xf32, #tpu.memory_space<vmem>> -> memref<1x128x128xf32, #tpu.memory_space<vmem>>
      %dma_wait3A_267 = tpu.memref_squeeze %dma_wait3A_266 : memref<1x128x128xf32, #tpu.memory_space<vmem>> -> memref<128x128xf32, #tpu.memory_space<vmem>>
      %dma_wait3A_268 = arith.constant 0 : i32
      %dma_wait3A_269 = tpu.memref_slice %arg8[%add3A_228, %dma_wait3A_268] : memref<10240x128xf32, #tpu.memory_space<vmem_shared>> -> memref<128x128xf32, #tpu.memory_space<vmem_shared>>
      tpu.wait_dma2 semaphore(%run_scoped3A_246 : memref<!tpu.dma_semaphore, #tpu.memory_space<semaphore_mem>>) src(%dma_wait3A_269 : memref<128x128xf32, #tpu.memory_space<vmem_shared>>) dst(%dma_wait3A_267 : memref<128x128xf32, #tpu.memory_space<vmem>>)
      tpu.yield
    }) : () -> ()
    %add3A_230 = arith.constant 256 : i32
    %add3A_231 = arith.addi %mul3A_0, %add3A_230 : i32
    %run_scoped3A_232 = arith.constant 0 : i32
    "tpu.region"() ({
      %run_scoped3A_246 = tpu.sem_alloc : memref<!tpu.dma_semaphore, #tpu.memory_space<semaphore_mem>>
      %dma_start3A_247 = arith.constant 0 : i32
      %dma_start3A_248 = arith.constant 0 : i32
      %dma_start3A_249 = tpu.memref_slice %arg7[%run_scoped3A_232, %dma_start3A_247, %dma_start3A_248] : memref<2x128x128xf32, #tpu.memory_space<vmem>> -> memref<1x128x128xf32, #tpu.memory_space<vmem>>
      %dma_start3A_250 = tpu.memref_squeeze %dma_start3A_249 : memref<1x128x128xf32, #tpu.memory_space<vmem>> -> memref<128x128xf32, #tpu.memory_space<vmem>>
      %dma_start3A_251 = arith.constant 0 : i32
      %dma_start3A_252 = tpu.memref_slice %arg5[%add3A_122, %add3A_231, %dma_start3A_251] : memref<4x10240x128xf32, #tpu.memory_space<hbm>> -> memref<1x128x128xf32, #tpu.memory_space<hbm>>
      %dma_start3A_253 = tpu.memref_squeeze %dma_start3A_252 : memref<1x128x128xf32, #tpu.memory_space<hbm>> -> memref<128x128xf32, #tpu.memory_space<hbm>>
      %dma_start3A_254 = arith.constant 0 : i32
      %dma_start3A_255 = tpu.memref_slice %arg5[%add3A_122, %add3A_231, %dma_start3A_254] : memref<4x10240x128xf32, #tpu.memory_space<hbm>> -> memref<1x128x128xf32, #tpu.memory_space<hbm>>
      %dma_start3A_256 = tpu.memref_squeeze %dma_start3A_255 : memref<1x128x128xf32, #tpu.memory_space<hbm>> -> memref<128x128xf32, #tpu.memory_space<hbm>>
      %dma_start3A_257 = arith.constant 0 : i32
      %dma_start3A_258 = arith.constant 0 : i32
      %dma_start3A_259 = tpu.memref_slice %arg7[%run_scoped3A_232, %dma_start3A_257, %dma_start3A_258] : memref<2x128x128xf32, #tpu.memory_space<vmem>> -> memref<1x128x128xf32, #tpu.memory_space<vmem>>
      %dma_start3A_260 = tpu.memref_squeeze %dma_start3A_259 : memref<1x128x128xf32, #tpu.memory_space<vmem>> -> memref<128x128xf32, #tpu.memory_space<vmem>>
      tpu.enqueue_dma source(%dma_start3A_260 : memref<128x128xf32, #tpu.memory_space<vmem>>) target(%dma_start3A_256 : memref<128x128xf32, #tpu.memory_space<hbm>>) target_semaphore(%run_scoped3A_246 : memref<!tpu.dma_semaphore, #tpu.memory_space<semaphore_mem>>)
      %dma_wait3A = arith.constant 0 : i32
      %dma_wait3A_261 = arith.constant 0 : i32
      %dma_wait3A_262 = tpu.memref_slice %arg7[%run_scoped3A_232, %dma_wait3A, %dma_wait3A_261] : memref<2x128x128xf32, #tpu.memory_space<vmem>> -> memref<1x128x128xf32, #tpu.memory_space<vmem>>
      %dma_wait3A_263 = tpu.memref_squeeze %dma_wait3A_262 : memref<1x128x128xf32, #tpu.memory_space<vmem>> -> memref<128x128xf32, #tpu.memory_space<vmem>>
      %dma_wait3A_264 = arith.constant 0 : i32
      %dma_wait3A_265 = tpu.memref_slice %arg5[%add3A_122, %add3A_231, %dma_wait3A_264] : memref<4x10240x128xf32, #tpu.memory_space<hbm>> -> memref<1x128x128xf32, #tpu.memory_space<hbm>>
      %dma_wait3A_266 = tpu.memref_squeeze %dma_wait3A_265 : memref<1x128x128xf32, #tpu.memory_space<hbm>> -> memref<128x128xf32, #tpu.memory_space<hbm>>
      %dma_wait3A_267 = arith.constant 0 : i32
      %dma_wait3A_268 = tpu.memref_slice %arg5[%add3A_122, %add3A_231, %dma_wait3A_267] : memref<4x10240x128xf32, #tpu.memory_space<hbm>> -> memref<1x128x128xf32, #tpu.memory_space<hbm>>
      %dma_wait3A_269 = tpu.memref_squeeze %dma_wait3A_268 : memref<1x128x128xf32, #tpu.memory_space<hbm>> -> memref<128x128xf32, #tpu.memory_space<hbm>>
      %dma_wait3A_270 = arith.constant 0 : i32
      %dma_wait3A_271 = arith.constant 0 : i32
      %dma_wait3A_272 = tpu.memref_slice %arg7[%run_scoped3A_232, %dma_wait3A_270, %dma_wait3A_271] : memref<2x128x128xf32, #tpu.memory_space<vmem>> -> memref<1x128x128xf32, #tpu.memory_space<vmem>>
      %dma_wait3A_273 = tpu.memref_squeeze %dma_wait3A_272 : memref<1x128x128xf32, #tpu.memory_space<vmem>> -> memref<128x128xf32, #tpu.memory_space<vmem>>
      tpu.wait_dma2 semaphore(%run_scoped3A_246 : memref<!tpu.dma_semaphore, #tpu.memory_space<semaphore_mem>>) src(%dma_wait3A_273 : memref<128x128xf32, #tpu.memory_space<vmem>>) dst(%dma_wait3A_269 : memref<128x128xf32, #tpu.memory_space<hbm>>)
      tpu.yield
    }) : () -> ()
    %add3A_233 = arith.constant 384 : i32
    %add3A_234 = arith.addi %mul3A_0, %add3A_233 : i32
    %run_scoped3A_235 = arith.constant 0 : i32
    "tpu.region"() ({
      %run_scoped3A_246 = tpu.sem_alloc : memref<!tpu.dma_semaphore, #tpu.memory_space<semaphore_mem>>
      %dma_start3A_247 = arith.constant 0 : i32
      %dma_start3A_248 = arith.constant 0 : i32
      %dma_start3A_249 = tpu.memref_slice %arg7[%run_scoped3A_235, %dma_start3A_247, %dma_start3A_248] : memref<2x128x128xf32, #tpu.memory_space<vmem>> -> memref<1x128x128xf32, #tpu.memory_space<vmem>>
      %dma_start3A_250 = tpu.memref_squeeze %dma_start3A_249 : memref<1x128x128xf32, #tpu.memory_space<vmem>> -> memref<128x128xf32, #tpu.memory_space<vmem>>
      %dma_start3A_251 = arith.constant 0 : i32
      %dma_start3A_252 = tpu.memref_slice %arg8[%add3A_234, %dma_start3A_251] : memref<10240x128xf32, #tpu.memory_space<vmem_shared>> -> memref<128x128xf32, #tpu.memory_space<vmem_shared>>
      %dma_start3A_253 = arith.constant 0 : i32
      %dma_start3A_254 = arith.constant 0 : i32
      %dma_start3A_255 = tpu.memref_slice %arg7[%run_scoped3A_235, %dma_start3A_253, %dma_start3A_254] : memref<2x128x128xf32, #tpu.memory_space<vmem>> -> memref<1x128x128xf32, #tpu.memory_space<vmem>>
      %dma_start3A_256 = tpu.memref_squeeze %dma_start3A_255 : memref<1x128x128xf32, #tpu.memory_space<vmem>> -> memref<128x128xf32, #tpu.memory_space<vmem>>
      %dma_start3A_257 = arith.constant 0 : i32
      %dma_start3A_258 = tpu.memref_slice %arg8[%add3A_234, %dma_start3A_257] : memref<10240x128xf32, #tpu.memory_space<vmem_shared>> -> memref<128x128xf32, #tpu.memory_space<vmem_shared>>
      tpu.enqueue_dma source(%dma_start3A_258 : memref<128x128xf32, #tpu.memory_space<vmem_shared>>) target(%dma_start3A_256 : memref<128x128xf32, #tpu.memory_space<vmem>>) target_semaphore(%run_scoped3A_246 : memref<!tpu.dma_semaphore, #tpu.memory_space<semaphore_mem>>)
      %dma_wait3A = arith.constant 0 : i32
      %dma_wait3A_259 = arith.constant 0 : i32
      %dma_wait3A_260 = tpu.memref_slice %arg7[%run_scoped3A_235, %dma_wait3A, %dma_wait3A_259] : memref<2x128x128xf32, #tpu.memory_space<vmem>> -> memref<1x128x128xf32, #tpu.memory_space<vmem>>
      %dma_wait3A_261 = tpu.memref_squeeze %dma_wait3A_260 : memref<1x128x128xf32, #tpu.memory_space<vmem>> -> memref<128x128xf32, #tpu.memory_space<vmem>>
      %dma_wait3A_262 = arith.constant 0 : i32
      %dma_wait3A_263 = tpu.memref_slice %arg8[%add3A_234, %dma_wait3A_262] : memref<10240x128xf32, #tpu.memory_space<vmem_shared>> -> memref<128x128xf32, #tpu.memory_space<vmem_shared>>
      %dma_wait3A_264 = arith.constant 0 : i32
      %dma_wait3A_265 = arith.constant 0 : i32
      %dma_wait3A_266 = tpu.memref_slice %arg7[%run_scoped3A_235, %dma_wait3A_264, %dma_wait3A_265] : memref<2x128x128xf32, #tpu.memory_space<vmem>> -> memref<1x128x128xf32, #tpu.memory_space<vmem>>
      %dma_wait3A_267 = tpu.memref_squeeze %dma_wait3A_266 : memref<1x128x128xf32, #tpu.memory_space<vmem>> -> memref<128x128xf32, #tpu.memory_space<vmem>>
      %dma_wait3A_268 = arith.constant 0 : i32
      %dma_wait3A_269 = tpu.memref_slice %arg8[%add3A_234, %dma_wait3A_268] : memref<10240x128xf32, #tpu.memory_space<vmem_shared>> -> memref<128x128xf32, #tpu.memory_space<vmem_shared>>
      tpu.wait_dma2 semaphore(%run_scoped3A_246 : memref<!tpu.dma_semaphore, #tpu.memory_space<semaphore_mem>>) src(%dma_wait3A_269 : memref<128x128xf32, #tpu.memory_space<vmem_shared>>) dst(%dma_wait3A_267 : memref<128x128xf32, #tpu.memory_space<vmem>>)
      tpu.yield
    }) : () -> ()
    %add3A_236 = arith.constant 384 : i32
    %add3A_237 = arith.addi %mul3A_0, %add3A_236 : i32
    %run_scoped3A_238 = arith.constant 0 : i32
    "tpu.region"() ({
      %run_scoped3A_246 = tpu.sem_alloc : memref<!tpu.dma_semaphore, #tpu.memory_space<semaphore_mem>>
      %dma_start3A_247 = arith.constant 0 : i32
      %dma_start3A_248 = arith.constant 0 : i32
      %dma_start3A_249 = tpu.memref_slice %arg7[%run_scoped3A_238, %dma_start3A_247, %dma_start3A_248] : memref<2x128x128xf32, #tpu.memory_space<vmem>> -> memref<1x128x128xf32, #tpu.memory_space<vmem>>
      %dma_start3A_250 = tpu.memref_squeeze %dma_start3A_249 : memref<1x128x128xf32, #tpu.memory_space<vmem>> -> memref<128x128xf32, #tpu.memory_space<vmem>>
      %dma_start3A_251 = arith.constant 0 : i32
      %dma_start3A_252 = tpu.memref_slice %arg5[%add3A_122, %add3A_237, %dma_start3A_251] : memref<4x10240x128xf32, #tpu.memory_space<hbm>> -> memref<1x128x128xf32, #tpu.memory_space<hbm>>
      %dma_start3A_253 = tpu.memref_squeeze %dma_start3A_252 : memref<1x128x128xf32, #tpu.memory_space<hbm>> -> memref<128x128xf32, #tpu.memory_space<hbm>>
      %dma_start3A_254 = arith.constant 0 : i32
      %dma_start3A_255 = tpu.memref_slice %arg5[%add3A_122, %add3A_237, %dma_start3A_254] : memref<4x10240x128xf32, #tpu.memory_space<hbm>> -> memref<1x128x128xf32, #tpu.memory_space<hbm>>
      %dma_start3A_256 = tpu.memref_squeeze %dma_start3A_255 : memref<1x128x128xf32, #tpu.memory_space<hbm>> -> memref<128x128xf32, #tpu.memory_space<hbm>>
      %dma_start3A_257 = arith.constant 0 : i32
      %dma_start3A_258 = arith.constant 0 : i32
      %dma_start3A_259 = tpu.memref_slice %arg7[%run_scoped3A_238, %dma_start3A_257, %dma_start3A_258] : memref<2x128x128xf32, #tpu.memory_space<vmem>> -> memref<1x128x128xf32, #tpu.memory_space<vmem>>
      %dma_start3A_260 = tpu.memref_squeeze %dma_start3A_259 : memref<1x128x128xf32, #tpu.memory_space<vmem>> -> memref<128x128xf32, #tpu.memory_space<vmem>>
      tpu.enqueue_dma source(%dma_start3A_260 : memref<128x128xf32, #tpu.memory_space<vmem>>) target(%dma_start3A_256 : memref<128x128xf32, #tpu.memory_space<hbm>>) target_semaphore(%run_scoped3A_246 : memref<!tpu.dma_semaphore, #tpu.memory_space<semaphore_mem>>)
      %dma_wait3A = arith.constant 0 : i32
      %dma_wait3A_261 = arith.constant 0 : i32
      %dma_wait3A_262 = tpu.memref_slice %arg7[%run_scoped3A_238, %dma_wait3A, %dma_wait3A_261] : memref<2x128x128xf32, #tpu.memory_space<vmem>> -> memref<1x128x128xf32, #tpu.memory_space<vmem>>
      %dma_wait3A_263 = tpu.memref_squeeze %dma_wait3A_262 : memref<1x128x128xf32, #tpu.memory_space<vmem>> -> memref<128x128xf32, #tpu.memory_space<vmem>>
      %dma_wait3A_264 = arith.constant 0 : i32
      %dma_wait3A_265 = tpu.memref_slice %arg5[%add3A_122, %add3A_237, %dma_wait3A_264] : memref<4x10240x128xf32, #tpu.memory_space<hbm>> -> memref<1x128x128xf32, #tpu.memory_space<hbm>>
      %dma_wait3A_266 = tpu.memref_squeeze %dma_wait3A_265 : memref<1x128x128xf32, #tpu.memory_space<hbm>> -> memref<128x128xf32, #tpu.memory_space<hbm>>
      %dma_wait3A_267 = arith.constant 0 : i32
      %dma_wait3A_268 = tpu.memref_slice %arg5[%add3A_122, %add3A_237, %dma_wait3A_267] : memref<4x10240x128xf32, #tpu.memory_space<hbm>> -> memref<1x128x128xf32, #tpu.memory_space<hbm>>
      %dma_wait3A_269 = tpu.memref_squeeze %dma_wait3A_268 : memref<1x128x128xf32, #tpu.memory_space<hbm>> -> memref<128x128xf32, #tpu.memory_space<hbm>>
      %dma_wait3A_270 = arith.constant 0 : i32
      %dma_wait3A_271 = arith.constant 0 : i32
      %dma_wait3A_272 = tpu.memref_slice %arg7[%run_scoped3A_238, %dma_wait3A_270, %dma_wait3A_271] : memref<2x128x128xf32, #tpu.memory_space<vmem>> -> memref<1x128x128xf32, #tpu.memory_space<vmem>>
      %dma_wait3A_273 = tpu.memref_squeeze %dma_wait3A_272 : memref<1x128x128xf32, #tpu.memory_space<vmem>> -> memref<128x128xf32, #tpu.memory_space<vmem>>
      tpu.wait_dma2 semaphore(%run_scoped3A_246 : memref<!tpu.dma_semaphore, #tpu.memory_space<semaphore_mem>>) src(%dma_wait3A_273 : memref<128x128xf32, #tpu.memory_space<vmem>>) dst(%dma_wait3A_269 : memref<128x128xf32, #tpu.memory_space<hbm>>)
      tpu.yield
    }) : () -> ()
    %add3A_239 = arith.constant 512 : i32
    %add3A_240 = arith.addi %mul3A_0, %add3A_239 : i32
    %run_scoped3A_241 = arith.constant 0 : i32
    "tpu.region"() ({
      %run_scoped3A_246 = tpu.sem_alloc : memref<!tpu.dma_semaphore, #tpu.memory_space<semaphore_mem>>
      %dma_start3A_247 = arith.constant 0 : i32
      %dma_start3A_248 = arith.constant 0 : i32
      %dma_start3A_249 = tpu.memref_slice %arg7[%run_scoped3A_241, %dma_start3A_247, %dma_start3A_248] : memref<2x128x128xf32, #tpu.memory_space<vmem>> -> memref<1x128x128xf32, #tpu.memory_space<vmem>>
      %dma_start3A_250 = tpu.memref_squeeze %dma_start3A_249 : memref<1x128x128xf32, #tpu.memory_space<vmem>> -> memref<128x128xf32, #tpu.memory_space<vmem>>
      %dma_start3A_251 = arith.constant 0 : i32
      %dma_start3A_252 = tpu.memref_slice %arg8[%add3A_240, %dma_start3A_251] : memref<10240x128xf32, #tpu.memory_space<vmem_shared>> -> memref<128x128xf32, #tpu.memory_space<vmem_shared>>
      %dma_start3A_253 = arith.constant 0 : i32
      %dma_start3A_254 = arith.constant 0 : i32
      %dma_start3A_255 = tpu.memref_slice %arg7[%run_scoped3A_241, %dma_start3A_253, %dma_start3A_254] : memref<2x128x128xf32, #tpu.memory_space<vmem>> -> memref<1x128x128xf32, #tpu.memory_space<vmem>>
      %dma_start3A_256 = tpu.memref_squeeze %dma_start3A_255 : memref<1x128x128xf32, #tpu.memory_space<vmem>> -> memref<128x128xf32, #tpu.memory_space<vmem>>
      %dma_start3A_257 = arith.constant 0 : i32
      %dma_start3A_258 = tpu.memref_slice %arg8[%add3A_240, %dma_start3A_257] : memref<10240x128xf32, #tpu.memory_space<vmem_shared>> -> memref<128x128xf32, #tpu.memory_space<vmem_shared>>
      tpu.enqueue_dma source(%dma_start3A_258 : memref<128x128xf32, #tpu.memory_space<vmem_shared>>) target(%dma_start3A_256 : memref<128x128xf32, #tpu.memory_space<vmem>>) target_semaphore(%run_scoped3A_246 : memref<!tpu.dma_semaphore, #tpu.memory_space<semaphore_mem>>)
      %dma_wait3A = arith.constant 0 : i32
      %dma_wait3A_259 = arith.constant 0 : i32
      %dma_wait3A_260 = tpu.memref_slice %arg7[%run_scoped3A_241, %dma_wait3A, %dma_wait3A_259] : memref<2x128x128xf32, #tpu.memory_space<vmem>> -> memref<1x128x128xf32, #tpu.memory_space<vmem>>
      %dma_wait3A_261 = tpu.memref_squeeze %dma_wait3A_260 : memref<1x128x128xf32, #tpu.memory_space<vmem>> -> memref<128x128xf32, #tpu.memory_space<vmem>>
      %dma_wait3A_262 = arith.constant 0 : i32
      %dma_wait3A_263 = tpu.memref_slice %arg8[%add3A_240, %dma_wait3A_262] : memref<10240x128xf32, #tpu.memory_space<vmem_shared>> -> memref<128x128xf32, #tpu.memory_space<vmem_shared>>
      %dma_wait3A_264 = arith.constant 0 : i32
      %dma_wait3A_265 = arith.constant 0 : i32
      %dma_wait3A_266 = tpu.memref_slice %arg7[%run_scoped3A_241, %dma_wait3A_264, %dma_wait3A_265] : memref<2x128x128xf32, #tpu.memory_space<vmem>> -> memref<1x128x128xf32, #tpu.memory_space<vmem>>
      %dma_wait3A_267 = tpu.memref_squeeze %dma_wait3A_266 : memref<1x128x128xf32, #tpu.memory_space<vmem>> -> memref<128x128xf32, #tpu.memory_space<vmem>>
      %dma_wait3A_268 = arith.constant 0 : i32
      %dma_wait3A_269 = tpu.memref_slice %arg8[%add3A_240, %dma_wait3A_268] : memref<10240x128xf32, #tpu.memory_space<vmem_shared>> -> memref<128x128xf32, #tpu.memory_space<vmem_shared>>
      tpu.wait_dma2 semaphore(%run_scoped3A_246 : memref<!tpu.dma_semaphore, #tpu.memory_space<semaphore_mem>>) src(%dma_wait3A_269 : memref<128x128xf32, #tpu.memory_space<vmem_shared>>) dst(%dma_wait3A_267 : memref<128x128xf32, #tpu.memory_space<vmem>>)
      tpu.yield
    }) : () -> ()
    %add3A_242 = arith.constant 512 : i32
    %add3A_243 = arith.addi %mul3A_0, %add3A_242 : i32
    %run_scoped3A_244 = arith.constant 0 : i32
    "tpu.region"() ({
      %run_scoped3A_246 = tpu.sem_alloc : memref<!tpu.dma_semaphore, #tpu.memory_space<semaphore_mem>>
      %dma_start3A_247 = arith.constant 0 : i32
      %dma_start3A_248 = arith.constant 0 : i32
      %dma_start3A_249 = tpu.memref_slice %arg7[%run_scoped3A_244, %dma_start3A_247, %dma_start3A_248] : memref<2x128x128xf32, #tpu.memory_space<vmem>> -> memref<1x128x128xf32, #tpu.memory_space<vmem>>
      %dma_start3A_250 = tpu.memref_squeeze %dma_start3A_249 : memref<1x128x128xf32, #tpu.memory_space<vmem>> -> memref<128x128xf32, #tpu.memory_space<vmem>>
      %dma_start3A_251 = arith.constant 0 : i32
      %dma_start3A_252 = tpu.memref_slice %arg5[%add3A_122, %add3A_243, %dma_start3A_251] : memref<4x10240x128xf32, #tpu.memory_space<hbm>> -> memref<1x128x128xf32, #tpu.memory_space<hbm>>
      %dma_start3A_253 = tpu.memref_squeeze %dma_start3A_252 : memref<1x128x128xf32, #tpu.memory_space<hbm>> -> memref<128x128xf32, #tpu.memory_space<hbm>>
      %dma_start3A_254 = arith.constant 0 : i32
      %dma_start3A_255 = tpu.memref_slice %arg5[%add3A_122, %add3A_243, %dma_start3A_254] : memref<4x10240x128xf32, #tpu.memory_space<hbm>> -> memref<1x128x128xf32, #tpu.memory_space<hbm>>
      %dma_start3A_256 = tpu.memref_squeeze %dma_start3A_255 : memref<1x128x128xf32, #tpu.memory_space<hbm>> -> memref<128x128xf32, #tpu.memory_space<hbm>>
      %dma_start3A_257 = arith.constant 0 : i32
      %dma_start3A_258 = arith.constant 0 : i32
      %dma_start3A_259 = tpu.memref_slice %arg7[%run_scoped3A_244, %dma_start3A_257, %dma_start3A_258] : memref<2x128x128xf32, #tpu.memory_space<vmem>> -> memref<1x128x128xf32, #tpu.memory_space<vmem>>
      %dma_start3A_260 = tpu.memref_squeeze %dma_start3A_259 : memref<1x128x128xf32, #tpu.memory_space<vmem>> -> memref<128x128xf32, #tpu.memory_space<vmem>>
      tpu.enqueue_dma source(%dma_start3A_260 : memref<128x128xf32, #tpu.memory_space<vmem>>) target(%dma_start3A_256 : memref<128x128xf32, #tpu.memory_space<hbm>>) target_semaphore(%run_scoped3A_246 : memref<!tpu.dma_semaphore, #tpu.memory_space<semaphore_mem>>)
      %dma_wait3A = arith.constant 0 : i32
      %dma_wait3A_261 = arith.constant 0 : i32
      %dma_wait3A_262 = tpu.memref_slice %arg7[%run_scoped3A_244, %dma_wait3A, %dma_wait3A_261] : memref<2x128x128xf32, #tpu.memory_space<vmem>> -> memref<1x128x128xf32, #tpu.memory_space<vmem>>
      %dma_wait3A_263 = tpu.memref_squeeze %dma_wait3A_262 : memref<1x128x128xf32, #tpu.memory_space<vmem>> -> memref<128x128xf32, #tpu.memory_space<vmem>>
      %dma_wait3A_264 = arith.constant 0 : i32
      %dma_wait3A_265 = tpu.memref_slice %arg5[%add3A_122, %add3A_243, %dma_wait3A_264] : memref<4x10240x128xf32, #tpu.memory_space<hbm>> -> memref<1x128x128xf32, #tpu.memory_space<hbm>>
      %dma_wait3A_266 = tpu.memref_squeeze %dma_wait3A_265 : memref<1x128x128xf32, #tpu.memory_space<hbm>> -> memref<128x128xf32, #tpu.memory_space<hbm>>
      %dma_wait3A_267 = arith.constant 0 : i32
      %dma_wait3A_268 = tpu.memref_slice %arg5[%add3A_122, %add3A_243, %dma_wait3A_267] : memref<4x10240x128xf32, #tpu.memory_space<hbm>> -> memref<1x128x128xf32, #tpu.memory_space<hbm>>
      %dma_wait3A_269 = tpu.memref_squeeze %dma_wait3A_268 : memref<1x128x128xf32, #tpu.memory_space<hbm>> -> memref<128x128xf32, #tpu.memory_space<hbm>>
      %dma_wait3A_270 = arith.constant 0 : i32
      %dma_wait3A_271 = arith.constant 0 : i32
      %dma_wait3A_272 = tpu.memref_slice %arg7[%run_scoped3A_244, %dma_wait3A_270, %dma_wait3A_271] : memref<2x128x128xf32, #tpu.memory_space<vmem>> -> memref<1x128x128xf32, #tpu.memory_space<vmem>>
      %dma_wait3A_273 = tpu.memref_squeeze %dma_wait3A_272 : memref<1x128x128xf32, #tpu.memory_space<vmem>> -> memref<128x128xf32, #tpu.memory_space<vmem>>
      tpu.wait_dma2 semaphore(%run_scoped3A_246 : memref<!tpu.dma_semaphore, #tpu.memory_space<semaphore_mem>>) src(%dma_wait3A_273 : memref<128x128xf32, #tpu.memory_space<vmem>>) dst(%dma_wait3A_269 : memref<128x128xf32, #tpu.memory_space<hbm>>)
      tpu.yield
    }) : () -> ()
    %barrier3A_245 = arith.constant 0 : index
    tpu.barrier barrier_id(%barrier3A_245)
    return
  }
}

module attributes {stable_mosaic.version = 14 : i64} {
  func.func @body(%arg0: i32, %arg1: memref<1024x128xf32, #tpu.memory_space<vmem>>, %arg2: memref<128x128xf32, #tpu.memory_space<vmem>>, %arg3: memref<1024x128xf32, #tpu.memory_space<vmem>>) attributes {dimension_semantics = [#tpu.dimension_semantics<arbitrary>], iteration_bounds = array<i64: 10>, scalar_prefetch = 0 : i64, scratch_operands = 0 : i64, tpu.core_type = #tpu.core_type<tc>, window_params = [{transform_indices = @transform_0, window_bounds = array<i64: 1024, 128>}, {pipeline_mode = #tpu.pipeline_mode<synchronous>, transform_indices = @transform_1, window_bounds = array<i64: 128, 128>}, {transform_indices = @transform_2, window_bounds = array<i64: 1024, 128>}]} {
    %get3A = arith.constant 0 : index
    %get3A_0 = arith.constant 0 : index
    %get3A_1 = vector.load %arg1[%get3A, %get3A_0] : memref<1024x128xf32, #tpu.memory_space<vmem>>, vector<1024x128xf32>
    %get3A_2 = arith.constant 0 : index
    %get3A_3 = arith.constant 0 : index
    %get3A_4 = vector.load %arg2[%get3A_2, %get3A_3] : memref<128x128xf32, #tpu.memory_space<vmem>>, vector<128x128xf32>
    %dot_general3A = arith.constant dense<0.000000e+00> : vector<1024x128xf32>
    %dot_general3A_5 = tpu.matmul %get3A_1, %get3A_4, %dot_general3A {dimension_numbers = #tpu.dot_dimension_numbers<[1], [0], [0], [1], [0, 0, 1, 1], [], []>, transpose_lhs_hint = false} : vector<1024x128xf32>, vector<128x128xf32>, vector<1024x128xf32> -> vector<1024x128xf32>
    %mul3A = arith.constant 0.0883883461 : f32
    %mul3A_6 = vector.broadcast %mul3A : f32 to vector<1024x128xf32>
    %mul3A_7 = arith.mulf %dot_general3A_5, %mul3A_6 : vector<1024x128xf32>
    %swap3A = arith.constant 0 : index
    %swap3A_8 = arith.constant 0 : index
    %swap3A_9 = vector.load %arg3[%swap3A, %swap3A_8] : memref<1024x128xf32, #tpu.memory_space<vmem>>, vector<1024x128xf32>
    tpu.vector_store %arg3[%swap3A, %swap3A_8], %mul3A_7 {strides = array<i32>} : memref<1024x128xf32, #tpu.memory_space<vmem>>, vector<1024x128xf32>,
    return
  }
  func.func @transform_0(%arg0: i32) -> (i32, i32) {
    %c0_i32 = arith.constant 0 : i32
    %c0_i32_0 = arith.constant 0 : i32
    return %arg0, %c0_i32 : i32, i32
  }
  func.func @transform_1(%arg0: i32) -> (i32, i32) {
    %c0_i32 = arith.constant 0 : i32
    %c0_i32_0 = arith.constant 0 : i32
    %c0_i32_1 = arith.constant 0 : i32
    return %c0_i32, %c0_i32_0 : i32, i32
  }
  func.func @transform_2(%arg0: i32) -> (i32, i32) {
    %c0_i32 = arith.constant 0 : i32
    %c0_i32_0 = arith.constant 0 : i32
    return %arg0, %c0_i32 : i32, i32
  }
}

module attributes {stable_mosaic.version = 14 : i64} {
  func.func @body(%arg0: i32, %arg1: memref<2048x8xf32, #tpu.memory_space<vmem>>, %arg2: memref<2048x4xf32, #tpu.memory_space<vmem>>, %arg3: memref<2048x128xf32, #tpu.memory_space<vmem>>, %arg4: memref<8x64xf32, #tpu.memory_space<vmem>>, %arg5: memref<64x256xf32, #tpu.memory_space<vmem>>, %arg6: memref<4x2048x128xf32, #tpu.memory_space<vmem>>) attributes {dimension_semantics = [#tpu.dimension_semantics<arbitrary>], iteration_bounds = array<i64: 160>, scalar_prefetch = 0 : i64, scratch_operands = 0 : i64, tpu.core_type = #tpu.core_type<tc>, window_params = [{transform_indices = @transform_0, window_bounds = array<i64: 2048, 8>}, {transform_indices = @transform_1, window_bounds = array<i64: 2048, 4>}, {transform_indices = @transform_2, window_bounds = array<i64: 2048, 128>}, {pipeline_mode = #tpu.pipeline_mode<synchronous>, transform_indices = @transform_3, window_bounds = array<i64: 8, 64>}, {pipeline_mode = #tpu.pipeline_mode<synchronous>, transform_indices = @transform_4, window_bounds = array<i64: 64, 256>}, {transform_indices = @transform_5, window_bounds = array<i64: 4, 2048, 128>}]} {
    %get3A = arith.constant 0 : index
    %get3A_0 = arith.constant 0 : index
    %get3A_1 = vector.load %arg1[%get3A, %get3A_0] : memref<2048x8xf32, #tpu.memory_space<vmem>>, vector<2048x8xf32>
    %get3A_2 = arith.constant 0 : index
    %get3A_3 = arith.constant 0 : index
    %get3A_4 = vector.load %arg4[%get3A_2, %get3A_3] : memref<8x64xf32, #tpu.memory_space<vmem>>, vector<8x64xf32>
    %dot_general3A = arith.constant dense<0.000000e+00> : vector<2048x64xf32>
    %dot_general3A_5 = tpu.matmul %get3A_1, %get3A_4, %dot_general3A {dimension_numbers = #tpu.dot_dimension_numbers<[1], [0], [0], [1], [0, 0, 1, 1], [], []>, transpose_lhs_hint = false} : vector<2048x8xf32>, vector<8x64xf32>, vector<2048x64xf32> -> vector<2048x64xf32>
    %mul3A = arith.constant 0.353553385 : f32
    %mul3A_6 = vector.broadcast %mul3A : f32 to vector<2048x64xf32>
    %mul3A_7 = arith.mulf %dot_general3A_5, %mul3A_6 : vector<2048x64xf32>
    %logistic3A = arith.negf %mul3A_7 : vector<2048x64xf32>
    %logistic3A_8 = math.exp %logistic3A : vector<2048x64xf32>
    %logistic3A_9 = arith.constant 1.000000e+00 : f32
    %logistic3A_10 = vector.broadcast %logistic3A_9 : f32 to vector<2048x64xf32>
    %logistic3A_11 = arith.addf %logistic3A_10, %logistic3A_8 : vector<2048x64xf32>
    %logistic3A_12 = arith.divf %logistic3A_10, %logistic3A_11 : vector<2048x64xf32>
    %mul3A_13 = arith.mulf %mul3A_7, %logistic3A_12 : vector<2048x64xf32>
    %get3A_14 = arith.constant 0 : index
    %get3A_15 = arith.constant 0 : index
    %get3A_16 = vector.load %arg5[%get3A_14, %get3A_15] : memref<64x256xf32, #tpu.memory_space<vmem>>, vector<64x256xf32>
    %dot_general3A_17 = arith.constant dense<0.000000e+00> : vector<2048x256xf32>
    %dot_general3A_18 = tpu.matmul %mul3A_13, %get3A_16, %dot_general3A_17 {dimension_numbers = #tpu.dot_dimension_numbers<[1], [0], [0], [1], [0, 0, 1, 1], [], []>, transpose_lhs_hint = false} : vector<2048x64xf32>, vector<64x256xf32>, vector<2048x256xf32> -> vector<2048x256xf32>
    %mul3A_19 = arith.constant 1.250000e-01 : f32
    %mul3A_20 = vector.broadcast %mul3A_19 : f32 to vector<2048x256xf32>
    %mul3A_21 = arith.mulf %dot_general3A_18, %mul3A_20 : vector<2048x256xf32>
    %slice3A = vector.extract_strided_slice %mul3A_21 {offsets = [0, 0], sizes = [2048, 128], strides = [1, 1]} : vector<2048x256xf32> to vector<2048x128xf32>
    %slice3A_22 = vector.extract_strided_slice %mul3A_21 {offsets = [0, 128], sizes = [2048, 128], strides = [1, 1]} : vector<2048x256xf32> to vector<2048x128xf32>
    %get3A_23 = arith.constant 0 : index
    %get3A_24 = arith.constant 0 : index
    %get3A_25 = vector.load %arg3[%get3A_23, %get3A_24] : memref<2048x128xf32, #tpu.memory_space<vmem>>, vector<2048x128xf32>
    %mul3A_26 = arith.mulf %slice3A, %get3A_25 : vector<2048x128xf32>
    %get3A_27 = arith.constant 0 : index
    %get3A_28 = arith.constant 0 : index
    %get3A_29 = vector.load %arg2[%get3A_27, %get3A_28] : memref<2048x4xf32, #tpu.memory_space<vmem>>, vector<2048x1xf32>
    %mul3A_30 = vector.broadcast %get3A_29 : vector<2048x1xf32> to vector<2048x128xf32>
    %mul3A_31 = arith.mulf %mul3A_26, %mul3A_30 : vector<2048x128xf32>
    %mul3A_32 = arith.constant 3.125000e-02 : f32
    %mul3A_33 = vector.broadcast %mul3A_32 : f32 to vector<2048x128xf32>
    %mul3A_34 = arith.mulf %mul3A_31, %mul3A_33 : vector<2048x128xf32>
    %swap3A = arith.constant 0 : index
    %swap3A_35 = arith.constant 0 : index
    %swap3A_36 = arith.constant 0 : index
    %swap3A_37 = vector.load %arg6[%swap3A, %swap3A_35, %swap3A_36] : memref<4x2048x128xf32, #tpu.memory_space<vmem>>, vector<1x2048x128xf32>
    %swap3A_38 = vector.shape_cast %swap3A_37 : vector<1x2048x128xf32> to vector<2048x128xf32>
    %swap3A_39 = vector.shape_cast %mul3A_34 : vector<2048x128xf32> to vector<1x2048x128xf32>
    tpu.vector_store %arg6[%swap3A, %swap3A_35, %swap3A_36], %swap3A_39 {strides = array<i32>} : memref<4x2048x128xf32, #tpu.memory_space<vmem>>, vector<1x2048x128xf32>,
    %mul3A_40 = arith.mulf %slice3A_22, %get3A_25 : vector<2048x128xf32>
    %get3A_41 = arith.constant 0 : index
    %get3A_42 = arith.constant 1 : index
    %get3A_43 = vector.load %arg2[%get3A_41, %get3A_42] : memref<2048x4xf32, #tpu.memory_space<vmem>>, vector<2048x1xf32>
    %mul3A_44 = vector.broadcast %get3A_43 : vector<2048x1xf32> to vector<2048x128xf32>
    %mul3A_45 = arith.mulf %mul3A_40, %mul3A_44 : vector<2048x128xf32>
    %mul3A_46 = arith.constant 3.125000e-02 : f32
    %mul3A_47 = vector.broadcast %mul3A_46 : f32 to vector<2048x128xf32>
    %mul3A_48 = arith.mulf %mul3A_45, %mul3A_47 : vector<2048x128xf32>
    %swap3A_49 = arith.constant 1 : index
    %swap3A_50 = arith.constant 0 : index
    %swap3A_51 = arith.constant 0 : index
    %swap3A_52 = vector.load %arg6[%swap3A_49, %swap3A_50, %swap3A_51] : memref<4x2048x128xf32, #tpu.memory_space<vmem>>, vector<1x2048x128xf32>
    %swap3A_53 = vector.shape_cast %swap3A_52 : vector<1x2048x128xf32> to vector<2048x128xf32>
    %swap3A_54 = vector.shape_cast %mul3A_48 : vector<2048x128xf32> to vector<1x2048x128xf32>
    tpu.vector_store %arg6[%swap3A_49, %swap3A_50, %swap3A_51], %swap3A_54 {strides = array<i32>} : memref<4x2048x128xf32, #tpu.memory_space<vmem>>, vector<1x2048x128xf32>,
    %get3A_55 = arith.constant 0 : index
    %get3A_56 = arith.constant 2 : index
    %get3A_57 = vector.load %arg2[%get3A_55, %get3A_56] : memref<2048x4xf32, #tpu.memory_space<vmem>>, vector<2048x1xf32>
    %mul3A_58 = vector.broadcast %get3A_57 : vector<2048x1xf32> to vector<2048x128xf32>
    %mul3A_59 = arith.mulf %mul3A_40, %mul3A_58 : vector<2048x128xf32>
    %mul3A_60 = arith.constant 3.125000e-02 : f32
    %mul3A_61 = vector.broadcast %mul3A_60 : f32 to vector<2048x128xf32>
    %mul3A_62 = arith.mulf %mul3A_59, %mul3A_61 : vector<2048x128xf32>
    %swap3A_63 = arith.constant 2 : index
    %swap3A_64 = arith.constant 0 : index
    %swap3A_65 = arith.constant 0 : index
    %swap3A_66 = vector.load %arg6[%swap3A_63, %swap3A_64, %swap3A_65] : memref<4x2048x128xf32, #tpu.memory_space<vmem>>, vector<1x2048x128xf32>
    %swap3A_67 = vector.shape_cast %swap3A_66 : vector<1x2048x128xf32> to vector<2048x128xf32>
    %swap3A_68 = vector.shape_cast %mul3A_62 : vector<2048x128xf32> to vector<1x2048x128xf32>
    tpu.vector_store %arg6[%swap3A_63, %swap3A_64, %swap3A_65], %swap3A_68 {strides = array<i32>} : memref<4x2048x128xf32, #tpu.memory_space<vmem>>, vector<1x2048x128xf32>,
    %get3A_69 = arith.constant 0 : index
    %get3A_70 = arith.constant 3 : index
    %get3A_71 = vector.load %arg2[%get3A_69, %get3A_70] : memref<2048x4xf32, #tpu.memory_space<vmem>>, vector<2048x1xf32>
    %mul3A_72 = vector.broadcast %get3A_71 : vector<2048x1xf32> to vector<2048x128xf32>
    %mul3A_73 = arith.mulf %mul3A_40, %mul3A_72 : vector<2048x128xf32>
    %mul3A_74 = arith.constant 3.125000e-02 : f32
    %mul3A_75 = vector.broadcast %mul3A_74 : f32 to vector<2048x128xf32>
    %mul3A_76 = arith.mulf %mul3A_73, %mul3A_75 : vector<2048x128xf32>
    %swap3A_77 = arith.constant 3 : index
    %swap3A_78 = arith.constant 0 : index
    %swap3A_79 = arith.constant 0 : index
    %swap3A_80 = vector.load %arg6[%swap3A_77, %swap3A_78, %swap3A_79] : memref<4x2048x128xf32, #tpu.memory_space<vmem>>, vector<1x2048x128xf32>
    %swap3A_81 = vector.shape_cast %swap3A_80 : vector<1x2048x128xf32> to vector<2048x128xf32>
    %swap3A_82 = vector.shape_cast %mul3A_76 : vector<2048x128xf32> to vector<1x2048x128xf32>
    tpu.vector_store %arg6[%swap3A_77, %swap3A_78, %swap3A_79], %swap3A_82 {strides = array<i32>} : memref<4x2048x128xf32, #tpu.memory_space<vmem>>, vector<1x2048x128xf32>,
    return
  }
  func.func @transform_0(%arg0: i32) -> (i32, i32) {
    %c0_i32 = arith.constant 0 : i32
    %c0_i32_0 = arith.constant 0 : i32
    return %arg0, %c0_i32 : i32, i32
  }
  func.func @transform_1(%arg0: i32) -> (i32, i32) {
    %c0_i32 = arith.constant 0 : i32
    %c0_i32_0 = arith.constant 0 : i32
    return %arg0, %c0_i32 : i32, i32
  }
  func.func @transform_2(%arg0: i32) -> (i32, i32) {
    %c0_i32 = arith.constant 0 : i32
    %c0_i32_0 = arith.constant 0 : i32
    return %arg0, %c0_i32 : i32, i32
  }
  func.func @transform_3(%arg0: i32) -> (i32, i32) {
    %c0_i32 = arith.constant 0 : i32
    %c0_i32_0 = arith.constant 0 : i32
    %c0_i32_1 = arith.constant 0 : i32
    return %c0_i32, %c0_i32_0 : i32, i32
  }
  func.func @transform_4(%arg0: i32) -> (i32, i32) {
    %c0_i32 = arith.constant 0 : i32
    %c0_i32_0 = arith.constant 0 : i32
    %c0_i32_1 = arith.constant 0 : i32
    return %c0_i32, %c0_i32_0 : i32, i32
  }
  func.func @transform_5(%arg0: i32) -> (i32, i32, i32) {
    %c0_i32 = arith.constant 0 : i32
    %c0_i32_0 = arith.constant 0 : i32
    %c0_i32_1 = arith.constant 0 : i32
    return %c0_i32, %arg0, %c0_i32_0 : i32, i32, i32
  }
}

module attributes {stable_mosaic.version = 14 : i64} {
  func.func @body(%arg0: i32, %arg1: memref<4x1000x128xf32, #tpu.memory_space<vmem>>, %arg2: memref<1000x128xf32, #tpu.memory_space<vmem>>, %arg3: memref<1000x4xf32, #tpu.memory_space<vmem>>, %arg4: memref<128x192xf32, #tpu.memory_space<vmem>>, %arg5: memref<128x64xf32, #tpu.memory_space<vmem>>, %arg6: memref<512x192xf32, #tpu.memory_space<vmem>>, %arg7: memref<192x192xf32, #tpu.memory_space<vmem>>, %arg8: memref<1000x320xf32, #tpu.memory_space<vmem>>) attributes {dimension_semantics = [#tpu.dimension_semantics<arbitrary>], iteration_bounds = array<i64: 10>, scalar_prefetch = 0 : i64, scratch_operands = 0 : i64, tpu.core_type = #tpu.core_type<tc>, window_params = [{transform_indices = @transform_0, window_bounds = array<i64: 4, 1000, 128>}, {transform_indices = @transform_1, window_bounds = array<i64: 1000, 128>}, {transform_indices = @transform_2, window_bounds = array<i64: 1000, 4>}, {pipeline_mode = #tpu.pipeline_mode<synchronous>, transform_indices = @transform_3, window_bounds = array<i64: 128, 192>}, {pipeline_mode = #tpu.pipeline_mode<synchronous>, transform_indices = @transform_4, window_bounds = array<i64: 128, 64>}, {pipeline_mode = #tpu.pipeline_mode<synchronous>, transform_indices = @transform_5, window_bounds = array<i64: 512, 192>}, {pipeline_mode = #tpu.pipeline_mode<synchronous>, transform_indices = @transform_6, window_bounds = array<i64: 192, 192>}, {transform_indices = @transform_7, window_bounds = array<i64: 1000, 320>}]} {
    %get3A = arith.constant 0 : index
    %get3A_0 = arith.constant 0 : index
    %get3A_1 = vector.load %arg2[%get3A, %get3A_0] : memref<1000x128xf32, #tpu.memory_space<vmem>>, vector<1000x128xf32>
    %get3A_2 = arith.constant 0 : index
    %get3A_3 = arith.constant 0 : index
    %get3A_4 = vector.load %arg3[%get3A_2, %get3A_3] : memref<1000x4xf32, #tpu.memory_space<vmem>>, vector<1000x4xf32>
    %get3A_5 = arith.constant 0 : index
    %get3A_6 = arith.constant 0 : index
    %get3A_7 = arith.constant 0 : index
    %get3A_8 = vector.load %arg1[%get3A_5, %get3A_6, %get3A_7] : memref<4x1000x128xf32, #tpu.memory_space<vmem>>, vector<1x1000x128xf32>
    %get3A_9 = vector.shape_cast %get3A_8 : vector<1x1000x128xf32> to vector<1000x128xf32>
    %get3A_10 = arith.constant 0 : index
    %get3A_11 = arith.constant 0 : index
    %get3A_12 = vector.load %arg4[%get3A_10, %get3A_11] : memref<128x192xf32, #tpu.memory_space<vmem>>, vector<128x192xf32>
    %dot_general3A = arith.constant dense<0.000000e+00> : vector<1000x192xf32>
    %dot_general3A_13 = tpu.matmul %get3A_9, %get3A_12, %dot_general3A {dimension_numbers = #tpu.dot_dimension_numbers<[1], [0], [0], [1], [0, 0, 1, 1], [], []>, transpose_lhs_hint = false} : vector<1000x128xf32>, vector<128x192xf32>, vector<1000x192xf32> -> vector<1000x192xf32>
    %mul3A = arith.constant 0.0883883461 : f32
    %mul3A_14 = vector.broadcast %mul3A : f32 to vector<1000x192xf32>
    %mul3A_15 = arith.mulf %dot_general3A_13, %mul3A_14 : vector<1000x192xf32>
    %slice3A = vector.extract_strided_slice %get3A_4 {offsets = [0, 0], sizes = [1000, 1], strides = [1, 1]} : vector<1000x4xf32> to vector<1000x1xf32>
    %mul3A_16 = vector.broadcast %slice3A : vector<1000x1xf32> to vector<1000x128xf32>
    %mul3A_17 = arith.mulf %get3A_1, %mul3A_16 : vector<1000x128xf32>
    %slice3A_18 = vector.extract_strided_slice %get3A_4 {offsets = [0, 1], sizes = [1000, 1], strides = [1, 1]} : vector<1000x4xf32> to vector<1000x1xf32>
    %mul3A_19 = vector.broadcast %slice3A_18 : vector<1000x1xf32> to vector<1000x128xf32>
    %mul3A_20 = arith.mulf %get3A_1, %mul3A_19 : vector<1000x128xf32>
    %slice3A_21 = vector.extract_strided_slice %get3A_4 {offsets = [0, 2], sizes = [1000, 1], strides = [1, 1]} : vector<1000x4xf32> to vector<1000x1xf32>
    %mul3A_22 = vector.broadcast %slice3A_21 : vector<1000x1xf32> to vector<1000x128xf32>
    %mul3A_23 = arith.mulf %get3A_1, %mul3A_22 : vector<1000x128xf32>
    %slice3A_24 = vector.extract_strided_slice %get3A_4 {offsets = [0, 3], sizes = [1000, 1], strides = [1, 1]} : vector<1000x4xf32> to vector<1000x1xf32>
    %mul3A_25 = vector.broadcast %slice3A_24 : vector<1000x1xf32> to vector<1000x128xf32>
    %mul3A_26 = arith.mulf %get3A_1, %mul3A_25 : vector<1000x128xf32>
    %concatenate3A = tpu.concatenate %mul3A_17, %mul3A_20, %mul3A_23, %mul3A_26 in 1 : vector<1000x128xf32>, vector<1000x128xf32>, vector<1000x128xf32>, vector<1000x128xf32> -> vector<1000x512xf32>
    %get3A_27 = arith.constant 0 : index
    %get3A_28 = arith.constant 0 : index
    %get3A_29 = vector.load %arg6[%get3A_27, %get3A_28] : memref<512x192xf32, #tpu.memory_space<vmem>>, vector<512x192xf32>
    %dot_general3A_30 = arith.constant dense<0.000000e+00> : vector<1000x192xf32>
    %dot_general3A_31 = tpu.matmul %concatenate3A, %get3A_29, %dot_general3A_30 {dimension_numbers = #tpu.dot_dimension_numbers<[1], [0], [0], [1], [0, 0, 1, 1], [], []>, transpose_lhs_hint = false} : vector<1000x512xf32>, vector<512x192xf32>, vector<1000x192xf32> -> vector<1000x192xf32>
    %mul3A_32 = arith.constant 0.0441941731 : f32
    %mul3A_33 = vector.broadcast %mul3A_32 : f32 to vector<1000x192xf32>
    %mul3A_34 = arith.mulf %dot_general3A_31, %mul3A_33 : vector<1000x192xf32>
    %add3A = arith.addf %mul3A_15, %mul3A_34 : vector<1000x192xf32>
    %slice3A_35 = vector.extract_strided_slice %add3A {offsets = [0, 0], sizes = [1000, 128], strides = [1, 1]} : vector<1000x192xf32> to vector<1000x128xf32>
    %logistic3A = arith.negf %slice3A_35 : vector<1000x128xf32>
    %logistic3A_36 = math.exp %logistic3A : vector<1000x128xf32>
    %logistic3A_37 = arith.constant 1.000000e+00 : f32
    %logistic3A_38 = vector.broadcast %logistic3A_37 : f32 to vector<1000x128xf32>
    %logistic3A_39 = arith.addf %logistic3A_38, %logistic3A_36 : vector<1000x128xf32>
    %logistic3A_40 = arith.divf %logistic3A_38, %logistic3A_39 : vector<1000x128xf32>
    %mul3A_41 = arith.mulf %slice3A_35, %logistic3A_40 : vector<1000x128xf32>
    %slice3A_42 = vector.extract_strided_slice %add3A {offsets = [0, 128], sizes = [1000, 64], strides = [1, 1]} : vector<1000x192xf32> to vector<1000x64xf32>
    %logistic3A_43 = arith.negf %slice3A_42 : vector<1000x64xf32>
    %logistic3A_44 = math.exp %logistic3A_43 : vector<1000x64xf32>
    %logistic3A_45 = arith.constant 1.000000e+00 : f32
    %logistic3A_46 = vector.broadcast %logistic3A_45 : f32 to vector<1000x64xf32>
    %logistic3A_47 = arith.addf %logistic3A_46, %logistic3A_44 : vector<1000x64xf32>
    %logistic3A_48 = arith.divf %logistic3A_46, %logistic3A_47 : vector<1000x64xf32>
    %mul3A_49 = arith.mulf %slice3A_42, %logistic3A_48 : vector<1000x64xf32>
    %get3A_50 = arith.constant 1 : index
    %get3A_51 = arith.constant 0 : index
    %get3A_52 = arith.constant 0 : index
    %get3A_53 = vector.load %arg1[%get3A_50, %get3A_51, %get3A_52] : memref<4x1000x128xf32, #tpu.memory_space<vmem>>, vector<1x1000x128xf32>
    %get3A_54 = vector.shape_cast %get3A_53 : vector<1x1000x128xf32> to vector<1000x128xf32>
    %get3A_55 = arith.constant 0 : index
    %get3A_56 = arith.constant 0 : index
    %get3A_57 = vector.load %arg5[%get3A_55, %get3A_56] : memref<128x64xf32, #tpu.memory_space<vmem>>, vector<128x64xf32>
    %dot_general3A_58 = arith.constant dense<0.000000e+00> : vector<1000x64xf32>
    %dot_general3A_59 = tpu.matmul %get3A_54, %get3A_57, %dot_general3A_58 {dimension_numbers = #tpu.dot_dimension_numbers<[1], [0], [0], [1], [0, 0, 1, 1], [], []>, transpose_lhs_hint = false} : vector<1000x128xf32>, vector<128x64xf32>, vector<1000x64xf32> -> vector<1000x64xf32>
    %mul3A_60 = arith.constant 0.0883883461 : f32
    %mul3A_61 = vector.broadcast %mul3A_60 : f32 to vector<1000x64xf32>
    %mul3A_62 = arith.mulf %dot_general3A_59, %mul3A_61 : vector<1000x64xf32>
    %mul3A_63 = arith.mulf %mul3A_62, %mul3A_49 : vector<1000x64xf32>
    %get3A_64 = arith.constant 2 : index
    %get3A_65 = arith.constant 0 : index
    %get3A_66 = arith.constant 0 : index
    %get3A_67 = vector.load %arg1[%get3A_64, %get3A_65, %get3A_66] : memref<4x1000x128xf32, #tpu.memory_space<vmem>>, vector<1x1000x128xf32>
    %get3A_68 = vector.shape_cast %get3A_67 : vector<1x1000x128xf32> to vector<1000x128xf32>
    %get3A_69 = arith.constant 0 : index
    %get3A_70 = arith.constant 0 : index
    %get3A_71 = vector.load %arg5[%get3A_69, %get3A_70] : memref<128x64xf32, #tpu.memory_space<vmem>>, vector<128x64xf32>
    %dot_general3A_72 = arith.constant dense<0.000000e+00> : vector<1000x64xf32>
    %dot_general3A_73 = tpu.matmul %get3A_68, %get3A_71, %dot_general3A_72 {dimension_numbers = #tpu.dot_dimension_numbers<[1], [0], [0], [1], [0, 0, 1, 1], [], []>, transpose_lhs_hint = false} : vector<1000x128xf32>, vector<128x64xf32>, vector<1000x64xf32> -> vector<1000x64xf32>
    %mul3A_74 = arith.constant 0.0883883461 : f32
    %mul3A_75 = vector.broadcast %mul3A_74 : f32 to vector<1000x64xf32>
    %mul3A_76 = arith.mulf %dot_general3A_73, %mul3A_75 : vector<1000x64xf32>
    %mul3A_77 = arith.mulf %mul3A_76, %mul3A_49 : vector<1000x64xf32>
    %get3A_78 = arith.constant 3 : index
    %get3A_79 = arith.constant 0 : index
    %get3A_80 = arith.constant 0 : index
    %get3A_81 = vector.load %arg1[%get3A_78, %get3A_79, %get3A_80] : memref<4x1000x128xf32, #tpu.memory_space<vmem>>, vector<1x1000x128xf32>
    %get3A_82 = vector.shape_cast %get3A_81 : vector<1x1000x128xf32> to vector<1000x128xf32>
    %get3A_83 = arith.constant 0 : index
    %get3A_84 = arith.constant 0 : index
    %get3A_85 = vector.load %arg5[%get3A_83, %get3A_84] : memref<128x64xf32, #tpu.memory_space<vmem>>, vector<128x64xf32>
    %dot_general3A_86 = arith.constant dense<0.000000e+00> : vector<1000x64xf32>
    %dot_general3A_87 = tpu.matmul %get3A_82, %get3A_85, %dot_general3A_86 {dimension_numbers = #tpu.dot_dimension_numbers<[1], [0], [0], [1], [0, 0, 1, 1], [], []>, transpose_lhs_hint = false} : vector<1000x128xf32>, vector<128x64xf32>, vector<1000x64xf32> -> vector<1000x64xf32>
    %mul3A_88 = arith.constant 0.0883883461 : f32
    %mul3A_89 = vector.broadcast %mul3A_88 : f32 to vector<1000x64xf32>
    %mul3A_90 = arith.mulf %dot_general3A_87, %mul3A_89 : vector<1000x64xf32>
    %mul3A_91 = arith.mulf %mul3A_90, %mul3A_49 : vector<1000x64xf32>
    %concatenate3A_92 = tpu.concatenate %mul3A_63, %mul3A_77, %mul3A_91 in 1 : vector<1000x64xf32>, vector<1000x64xf32>, vector<1000x64xf32> -> vector<1000x192xf32>
    %get3A_93 = arith.constant 0 : index
    %get3A_94 = arith.constant 0 : index
    %get3A_95 = vector.load %arg7[%get3A_93, %get3A_94] : memref<192x192xf32, #tpu.memory_space<vmem>>, vector<192x192xf32>
    %dot_general3A_96 = arith.constant dense<0.000000e+00> : vector<1000x192xf32>
    %dot_general3A_97 = tpu.matmul %concatenate3A_92, %get3A_95, %dot_general3A_96 {dimension_numbers = #tpu.dot_dimension_numbers<[1], [0], [0], [1], [0, 0, 1, 1], [], []>, transpose_lhs_hint = false} : vector<1000x192xf32>, vector<192x192xf32>, vector<1000x192xf32> -> vector<1000x192xf32>
    %concatenate3A_98 = tpu.concatenate %mul3A_41, %dot_general3A_97 in 1 : vector<1000x128xf32>, vector<1000x192xf32> -> vector<1000x320xf32>
    %swap3A = arith.constant 0 : index
    %swap3A_99 = arith.constant 0 : index
    %swap3A_100 = vector.load %arg8[%swap3A, %swap3A_99] : memref<1000x320xf32, #tpu.memory_space<vmem>>, vector<1000x320xf32>
    tpu.vector_store %arg8[%swap3A, %swap3A_99], %concatenate3A_98 {strides = array<i32>} : memref<1000x320xf32, #tpu.memory_space<vmem>>, vector<1000x320xf32>,
    return
  }
  func.func @transform_0(%arg0: i32) -> (i32, i32, i32) {
    %c0_i32 = arith.constant 0 : i32
    %c0_i32_0 = arith.constant 0 : i32
    %c0_i32_1 = arith.constant 0 : i32
    return %c0_i32, %arg0, %c0_i32_0 : i32, i32, i32
  }
  func.func @transform_1(%arg0: i32) -> (i32, i32) {
    %c0_i32 = arith.constant 0 : i32
    %c0_i32_0 = arith.constant 0 : i32
    return %arg0, %c0_i32 : i32, i32
  }
  func.func @transform_2(%arg0: i32) -> (i32, i32) {
    %c0_i32 = arith.constant 0 : i32
    %c0_i32_0 = arith.constant 0 : i32
    return %arg0, %c0_i32 : i32, i32
  }
  func.func @transform_3(%arg0: i32) -> (i32, i32) {
    %c0_i32 = arith.constant 0 : i32
    %c0_i32_0 = arith.constant 0 : i32
    %c0_i32_1 = arith.constant 0 : i32
    return %c0_i32, %c0_i32_0 : i32, i32
  }
  func.func @transform_4(%arg0: i32) -> (i32, i32) {
    %c0_i32 = arith.constant 0 : i32
    %c0_i32_0 = arith.constant 0 : i32
    %c0_i32_1 = arith.constant 0 : i32
    return %c0_i32, %c0_i32_0 : i32, i32
  }
  func.func @transform_5(%arg0: i32) -> (i32, i32) {
    %c0_i32 = arith.constant 0 : i32
    %c0_i32_0 = arith.constant 0 : i32
    %c0_i32_1 = arith.constant 0 : i32
    return %c0_i32, %c0_i32_0 : i32, i32
  }
  func.func @transform_6(%arg0: i32) -> (i32, i32) {
    %c0_i32 = arith.constant 0 : i32
    %c0_i32_0 = arith.constant 0 : i32
    %c0_i32_1 = arith.constant 0 : i32
    return %c0_i32, %c0_i32_0 : i32, i32
  }
  func.func @transform_7(%arg0: i32) -> (i32, i32) {
    %c0_i32 = arith.constant 0 : i32
    %c0_i32_0 = arith.constant 0 : i32
    return %arg0, %c0_i32 : i32, i32
  }
}

</mosaic_0001>

<sc_bundles>
// kernel: kernel.10.cloned.1.call-start
scs
__scs_entry_jumppad:
0x0: {  	(pc) =	sbr.rel $0x88, $3  }
0x1: {  	(tag) =	ssettag $0x0;
	lr =	simm.s32 $0x1  }
0x2: {  	[smem:$0x3F96] =	sst lr;
	_ =	strace $0xD0000000  }
0x3: {  	_ = 	snop  }
0x4: {  	_ = 	snop  }
0x5: {  	_ = 	snop  }
0x6: {  	_ = 	snop  }
0x7: {  	_ = 	snop  }
__scs_overlays_trampoline_lowered:
0x8: {  	[smem:$0x3FA5] =	sst s0  }
0x9: {  	[smem:$0x3FA6] =	sst s1  }
0xa: {  	[smem:$0x3FA7] =	sst s2  }
0xb: {  	[smem:$0x3FA8] =	sst s3  }
0xc: {  	[smem:$0x3FA9] =	sst s4  }
0xd: {  	[smem:$0x3FAA] =	sst s5  }
0xe: {  	[smem:$0x3FAB] =	sst s6  }
0xf: {  	[smem:$0x3FAC] =	sst s7  }
0x10: {  	[smem:$0x3FAD] =	sst s8  }
0x11: {  	[smem:$0x3FAE] =	sst s9;
	s0 =	simm.s32 @!p0 $0x0  }
0x12: {  	s1 =	sld [smem:$0x3F94];
	s0 =	simm.s32 @p0 $0x1  }
0x13: {  	[smem:$0x3FAF] =	sst s0;
	s0 =	simm.s32 @!p1 $0x0  }
0x14: {  	s2 =	sld [smem:$0x3F93];
	s0 =	simm.s32 @p1 $0x1  }
0x15: {  	[smem:$0x3FB0] =	sst s0;
	s0 =	simm.s32 @!p2 $0x0  }
0x16: {  	s3 =	sld [smem:$0x3FDB];
	s0 =	simm.s32 @p2 $0x1  }
0x17: {  	s4 =	simm.s32 $0x1BF5;
	[smem:$0x3FB2] =	sst s0  }
0x18: {  	s0 =	sld [smem:$0x3F95];
	_ =	swait.ge [sflag:s4], $0x0  }
0x19: {  	s7 =	sld [smem:$0x3F96]  }
0x1a: {  	s8 =	sadd.s32 $0xFFFFE003, lr  }
0x1b: {  	s9 =	sadd.s32 $0xFFFFFEF7, lr;
	s5 =	simm.s32 $0xFFFFFFFF;
	p2 =	slt.u32 s8, $0xFFFFF086  }
0x1c: {  	p1 =	slt.u32 s9, $0xF7A;
	s5 =	simm.s32 @!p2 $0x0  }
0x1d: {  	s5 =	simm.s32 @p1 $0x1;
	p0 =	seq.s32 s7, s2  }
0x1e: {  	s7 =	smul.u32 @!p0 $0xF7A, s2;
	p2 =	seq.s32 @!p0 s5, $0x0  }
0x1f: {  	s9 =	smul.u32 $0xF7A, s1;
	s8 =	simm.s32 @!p0 $0x1BF5;
	p2 =	por !p2, p0  }
0x20: {  	[sflag:s8] =	ssyncset.s32 @!p0 $0xFFFFF086;
	s6 =	sadd.s32 @!p0 s3, s7;
	s7 =	simm.s32 @!p0 $0x108  }
0x21: {  	s3 =	sadd.s32 s3, s9;
	s6 =	sadd.s32 @!p0 $0x88, s6;
	s7 =	simm.s32 @p2 $0x1082  }
0x22: {  	[simem:s7], [sflag:s8] =	dma.local @!p0 [hbm:s6], $0xF7A  }
0x23: {  	s9 =	sor.u32 $0xD0000000, s2;
	s6 =	simm.s32 $0x108;
	_ =	swait.ge @!p0 [sflag:s8], $0x0  }
0x24: {  	s3 =	sadd.s32 $0x88, s3;
	s6 =	simm.s32 @!p1 $0x1082;
	[sflag:s4] =	ssyncset.s32 $0xFFFFF086  }
0x25: {  	[simem:s6], [sflag:s4] =	dma.local [hbm:s3], $0xF7A  }
0x26: {  	[smem:$0x3F96] =	sst s1;
	(tag) =	ssettag s2;
	_ =	strace s9  }
0x27: {  	s1 =	sld [smem:$0x3FA6]  }
0x28: {  	s2 =	sld [smem:$0x3FA7]  }
0x29: {  	s4 =	sld [smem:$0x3FA9]  }
0x2a: {  	p0 =	seq.s32 s5, $0x0;
	s5 =	sld [smem:$0x3FAA]  }
0x2b: {  	s6 =	sld [smem:$0x3FAB]  }
0x2c: {  	s7 =	sld [smem:$0x3FAC]  }
0x2d: {  	s3 =	simm.s32 $0x108;
	s8 =	sld [smem:$0x3FAD]  }
0x2e: {  	s3 =	simm.s32 @!p0 $0x1082;
	s9 =	sld [smem:$0x3FAE]  }
0x2f: {  	lr =	sadd.s32 s0, s3;
	s0 =	sld [smem:$0x3FA5]  }
0x30: {  	s3 =	sld [smem:$0x3FA8]  }
0x31: {  	[smem:$0x3FB1] =	sst s10  }
0x32: {  	s10 =	sld [smem:$0x3FAF];
	_ =	sdelay $0x3  }
0x33: {  	p0 =	seq.s32 s10, $0x1;
	s10 =	sld [smem:$0x3FB1];
	_ =	sdelay $0x3  }
0x34: {  	[smem:$0x3FB1] =	sst s10  }
0x35: {  	s10 =	sld [smem:$0x3FB0];
	_ =	sdelay $0x3  }
0x36: {  	p1 =	seq.s32 s10, $0x1;
	s10 =	sld [smem:$0x3FB1];
	_ =	sdelay $0x3  }
0x37: {  	[smem:$0x3FB1] =	sst s10  }
0x38: {  	s10 =	sld [smem:$0x3FB2]  }
0x39: {  	_ = 	snop;
	(pc) =	sbr.ind lr, $3  }
0x3a: {  	_ = 	snop  }
0x3b: {  	_ = 	snop  }
0x3c: {  	p2 =	seq.s32 s10, $0x1;
	s10 =	sld [smem:$0x3FB1]  }
0x3d: {  	_ =	shalt  }
0x3e: {  	_ =	shalt  }
0x3f: {  	_ =	shalt  }
0x40: {  	_ =	shalt  }
0x41: {  	_ =	shalt  }
0x42: {  	_ =	shalt  }
0x43: {  	_ =	shalt  }
0x44: {  	_ =	shalt  }
0x45: {  	_ =	shalt  }
0x46: {  	_ =	shalt  }
0x47: {  	_ =	shalt  }
0x48: {  	_ =	shalt  }
0x49: {  	_ =	shalt  }
0x4a: {  	_ =	shalt  }
0x4b: {  	_ =	shalt  }
0x4c: {  	_ =	shalt  }
0x4d: {  	_ =	shalt  }
0x4e: {  	_ =	shalt  }
0x4f: {  	_ =	shalt  }
0x50: {  	_ =	shalt  }
0x51: {  	_ =	shalt  }
0x52: {  	_ =	shalt  }
0x53: {  	_ =	shalt  }
0x54: {  	_ =	shalt  }
0x55: {  	_ =	shalt  }
0x56: {  	_ =	shalt  }
0x57: {  	_ =	shalt  }
0x58: {  	_ =	shalt  }
0x59: {  	_ =	shalt  }
0x5a: {  	_ =	shalt  }
0x5b: {  	_ =	shalt  }
0x5c: {  	_ =	shalt  }
0x5d: {  	_ =	shalt  }
0x5e: {  	_ =	shalt  }
0x5f: {  	_ =	shalt  }
0x60: {  	_ =	shalt  }
0x61: {  	_ =	shalt  }
0x62: {  	_ =	shalt  }
0x63: {  	_ =	shalt  }
0x64: {  	_ =	shalt  }
0x65: {  	_ =	shalt  }
0x66: {  	_ =	shalt  }
0x67: {  	_ =	shalt  }
0x68: {  	_ =	shalt  }
0x69: {  	_ =	shalt  }
0x6a: {  	_ =	shalt  }
0x6b: {  	_ =	shalt  }
0x6c: {  	_ =	shalt  }
0x6d: {  	_ =	shalt  }
0x6e: {  	_ =	shalt  }
0x6f: {  	_ =	shalt  }
0x70: {  	_ =	shalt  }
0x71: {  	_ =	shalt  }
0x72: {  	_ =	shalt  }
0x73: {  	_ =	shalt  }
0x74: {  	_ =	shalt  }
0x75: {  	_ =	shalt  }
0x76: {  	_ =	shalt  }
0x77: {  	_ =	shalt  }
0x78: {  	_ =	shalt  }
0x79: {  	_ =	shalt  }
0x7a: {  	_ =	shalt  }
0x7b: {  	_ =	shalt  }
0x7c: {  	_ =	shalt  }
0x7d: {  	_ =	shalt  }
0x7e: {  	_ =	shalt  }
0x7f: {  	_ =	shalt  }
0x80: {  	_ =	shalt  }
0x81: {  	_ =	shalt  }
0x82: {  	_ =	shalt  }
0x83: {  	_ =	shalt  }
0x84: {  	_ =	shalt  }
0x85: {  	_ =	shalt  }
0x86: {  	_ =	shalt  }
0x87: {  	_ =	shalt  }
.Lfunc_end0:
.L_simem_size_0:
called_computation.1_lowered:
.L_overlay_start_0:
0x88: {  	s2 =	sld [smem:$0x3FD9]  }
0x89: {  	s3 =	sld [smem:$0x3FFE];
	_ =	sdelay $0x1  }
0x8a: {  	s1 =	srdreg.scid  }
0x8b: {  	s0 =	sand.u32 $0x1, s1  }
0x8c: {  	s17 =	sshll.u32 s0, $0xA;
	s2 =	sadd.s32 s3, s2  }
0x8d: {  	s2 =	sadd.s32 s2, s17  }
0x8e: {  	[smem:$0x3FBD] =	sst s2  }
0x8f: {  	_ = 	snop  }
0x90: {  	s2 =	sld [smem:$0x3FD0];
	(tm) =	ssettm $0x1  }
0x91: {  	s18 =	sld [smem:$0x3FFB];
	_ =	sdelay $0x3  }
0x92: {  	_ =	strace s18  }
0x93: {  	s3 =	sld [smem:$0x3FFC];
	_ =	sdelay $0x3  }
0x94: {  	_ =	strace s3  }
0x95: {  	s3 =	sld [smem:$0x3FFD];
	_ =	sdelay $0x3  }
0x96: {  	_ =	strace s3  }
0x97: {  	_ =	strace $0x8FFFFFFF  }
0x98: {  	s19 =	sld [smem:$0x3FDB];
	_ =	sdelay $0x1  }
0x99: {  	s4 =	simm.s32 $_scs_section_size  }
0x9a: {  	s5 =	simm.s32 $_size__tile_overlayer_lowered;
	s6 =	simm.s32 $_tile_overlayer_lowered  }
0x9b: {  	s22 =	simm.s32 $0x1BFF;
	s21 =	sshll.u32 s6, $0x1;
	s3 =	sadd.s32 s4, s19  }
0x9c: {  	s7 =	simm.s32 $0x0;
	s20 =	sshll.u32 s5, $0x1;
	s5 =	sadd.s32 s21, s3  }
0x9d: {  	[timem:s7], [sflag:s22] =	dma.local [hbm:s5], s20  }
0x9e: {  	_ =	swait.ge [sflag:s22], s20  }
0x9f: {  	s4 =	ssub.s32 $0x0, s20;
	[sflag:s22] =	ssyncset.done $0x0  }
0xa0: {  	[sflag:s22] =	ssyncadd.s32 s4;
	_ =	sdelay $0x1  }
0xa1: {  	s23 =	simm.s32 $0x1B8B  }
0xa2: {  	_ =	swait.ge [sflag:s23], $0x1  }
0xa3: {  	[sflag:s23] =	ssyncset.done $0x0  }
0xa4: {  	s25 =	simm.s32 $0x1B8E;
	s24 =	sld [smem:$0x3FFE];
	[sflag:s23] =	ssyncadd.s32 $0xFFFFFFFF  }
0xa5: {  	s26 =	simm.s32 $execute0_lowered;
	[smem:$0x3FD2] =	sst s25  }
0xa6: {  	s5 =	sshll.u32 s26, $0x1;
	_ =	strace $0x80000049;
	[dreg:$0x1] =	wrdreg $0xFFFFFFFF  }
0xa7: {  	s28 =	simm.s32 $_size_execute0_lowered;
	s3 =	sadd.s32 s3, s5;
	[dreg:$0x0] =	wrdreg $0x0  }
0xa8: {  	s5 =	sshll.u32 s28, $0x1;
	[dreg:$0x2] =	wrdreg s3  }
0xa9: {  	[dreg:$0x3] =	wrdreg s5  }
0xaa: {  	[dreg:$0x4] =	wrdreg $0xC0  }
0xab: {  	_ =	task [dreg:s7], $0x5FFFF  }
0xac: {  	[dreg:$0x1] =	wrdreg $0xFFFFFFFF  }
0xad: {  	[dreg:$0x0] =	wrdreg $0x60  }
0xae: {  	[dreg:$0x2] =	wrdreg s24  }
0xaf: {  	[dreg:$0x3] =	wrdreg s2  }
0xb0: {  	[dreg:$0x4] =	wrdreg $0x81000  }
0xb1: {  	[dreg:$0x5] =	wrdreg $0x9  }
0xb2: {  	_ =	task.clear_ibuf [dreg:s7], $0x6FFFF;
	_ =	strace $0x90000049  }
0xb3: {  	s29 =	simm.s32 $0x9;
	_ =	strace $0x8000004B  }
0xb4: {  	_ =	swait.ge [sflag:s29], $0x1  }
0xb5: {  	[sflag:s29] =	ssyncadd.s32 $0xFFFFFFFF  }
0xb6: {  	_ =	strace $0x9000004B  }
0xb7: {  	_ =	sfence  }
0xb8: {  	s30 =	sld [smem:$0x0];
	_ =	sdelay $0x2  }
0xb9: {  	s31 =	sshll.u32 s1, $0xD;
	s1 =	sshrl.u32 s1, $0x2  }
0xba: {  	s3 =	sand.u32 $0x4000, s31;
	s1 =	sadd.s32 s1, s30  }
0xbb: {  	s0 =	sor.u32 s3, s0;
	s1 =	sshll.u32 s1, $0x11  }
0xbc: {  	s0 =	sor.u32 s1, s0  }
0xbd: {  	s0 =	sadd.s32 $0x8F2B, s0  }
0xbe: {  	[sflag:s0] =	ssyncadd.remote.s32 $0x1  }
0xbf: {  	_ =	sfence.sel $0xFFFF  }
0xc0: {  	[dreg:$0x0] =	wrdreg $0xFFFFFFFF;
	(pc) =	sbr.abs _section_cstart, $3  }
0xc1: {  	[dreg:$0x1] =	wrdreg $0xFFFFFFFF  }
0xc2: {  	_ =	task.clear_ibuf [dreg:s7], $0x2FFFF;
	_ =	strace $0x9FFFFFFF  }
0xc3: {  	(tm) =	ssettm $0x7FFFFFFF  }
tec
execute0_lowered:
.L_overlay_start_1:
0x0: {  	(tag) =	ssettag $0x1  }
0x1: {  	s0 =	rddreg [dreg:$0x0];
	s19 =	stileid.u32  }
0x2: {  	s1 =	simm.s32 $0x0;
	s2 =	srdreg.scid;
	s9 =	smul.u32 $0x14000, s19  }
0x3: {  	[smem:$0x7FF] =	sst s1;
	s8 =	sand.u32 $0x1, s2;
	s12 =	smul.u32 $0x280000, s19  }
0x4: {  	s3 =	sadd.s32 $0x13F7E00, s0;
	s10 =	sadd.s32 $0x15E00, s0;
	s11 =	smul.u32 $0x2800000, s8  }
0x5: {  	s2 =	ssub.s32 $0x2, s8;
	s13 =	smul.u32 $0x140000, s8;
	s8 =	sor.u32 $0x2, s8  }
0x6: {  	s4 =	sshrl.u32 s2, $0x1;
	s5 =	sadd.s32 $0x8000, s9;
	s6 =	sadd.s32 $0xC000, s9  }
0x7: {  	s7 =	sadd.s32 $0x10000, s9;
	s15 =	sor.u32 $0x4000, s12;
	s18 =	smul.u32 $0x2800000, s8  }
0x8: {  	s8 =	smul.u32 $0x140000, s8;
	s2 =	ssub.s32 s2, s4;
	s4 =	sadd.s32 $0x4000, s9  }
0x9: {  	s14 =	sadd.s32 s12, s11;
	s11 =	sadd.s32 s11, s15;
	s17 =	sadd.s32 s9, s13  }
0xa: {  	s23 =	sadd.s32 s13, s5;
	s24 =	sadd.s32 s13, s6;
	s16 =	sshrl.u32 s14, $0x3  }
0xb: {  	s11 =	sshrl.u32 s11, $0x3;
	s20 =	sshrl.u32 s17, $0x3;
	s22 =	sadd.s32 s13, s4  }
0xc: {  	s26 =	sshrl.u32 s24, $0x3;
	s13 =	sadd.s32 s13, s7;
	s12 =	sadd.s32 s12, s18  }
0xd: {  	s9 =	sadd.s32 s9, s8;
	s18 =	sadd.s32 s15, s18;
	s16 =	sadd.s32 s3, s16  }
0xe: {  	s15 =	sadd.s32 $0x500C000, s14;
	s11 =	sadd.s32 s3, s11;
	[dreg:$0x4] =	wrdreg s16  }
0xf: {  	s21 =	sadd.s32 s10, s20;
	s12 =	sshrl.u32 s12, $0x3;
	[dreg:$0x5] =	wrdreg s11  }
0x10: {  	s9 =	sshrl.u32 s9, $0x3;
	s20 =	sadd.s32 s8, s4;
	[dreg:$0x6] =	wrdreg s21  }
0x11: {  	s11 =	sshrl.u32 s22, $0x3;
	s16 =	sshrl.u32 s23, $0x3;
	s17 =	sadd.s32 s3, s12  }
0x12: {  	s9 =	sadd.s32 s10, s9;
	s21 =	sshrl.u32 s20, $0x3;
	s22 =	sadd.s32 s8, s5  }
0x13: {  	s23 =	sadd.s32 s8, s6;
	s8 =	sadd.s32 s8, s7;
	s20 =	rddreg [dreg:$0x2]  }
0x14: {  	s11 =	sadd.s32 s10, s11;
	s25 =	sadd.s32 s10, s16;
	[dreg:$0xb] =	wrdreg s17  }
0x15: {  	s16 =	sshrl.u32 s13, $0x3;
	[dreg:$0xc] =	wrdreg s9;
	s9 =	sadd.s32 s10, s21  }
0x16: {  	s12 =	sshrl.u32 s23, $0x3;
	s8 =	sshrl.u32 s8, $0x3;
	s13 =	sadd.s32 $0x5008000, s14  }
0x17: {  	s23 =	smul.u32 $0xA00, s19;
	s28 =	sadd.s32 s5, s20;
	s29 =	sadd.s32 s6, s20  }
0x18: {  	s31 =	sadd.s32 s7, s20;
	s5 =	simm.s32 $0x4100;
	[dreg:$0x7] =	wrdreg s11  }
0x19: {  	s6 =	simm.s32 $0x1;
	s7 =	simm.s32 $0x3;
	[dreg:$0x8] =	wrdreg s25  }
0x1a: {  	s11 =	sadd.s32 s10, s26;
	[dreg:$0xd] =	wrdreg s9;
	s9 =	sshrl.u32 s22, $0x3  }
0x1b: {  	s24 =	sadd.s32 s10, s12;
	s8 =	sadd.s32 s10, s8;
	[dreg:$0x9] =	wrdreg s11  }
0x1c: {  	s25 =	sor.u32 $0x8000, s14;
	s26 =	sor.u32 $0xC000, s14;
	[dreg:$0xf] =	wrdreg s24  }
0x1d: {  	s11 =	sadd.s32 s10, s16;
	s9 =	sadd.s32 s10, s9;
	[dreg:$0x10] =	wrdreg s8  }
0x1e: {  	s8 =	sshrl.u32 s25, $0x3;
	s16 =	smul.u32 $0x50000, s19;
	s24 =	sadd.s32 $0xBE00, s0  }
0x1f: {  	s19 =	smax.u32 s2, $0x1;
	s2 =	simm.s32 $0x100;
	[dreg:$0xa] =	wrdreg s11  }
0x20: {  	s10 =	simm.s32 $0x0;
	s11 =	sshrl.u32 s18, $0x3;
	[dreg:$0xe] =	wrdreg s9  }
0x21: {  	s9 =	sshrl.u32 s26, $0x3;
	s8 =	sadd.s32 s8, s3;
	s26 =	sadd.s32 s4, s20  }
0x22: {  	s30 =	sadd.s32 s24, s23;
	s4 =	simm.s32 $0x80;
	s12 =	sadd.s32 s3, s11  }
0x23: {  	[dreg:$0x12] =	wrdreg s8;
	s17 =	sadd.s32 s9, s3;
	s8 =	sshrl.u32 s13, $0x3  }
0x24: {  	s9 =	sshrl.u32 s15, $0x3;
	s18 =	sshrl.u32 s16, $0x2;
	s0 =	sadd.s32 $0x10, s30  }
0x25: {  	[dreg:$0x11] =	wrdreg s12;
	s21 =	sadd.s32 s8, s3;
	s22 =	sadd.s32 s9, s3  }
0x26: {  	s25 =	sadd.s32 s18, s20;
	s3 =	simm.s32 $0x5;
	s8 =	simm.s32 $0x2  }
0x27: {  	s9 =	simm.s32 $0x4;
	_ =	strace $0x8000004A;
	[dreg:$0x13] =	wrdreg s19  }
.LBB2_1:
0x28: {  	s11 =	rddreg [dreg:$0x1]  }
0x29: {  	[tilespmem:s2], [sflag:$0x5] =	stream.linear.gather [hbm4b:s11+s1], $0x4000, $0x38;
	[tilespmem:$0x1C100] =	vst v63  }
0x2a: {  	_ =	swait.ge [sflag:s3], $0x4000  }
0x2b: {  	[sflag:s3] =	ssyncset.done $0x0  }
0x2c: {  	[sflag:s3] =	ssyncadd.s32 $0xFFFFC000  }
0x2d: {  	[spmem:s25] =	stream.linear.scatter [tilespmem:s2], [sflag:$0x5], $0x4000, $0x38;
	[tilespmem:$0x1C100] =	vst v63  }
0x2e: {  	_ =	swait.ge [sflag:s3], $0x4000  }
0x2f: {  	[sflag:s3] =	ssyncset.done $0x0  }
0x30: {  	[sflag:s3] =	ssyncadd.s32 $0xFFFFC000  }
0x31: {  	[spmem:s26] =	stream.linear.scatter [tilespmem:s2], [sflag:$0x5], $0x4000, $0x38;
	[tilespmem:$0x1C100] =	vst v63  }
0x32: {  	_ =	swait.ge [sflag:s3], $0x4000  }
0x33: {  	[sflag:s3] =	ssyncset.done $0x0  }
0x34: {  	[sflag:s3] =	ssyncadd.s32 $0xFFFFC000  }
0x35: {  	[spmem:s28] =	stream.linear.scatter [tilespmem:s2], [sflag:$0x5], $0x4000, $0x38;
	[tilespmem:$0x1C100] =	vst v63  }
0x36: {  	_ =	swait.ge [sflag:s3], $0x4000  }
0x37: {  	[sflag:s3] =	ssyncset.done $0x0  }
0x38: {  	[sflag:s3] =	ssyncadd.s32 $0xFFFFC000  }
0x39: {  	[spmem:s29] =	stream.linear.scatter [tilespmem:s2], [sflag:$0x5], $0x4000, $0x38;
	[tilespmem:$0x1C100] =	vst v63  }
0x3a: {  	_ =	swait.ge [sflag:s3], $0x4000  }
0x3b: {  	[sflag:s3] =	ssyncset.done $0x0  }
0x3c: {  	[sflag:s3] =	ssyncadd.s32 $0xFFFFC000  }
0x3d: {  	[spmem:s31] =	stream.linear.scatter [tilespmem:s2], [sflag:$0x5], $0x4000, $0x38;
	[tilespmem:$0x1C100] =	vst v63  }
0x3e: {  	_ =	swait.ge [sflag:s3], $0x4000  }
0x3f: {  	[sflag:s3] =	ssyncset.done $0x0  }
0x40: {  	[sflag:s3] =	ssyncadd.s32 $0xFFFFC000  }
0x41: {  	[bflag:$0x0] =	sbarrier.arrive $0xFFFF  }
0x42: {  	[tilespmem:s1], [sflag:$0x1] =	stream.linear.gather [hbm4b:s30+s1], $0x80, $0x38;
	[tilespmem:$0x1C100] =	vst v63  }
0x43: {  	s14 =	rddreg [dreg:$0x4]  }
0x44: {  	[tilespmem:s2], [sflag:$0x1] =	stream.linear.gather [hbm4b:s14+s1], $0x4000, $0x38;
	[tilespmem:$0x1C100] =	vst v63  }
0x45: {  	_ = 	snop  }
0x46: {  	[tilespmem:s4], [sflag:$0x2] =	stream.linear.gather [hbm4b:s0+s1], $0x80, $0x38;
	[tilespmem:$0x1C100] =	vst v63  }
0x47: {  	s15 =	rddreg [dreg:$0x5]  }
0x48: {  	[tilespmem:s5], [sflag:$0x2] =	stream.linear.gather [hbm4b:s15+s1], $0x4000, $0x38;
	[tilespmem:$0x1C100] =	vst v63  }
0x49: {  	_ =	swait.ge [sflag:s6], $0x80  }
0x4a: {  	[sflag:s6] =	ssyncset.done $0x0  }
0x4b: {  	[sflag:s6] =	ssyncadd.s32 $0xFFFFFF80  }
0x4c: {  	_ =	swait.ge [sflag:s6], $0x4000  }
0x4d: {  	[sflag:s6] =	ssyncset.done $0x0  }
0x4e: {  	s16 =	sadd.s32 $0xFFFFF620, s23;
	s12 =	simm.s32 $0x20;
	[sflag:s6] =	ssyncadd.s32 $0xFFFFC000  }
0x4f: {  	[spmem:s20] =	stream.indirect.scatter.add.f32 [tilespmem:s2], [sflag:$0x3], $0x80, s1, s4, $0xb8;
	[tilespmem:$0x1C100] =	vst v63  }
0x50: {  	s13 =	sadd.s32 $0xA00, s16;
	s12 =	sand.u32 $0x60, s12;
	_ =	swait.ge [sflag:s7], $0x4000  }
0x51: {  	s13 =	sand.u32 $0x1FF80, s13;
	s12 =	sadd.s32 s24, s12;
	[sflag:s7] =	ssyncset.done $0x0  }
0x52: {  	s12 =	sadd.s32 s13, s12;
	[sflag:s7] =	ssyncadd.s32 $0xFFFFC000  }
0x53: {  	[tilespmem:s1], [sflag:$0x1] =	stream.linear.gather [hbm4b:s12+s1], $0x80, $0x38;
	[tilespmem:$0x1C100] =	vst v63  }
0x54: {  	s18 =	rddreg [dreg:$0x12]  }
0x55: {  	[tilespmem:s2], [sflag:$0x1] =	stream.linear.gather [hbm4b:s18+s1], $0x4000, $0x38;
	[tilespmem:$0x1C100] =	vst v63  }
0x56: {  	_ =	swait.ge [sflag:s8], $0x80  }
0x57: {  	[sflag:s8] =	ssyncset.done $0x0  }
0x58: {  	[sflag:s8] =	ssyncadd.s32 $0xFFFFFF80  }
0x59: {  	_ =	swait.ge [sflag:s8], $0x4000  }
0x5a: {  	[sflag:s8] =	ssyncset.done $0x0  }
0x5b: {  	s19 =	simm.s32 $0x30;
	[sflag:s8] =	ssyncadd.s32 $0xFFFFC000  }
0x5c: {  	[spmem:s20] =	stream.indirect.scatter.add.f32 [tilespmem:s5], [sflag:$0x4], $0x80, s4, s4, $0xb8;
	[tilespmem:$0x1C100] =	vst v63  }
0x5d: {  	s11 =	sadd.s32 $0xA10, s16;
	s12 =	sand.u32 $0x70, s19;
	_ =	swait.ge [sflag:s9], $0x4000  }
0x5e: {  	s11 =	sand.u32 $0x1FF80, s11;
	s12 =	sadd.s32 s24, s12;
	[sflag:s9] =	ssyncset.done $0x0  }
0x5f: {  	s11 =	sadd.s32 s11, s12;
	[sflag:s9] =	ssyncadd.s32 $0xFFFFC000  }
0x60: {  	[tilespmem:s4], [sflag:$0x2] =	stream.linear.gather [hbm4b:s11+s1], $0x80, $0x38;
	[tilespmem:$0x1C100] =	vst v63  }
0x61: {  	_ = 	snop  }
0x62: {  	[tilespmem:s5], [sflag:$0x2] =	stream.linear.gather [hbm4b:s17+s1], $0x4000, $0x38;
	[tilespmem:$0x1C100] =	vst v63  }
0x63: {  	_ =	swait.ge [sflag:s6], $0x80  }
0x64: {  	[sflag:s6] =	ssyncset.done $0x0  }
0x65: {  	[sflag:s6] =	ssyncadd.s32 $0xFFFFFF80  }
0x66: {  	s14 =	simm.s32 $0xFFFFF660;
	s15 =	simm.s32 $0x40;
	_ =	swait.ge [sflag:s6], $0x4000  }
0x67: {  	s16 =	sand.u32 $0x60, s15;
	s19 =	sadd.s32 $0xFFFFF640, s23;
	[sflag:s6] =	ssyncset.done $0x0  }
0x68: {  	s13 =	sadd.s32 $0x1000, s18;
	s18 =	sadd.s32 $0xA00, s19;
	[sflag:s6] =	ssyncadd.s32 $0xFFFFC000  }
0x69: {  	[spmem:s20] =	stream.indirect.scatter.add.f32 [tilespmem:s2], [sflag:$0x3], $0x80, s1, s4, $0xb8;
	[tilespmem:$0x1C100] =	vst v63  }
0x6a: {  	s12 =	simm.s32 $0xFFFFF640;
	s15 =	sand.u32 $0x1FF80, s18;
	_ =	swait.ge [sflag:s7], $0x4000  }
0x6b: {  	s18 =	sadd.s32 s24, s16;
	s11 =	sadd.s32 $0x1000, s17;
	[sflag:s7] =	ssyncset.done $0x0  }
.LBB2_2:
0x6c: {  	s15 =	sadd.s32 s15, s18  }
0x6d: {  	s16 =	sadd.s32 $0xA10, s19;
	[sflag:s7] =	ssyncadd.s32 $0xFFFFC000;
	s18 =	smov.u32 s14  }
0x6e: {  	[tilespmem:s1], [sflag:$0x1] =	stream.linear.gather [hbm4b:s15+s1], $0x80, $0x38;
	[tilespmem:$0x1C100] =	vst v63  }
0x6f: {  	p0 =	sne.s32 s14, $0xFFFFFFE0;
	s14 =	sadd.s32 $0x20, s14;
	s15 =	sand.u32 $0x1FF80, s16  }
0x70: {  	[tilespmem:s2], [sflag:$0x1] =	stream.linear.gather [hbm4b:s13+s1], $0x4000, $0x38;
	[tilespmem:$0x1C100] =	vst v63  }
0x71: {  	_ =	swait.ge [sflag:s8], $0x80  }
0x72: {  	[sflag:s8] =	ssyncset.done $0x0  }
0x73: {  	[sflag:s8] =	ssyncadd.s32 $0xFFFFFF80  }
0x74: {  	_ =	swait.ge [sflag:s8], $0x4000  }
0x75: {  	[sflag:s8] =	ssyncset.done $0x0  }
0x76: {  	s16 =	sadd.s32 $0xA10, s12;
	s12 =	smov.u32 s18;
	[sflag:s8] =	ssyncadd.s32 $0xFFFFC000  }
0x77: {  	[spmem:s20] =	stream.indirect.scatter.add.f32 [tilespmem:s5], [sflag:$0x4], $0x80, s4, s4, $0xb8;
	[tilespmem:$0x1C100] =	vst v63  }
0x78: {  	s16 =	sand.u32 $0x70, s16;
	_ =	swait.ge [sflag:s9], $0x4000  }
0x79: {  	s16 =	sadd.s32 s24, s16;
	[sflag:s9] =	ssyncset.done $0x0  }
0x7a: {  	s15 =	sadd.s32 s15, s16;
	[sflag:s9] =	ssyncadd.s32 $0xFFFFC000  }
0x7b: {  	[tilespmem:s4], [sflag:$0x2] =	stream.linear.gather [hbm4b:s15+s1], $0x80, $0x38;
	[tilespmem:$0x1C100] =	vst v63  }
0x7c: {  	_ = 	snop  }
0x7d: {  	[tilespmem:s5], [sflag:$0x2] =	stream.linear.gather [hbm4b:s11+s1], $0x4000, $0x38;
	[tilespmem:$0x1C100] =	vst v63  }
0x7e: {  	_ =	swait.ge [sflag:s6], $0x80  }
0x7f: {  	[sflag:s6] =	ssyncset.done $0x0  }
0x80: {  	[sflag:s6] =	ssyncadd.s32 $0xFFFFFF80  }
0x81: {  	s11 =	sadd.s32 $0x1000, s11;
	_ =	swait.ge [sflag:s6], $0x4000  }
.Ltmp0:
0x82: {  	s13 =	sadd.s32 $0x1000, s13;
	[sflag:s6] =	ssyncset.done $0x0;
	(pc) =	sbr.rel @p0 .LBB2_2-.Ltmp0, $4  }
0x83: {  	s19 =	sadd.s32 s12, s23;
	s15 =	sadd.s32 $0xA00, s12;
	[sflag:s6] =	ssyncadd.s32 $0xFFFFC000  }
0x84: {  	[spmem:s20] =	stream.indirect.scatter.add.f32 [tilespmem:s2], [sflag:$0x3], $0x80, s1, s4, $0xb8;
	[tilespmem:$0x1C100] =	vst v63  }
0x85: {  	s16 =	sadd.s32 $0xA00, s19;
	s18 =	sand.u32 $0x60, s15;
	_ =	swait.ge [sflag:s7], $0x4000  }
0x86: {  	s15 =	sand.u32 $0x1FF80, s16;
	s18 =	sadd.s32 s24, s18;
	[sflag:s7] =	ssyncset.done $0x0  }
0x87: {  	s14 =	sadd.s32 s15, s18;
	[sflag:s7] =	ssyncadd.s32 $0xFFFFC000  }
0x88: {  	[tilespmem:s1], [sflag:$0x1] =	stream.linear.gather [hbm4b:s14+s1], $0x80, $0x38;
	[tilespmem:$0x1C100] =	vst v63  }
0x89: {  	_ = 	snop  }
0x8a: {  	[tilespmem:s2], [sflag:$0x1] =	stream.linear.gather [hbm4b:s13+s1], $0x4000, $0x38;
	[tilespmem:$0x1C100] =	vst v63  }
0x8b: {  	_ =	swait.ge [sflag:s8], $0x80  }
0x8c: {  	[sflag:s8] =	ssyncset.done $0x0  }
0x8d: {  	[sflag:s8] =	ssyncadd.s32 $0xFFFFFF80  }
0x8e: {  	_ =	swait.ge [sflag:s8], $0x4000  }
0x8f: {  	[sflag:s8] =	ssyncset.done $0x0  }
0x90: {  	s12 =	sadd.s32 $0xA10, s12;
	[sflag:s8] =	ssyncadd.s32 $0xFFFFC000  }
0x91: {  	[spmem:s20] =	stream.indirect.scatter.add.f32 [tilespmem:s5], [sflag:$0x4], $0x80, s4, s4, $0xb8;
	[tilespmem:$0x1C100] =	vst v63  }
0x92: {  	s16 =	sadd.s32 $0xA10, s19;
	s12 =	sand.u32 $0x70, s12;
	_ =	swait.ge [sflag:s9], $0x4000  }
0x93: {  	s12 =	sadd.s32 s24, s12;
	s13 =	sand.u32 $0x1FF80, s16;
	[sflag:s9] =	ssyncset.done $0x0  }
0x94: {  	s12 =	sadd.s32 s13, s12;
	[sflag:s9] =	ssyncadd.s32 $0xFFFFC000  }
0x95: {  	[tilespmem:s4], [sflag:$0x2] =	stream.linear.gather [hbm4b:s12+s1], $0x80, $0x38;
	[tilespmem:$0x1C100] =	vst v63  }
0x96: {  	_ = 	snop  }
0x97: {  	[tilespmem:s5], [sflag:$0x2] =	stream.linear.gather [hbm4b:s11+s1], $0x4000, $0x38;
	[tilespmem:$0x1C100] =	vst v63  }
0x98: {  	_ =	swait.ge [sflag:s6], $0x80  }
0x99: {  	[sflag:s6] =	ssyncset.done $0x0  }
0x9a: {  	[sflag:s6] =	ssyncadd.s32 $0xFFFFFF80  }
0x9b: {  	_ =	swait.ge [sflag:s6], $0x4000  }
0x9c: {  	[sflag:s6] =	ssyncset.done $0x0  }
0x9d: {  	[sflag:s6] =	ssyncadd.s32 $0xFFFFC000  }
0x9e: {  	[spmem:s20] =	stream.indirect.scatter.add.f32 [tilespmem:s2], [sflag:$0x3], $0x80, s1, s4, $0xb8;
	[tilespmem:$0x1C100] =	vst v63  }
0x9f: {  	_ =	swait.ge [sflag:s7], $0x4000  }
0xa0: {  	[sflag:s7] =	ssyncset.done $0x0  }
0xa1: {  	[sflag:s7] =	ssyncadd.s32 $0xFFFFC000  }
0xa2: {  	_ =	swait.ge [sflag:s8], $0x80  }
0xa3: {  	[sflag:s8] =	ssyncset.done $0x0  }
0xa4: {  	[sflag:s8] =	ssyncadd.s32 $0xFFFFFF80  }
0xa5: {  	_ =	swait.ge [sflag:s8], $0x4000  }
0xa6: {  	[sflag:s8] =	ssyncset.done $0x0  }
0xa7: {  	[sflag:s8] =	ssyncadd.s32 $0xFFFFC000  }
0xa8: {  	[spmem:s20] =	stream.indirect.scatter.add.f32 [tilespmem:s5], [sflag:$0x4], $0x80, s4, s4, $0xb8;
	[tilespmem:$0x1C100] =	vst v63  }
0xa9: {  	_ =	swait.ge [sflag:s9], $0x4000  }
0xaa: {  	[sflag:s9] =	ssyncset.done $0x0  }
0xab: {  	[sflag:s9] =	ssyncadd.s32 $0xFFFFC000  }
0xac: {  	[bflag:$0x0] =	sbarrier.arrive $0xFFFF  }
0xad: {  	[tilespmem:s2], [sflag:$0x5] =	stream.linear.gather [spmem:s25], $0x4000, $0x38;
	[tilespmem:$0x1C100] =	vst v63  }
0xae: {  	_ =	swait.ge [sflag:s3], $0x4000  }
0xaf: {  	[sflag:s3] =	ssyncset.done $0x0  }
0xb0: {  	s18 =	rddreg [dreg:$0x6];
	[sflag:s3] =	ssyncadd.s32 $0xFFFFC000  }
0xb1: {  	[hbm4b:s18+s1] =	stream.linear.scatter [tilespmem:s2], [sflag:$0x5], $0x4000, $0x38;
	[tilespmem:$0x1C100] =	vst v63  }
0xb2: {  	_ =	swait.ge [sflag:s3], $0x4000  }
0xb3: {  	[sflag:s3] =	ssyncset.done $0x0  }
0xb4: {  	[sflag:s3] =	ssyncadd.s32 $0xFFFFC000  }
0xb5: {  	[tilespmem:s2], [sflag:$0x5] =	stream.linear.gather [spmem:s26], $0x4000, $0x38;
	[tilespmem:$0x1C100] =	vst v63  }
0xb6: {  	_ =	swait.ge [sflag:s3], $0x4000  }
0xb7: {  	[sflag:s3] =	ssyncset.done $0x0  }
0xb8: {  	s19 =	rddreg [dreg:$0x7];
	[sflag:s3] =	ssyncadd.s32 $0xFFFFC000  }
0xb9: {  	[hbm4b:s19+s1] =	stream.linear.scatter [tilespmem:s2], [sflag:$0x5], $0x4000, $0x38;
	[tilespmem:$0x1C100] =	vst v63  }
0xba: {  	_ =	swait.ge [sflag:s3], $0x4000  }
0xbb: {  	[sflag:s3] =	ssyncset.done $0x0  }
0xbc: {  	[sflag:s3] =	ssyncadd.s32 $0xFFFFC000  }
0xbd: {  	[tilespmem:s2], [sflag:$0x5] =	stream.linear.gather [spmem:s28], $0x4000, $0x38;
	[tilespmem:$0x1C100] =	vst v63  }
0xbe: {  	_ =	swait.ge [sflag:s3], $0x4000  }
0xbf: {  	[sflag:s3] =	ssyncset.done $0x0  }
0xc0: {  	s12 =	rddreg [dreg:$0x8];
	[sflag:s3] =	ssyncadd.s32 $0xFFFFC000  }
0xc1: {  	[hbm4b:s12+s1] =	stream.linear.scatter [tilespmem:s2], [sflag:$0x5], $0x4000, $0x38;
	[tilespmem:$0x1C100] =	vst v63  }
0xc2: {  	_ =	swait.ge [sflag:s3], $0x4000  }
0xc3: {  	[sflag:s3] =	ssyncset.done $0x0  }
0xc4: {  	[sflag:s3] =	ssyncadd.s32 $0xFFFFC000  }
0xc5: {  	[tilespmem:s2], [sflag:$0x5] =	stream.linear.gather [spmem:s29], $0x4000, $0x38;
	[tilespmem:$0x1C100] =	vst v63  }
0xc6: {  	_ =	swait.ge [sflag:s3], $0x4000  }
0xc7: {  	[sflag:s3] =	ssyncset.done $0x0  }
0xc8: {  	s13 =	rddreg [dreg:$0x9];
	[sflag:s3] =	ssyncadd.s32 $0xFFFFC000  }
0xc9: {  	[hbm4b:s13+s1] =	stream.linear.scatter [tilespmem:s2], [sflag:$0x5], $0x4000, $0x38;
	[tilespmem:$0x1C100] =	vst v63  }
0xca: {  	_ =	swait.ge [sflag:s3], $0x4000  }
0xcb: {  	[sflag:s3] =	ssyncset.done $0x0  }
0xcc: {  	[sflag:s3] =	ssyncadd.s32 $0xFFFFC000  }
0xcd: {  	[tilespmem:s2], [sflag:$0x5] =	stream.linear.gather [spmem:s31], $0x4000, $0x38;
	[tilespmem:$0x1C100] =	vst v63  }
0xce: {  	_ =	swait.ge [sflag:s3], $0x4000  }
0xcf: {  	[sflag:s3] =	ssyncset.done $0x0  }
0xd0: {  	s14 =	rddreg [dreg:$0xa];
	[sflag:s3] =	ssyncadd.s32 $0xFFFFC000  }
0xd1: {  	[hbm4b:s14+s1] =	stream.linear.scatter [tilespmem:s2], [sflag:$0x5], $0x4000, $0x38;
	[tilespmem:$0x1C100] =	vst v63  }
0xd2: {  	_ =	swait.ge [sflag:s3], $0x4000  }
0xd3: {  	[sflag:s3] =	ssyncset.done $0x0  }
0xd4: {  	[sflag:s3] =	ssyncadd.s32 $0xFFFFC000  }
0xd5: {  	[bflag:$0x0] =	sbarrier.arrive $0xFFFF  }
0xd6: {  	s15 =	rddreg [dreg:$0x1]  }
0xd7: {  	[tilespmem:s2], [sflag:$0x5] =	stream.linear.gather [hbm4b:s15+s1], $0x4000, $0x38;
	[tilespmem:$0x1C100] =	vst v63  }
0xd8: {  	_ =	swait.ge [sflag:s3], $0x4000  }
0xd9: {  	[sflag:s3] =	ssyncset.done $0x0  }
0xda: {  	[sflag:s3] =	ssyncadd.s32 $0xFFFFC000  }
0xdb: {  	[spmem:s25] =	stream.linear.scatter [tilespmem:s2], [sflag:$0x5], $0x4000, $0x38;
	[tilespmem:$0x1C100] =	vst v63  }
0xdc: {  	_ =	swait.ge [sflag:s3], $0x4000  }
0xdd: {  	[sflag:s3] =	ssyncset.done $0x0  }
0xde: {  	[sflag:s3] =	ssyncadd.s32 $0xFFFFC000  }
0xdf: {  	[spmem:s26] =	stream.linear.scatter [tilespmem:s2], [sflag:$0x5], $0x4000, $0x38;
	[tilespmem:$0x1C100] =	vst v63  }
0xe0: {  	_ =	swait.ge [sflag:s3], $0x4000  }
0xe1: {  	[sflag:s3] =	ssyncset.done $0x0  }
0xe2: {  	[sflag:s3] =	ssyncadd.s32 $0xFFFFC000  }
0xe3: {  	[spmem:s28] =	stream.linear.scatter [tilespmem:s2], [sflag:$0x5], $0x4000, $0x38;
	[tilespmem:$0x1C100] =	vst v63  }
0xe4: {  	_ =	swait.ge [sflag:s3], $0x4000  }
0xe5: {  	[sflag:s3] =	ssyncset.done $0x0  }
0xe6: {  	[sflag:s3] =	ssyncadd.s32 $0xFFFFC000  }
0xe7: {  	[spmem:s29] =	stream.linear.scatter [tilespmem:s2], [sflag:$0x5], $0x4000, $0x38;
	[tilespmem:$0x1C100] =	vst v63  }
0xe8: {  	_ =	swait.ge [sflag:s3], $0x4000  }
0xe9: {  	[sflag:s3] =	ssyncset.done $0x0  }
0xea: {  	[sflag:s3] =	ssyncadd.s32 $0xFFFFC000  }
0xeb: {  	[spmem:s31] =	stream.linear.scatter [tilespmem:s2], [sflag:$0x5], $0x4000, $0x38;
	[tilespmem:$0x1C100] =	vst v63  }
0xec: {  	_ =	swait.ge [sflag:s3], $0x4000  }
0xed: {  	[sflag:s3] =	ssyncset.done $0x0  }
0xee: {  	[sflag:s3] =	ssyncadd.s32 $0xFFFFC000  }
0xef: {  	[bflag:$0x0] =	sbarrier.arrive $0xFFFF  }
0xf0: {  	[tilespmem:s1], [sflag:$0x1] =	stream.linear.gather [hbm4b:s30+s1], $0x80, $0x38;
	[tilespmem:$0x1C100] =	vst v63  }
0xf1: {  	s16 =	rddreg [dreg:$0xb]  }
0xf2: {  	[tilespmem:s2], [sflag:$0x1] =	stream.linear.gather [hbm4b:s16+s1], $0x4000, $0x38;
	[tilespmem:$0x1C100] =	vst v63  }
0xf3: {  	_ = 	snop  }
0xf4: {  	[tilespmem:s4], [sflag:$0x2] =	stream.linear.gather [hbm4b:s0+s1], $0x80, $0x38;
	[tilespmem:$0x1C100] =	vst v63  }
0xf5: {  	s18 =	rddreg [dreg:$0x11]  }
0xf6: {  	[tilespmem:s5], [sflag:$0x2] =	stream.linear.gather [hbm4b:s18+s1], $0x4000, $0x38;
	[tilespmem:$0x1C100] =	vst v63  }
0xf7: {  	_ =	swait.ge [sflag:s6], $0x80  }
0xf8: {  	[sflag:s6] =	ssyncset.done $0x0  }
0xf9: {  	[sflag:s6] =	ssyncadd.s32 $0xFFFFFF80  }
0xfa: {  	_ =	swait.ge [sflag:s6], $0x4000  }
0xfb: {  	[sflag:s6] =	ssyncset.done $0x0  }
0xfc: {  	s19 =	sadd.s32 $0xFFFFF620, s23;
	s14 =	simm.s32 $0x20;
	[sflag:s6] =	ssyncadd.s32 $0xFFFFC000  }
0xfd: {  	[spmem:s20] =	stream.indirect.scatter.add.f32 [tilespmem:s2], [sflag:$0x3], $0x80, s1, s4, $0xb8;
	[tilespmem:$0x1C100] =	vst v63  }
0xfe: {  	s12 =	sand.u32 $0x60, s14;
	s15 =	sadd.s32 $0xA00, s19;
	_ =	swait.ge [sflag:s7], $0x4000  }
0xff: {  	s12 =	sadd.s32 s24, s12;
	s13 =	sand.u32 $0x1FF80, s15;
	[sflag:s7] =	ssyncset.done $0x0  }
0x100: {  	s12 =	sadd.s32 s13, s12;
	[sflag:s7] =	ssyncadd.s32 $0xFFFFC000  }
0x101: {  	[tilespmem:s1], [sflag:$0x1] =	stream.linear.gather [hbm4b:s12+s1], $0x80, $0x38;
	[tilespmem:$0x1C100] =	vst v63  }
0x102: {  	_ = 	snop  }
0x103: {  	[tilespmem:s2], [sflag:$0x1] =	stream.linear.gather [hbm4b:s21+s1], $0x4000, $0x38;
	[tilespmem:$0x1C100] =	vst v63  }
0x104: {  	_ =	swait.ge [sflag:s8], $0x80  }
0x105: {  	[sflag:s8] =	ssyncset.done $0x0  }
0x106: {  	[sflag:s8] =	ssyncadd.s32 $0xFFFFFF80  }
0x107: {  	_ =	swait.ge [sflag:s8], $0x4000  }
0x108: {  	[sflag:s8] =	ssyncset.done $0x0  }
0x109: {  	s16 =	simm.s32 $0x30;
	[sflag:s8] =	ssyncadd.s32 $0xFFFFC000  }
0x10a: {  	[spmem:s20] =	stream.indirect.scatter.add.f32 [tilespmem:s5], [sflag:$0x4], $0x80, s4, s4, $0xb8;
	[tilespmem:$0x1C100] =	vst v63  }
0x10b: {  	s11 =	sadd.s32 $0xA10, s19;
	s12 =	sand.u32 $0x70, s16;
	_ =	swait.ge [sflag:s9], $0x4000  }
0x10c: {  	s11 =	sand.u32 $0x1FF80, s11;
	s12 =	sadd.s32 s24, s12;
	[sflag:s9] =	ssyncset.done $0x0  }
0x10d: {  	s11 =	sadd.s32 s11, s12;
	[sflag:s9] =	ssyncadd.s32 $0xFFFFC000  }
0x10e: {  	[tilespmem:s4], [sflag:$0x2] =	stream.linear.gather [hbm4b:s11+s1], $0x80, $0x38;
	[tilespmem:$0x1C100] =	vst v63  }
0x10f: {  	_ = 	snop  }
0x110: {  	[tilespmem:s5], [sflag:$0x2] =	stream.linear.gather [hbm4b:s22+s1], $0x4000, $0x38;
	[tilespmem:$0x1C100] =	vst v63  }
0x111: {  	_ =	swait.ge [sflag:s6], $0x80  }
0x112: {  	[sflag:s6] =	ssyncset.done $0x0  }
0x113: {  	[sflag:s6] =	ssyncadd.s32 $0xFFFFFF80  }
0x114: {  	s14 =	simm.s32 $0xFFFFF660;
	s19 =	sadd.s32 $0xFFFFF640, s23;
	_ =	swait.ge [sflag:s6], $0x4000  }
0x115: {  	s13 =	sadd.s32 $0x1000, s21;
	s18 =	simm.s32 $0x40;
	[sflag:s6] =	ssyncset.done $0x0  }
0x116: {  	s18 =	sand.u32 $0x60, s18;
	s16 =	sadd.s32 $0xA00, s19;
	[sflag:s6] =	ssyncadd.s32 $0xFFFFC000  }
0x117: {  	[spmem:s20] =	stream.indirect.scatter.add.f32 [tilespmem:s2], [sflag:$0x3], $0x80, s1, s4, $0xb8;
	[tilespmem:$0x1C100] =	vst v63  }
0x118: {  	s18 =	sadd.s32 s24, s18;
	s15 =	sand.u32 $0x1FF80, s16;
	_ =	swait.ge [sflag:s7], $0x4000  }
0x119: {  	s12 =	simm.s32 $0xFFFFF640;
	s11 =	sadd.s32 $0x1000, s22;
	[sflag:s7] =	ssyncset.done $0x0  }
.LBB2_4:
0x11a: {  	s15 =	sadd.s32 s15, s18  }
0x11b: {  	s16 =	sadd.s32 $0xA10, s19;
	[sflag:s7] =	ssyncadd.s32 $0xFFFFC000;
	s18 =	smov.u32 s14  }
0x11c: {  	[tilespmem:s1], [sflag:$0x1] =	stream.linear.gather [hbm4b:s15+s1], $0x80, $0x38;
	[tilespmem:$0x1C100] =	vst v63  }
0x11d: {  	p0 =	sne.s32 s14, $0xFFFFFFE0;
	s14 =	sadd.s32 $0x20, s14;
	s15 =	sand.u32 $0x1FF80, s16  }
0x11e: {  	[tilespmem:s2], [sflag:$0x1] =	stream.linear.gather [hbm4b:s13+s1], $0x4000, $0x38;
	[tilespmem:$0x1C100] =	vst v63  }
0x11f: {  	_ =	swait.ge [sflag:s8], $0x80  }
0x120: {  	[sflag:s8] =	ssyncset.done $0x0  }
0x121: {  	[sflag:s8] =	ssyncadd.s32 $0xFFFFFF80  }
0x122: {  	_ =	swait.ge [sflag:s8], $0x4000  }
0x123: {  	[sflag:s8] =	ssyncset.done $0x0  }
0x124: {  	s16 =	sadd.s32 $0xA10, s12;
	s12 =	smov.u32 s18;
	[sflag:s8] =	ssyncadd.s32 $0xFFFFC000  }
0x125: {  	[spmem:s20] =	stream.indirect.scatter.add.f32 [tilespmem:s5], [sflag:$0x4], $0x80, s4, s4, $0xb8;
	[tilespmem:$0x1C100] =	vst v63  }
0x126: {  	s16 =	sand.u32 $0x70, s16;
	_ =	swait.ge [sflag:s9], $0x4000  }
0x127: {  	s16 =	sadd.s32 s24, s16;
	[sflag:s9] =	ssyncset.done $0x0  }
0x128: {  	s15 =	sadd.s32 s15, s16;
	[sflag:s9] =	ssyncadd.s32 $0xFFFFC000  }
0x129: {  	[tilespmem:s4], [sflag:$0x2] =	stream.linear.gather [hbm4b:s15+s1], $0x80, $0x38;
	[tilespmem:$0x1C100] =	vst v63  }
0x12a: {  	_ = 	snop  }
0x12b: {  	[tilespmem:s5], [sflag:$0x2] =	stream.linear.gather [hbm4b:s11+s1], $0x4000, $0x38;
	[tilespmem:$0x1C100] =	vst v63  }
0x12c: {  	_ =	swait.ge [sflag:s6], $0x80  }
0x12d: {  	[sflag:s6] =	ssyncset.done $0x0  }
0x12e: {  	[sflag:s6] =	ssyncadd.s32 $0xFFFFFF80  }
0x12f: {  	s11 =	sadd.s32 $0x1000, s11;
	_ =	swait.ge [sflag:s6], $0x4000  }
.Ltmp1:
0x130: {  	s13 =	sadd.s32 $0x1000, s13;
	[sflag:s6] =	ssyncset.done $0x0;
	(pc) =	sbr.rel @p0 .LBB2_4-.Ltmp1, $4  }
0x131: {  	s19 =	sadd.s32 s12, s23;
	s15 =	sadd.s32 $0xA00, s12;
	[sflag:s6] =	ssyncadd.s32 $0xFFFFC000  }
0x132: {  	[spmem:s20] =	stream.indirect.scatter.add.f32 [tilespmem:s2], [sflag:$0x3], $0x80, s1, s4, $0xb8;
	[tilespmem:$0x1C100] =	vst v63  }
0x133: {  	s16 =	sadd.s32 $0xA00, s19;
	s18 =	sand.u32 $0x60, s15;
	_ =	swait.ge [sflag:s7], $0x4000  }
0x134: {  	s15 =	sand.u32 $0x1FF80, s16;
	s18 =	sadd.s32 s24, s18;
	[sflag:s7] =	ssyncset.done $0x0  }
0x135: {  	s14 =	sadd.s32 s15, s18;
	[sflag:s7] =	ssyncadd.s32 $0xFFFFC000  }
0x136: {  	[tilespmem:s1], [sflag:$0x1] =	stream.linear.gather [hbm4b:s14+s1], $0x80, $0x38;
	[tilespmem:$0x1C100] =	vst v63  }
0x137: {  	_ = 	snop  }
0x138: {  	[tilespmem:s2], [sflag:$0x1] =	stream.linear.gather [hbm4b:s13+s1], $0x4000, $0x38;
	[tilespmem:$0x1C100] =	vst v63  }
0x139: {  	_ =	swait.ge [sflag:s8], $0x80  }
0x13a: {  	[sflag:s8] =	ssyncset.done $0x0  }
0x13b: {  	[sflag:s8] =	ssyncadd.s32 $0xFFFFFF80  }
0x13c: {  	_ =	swait.ge [sflag:s8], $0x4000  }
0x13d: {  	[sflag:s8] =	ssyncset.done $0x0  }
0x13e: {  	s12 =	sadd.s32 $0xA10, s12;
	[sflag:s8] =	ssyncadd.s32 $0xFFFFC000  }
0x13f: {  	[spmem:s20] =	stream.indirect.scatter.add.f32 [tilespmem:s5], [sflag:$0x4], $0x80, s4, s4, $0xb8;
	[tilespmem:$0x1C100] =	vst v63  }
0x140: {  	s19 =	sadd.s32 $0xA10, s19;
	s12 =	sand.u32 $0x70, s12;
	_ =	swait.ge [sflag:s9], $0x4000  }
0x141: {  	s12 =	sadd.s32 s24, s12;
	s13 =	sand.u32 $0x1FF80, s19;
	[sflag:s9] =	ssyncset.done $0x0  }
0x142: {  	s12 =	sadd.s32 s13, s12;
	[sflag:s9] =	ssyncadd.s32 $0xFFFFC000  }
0x143: {  	[tilespmem:s4], [sflag:$0x2] =	stream.linear.gather [hbm4b:s12+s1], $0x80, $0x38;
	[tilespmem:$0x1C100] =	vst v63  }
0x144: {  	_ = 	snop  }
0x145: {  	[tilespmem:s5], [sflag:$0x2] =	stream.linear.gather [hbm4b:s11+s1], $0x4000, $0x38;
	[tilespmem:$0x1C100] =	vst v63  }
0x146: {  	_ =	swait.ge [sflag:s6], $0x80  }
0x147: {  	[sflag:s6] =	ssyncset.done $0x0  }
0x148: {  	[sflag:s6] =	ssyncadd.s32 $0xFFFFFF80  }
0x149: {  	_ =	swait.ge [sflag:s6], $0x4000  }
0x14a: {  	[sflag:s6] =	ssyncset.done $0x0  }
0x14b: {  	[sflag:s6] =	ssyncadd.s32 $0xFFFFC000  }
0x14c: {  	[spmem:s20] =	stream.indirect.scatter.add.f32 [tilespmem:s2], [sflag:$0x3], $0x80, s1, s4, $0xb8;
	[tilespmem:$0x1C100] =	vst v63  }
0x14d: {  	_ =	swait.ge [sflag:s7], $0x4000  }
0x14e: {  	[sflag:s7] =	ssyncset.done $0x0  }
0x14f: {  	[sflag:s7] =	ssyncadd.s32 $0xFFFFC000  }
0x150: {  	_ =	swait.ge [sflag:s8], $0x80  }
0x151: {  	[sflag:s8] =	ssyncset.done $0x0  }
0x152: {  	[sflag:s8] =	ssyncadd.s32 $0xFFFFFF80  }
0x153: {  	_ =	swait.ge [sflag:s8], $0x4000  }
0x154: {  	[sflag:s8] =	ssyncset.done $0x0  }
0x155: {  	[sflag:s8] =	ssyncadd.s32 $0xFFFFC000  }
0x156: {  	[spmem:s20] =	stream.indirect.scatter.add.f32 [tilespmem:s5], [sflag:$0x4], $0x80, s4, s4, $0xb8;
	[tilespmem:$0x1C100] =	vst v63  }
0x157: {  	_ =	swait.ge [sflag:s9], $0x4000  }
0x158: {  	[sflag:s9] =	ssyncset.done $0x0  }
0x159: {  	[sflag:s9] =	ssyncadd.s32 $0xFFFFC000  }
0x15a: {  	[bflag:$0x0] =	sbarrier.arrive $0xFFFF  }
0x15b: {  	[tilespmem:s2], [sflag:$0x5] =	stream.linear.gather [spmem:s25], $0x4000, $0x38;
	[tilespmem:$0x1C100] =	vst v63  }
0x15c: {  	_ =	swait.ge [sflag:s3], $0x4000  }
0x15d: {  	[sflag:s3] =	ssyncset.done $0x0  }
0x15e: {  	s13 =	rddreg [dreg:$0xc];
	[sflag:s3] =	ssyncadd.s32 $0xFFFFC000  }
0x15f: {  	[hbm4b:s13+s1] =	stream.linear.scatter [tilespmem:s2], [sflag:$0x5], $0x4000, $0x38;
	[tilespmem:$0x1C100] =	vst v63  }
0x160: {  	_ =	swait.ge [sflag:s3], $0x4000  }
0x161: {  	[sflag:s3] =	ssyncset.done $0x0  }
0x162: {  	[sflag:s3] =	ssyncadd.s32 $0xFFFFC000  }
0x163: {  	[tilespmem:s2], [sflag:$0x5] =	stream.linear.gather [spmem:s26], $0x4000, $0x38;
	[tilespmem:$0x1C100] =	vst v63  }
0x164: {  	_ =	swait.ge [sflag:s3], $0x4000  }
0x165: {  	[sflag:s3] =	ssyncset.done $0x0  }
0x166: {  	s14 =	rddreg [dreg:$0xd];
	[sflag:s3] =	ssyncadd.s32 $0xFFFFC000  }
0x167: {  	[hbm4b:s14+s1] =	stream.linear.scatter [tilespmem:s2], [sflag:$0x5], $0x4000, $0x38;
	[tilespmem:$0x1C100] =	vst v63  }
0x168: {  	_ =	swait.ge [sflag:s3], $0x4000  }
0x169: {  	[sflag:s3] =	ssyncset.done $0x0  }
0x16a: {  	[sflag:s3] =	ssyncadd.s32 $0xFFFFC000  }
0x16b: {  	[tilespmem:s2], [sflag:$0x5] =	stream.linear.gather [spmem:s28], $0x4000, $0x38;
	[tilespmem:$0x1C100] =	vst v63  }
0x16c: {  	_ =	swait.ge [sflag:s3], $0x4000  }
0x16d: {  	[sflag:s3] =	ssyncset.done $0x0  }
0x16e: {  	s15 =	rddreg [dreg:$0xe];
	[sflag:s3] =	ssyncadd.s32 $0xFFFFC000  }
0x16f: {  	[hbm4b:s15+s1] =	stream.linear.scatter [tilespmem:s2], [sflag:$0x5], $0x4000, $0x38;
	[tilespmem:$0x1C100] =	vst v63  }
0x170: {  	_ =	swait.ge [sflag:s3], $0x4000  }
0x171: {  	[sflag:s3] =	ssyncset.done $0x0  }
0x172: {  	[sflag:s3] =	ssyncadd.s32 $0xFFFFC000  }
0x173: {  	[tilespmem:s2], [sflag:$0x5] =	stream.linear.gather [spmem:s29], $0x4000, $0x38;
	[tilespmem:$0x1C100] =	vst v63  }
0x174: {  	_ =	swait.ge [sflag:s3], $0x4000  }
0x175: {  	[sflag:s3] =	ssyncset.done $0x0  }
0x176: {  	s16 =	rddreg [dreg:$0xf];
	[sflag:s3] =	ssyncadd.s32 $0xFFFFC000  }
0x177: {  	[hbm4b:s16+s1] =	stream.linear.scatter [tilespmem:s2], [sflag:$0x5], $0x4000, $0x38;
	[tilespmem:$0x1C100] =	vst v63  }
0x178: {  	_ =	swait.ge [sflag:s3], $0x4000  }
0x179: {  	[sflag:s3] =	ssyncset.done $0x0  }
0x17a: {  	[sflag:s3] =	ssyncadd.s32 $0xFFFFC000  }
0x17b: {  	[tilespmem:s2], [sflag:$0x5] =	stream.linear.gather [spmem:s31], $0x4000, $0x38;
	[tilespmem:$0x1C100] =	vst v63  }
0x17c: {  	_ =	swait.ge [sflag:s3], $0x4000  }
0x17d: {  	[sflag:s3] =	ssyncset.done $0x0  }
0x17e: {  	s18 =	rddreg [dreg:$0x10];
	[sflag:s3] =	ssyncadd.s32 $0xFFFFC000  }
0x17f: {  	[hbm4b:s18+s1] =	stream.linear.scatter [tilespmem:s2], [sflag:$0x5], $0x4000, $0x38;
	[tilespmem:$0x1C100] =	vst v63  }
0x180: {  	_ =	swait.ge [sflag:s3], $0x4000  }
0x181: {  	s10 =	sadd.s32 $0x1, s10;
	s19 =	rddreg [dreg:$0x13]  }
0x182: {  	p0 =	sne.s32 s10, s19  }
.Ltmp2:
0x183: {  	_ = 	snop;
	(pc) =	sbr.rel @p0 .LBB2_1-.Ltmp2, $3  }
0x184: {  	[sflag:s3] =	ssyncset.done $0x0  }
0x185: {  	[sflag:s3] =	ssyncadd.s32 $0xFFFFC000  }
0x186: {  	[bflag:$0x0] =	sbarrier.arrive $0xFFFF;
	_ =	sdelay $0x1  }
0x187: {  	_ =	sfence.sel $0x180000  }
0x188: {  	[bflag:$0x0] =	sbarrier.arrive $0xFFFF  }
0x189: {  	_ =	strace $0x9000004A  }
0x18a: {  	s0 =	stileid.u32;
	[bflag:$0x2] =	sbarrier.arrive $0xFFFF  }
0x18b: {  	p0 =	sne.s32 s0, $0x0;
	s0 =	rddreg [dreg:$0x3]  }
0x18c: {  	s0 =	sadd.s32 @!p0 $0x100000, s0  }
0x18d: {  	[sflag:s0] =	ssyncadd.tile.s32 @!p0 $0x1;
	_ =	shalt  }
.Lfunc_end2:
_tile_overlayer_lowered:
.L_overlay_start_2:
0x18e: {  	(tag) =	ssettag $0x2  }
0x18f: {  	s0 =	rddreg [dreg:$0x0];
	s2 =	stileid.u32  }
0x190: {  	s1 =	rddreg [dreg:$0x1];
	p0 =	sne.s32 s2, $0x0  }
0x191: {  	s3 =	rddreg [dreg:$0x2];
	[bflag:$0x3] =	sbarrier.arrive $0xFFFF;
	s2 =	simm.s32 @!p0 $0x1C05  }
0x192: {  	[timem:s3], [sflag:s2] =	dma.local @!p0 [hbm:s0], s1  }
0x193: {  	s0 =	simm.s32 @!p0 $0x5  }
0x194: {  	_ =	swait.ge @!p0 [sflag:s0], s1  }
0x195: {  	s1 =	ssub.s32 @!p0 $0x0, s1;
	[sflag:s0] =	ssyncset.done @!p0 $0x0  }
0x196: {  	[sflag:s0] =	ssyncadd.s32 @!p0 s1  }
0x197: {  	[bflag:$0x3] =	sbarrier.arrive $0xFFFF  }
0x198: {  	_ =	shalt  }

// kernel: kernel.7.cloned.1.call-start
scs
__scs_entry_jumppad:
0x0: {  	(pc) =	sbr.rel $0x88, $3  }
0x1: {  	(tag) =	ssettag $0x0;
	lr =	simm.s32 $0x1  }
0x2: {  	[smem:$0x3F96] =	sst lr;
	_ =	strace $0xD0000000  }
0x3: {  	_ = 	snop  }
0x4: {  	_ = 	snop  }
0x5: {  	_ = 	snop  }
0x6: {  	_ = 	snop  }
0x7: {  	_ = 	snop  }
__scs_overlays_trampoline_lowered:
0x8: {  	[smem:$0x3FA5] =	sst s0  }
0x9: {  	[smem:$0x3FA6] =	sst s1  }
0xa: {  	[smem:$0x3FA7] =	sst s2  }
0xb: {  	[smem:$0x3FA8] =	sst s3  }
0xc: {  	[smem:$0x3FA9] =	sst s4  }
0xd: {  	[smem:$0x3FAA] =	sst s5  }
0xe: {  	[smem:$0x3FAB] =	sst s6  }
0xf: {  	[smem:$0x3FAC] =	sst s7  }
0x10: {  	[smem:$0x3FAD] =	sst s8  }
0x11: {  	[smem:$0x3FAE] =	sst s9;
	s0 =	simm.s32 @!p0 $0x0  }
0x12: {  	s1 =	sld [smem:$0x3F94];
	s0 =	simm.s32 @p0 $0x1  }
0x13: {  	[smem:$0x3FAF] =	sst s0;
	s0 =	simm.s32 @!p1 $0x0  }
0x14: {  	s2 =	sld [smem:$0x3F93];
	s0 =	simm.s32 @p1 $0x1  }
0x15: {  	[smem:$0x3FB0] =	sst s0;
	s0 =	simm.s32 @!p2 $0x0  }
0x16: {  	s3 =	sld [smem:$0x3FDB];
	s0 =	simm.s32 @p2 $0x1  }
0x17: {  	s4 =	simm.s32 $0x1BF5;
	[smem:$0x3FB2] =	sst s0  }
0x18: {  	s0 =	sld [smem:$0x3F95];
	_ =	swait.ge [sflag:s4], $0x0  }
0x19: {  	s7 =	sld [smem:$0x3F96]  }
0x1a: {  	s8 =	sadd.s32 $0xFFFFE003, lr  }
0x1b: {  	s9 =	sadd.s32 $0xFFFFFEF7, lr;
	s5 =	simm.s32 $0xFFFFFFFF;
	p2 =	slt.u32 s8, $0xFFFFF086  }
0x1c: {  	p1 =	slt.u32 s9, $0xF7A;
	s5 =	simm.s32 @!p2 $0x0  }
0x1d: {  	s5 =	simm.s32 @p1 $0x1;
	p0 =	seq.s32 s7, s2  }
0x1e: {  	s7 =	smul.u32 @!p0 $0xF7A, s2;
	p2 =	seq.s32 @!p0 s5, $0x0  }
0x1f: {  	s9 =	smul.u32 $0xF7A, s1;
	s8 =	simm.s32 @!p0 $0x1BF5;
	p2 =	por !p2, p0  }
0x20: {  	[sflag:s8] =	ssyncset.s32 @!p0 $0xFFFFF086;
	s6 =	sadd.s32 @!p0 s3, s7;
	s7 =	simm.s32 @!p0 $0x108  }
0x21: {  	s3 =	sadd.s32 s3, s9;
	s6 =	sadd.s32 @!p0 $0x88, s6;
	s7 =	simm.s32 @p2 $0x1082  }
0x22: {  	[simem:s7], [sflag:s8] =	dma.local @!p0 [hbm:s6], $0xF7A  }
0x23: {  	s9 =	sor.u32 $0xD0000000, s2;
	s6 =	simm.s32 $0x108;
	_ =	swait.ge @!p0 [sflag:s8], $0x0  }
0x24: {  	s3 =	sadd.s32 $0x88, s3;
	s6 =	simm.s32 @!p1 $0x1082;
	[sflag:s4] =	ssyncset.s32 $0xFFFFF086  }
0x25: {  	[simem:s6], [sflag:s4] =	dma.local [hbm:s3], $0xF7A  }
0x26: {  	[smem:$0x3F96] =	sst s1;
	(tag) =	ssettag s2;
	_ =	strace s9  }
0x27: {  	s1 =	sld [smem:$0x3FA6]  }
0x28: {  	s2 =	sld [smem:$0x3FA7]  }
0x29: {  	s4 =	sld [smem:$0x3FA9]  }
0x2a: {  	p0 =	seq.s32 s5, $0x0;
	s5 =	sld [smem:$0x3FAA]  }
0x2b: {  	s6 =	sld [smem:$0x3FAB]  }
0x2c: {  	s7 =	sld [smem:$0x3FAC]  }
0x2d: {  	s3 =	simm.s32 $0x108;
	s8 =	sld [smem:$0x3FAD]  }
0x2e: {  	s3 =	simm.s32 @!p0 $0x1082;
	s9 =	sld [smem:$0x3FAE]  }
0x2f: {  	lr =	sadd.s32 s0, s3;
	s0 =	sld [smem:$0x3FA5]  }
0x30: {  	s3 =	sld [smem:$0x3FA8]  }
0x31: {  	[smem:$0x3FB1] =	sst s10  }
0x32: {  	s10 =	sld [smem:$0x3FAF];
	_ =	sdelay $0x3  }
0x33: {  	p0 =	seq.s32 s10, $0x1;
	s10 =	sld [smem:$0x3FB1];
	_ =	sdelay $0x3  }
0x34: {  	[smem:$0x3FB1] =	sst s10  }
0x35: {  	s10 =	sld [smem:$0x3FB0];
	_ =	sdelay $0x3  }
0x36: {  	p1 =	seq.s32 s10, $0x1;
	s10 =	sld [smem:$0x3FB1];
	_ =	sdelay $0x3  }
0x37: {  	[smem:$0x3FB1] =	sst s10  }
0x38: {  	s10 =	sld [smem:$0x3FB2]  }
0x39: {  	_ = 	snop;
	(pc) =	sbr.ind lr, $3  }
0x3a: {  	_ = 	snop  }
0x3b: {  	_ = 	snop  }
0x3c: {  	p2 =	seq.s32 s10, $0x1;
	s10 =	sld [smem:$0x3FB1]  }
0x3d: {  	_ =	shalt  }
0x3e: {  	_ =	shalt  }
0x3f: {  	_ =	shalt  }
0x40: {  	_ =	shalt  }
0x41: {  	_ =	shalt  }
0x42: {  	_ =	shalt  }
0x43: {  	_ =	shalt  }
0x44: {  	_ =	shalt  }
0x45: {  	_ =	shalt  }
0x46: {  	_ =	shalt  }
0x47: {  	_ =	shalt  }
0x48: {  	_ =	shalt  }
0x49: {  	_ =	shalt  }
0x4a: {  	_ =	shalt  }
0x4b: {  	_ =	shalt  }
0x4c: {  	_ =	shalt  }
0x4d: {  	_ =	shalt  }
0x4e: {  	_ =	shalt  }
0x4f: {  	_ =	shalt  }
0x50: {  	_ =	shalt  }
0x51: {  	_ =	shalt  }
0x52: {  	_ =	shalt  }
0x53: {  	_ =	shalt  }
0x54: {  	_ =	shalt  }
0x55: {  	_ =	shalt  }
0x56: {  	_ =	shalt  }
0x57: {  	_ =	shalt  }
0x58: {  	_ =	shalt  }
0x59: {  	_ =	shalt  }
0x5a: {  	_ =	shalt  }
0x5b: {  	_ =	shalt  }
0x5c: {  	_ =	shalt  }
0x5d: {  	_ =	shalt  }
0x5e: {  	_ =	shalt  }
0x5f: {  	_ =	shalt  }
0x60: {  	_ =	shalt  }
0x61: {  	_ =	shalt  }
0x62: {  	_ =	shalt  }
0x63: {  	_ =	shalt  }
0x64: {  	_ =	shalt  }
0x65: {  	_ =	shalt  }
0x66: {  	_ =	shalt  }
0x67: {  	_ =	shalt  }
0x68: {  	_ =	shalt  }
0x69: {  	_ =	shalt  }
0x6a: {  	_ =	shalt  }
0x6b: {  	_ =	shalt  }
0x6c: {  	_ =	shalt  }
0x6d: {  	_ =	shalt  }
0x6e: {  	_ =	shalt  }
0x6f: {  	_ =	shalt  }
0x70: {  	_ =	shalt  }
0x71: {  	_ =	shalt  }
0x72: {  	_ =	shalt  }
0x73: {  	_ =	shalt  }
0x74: {  	_ =	shalt  }
0x75: {  	_ =	shalt  }
0x76: {  	_ =	shalt  }
0x77: {  	_ =	shalt  }
0x78: {  	_ =	shalt  }
0x79: {  	_ =	shalt  }
0x7a: {  	_ =	shalt  }
0x7b: {  	_ =	shalt  }
0x7c: {  	_ =	shalt  }
0x7d: {  	_ =	shalt  }
0x7e: {  	_ =	shalt  }
0x7f: {  	_ =	shalt  }
0x80: {  	_ =	shalt  }
0x81: {  	_ =	shalt  }
0x82: {  	_ =	shalt  }
0x83: {  	_ =	shalt  }
0x84: {  	_ =	shalt  }
0x85: {  	_ =	shalt  }
0x86: {  	_ =	shalt  }
0x87: {  	_ =	shalt  }
.Lfunc_end0:
.L_simem_size_0:
called_computation_lowered:
.L_overlay_start_0:
0x88: {  	s2 =	sld [smem:$0x3FD9]  }
0x89: {  	s3 =	sld [smem:$0x3FFE];
	_ =	sdelay $0x1  }
0x8a: {  	s1 =	srdreg.scid  }
0x8b: {  	s0 =	sand.u32 $0x1, s1  }
0x8c: {  	s17 =	sshll.u32 s0, $0xA;
	s2 =	sadd.s32 s3, s2  }
0x8d: {  	s2 =	sadd.s32 s2, s17  }
0x8e: {  	[smem:$0x3FBD] =	sst s2  }
0x8f: {  	_ = 	snop  }
0x90: {  	s2 =	sld [smem:$0x3FD0];
	(tm) =	ssettm $0x1  }
0x91: {  	s18 =	sld [smem:$0x3FFB];
	_ =	sdelay $0x3  }
0x92: {  	_ =	strace s18  }
0x93: {  	s3 =	sld [smem:$0x3FFC];
	_ =	sdelay $0x3  }
0x94: {  	_ =	strace s3  }
0x95: {  	s3 =	sld [smem:$0x3FFD];
	_ =	sdelay $0x3  }
0x96: {  	_ =	strace s3  }
0x97: {  	_ =	strace $0x8FFFFFFF  }
0x98: {  	s19 =	sld [smem:$0x3FDB];
	_ =	sdelay $0x1  }
0x99: {  	s4 =	simm.s32 $_scs_section_size  }
0x9a: {  	s5 =	simm.s32 $_size__tile_overlayer_lowered;
	s6 =	simm.s32 $_tile_overlayer_lowered  }
0x9b: {  	s22 =	simm.s32 $0x1BFF;
	s21 =	sshll.u32 s6, $0x1;
	s3 =	sadd.s32 s4, s19  }
0x9c: {  	s7 =	simm.s32 $0x0;
	s20 =	sshll.u32 s5, $0x1;
	s5 =	sadd.s32 s21, s3  }
0x9d: {  	[timem:s7], [sflag:s22] =	dma.local [hbm:s5], s20  }
0x9e: {  	_ =	swait.ge [sflag:s22], s20  }
0x9f: {  	s4 =	ssub.s32 $0x0, s20;
	[sflag:s22] =	ssyncset.done $0x0  }
0xa0: {  	[sflag:s22] =	ssyncadd.s32 s4;
	_ =	sdelay $0x1  }
0xa1: {  	s23 =	simm.s32 $0x1B8B  }
0xa2: {  	_ =	swait.ge [sflag:s23], $0x1  }
0xa3: {  	[sflag:s23] =	ssyncset.done $0x0  }
0xa4: {  	s25 =	simm.s32 $0x1B8E;
	s24 =	sld [smem:$0x3FFE];
	[sflag:s23] =	ssyncadd.s32 $0xFFFFFFFF  }
0xa5: {  	s26 =	simm.s32 $execute0_lowered;
	[smem:$0x3FD2] =	sst s25  }
0xa6: {  	s5 =	sshll.u32 s26, $0x1;
	_ =	strace $0x80000046;
	[dreg:$0x1] =	wrdreg $0xFFFFFFFF  }
0xa7: {  	s28 =	simm.s32 $_size_execute0_lowered;
	s3 =	sadd.s32 s3, s5;
	[dreg:$0x0] =	wrdreg $0x0  }
0xa8: {  	s5 =	sshll.u32 s28, $0x1;
	[dreg:$0x2] =	wrdreg s3  }
0xa9: {  	[dreg:$0x3] =	wrdreg s5  }
0xaa: {  	[dreg:$0x4] =	wrdreg $0xC0  }
0xab: {  	_ =	task [dreg:s7], $0x5FFFF  }
0xac: {  	[dreg:$0x1] =	wrdreg $0xFFFFFFFF  }
0xad: {  	[dreg:$0x0] =	wrdreg $0x60  }
0xae: {  	[dreg:$0x2] =	wrdreg s2  }
0xaf: {  	[dreg:$0x3] =	wrdreg s24  }
0xb0: {  	[dreg:$0x4] =	wrdreg $0xA8000  }
0xb1: {  	[dreg:$0x5] =	wrdreg $0x9  }
0xb2: {  	_ =	task.clear_ibuf [dreg:s7], $0x6FFFF;
	_ =	strace $0x90000046  }
0xb3: {  	s29 =	simm.s32 $0x9;
	_ =	strace $0x80000048  }
0xb4: {  	_ =	swait.ge [sflag:s29], $0x1  }
0xb5: {  	[sflag:s29] =	ssyncadd.s32 $0xFFFFFFFF  }
0xb6: {  	_ =	strace $0x90000048  }
0xb7: {  	_ =	sfence  }
0xb8: {  	s30 =	sld [smem:$0x0];
	_ =	sdelay $0x2  }
0xb9: {  	s31 =	sshll.u32 s1, $0xD;
	s1 =	sshrl.u32 s1, $0x2  }
0xba: {  	s3 =	sand.u32 $0x4000, s31;
	s1 =	sadd.s32 s1, s30  }
0xbb: {  	s0 =	sor.u32 s3, s0;
	s1 =	sshll.u32 s1, $0x11  }
0xbc: {  	s0 =	sor.u32 s1, s0  }
0xbd: {  	s0 =	sadd.s32 $0x8F2B, s0  }
0xbe: {  	[sflag:s0] =	ssyncadd.remote.s32 $0x1  }
0xbf: {  	_ =	sfence.sel $0xFFFF  }
0xc0: {  	[dreg:$0x0] =	wrdreg $0xFFFFFFFF;
	(pc) =	sbr.abs _section_cstart, $3  }
0xc1: {  	[dreg:$0x1] =	wrdreg $0xFFFFFFFF  }
0xc2: {  	_ =	task.clear_ibuf [dreg:s7], $0x2FFFF;
	_ =	strace $0x9FFFFFFF  }
0xc3: {  	(tm) =	ssettm $0x7FFFFFFF  }
tec
execute0_lowered:
.L_overlay_start_1:
0x0: {  	(tag) =	ssettag $0x1  }
0x1: {  	s1 =	rddreg [dreg:$0x0]  }
0x2: {  	s4 =	rddreg [dreg:$0x1];
	s3 =	srdreg.scid  }
0x3: {  	s0 =	stileid.u32;
	s2 =	rddreg [dreg:$0x2]  }
0x4: {  	s28 =	simm.s32 $0x4;
	s29 =	simm.s32 $0x0;
	s12 =	smul.u32 $0x280, s0  }
0x5: {  	s16 =	sand.u32 $0x1, s3;
	s5 =	sshll.u32 s0, $0x1;
	s17 =	smul.u32 $0x50000, s0  }
0x6: {  	s3 =	simm.s32 $0x0;
	s18 =	sadd.s32 $0x15E00, s4;
	s6 =	smul.u32 $0x2800, s0  }
0x7: {  	s14 =	sor.u32 s16, s5;
	[smem:$0x7FF] =	sst s3;
	s30 =	smul.u32 $0x28000, s16  }
0x8: {  	s20 =	ssub.s32 $0x2, s16;
	s5 =	smul.u32 $0x500, s14;
	_ =	strace $0x80000047  }
0x9: {  	s21 =	sshrl.u32 s20, $0x1;
	s22 =	sshrl.u32 s17, $0x2;
	s7 =	sadd.s32 $0x80, s12  }
0xa: {  	s23 =	sadd.s32 s1, s6;
	s9 =	sadd.s32 $0x100, s12;
	s11 =	sadd.s32 $0x180, s12  }
0xb: {  	s12 =	sadd.s32 $0x200, s12;
	s25 =	smul.u32 $0x28000, s14;
	s31 =	sadd.s32 s17, s18  }
0xc: {  	s19 =	ssub.s32 s20, s21;
	[dreg:$0x4] =	wrdreg s23;
	s24 =	sshll.u32 s7, $0x4  }
0xd: {  	s7 =	sshll.u32 s7, $0x7;
	s8 =	sshll.u32 s9, $0x4;
	s9 =	sshll.u32 s9, $0x7  }
0xe: {  	s10 =	sshll.u32 s11, $0x4;
	s11 =	sshll.u32 s11, $0x7;
	s20 =	smul.u32 $0xA0, s0  }
0xf: {  	s13 =	sshll.u32 s12, $0x4;
	s21 =	sshll.u32 s12, $0x7;
	s23 =	simm.s32 $0x6800  }
0x10: {  	s15 =	sadd.s32 s5, s4;
	s5 =	sadd.s32 s22, s2;
	s6 =	sadd.s32 s1, s24  }
0x11: {  	s7 =	sadd.s32 s7, s2;
	s8 =	sadd.s32 s1, s8;
	s9 =	sadd.s32 s9, s2  }
0x12: {  	s10 =	sadd.s32 s1, s10;
	s11 =	sadd.s32 s11, s2;
	s22 =	smul.u32 $0x50, s16  }
0x13: {  	s12 =	sadd.s32 s1, s13;
	s13 =	sadd.s32 s21, s2;
	s1 =	sadd.s32 s18, s25  }
0x14: {  	s21 =	simm.s32 $0x5;
	s24 =	simm.s32 $0x1;
	s25 =	simm.s32 $0x3  }
0x15: {  	s14 =	sadd.s32 $0x1E00, s15;
	s15 =	smax.u32 s19, $0x1;
	s26 =	sadd.s32 s22, s20  }
0x16: {  	s16 =	sadd.s32 $0x27000, s1;
	s17 =	sadd.s32 $0x27800, s1;
	s19 =	sshll.u32 s26, $0xB  }
0x17: {  	s20 =	simm.s32 $0x2800;
	s22 =	simm.s32 $0x80;
	s19 =	sadd.s32 s19, s18  }
0x18: {  	s26 =	simm.s32 $0x2;
	s18 =	sadd.s32 $0x800, s19;
	s19 =	sadd.s32 s30, s31  }
.LBB2_1:
0x19: {  	s0 =	rddreg [dreg:$0x4]  }
0x1a: {  	[tilespmem:s20], [sflag:$0x5] =	stream.linear.gather [hbm4b:s0+s3], $0x4000, $0x38;
	[tilespmem:$0x1E800] =	vst v63  }
0x1b: {  	_ =	swait.ge [sflag:s21], $0x4000  }
0x1c: {  	[sflag:s21] =	ssyncset.done $0x0  }
0x1d: {  	[sflag:s21] =	ssyncadd.s32 $0xFFFFC000  }
0x1e: {  	[spmem:s5] =	stream.linear.scatter [tilespmem:s20], [sflag:$0x5], $0x4000, $0x38;
	[tilespmem:$0x1E800] =	vst v63  }
0x1f: {  	_ =	swait.ge [sflag:s21], $0x4000  }
0x20: {  	[sflag:s21] =	ssyncset.done $0x0  }
0x21: {  	[sflag:s21] =	ssyncadd.s32 $0xFFFFC000  }
0x22: {  	[tilespmem:s20], [sflag:$0x5] =	stream.linear.gather [hbm4b:s6+s3], $0x4000, $0x38;
	[tilespmem:$0x1E800] =	vst v63  }
0x23: {  	_ =	swait.ge [sflag:s21], $0x4000  }
0x24: {  	[sflag:s21] =	ssyncset.done $0x0  }
0x25: {  	[sflag:s21] =	ssyncadd.s32 $0xFFFFC000  }
0x26: {  	[spmem:s7] =	stream.linear.scatter [tilespmem:s20], [sflag:$0x5], $0x4000, $0x38;
	[tilespmem:$0x1E800] =	vst v63  }
0x27: {  	_ =	swait.ge [sflag:s21], $0x4000  }
0x28: {  	[sflag:s21] =	ssyncset.done $0x0  }
0x29: {  	[sflag:s21] =	ssyncadd.s32 $0xFFFFC000  }
0x2a: {  	[tilespmem:s20], [sflag:$0x5] =	stream.linear.gather [hbm4b:s8+s3], $0x4000, $0x38;
	[tilespmem:$0x1E800] =	vst v63  }
0x2b: {  	_ =	swait.ge [sflag:s21], $0x4000  }
0x2c: {  	[sflag:s21] =	ssyncset.done $0x0  }
0x2d: {  	[sflag:s21] =	ssyncadd.s32 $0xFFFFC000  }
0x2e: {  	[spmem:s9] =	stream.linear.scatter [tilespmem:s20], [sflag:$0x5], $0x4000, $0x38;
	[tilespmem:$0x1E800] =	vst v63  }
0x2f: {  	_ =	swait.ge [sflag:s21], $0x4000  }
0x30: {  	[sflag:s21] =	ssyncset.done $0x0  }
0x31: {  	[sflag:s21] =	ssyncadd.s32 $0xFFFFC000  }
0x32: {  	[tilespmem:s20], [sflag:$0x5] =	stream.linear.gather [hbm4b:s10+s3], $0x4000, $0x38;
	[tilespmem:$0x1E800] =	vst v63  }
0x33: {  	_ =	swait.ge [sflag:s21], $0x4000  }
0x34: {  	[sflag:s21] =	ssyncset.done $0x0  }
0x35: {  	[sflag:s21] =	ssyncadd.s32 $0xFFFFC000  }
0x36: {  	[spmem:s11] =	stream.linear.scatter [tilespmem:s20], [sflag:$0x5], $0x4000, $0x38;
	[tilespmem:$0x1E800] =	vst v63  }
0x37: {  	_ =	swait.ge [sflag:s21], $0x4000  }
0x38: {  	[sflag:s21] =	ssyncset.done $0x0  }
0x39: {  	[sflag:s21] =	ssyncadd.s32 $0xFFFFC000  }
0x3a: {  	[tilespmem:s20], [sflag:$0x5] =	stream.linear.gather [hbm4b:s12+s3], $0x4000, $0x38;
	[tilespmem:$0x1E800] =	vst v63  }
0x3b: {  	_ =	swait.ge [sflag:s21], $0x4000  }
0x3c: {  	[sflag:s21] =	ssyncset.done $0x0  }
0x3d: {  	[sflag:s21] =	ssyncadd.s32 $0xFFFFC000  }
0x3e: {  	[spmem:s13] =	stream.linear.scatter [tilespmem:s20], [sflag:$0x5], $0x4000, $0x38;
	[tilespmem:$0x1E800] =	vst v63  }
0x3f: {  	_ =	swait.ge [sflag:s21], $0x4000  }
0x40: {  	[sflag:s21] =	ssyncset.done $0x0  }
0x41: {  	[sflag:s21] =	ssyncadd.s32 $0xFFFFC000  }
0x42: {  	[tilespmem:s3], [sflag:$0x5] =	stream.linear.gather [hbm4b:s14+s3], $0x2800, $0x38;
	[tilespmem:$0x1E800] =	vst v63  }
0x43: {  	_ =	swait.ge [sflag:s21], $0x2800  }
0x44: {  	[sflag:s21] =	ssyncset.done $0x0  }
0x45: {  	[sflag:s21] =	ssyncadd.s32 $0xFFFFD800  }
0x46: {  	[bflag:$0x0] =	sbarrier.arrive $0xFFFF  }
0x47: {  	[tilespmem:s20], [sflag:$0x1] =	stream.indirect.gather [spmem:s2], $0x80, s3, s22, $0xb8;
	[tilespmem:$0x1E800] =	vst v63  }
0x48: {  	_ = 	snop  }
0x49: {  	[tilespmem:s23], [sflag:$0x2] =	stream.indirect.gather [spmem:s2], $0x80, s22, s22, $0xb8;
	[tilespmem:$0x1E800] =	vst v63  }
0x4a: {  	_ =	swait.ge [sflag:s24], $0x4000  }
0x4b: {  	[sflag:s24] =	ssyncset.done $0x0  }
0x4c: {  	s1 =	sadd.s32 $0x0, s19;
	[sflag:s24] =	ssyncadd.s32 $0xFFFFC000  }
0x4d: {  	[hbm4b:s1+s3] =	stream.linear.scatter [tilespmem:s20], [sflag:$0x3], $0x4000, $0x38;
	[tilespmem:$0x1E800] =	vst v63  }
0x4e: {  	_ =	swait.ge [sflag:s25], $0x4000  }
0x4f: {  	[sflag:s25] =	ssyncset.done $0x0  }
0x50: {  	s0 =	simm.s32 $0x100;
	[sflag:s25] =	ssyncadd.s32 $0xFFFFC000  }
0x51: {  	[tilespmem:s20], [sflag:$0x1] =	stream.indirect.gather [spmem:s2], $0x80, s0, s22, $0xb8;
	[tilespmem:$0x1E800] =	vst v63  }
0x52: {  	_ =	swait.ge [sflag:s26], $0x4000  }
0x53: {  	[sflag:s26] =	ssyncset.done $0x0  }
0x54: {  	s4 =	sadd.s32 $0x0, s18;
	[sflag:s26] =	ssyncadd.s32 $0xFFFFC000  }
0x55: {  	[hbm4b:s4+s3] =	stream.linear.scatter [tilespmem:s23], [sflag:$0x4], $0x4000, $0x38;
	[tilespmem:$0x1E800] =	vst v63  }
0x56: {  	_ =	swait.ge [sflag:s28], $0x4000  }
0x57: {  	s30 =	simm.s32 $0x180;
	[sflag:s28] =	ssyncset.done $0x0  }
0x58: {  	s31 =	simm.s32 $0x1000;
	s1 =	simm.s32 $0x280;
	[sflag:s28] =	ssyncadd.s32 $0xFFFFC000  }
.LBB2_2:
0x59: {  	[tilespmem:s23], [sflag:$0x2] =	stream.indirect.gather [spmem:s2], $0x80, s30, s22, $0xb8;
	[tilespmem:$0x1E800] =	vst v63  }
0x5a: {  	s0 =	smov.u32 s31;
	s30 =	smov.u32 s1  }
0x5b: {  	p0 =	sne.s32 s31, $0x26000;
	s31 =	sadd.s32 $0x1000, s31;
	_ =	swait.ge [sflag:s24], $0x4000  }
0x5c: {  	[sflag:s24] =	ssyncset.done $0x0  }
0x5d: {  	s4 =	sadd.s32 s0, s19;
	[sflag:s24] =	ssyncadd.s32 $0xFFFFC000  }
0x5e: {  	[hbm4b:s4+s3] =	stream.linear.scatter [tilespmem:s20], [sflag:$0x3], $0x4000, $0x38;
	[tilespmem:$0x1E800] =	vst v63  }
0x5f: {  	_ =	swait.ge [sflag:s25], $0x4000  }
0x60: {  	[sflag:s25] =	ssyncset.done $0x0  }
0x61: {  	s4 =	sadd.s32 $0xFFFFFF80, s1;
	[sflag:s25] =	ssyncadd.s32 $0xFFFFC000  }
0x62: {  	[tilespmem:s20], [sflag:$0x1] =	stream.indirect.gather [spmem:s2], $0x80, s4, s22, $0xb8;
	[tilespmem:$0x1E800] =	vst v63  }
0x63: {  	_ =	swait.ge [sflag:s26], $0x4000  }
0x64: {  	[sflag:s26] =	ssyncset.done $0x0  }
.Ltmp0:
0x65: {  	s0 =	sadd.s32 s0, s18;
	[sflag:s26] =	ssyncadd.s32 $0xFFFFC000;
	(pc) =	sbr.rel @p0 .LBB2_2-.Ltmp0, $4  }
0x66: {  	[hbm4b:s0+s3] =	stream.linear.scatter [tilespmem:s23], [sflag:$0x4], $0x4000, $0x38;
	[tilespmem:$0x1E800] =	vst v63  }
0x67: {  	_ =	swait.ge [sflag:s28], $0x4000  }
0x68: {  	[sflag:s28] =	ssyncset.done $0x0  }
0x69: {  	s1 =	sadd.s32 $0x100, s1;
	[sflag:s28] =	ssyncadd.s32 $0xFFFFC000  }
0x6a: {  	[tilespmem:s23], [sflag:$0x2] =	stream.indirect.gather [spmem:s2], $0x80, s30, s22, $0xb8;
	[tilespmem:$0x1E800] =	vst v63  }
0x6b: {  	_ =	swait.ge [sflag:s24], $0x4000  }
0x6c: {  	[sflag:s24] =	ssyncset.done $0x0  }
0x6d: {  	[sflag:s24] =	ssyncadd.s32 $0xFFFFC000  }
0x6e: {  	[hbm4b:s16+s3] =	stream.linear.scatter [tilespmem:s20], [sflag:$0x3], $0x4000, $0x38;
	[tilespmem:$0x1E800] =	vst v63  }
0x6f: {  	_ =	swait.ge [sflag:s25], $0x4000  }
0x70: {  	[sflag:s25] =	ssyncset.done $0x0  }
0x71: {  	[sflag:s25] =	ssyncadd.s32 $0xFFFFC000  }
0x72: {  	s29 =	sadd.s32 $0x1, s29;
	_ =	swait.ge [sflag:s26], $0x4000  }
0x73: {  	p0 =	sne.s32 s29, s15;
	[sflag:s26] =	ssyncset.done $0x0  }
.Ltmp1:
0x74: {  	[sflag:s26] =	ssyncadd.s32 $0xFFFFC000;
	(pc) =	sbr.rel @p0 .LBB2_1-.Ltmp1, $4  }
0x75: {  	[hbm4b:s17+s3] =	stream.linear.scatter [tilespmem:s23], [sflag:$0x4], $0x4000, $0x38;
	[tilespmem:$0x1E800] =	vst v63  }
0x76: {  	_ =	swait.ge [sflag:s28], $0x4000  }
0x77: {  	[sflag:s28] =	ssyncset.done $0x0  }
0x78: {  	[sflag:s28] =	ssyncadd.s32 $0xFFFFC000  }
0x79: {  	_ =	sfence.sel $0x180000  }
0x7a: {  	[bflag:$0x0] =	sbarrier.arrive $0xFFFF  }
0x7b: {  	_ =	strace $0x90000047  }
0x7c: {  	s0 =	stileid.u32;
	[bflag:$0x2] =	sbarrier.arrive $0xFFFF  }
0x7d: {  	p0 =	sne.s32 s0, $0x0;
	s0 =	rddreg [dreg:$0x3]  }
0x7e: {  	s0 =	sadd.s32 @!p0 $0x100000, s0  }
0x7f: {  	[sflag:s0] =	ssyncadd.tile.s32 @!p0 $0x1;
	_ =	shalt  }
.Lfunc_end2:
_tile_overlayer_lowered:
.L_overlay_start_2:
0x80: {  	(tag) =	ssettag $0x2  }
0x81: {  	s0 =	rddreg [dreg:$0x0];
	s2 =	stileid.u32  }
0x82: {  	s1 =	rddreg [dreg:$0x1];
	p0 =	sne.s32 s2, $0x0  }
0x83: {  	s3 =	rddreg [dreg:$0x2];
	[bflag:$0x3] =	sbarrier.arrive $0xFFFF;
	s2 =	simm.s32 @!p0 $0x1C05  }
0x84: {  	[timem:s3], [sflag:s2] =	dma.local @!p0 [hbm:s0], s1  }
0x85: {  	s0 =	simm.s32 @!p0 $0x5  }
0x86: {  	_ =	swait.ge @!p0 [sflag:s0], s1  }
0x87: {  	s1 =	ssub.s32 @!p0 $0x0, s1;
	[sflag:s0] =	ssyncset.done @!p0 $0x0  }
0x88: {  	[sflag:s0] =	ssyncadd.s32 @!p0 s1  }
0x89: {  	[bflag:$0x3] =	sbarrier.arrive $0xFFFF  }
0x8a: {  	_ =	shalt  }

</sc_bundles>
